<compile_context>
chip_gen: v7x
topology: tpu7x:2x2x1
jax: 0.10.2.dev20260603
libtpu: 0.0.44.dev20260713+nightly
codegen_flags: <defaults>
</compile_context>

<pallas_src>
import functools

import jax
import jax.numpy as jnp
from jax import lax
from jax.experimental import pallas as pl
from jax.experimental.pallas import tpu as pltpu
from jax.experimental.pallas import tpu_sc as plsc

VOCAB = 1000000
B = 1024
D = 64
H = 128
L = 20

NC = 2
NS = 16
NW = NC * NS
B_PER_W = B // NW
IDX_PER_W = B_PER_W * L
NBUF = 8
BW = 128
T_CLAMP = VOCAB // BW - 2
TAIL_START = VOCAB - 256
TAIL_TH = (T_CLAMP + 1) * BW
D_VECS = D // 16


def _gather_mean_body(idx_hbm, tableT_hbm, tail_hbm, out_hbm,
                      idx_v, rows_v, tail_v, out_v,
                      *sems):
    wid = lax.axis_index("s") * NC + lax.axis_index("c")

    pltpu.sync_copy(idx_hbm.at[wid], idx_v)
    pltpu.sync_copy(tail_hbm, tail_v)

    n_steps = IDX_PER_W // 16

    def load_chunk(g):
        return idx_v[g // 8, pl.ds((g % 8) * 16, 16)]

    def fire(i, k):
        t = jnp.minimum(i // BW, T_CLAMP)
        off = pl.multiple_of(t * BW, BW)
        pltpu.async_copy(
            tableT_hbm.at[pl.ds(0, D // 2), pl.ds(off, BW)],
            rows_v.at[k, pl.ds(0, D // 2)], sems[k])
        pltpu.async_copy(
            tableT_hbm.at[pl.ds(D // 2, D // 2), pl.ds(off, BW)],
            rows_v.at[k, pl.ds(D // 2, D // 2)], sems[k])

    chunk0 = load_chunk(0)
    for k in range(NBUF):
        fire(chunk0[k], k)

    zero = jnp.zeros((16,), jnp.float32)
    inv_l = 1.0 / L

    def step(g, carry):
        accs = list(carry[:D_VECS])
        chunk = carry[D_VECS]
        nxt = load_chunk(jnp.minimum(g + 1, n_steps - 1))
        for half in range(2):
            for k in range(NBUF):
                j = g * 16 + half * NBUF + k
                pltpu.make_async_copy(
                    tableT_hbm.at[:, pl.ds(0, BW)], rows_v.at[k], sems[k]
                ).wait()
                i = chunk[half * NBUF + k]
                t = jnp.minimum(i // BW, T_CLAMP)
                lane = jnp.full(
                    (16,), jnp.minimum(i - t * BW, BW - 1), dtype=jnp.int32)
                lane_t = jnp.full(
                    (16,), jnp.clip(i - TAIL_START, 0, 255), jnp.int32)
                m = (i >= TAIL_TH).astype(jnp.float32)
                for g2 in range(D_VECS):
                    rows = jnp.arange(16, dtype=jnp.int32) + 16 * g2
                    main = plsc.load_gather(rows_v.at[k], [rows, lane])
                    tail = plsc.load_gather(tail_v, [rows, lane_t])
                    accs[g2] = accs[g2] + main * (1.0 - m) + tail * m
                if half == 0:
                    fire(chunk[NBUF + k], k)
                else:
                    @pl.when(g < n_steps - 1)
                    def _():
                        fire(nxt[k], k)
                b = j // L
                for g2 in range(D_VECS):
                    out_v[b, pl.ds(16 * g2, 16)] = accs[g2] * inv_l
                keep = 1.0 - ((j % L) == (L - 1)).astype(jnp.float32)
                for g2 in range(D_VECS):
                    accs[g2] = accs[g2] * keep
        return tuple(accs) + (nxt,)

    lax.fori_loop(0, n_steps, step, (zero,) * D_VECS + (chunk0,))

    pltpu.sync_copy(out_v, out_hbm.at[pl.ds(wid * B_PER_W, B_PER_W)])


@functools.cache
def _gather_mean():
    return pl.kernel(
        _gather_mean_body,
        out_type=jax.ShapeDtypeStruct((B, 128), jnp.float32),
        mesh=plsc.VectorSubcoreMesh(core_axis_name="c", subcore_axis_name="s"),
        scratch_types=[
            pltpu.VMEM((8, 128), jnp.int32),
            pltpu.VMEM((NBUF, D, BW), jnp.float32),
            pltpu.VMEM((D, 256), jnp.float32),
            pltpu.VMEM((B_PER_W, 128), jnp.float32),
        ] + [pltpu.SemaphoreType.DMA] * NBUF,
        compiler_params=pltpu.CompilerParams(
            use_tc_tiling_on_sc=True, needs_layout_passes=False),
    )


def _dense_body(x_ref, w_ih_ref, b_ih_ref, b_hh_ref, w_out_ref, b_out_ref,
                out_ref):
    x = x_ref[...][:, :D]
    gi = lax.dot_general(
        x, w_ih_ref[...], (((1,), (1,)), ((), ())),
        preferred_element_type=jnp.float32,
    ) + b_ih_ref[...]
    hb = b_hh_ref[...]
    r = jax.nn.sigmoid(gi[:, :H] + hb[:, :H])
    z = jax.nn.sigmoid(gi[:, H:2 * H] + hb[:, H:2 * H])
    n = jnp.tanh(gi[:, 2 * H:] + r * hb[:, 2 * H:])
    h = (1.0 - z) * n
    logit = jnp.sum(h * w_out_ref[...], axis=1, keepdims=True) + b_out_ref[...]
    out_ref[...] = jax.nn.sigmoid(logit)


def _dense(x, w_ih, b_ih2, b_hh2, w_out, b_out2):
    return pl.pallas_call(
        _dense_body,
        out_shape=jax.ShapeDtypeStruct((B, 1), jnp.float32),
        in_specs=[pl.BlockSpec(memory_space=pltpu.VMEM)] * 6,
        out_specs=pl.BlockSpec(memory_space=pltpu.VMEM),
    )(x, w_ih, b_ih2, b_hh2, w_out, b_out2)


def kernel(indices, labels, table, w_ih, w_hh, b_ih, b_hh, w_out, b_out):
    del w_hh
    idxf = indices[:, 0, :].reshape(NW, IDX_PER_W)
    idx0 = jnp.pad(idxf, ((0, 0), (0, 1024 - IDX_PER_W))).reshape(NW, 8, 128)
    tableT = table.T
    tail = lax.slice(tableT, (0, TAIL_START), (D, VOCAB))
    x0 = _gather_mean()(idx0, tableT, tail)
    pred = _dense(
        x0,
        w_ih,
        b_ih.reshape(1, 3 * H),
        b_hh.reshape(1, 3 * H),
        w_out,
        b_out.reshape(1, 1),
    )
    return (pred, labels)

# --- scband reference (transcript-rebuilt; emitter-appended) ---
"""Pipeline reference for scband-ehr-rnn-80685255623251 (READ-ONLY COPY).

The authoritative reference and input builder live on the scoring server;
editing this copy changes nothing except your own understanding.
"""

import jax, jax.numpy as jnp
import numpy as np

VOCAB = 1000000
D = 64
H = 128
B = 1024
V = 50
L = 20


def setup_inputs(seed: int = 0) -> dict:
    key = jax.random.key(seed)
    ks = jax.random.split(key, 9)
    indices = jax.random.randint(ks[0], (B, V, L), 0, VOCAB, dtype=jnp.int32)
    labels = jax.random.uniform(ks[1], (B, 1), dtype=jnp.float32)
    # EmbeddingBag weight ~ N(0,1); scaled down for numerical sanity
    table = jax.random.normal(ks[2], (VOCAB, D), dtype=jnp.float32) * 0.05
    s = 1.0 / np.sqrt(H)
    w_ih = jax.random.uniform(ks[3], (3 * H, D), minval=-s, maxval=s, dtype=jnp.float32)
    w_hh = jax.random.uniform(ks[4], (3 * H, H), minval=-s, maxval=s, dtype=jnp.float32)
    b_ih = jax.random.uniform(ks[5], (3 * H,), minval=-s, maxval=s, dtype=jnp.float32)
    b_hh = jax.random.uniform(ks[6], (3 * H,), minval=-s, maxval=s, dtype=jnp.float32)
    w_out = jax.random.uniform(ks[7], (1, H), minval=-s, maxval=s, dtype=jnp.float32)
    b_out = jax.random.uniform(ks[8], (1,), minval=-s, maxval=s, dtype=jnp.float32)
    return {
        "indices": indices,
        "labels": labels,
        "table": table,
        "w_ih": w_ih,
        "w_hh": w_hh,
        "b_ih": b_ih,
        "b_hh": b_hh,
        "w_out": w_out,
        "b_out": b_out,
    }


def reference(indices, labels, table, w_ih, w_hh, b_ih, b_hh, w_out, b_out):
    # EmbedPatient_MB: EmbeddingBag(mode='mean') per visit -> [B, V, D]
    emb = jnp.take(table, indices, axis=0)          # [B, V, L, D] gather
    bag = jnp.mean(emb, axis=2)                     # [B, V, D]  (bag mean over codes)
    x = jnp.transpose(bag, (1, 0, 2))               # [V, B, D]  time-major like tb.permute(1,0,2)

    def step(h, xt):
        gi = xt @ w_ih.T + b_ih
        gh = h @ w_hh.T + b_hh
        i_r, i_z, i_n = jnp.split(gi, 3, axis=-1)
        h_r, h_z, h_n = jnp.split(gh, 3, axis=-1)
        r = jax.nn.sigmoid(i_r + h_r)
        z = jax.nn.sigmoid(i_z + h_z)
        n = jnp.tanh(i_n + r * h_n)
        h_new = (1.0 - z) * n + z * h
        return h_new, h_new

    h0 = jnp.zeros((B, H), dtype=x.dtype)
    _, outs = jax.lax.scan(step, h0, x)             # outs: [V, B, H]
    out0 = outs[0]                                  # output[0]: first timestep, [B, H]
    pred = jax.nn.sigmoid(out0 @ w_out.T + b_out)   # [B, 1]
    return (pred, labels)

if __name__ == "__main__":
    import jax
    _d = setup_inputs()
    print(jax.jit(kernel)(*tuple(_d.values())))

</pallas_src>

<mosaic_0001>
#map = affine_map<(d0, d1) -> (0, 0, 0)>
#map1 = affine_map<(d0, d1) -> (0, 0)>
module attributes {stable_mosaic.version = 14 : i64} {
  func.func @_gather_mean_body(%arg0: i32, %arg1: i32, %arg2: memref<32x8x128xi32, #tpu.memory_space<hbm>>, %arg3: memref<64x1000000xf32, #tpu.memory_space<hbm>>, %arg4: memref<64x256xf32, #tpu.memory_space<hbm>>, %arg5: memref<1024x128xf32, #tpu.memory_space<hbm>>, %arg6: memref<8x128xi32, #tpu.memory_space<vmem>>, %arg7: memref<8x64x128xf32, #tpu.memory_space<vmem>>, %arg8: memref<64x256xf32, #tpu.memory_space<vmem>>, %arg9: memref<32x128xf32, #tpu.memory_space<vmem>>, %arg10: memref<!tpu.dma_semaphore, #tpu.memory_space<semaphore_mem>>, %arg11: memref<!tpu.dma_semaphore, #tpu.memory_space<semaphore_mem>>, %arg12: memref<!tpu.dma_semaphore, #tpu.memory_space<semaphore_mem>>, %arg13: memref<!tpu.dma_semaphore, #tpu.memory_space<semaphore_mem>>, %arg14: memref<!tpu.dma_semaphore, #tpu.memory_space<semaphore_mem>>, %arg15: memref<!tpu.dma_semaphore, #tpu.memory_space<semaphore_mem>>, %arg16: memref<!tpu.dma_semaphore, #tpu.memory_space<semaphore_mem>>, %arg17: memref<!tpu.dma_semaphore, #tpu.memory_space<semaphore_mem>>) attributes {dimension_semantics = [#tpu.dimension_semantics<core_parallel>, #tpu.dimension_semantics<subcore_parallel>], iteration_bounds = array<i64: 2, 16>, scalar_prefetch = 0 : i64, scratch_operands = 12 : i64, tpu.core_type = #tpu.core_type<sc_vector_subcore>, window_params = [{transform_indices = #map}, {transform_indices = #map1}, {transform_indices = #map1}, {transform_indices = #map1}]} {
    %mul3A = arith.constant 2 : i32
    %mul3A_0 = arith.muli %arg1, %mul3A : i32
    %add3A = arith.addi %mul3A_0, %arg0 : i32
    "tpu.region"() ({
      %run_scoped3A = tpu.sem_alloc : memref<!tpu.dma_semaphore, #tpu.memory_space<semaphore_mem>>
      %dma_start3A_455 = arith.constant 0 : i32
      %dma_start3A_456 = arith.constant 0 : i32
      %dma_start3A_457 = tpu.memref_slice %arg2[%add3A, %dma_start3A_455, %dma_start3A_456] : memref<32x8x128xi32, #tpu.memory_space<hbm>> -> memref<1x8x128xi32, #tpu.memory_space<hbm>>
      %dma_start3A_458 = tpu.memref_squeeze %dma_start3A_457 : memref<1x8x128xi32, #tpu.memory_space<hbm>> -> memref<8x128xi32, #tpu.memory_space<hbm>>
      %dma_start3A_459 = arith.constant 0 : i32
      %dma_start3A_460 = arith.constant 0 : i32
      %dma_start3A_461 = tpu.memref_slice %arg2[%add3A, %dma_start3A_459, %dma_start3A_460] : memref<32x8x128xi32, #tpu.memory_space<hbm>> -> memref<1x8x128xi32, #tpu.memory_space<hbm>>
      %dma_start3A_462 = tpu.memref_squeeze %dma_start3A_461 : memref<1x8x128xi32, #tpu.memory_space<hbm>> -> memref<8x128xi32, #tpu.memory_space<hbm>>
      tpu.enqueue_dma source(%dma_start3A_462 : memref<8x128xi32, #tpu.memory_space<hbm>>) target(%arg6 : memref<8x128xi32, #tpu.memory_space<vmem>>) target_semaphore(%run_scoped3A : memref<!tpu.dma_semaphore, #tpu.memory_space<semaphore_mem>>)
      %dma_wait3A = arith.constant 0 : i32
      %dma_wait3A_463 = arith.constant 0 : i32
      %dma_wait3A_464 = tpu.memref_slice %arg2[%add3A, %dma_wait3A, %dma_wait3A_463] : memref<32x8x128xi32, #tpu.memory_space<hbm>> -> memref<1x8x128xi32, #tpu.memory_space<hbm>>
      %dma_wait3A_465 = tpu.memref_squeeze %dma_wait3A_464 : memref<1x8x128xi32, #tpu.memory_space<hbm>> -> memref<8x128xi32, #tpu.memory_space<hbm>>
      %dma_wait3A_466 = arith.constant 0 : i32
      %dma_wait3A_467 = arith.constant 0 : i32
      %dma_wait3A_468 = tpu.memref_slice %arg2[%add3A, %dma_wait3A_466, %dma_wait3A_467] : memref<32x8x128xi32, #tpu.memory_space<hbm>> -> memref<1x8x128xi32, #tpu.memory_space<hbm>>
      %dma_wait3A_469 = tpu.memref_squeeze %dma_wait3A_468 : memref<1x8x128xi32, #tpu.memory_space<hbm>> -> memref<8x128xi32, #tpu.memory_space<hbm>>
      tpu.wait_dma2 semaphore(%run_scoped3A : memref<!tpu.dma_semaphore, #tpu.memory_space<semaphore_mem>>) src(%dma_wait3A_469 : memref<8x128xi32, #tpu.memory_space<hbm>>) dst(%arg6 : memref<8x128xi32, #tpu.memory_space<vmem>>)
      tpu.yield
    }) : () -> ()
    "tpu.region"() ({
      %run_scoped3A = tpu.sem_alloc : memref<!tpu.dma_semaphore, #tpu.memory_space<semaphore_mem>>
      tpu.enqueue_dma source(%arg4 : memref<64x256xf32, #tpu.memory_space<hbm>>) target(%arg8 : memref<64x256xf32, #tpu.memory_space<vmem>>) target_semaphore(%run_scoped3A : memref<!tpu.dma_semaphore, #tpu.memory_space<semaphore_mem>>)
      tpu.wait_dma2 semaphore(%run_scoped3A : memref<!tpu.dma_semaphore, #tpu.memory_space<semaphore_mem>>) src(%arg4 : memref<64x256xf32, #tpu.memory_space<hbm>>) dst(%arg8 : memref<64x256xf32, #tpu.memory_space<vmem>>)
      tpu.yield
    }) : () -> ()
    %get3A = arith.constant 0 : i32
    %get3A_1 = arith.index_cast %get3A : i32 to index
    %get3A_2 = arith.constant 0 : index
    %get3A_3 = tpu.vector_load %arg6[%get3A_1, %get3A_2] {strides = array<i32>} : memref<8x128xi32, #tpu.memory_space<vmem>>, vector<16xi32>,
    %slice3A = vector.extract_strided_slice %get3A_3 {offsets = [0], sizes = [1], strides = [1]} : vector<16xi32> to vector<1xi32>
    %squeeze3A = vector.extract %slice3A[0] : i32 from vector<1xi32>
    %jit3A = arith.constant 128 : i32
    %div3A = arith.divsi %squeeze3A, %jit3A : i32
    %sign3A = arith.constant 0 : i32
    %sign3A_4 = arith.cmpi sgt, %squeeze3A, %sign3A : i32
    %sign3A_5 = arith.extui %sign3A_4 : i1 to i32
    %sign3A_6 = arith.constant 0 : i32
    %sign3A_7 = arith.cmpi slt, %squeeze3A, %sign3A_6 : i32
    %sign3A_8 = arith.extui %sign3A_7 : i1 to i32
    %sign3A_9 = arith.subi %sign3A_5, %sign3A_8 : i32
    %sign3A_10 = arith.constant 0 : i32
    %sign3A_11 = arith.cmpi sgt, %jit3A, %sign3A_10 : i32
    %sign3A_12 = arith.extui %sign3A_11 : i1 to i32
    %sign3A_13 = arith.constant 0 : i32
    %sign3A_14 = arith.cmpi slt, %jit3A, %sign3A_13 : i32
    %sign3A_15 = arith.extui %sign3A_14 : i1 to i32
    %sign3A_16 = arith.subi %sign3A_12, %sign3A_15 : i32
    %ne3A = arith.cmpi ne, %sign3A_9, %sign3A_16 : i32
    %rem3A = arith.remsi %squeeze3A, %jit3A : i32
    %ne3A_17 = arith.constant 0 : i32
    %ne3A_18 = arith.cmpi ne, %rem3A, %ne3A_17 : i32
    %and3A = arith.andi %ne3A, %ne3A_18 : i1
    %sub3A = arith.constant 1 : i32
    %sub3A_19 = arith.subi %div3A, %sub3A : i32
    %select_n3A = arith.select %and3A, %sub3A_19, %div3A : i32
    %min3A = arith.constant 7810 : i32
    %min3A_20 = arith.minsi %select_n3A, %min3A : i32
    %mul3A_21 = arith.constant 128 : i32
    %mul3A_22 = arith.muli %min3A_20, %mul3A_21 : i32
    %multiple_of3A = tpu.assume_multiple %mul3A_22, 128 : i32
    %dma_start3A = arith.constant 0 : i32
    %dma_start3A_23 = arith.constant 0 : i32
    %dma_start3A_24 = arith.constant 0 : i32
    %dma_start3A_25 = tpu.memref_slice %arg7[%dma_start3A, %dma_start3A_23, %dma_start3A_24] : memref<8x64x128xf32, #tpu.memory_space<vmem>> -> memref<1x32x128xf32, #tpu.memory_space<vmem>>
    %dma_start3A_26 = tpu.memref_squeeze %dma_start3A_25 : memref<1x32x128xf32, #tpu.memory_space<vmem>> -> memref<32x128xf32, #tpu.memory_space<vmem>>
    %dma_start3A_27 = arith.constant 0 : i32
    %dma_start3A_28 = tpu.memref_slice %arg3[%dma_start3A_27, %multiple_of3A] : memref<64x1000000xf32, #tpu.memory_space<hbm>> -> memref<32x128xf32, #tpu.memory_space<hbm>>
    %dma_start3A_29 = arith.constant 0 : i32
    %dma_start3A_30 = arith.constant 0 : i32
    %dma_start3A_31 = tpu.memref_slice %arg7[%dma_start3A, %dma_start3A_29, %dma_start3A_30] : memref<8x64x128xf32, #tpu.memory_space<vmem>> -> memref<1x32x128xf32, #tpu.memory_space<vmem>>
    %dma_start3A_32 = tpu.memref_squeeze %dma_start3A_31 : memref<1x32x128xf32, #tpu.memory_space<vmem>> -> memref<32x128xf32, #tpu.memory_space<vmem>>
    %dma_start3A_33 = arith.constant 0 : i32
    %dma_start3A_34 = tpu.memref_slice %arg3[%dma_start3A_33, %multiple_of3A] : memref<64x1000000xf32, #tpu.memory_space<hbm>> -> memref<32x128xf32, #tpu.memory_space<hbm>>
    tpu.enqueue_dma source(%dma_start3A_34 : memref<32x128xf32, #tpu.memory_space<hbm>>) target(%dma_start3A_32 : memref<32x128xf32, #tpu.memory_space<vmem>>) target_semaphore(%arg10 : memref<!tpu.dma_semaphore, #tpu.memory_space<semaphore_mem>>)
    %dma_start3A_35 = arith.constant 0 : i32
    %dma_start3A_36 = arith.constant 32 : i32
    %dma_start3A_37 = arith.constant 0 : i32
    %dma_start3A_38 = tpu.memref_slice %arg7[%dma_start3A_35, %dma_start3A_36, %dma_start3A_37] : memref<8x64x128xf32, #tpu.memory_space<vmem>> -> memref<1x32x128xf32, #tpu.memory_space<vmem>>
    %dma_start3A_39 = tpu.memref_squeeze %dma_start3A_38 : memref<1x32x128xf32, #tpu.memory_space<vmem>> -> memref<32x128xf32, #tpu.memory_space<vmem>>
    %dma_start3A_40 = arith.constant 32 : i32
    %dma_start3A_41 = tpu.memref_slice %arg3[%dma_start3A_40, %multiple_of3A] : memref<64x1000000xf32, #tpu.memory_space<hbm>> -> memref<32x128xf32, #tpu.memory_space<hbm>>
    %dma_start3A_42 = arith.constant 32 : i32
    %dma_start3A_43 = arith.constant 0 : i32
    %dma_start3A_44 = tpu.memref_slice %arg7[%dma_start3A_35, %dma_start3A_42, %dma_start3A_43] : memref<8x64x128xf32, #tpu.memory_space<vmem>> -> memref<1x32x128xf32, #tpu.memory_space<vmem>>
    %dma_start3A_45 = tpu.memref_squeeze %dma_start3A_44 : memref<1x32x128xf32, #tpu.memory_space<vmem>> -> memref<32x128xf32, #tpu.memory_space<vmem>>
    %dma_start3A_46 = arith.constant 32 : i32
    %dma_start3A_47 = tpu.memref_slice %arg3[%dma_start3A_46, %multiple_of3A] : memref<64x1000000xf32, #tpu.memory_space<hbm>> -> memref<32x128xf32, #tpu.memory_space<hbm>>
    tpu.enqueue_dma source(%dma_start3A_47 : memref<32x128xf32, #tpu.memory_space<hbm>>) target(%dma_start3A_45 : memref<32x128xf32, #tpu.memory_space<vmem>>) target_semaphore(%arg10 : memref<!tpu.dma_semaphore, #tpu.memory_space<semaphore_mem>>)
    %slice3A_48 = vector.extract_strided_slice %get3A_3 {offsets = [1], sizes = [1], strides = [1]} : vector<16xi32> to vector<1xi32>
    %squeeze3A_49 = vector.extract %slice3A_48[0] : i32 from vector<1xi32>
    %jit3A_50 = arith.constant 128 : i32
    %div3A_51 = arith.divsi %squeeze3A_49, %jit3A_50 : i32
    %sign3A_52 = arith.constant 0 : i32
    %sign3A_53 = arith.cmpi sgt, %squeeze3A_49, %sign3A_52 : i32
    %sign3A_54 = arith.extui %sign3A_53 : i1 to i32
    %sign3A_55 = arith.constant 0 : i32
    %sign3A_56 = arith.cmpi slt, %squeeze3A_49, %sign3A_55 : i32
    %sign3A_57 = arith.extui %sign3A_56 : i1 to i32
    %sign3A_58 = arith.subi %sign3A_54, %sign3A_57 : i32
    %sign3A_59 = arith.constant 0 : i32
    %sign3A_60 = arith.cmpi sgt, %jit3A_50, %sign3A_59 : i32
    %sign3A_61 = arith.extui %sign3A_60 : i1 to i32
    %sign3A_62 = arith.constant 0 : i32
    %sign3A_63 = arith.cmpi slt, %jit3A_50, %sign3A_62 : i32
    %sign3A_64 = arith.extui %sign3A_63 : i1 to i32
    %sign3A_65 = arith.subi %sign3A_61, %sign3A_64 : i32
    %ne3A_66 = arith.cmpi ne, %sign3A_58, %sign3A_65 : i32
    %rem3A_67 = arith.remsi %squeeze3A_49, %jit3A_50 : i32
    %ne3A_68 = arith.constant 0 : i32
    %ne3A_69 = arith.cmpi ne, %rem3A_67, %ne3A_68 : i32
    %and3A_70 = arith.andi %ne3A_66, %ne3A_69 : i1
    %sub3A_71 = arith.constant 1 : i32
    %sub3A_72 = arith.subi %div3A_51, %sub3A_71 : i32
    %select_n3A_73 = arith.select %and3A_70, %sub3A_72, %div3A_51 : i32
    %min3A_74 = arith.constant 7810 : i32
    %min3A_75 = arith.minsi %select_n3A_73, %min3A_74 : i32
    %mul3A_76 = arith.constant 128 : i32
    %mul3A_77 = arith.muli %min3A_75, %mul3A_76 : i32
    %multiple_of3A_78 = tpu.assume_multiple %mul3A_77, 128 : i32
    %dma_start3A_79 = arith.constant 1 : i32
    %dma_start3A_80 = arith.constant 0 : i32
    %dma_start3A_81 = arith.constant 0 : i32
    %dma_start3A_82 = tpu.memref_slice %arg7[%dma_start3A_79, %dma_start3A_80, %dma_start3A_81] : memref<8x64x128xf32, #tpu.memory_space<vmem>> -> memref<1x32x128xf32, #tpu.memory_space<vmem>>
    %dma_start3A_83 = tpu.memref_squeeze %dma_start3A_82 : memref<1x32x128xf32, #tpu.memory_space<vmem>> -> memref<32x128xf32, #tpu.memory_space<vmem>>
    %dma_start3A_84 = arith.constant 0 : i32
    %dma_start3A_85 = tpu.memref_slice %arg3[%dma_start3A_84, %multiple_of3A_78] : memref<64x1000000xf32, #tpu.memory_space<hbm>> -> memref<32x128xf32, #tpu.memory_space<hbm>>
    %dma_start3A_86 = arith.constant 0 : i32
    %dma_start3A_87 = arith.constant 0 : i32
    %dma_start3A_88 = tpu.memref_slice %arg7[%dma_start3A_79, %dma_start3A_86, %dma_start3A_87] : memref<8x64x128xf32, #tpu.memory_space<vmem>> -> memref<1x32x128xf32, #tpu.memory_space<vmem>>
    %dma_start3A_89 = tpu.memref_squeeze %dma_start3A_88 : memref<1x32x128xf32, #tpu.memory_space<vmem>> -> memref<32x128xf32, #tpu.memory_space<vmem>>
    %dma_start3A_90 = arith.constant 0 : i32
    %dma_start3A_91 = tpu.memref_slice %arg3[%dma_start3A_90, %multiple_of3A_78] : memref<64x1000000xf32, #tpu.memory_space<hbm>> -> memref<32x128xf32, #tpu.memory_space<hbm>>
    tpu.enqueue_dma source(%dma_start3A_91 : memref<32x128xf32, #tpu.memory_space<hbm>>) target(%dma_start3A_89 : memref<32x128xf32, #tpu.memory_space<vmem>>) target_semaphore(%arg11 : memref<!tpu.dma_semaphore, #tpu.memory_space<semaphore_mem>>)
    %dma_start3A_92 = arith.constant 1 : i32
    %dma_start3A_93 = arith.constant 32 : i32
    %dma_start3A_94 = arith.constant 0 : i32
    %dma_start3A_95 = tpu.memref_slice %arg7[%dma_start3A_92, %dma_start3A_93, %dma_start3A_94] : memref<8x64x128xf32, #tpu.memory_space<vmem>> -> memref<1x32x128xf32, #tpu.memory_space<vmem>>
    %dma_start3A_96 = tpu.memref_squeeze %dma_start3A_95 : memref<1x32x128xf32, #tpu.memory_space<vmem>> -> memref<32x128xf32, #tpu.memory_space<vmem>>
    %dma_start3A_97 = arith.constant 32 : i32
    %dma_start3A_98 = tpu.memref_slice %arg3[%dma_start3A_97, %multiple_of3A_78] : memref<64x1000000xf32, #tpu.memory_space<hbm>> -> memref<32x128xf32, #tpu.memory_space<hbm>>
    %dma_start3A_99 = arith.constant 32 : i32
    %dma_start3A_100 = arith.constant 0 : i32
    %dma_start3A_101 = tpu.memref_slice %arg7[%dma_start3A_92, %dma_start3A_99, %dma_start3A_100] : memref<8x64x128xf32, #tpu.memory_space<vmem>> -> memref<1x32x128xf32, #tpu.memory_space<vmem>>
    %dma_start3A_102 = tpu.memref_squeeze %dma_start3A_101 : memref<1x32x128xf32, #tpu.memory_space<vmem>> -> memref<32x128xf32, #tpu.memory_space<vmem>>
    %dma_start3A_103 = arith.constant 32 : i32
    %dma_start3A_104 = tpu.memref_slice %arg3[%dma_start3A_103, %multiple_of3A_78] : memref<64x1000000xf32, #tpu.memory_space<hbm>> -> memref<32x128xf32, #tpu.memory_space<hbm>>
    tpu.enqueue_dma source(%dma_start3A_104 : memref<32x128xf32, #tpu.memory_space<hbm>>) target(%dma_start3A_102 : memref<32x128xf32, #tpu.memory_space<vmem>>) target_semaphore(%arg11 : memref<!tpu.dma_semaphore, #tpu.memory_space<semaphore_mem>>)
    %slice3A_105 = vector.extract_strided_slice %get3A_3 {offsets = [2], sizes = [1], strides = [1]} : vector<16xi32> to vector<1xi32>
    %squeeze3A_106 = vector.extract %slice3A_105[0] : i32 from vector<1xi32>
    %jit3A_107 = arith.constant 128 : i32
    %div3A_108 = arith.divsi %squeeze3A_106, %jit3A_107 : i32
    %sign3A_109 = arith.constant 0 : i32
    %sign3A_110 = arith.cmpi sgt, %squeeze3A_106, %sign3A_109 : i32
    %sign3A_111 = arith.extui %sign3A_110 : i1 to i32
    %sign3A_112 = arith.constant 0 : i32
    %sign3A_113 = arith.cmpi slt, %squeeze3A_106, %sign3A_112 : i32
    %sign3A_114 = arith.extui %sign3A_113 : i1 to i32
    %sign3A_115 = arith.subi %sign3A_111, %sign3A_114 : i32
    %sign3A_116 = arith.constant 0 : i32
    %sign3A_117 = arith.cmpi sgt, %jit3A_107, %sign3A_116 : i32
    %sign3A_118 = arith.extui %sign3A_117 : i1 to i32
    %sign3A_119 = arith.constant 0 : i32
    %sign3A_120 = arith.cmpi slt, %jit3A_107, %sign3A_119 : i32
    %sign3A_121 = arith.extui %sign3A_120 : i1 to i32
    %sign3A_122 = arith.subi %sign3A_118, %sign3A_121 : i32
    %ne3A_123 = arith.cmpi ne, %sign3A_115, %sign3A_122 : i32
    %rem3A_124 = arith.remsi %squeeze3A_106, %jit3A_107 : i32
    %ne3A_125 = arith.constant 0 : i32
    %ne3A_126 = arith.cmpi ne, %rem3A_124, %ne3A_125 : i32
    %and3A_127 = arith.andi %ne3A_123, %ne3A_126 : i1
    %sub3A_128 = arith.constant 1 : i32
    %sub3A_129 = arith.subi %div3A_108, %sub3A_128 : i32
    %select_n3A_130 = arith.select %and3A_127, %sub3A_129, %div3A_108 : i32
    %min3A_131 = arith.constant 7810 : i32
    %min3A_132 = arith.minsi %select_n3A_130, %min3A_131 : i32
    %mul3A_133 = arith.constant 128 : i32
    %mul3A_134 = arith.muli %min3A_132, %mul3A_133 : i32
    %multiple_of3A_135 = tpu.assume_multiple %mul3A_134, 128 : i32
    %dma_start3A_136 = arith.constant 2 : i32
    %dma_start3A_137 = arith.constant 0 : i32
    %dma_start3A_138 = arith.constant 0 : i32
    %dma_start3A_139 = tpu.memref_slice %arg7[%dma_start3A_136, %dma_start3A_137, %dma_start3A_138] : memref<8x64x128xf32, #tpu.memory_space<vmem>> -> memref<1x32x128xf32, #tpu.memory_space<vmem>>
    %dma_start3A_140 = tpu.memref_squeeze %dma_start3A_139 : memref<1x32x128xf32, #tpu.memory_space<vmem>> -> memref<32x128xf32, #tpu.memory_space<vmem>>
    %dma_start3A_141 = arith.constant 0 : i32
    %dma_start3A_142 = tpu.memref_slice %arg3[%dma_start3A_141, %multiple_of3A_135] : memref<64x1000000xf32, #tpu.memory_space<hbm>> -> memref<32x128xf32, #tpu.memory_space<hbm>>
    %dma_start3A_143 = arith.constant 0 : i32
    %dma_start3A_144 = arith.constant 0 : i32
    %dma_start3A_145 = tpu.memref_slice %arg7[%dma_start3A_136, %dma_start3A_143, %dma_start3A_144] : memref<8x64x128xf32, #tpu.memory_space<vmem>> -> memref<1x32x128xf32, #tpu.memory_space<vmem>>
    %dma_start3A_146 = tpu.memref_squeeze %dma_start3A_145 : memref<1x32x128xf32, #tpu.memory_space<vmem>> -> memref<32x128xf32, #tpu.memory_space<vmem>>
    %dma_start3A_147 = arith.constant 0 : i32
    %dma_start3A_148 = tpu.memref_slice %arg3[%dma_start3A_147, %multiple_of3A_135] : memref<64x1000000xf32, #tpu.memory_space<hbm>> -> memref<32x128xf32, #tpu.memory_space<hbm>>
    tpu.enqueue_dma source(%dma_start3A_148 : memref<32x128xf32, #tpu.memory_space<hbm>>) target(%dma_start3A_146 : memref<32x128xf32, #tpu.memory_space<vmem>>) target_semaphore(%arg12 : memref<!tpu.dma_semaphore, #tpu.memory_space<semaphore_mem>>)
    %dma_start3A_149 = arith.constant 2 : i32
    %dma_start3A_150 = arith.constant 32 : i32
    %dma_start3A_151 = arith.constant 0 : i32
    %dma_start3A_152 = tpu.memref_slice %arg7[%dma_start3A_149, %dma_start3A_150, %dma_start3A_151] : memref<8x64x128xf32, #tpu.memory_space<vmem>> -> memref<1x32x128xf32, #tpu.memory_space<vmem>>
    %dma_start3A_153 = tpu.memref_squeeze %dma_start3A_152 : memref<1x32x128xf32, #tpu.memory_space<vmem>> -> memref<32x128xf32, #tpu.memory_space<vmem>>
    %dma_start3A_154 = arith.constant 32 : i32
    %dma_start3A_155 = tpu.memref_slice %arg3[%dma_start3A_154, %multiple_of3A_135] : memref<64x1000000xf32, #tpu.memory_space<hbm>> -> memref<32x128xf32, #tpu.memory_space<hbm>>
    %dma_start3A_156 = arith.constant 32 : i32
    %dma_start3A_157 = arith.constant 0 : i32
    %dma_start3A_158 = tpu.memref_slice %arg7[%dma_start3A_149, %dma_start3A_156, %dma_start3A_157] : memref<8x64x128xf32, #tpu.memory_space<vmem>> -> memref<1x32x128xf32, #tpu.memory_space<vmem>>
    %dma_start3A_159 = tpu.memref_squeeze %dma_start3A_158 : memref<1x32x128xf32, #tpu.memory_space<vmem>> -> memref<32x128xf32, #tpu.memory_space<vmem>>
    %dma_start3A_160 = arith.constant 32 : i32
    %dma_start3A_161 = tpu.memref_slice %arg3[%dma_start3A_160, %multiple_of3A_135] : memref<64x1000000xf32, #tpu.memory_space<hbm>> -> memref<32x128xf32, #tpu.memory_space<hbm>>
    tpu.enqueue_dma source(%dma_start3A_161 : memref<32x128xf32, #tpu.memory_space<hbm>>) target(%dma_start3A_159 : memref<32x128xf32, #tpu.memory_space<vmem>>) target_semaphore(%arg12 : memref<!tpu.dma_semaphore, #tpu.memory_space<semaphore_mem>>)
    %slice3A_162 = vector.extract_strided_slice %get3A_3 {offsets = [3], sizes = [1], strides = [1]} : vector<16xi32> to vector<1xi32>
    %squeeze3A_163 = vector.extract %slice3A_162[0] : i32 from vector<1xi32>
    %jit3A_164 = arith.constant 128 : i32
    %div3A_165 = arith.divsi %squeeze3A_163, %jit3A_164 : i32
    %sign3A_166 = arith.constant 0 : i32
    %sign3A_167 = arith.cmpi sgt, %squeeze3A_163, %sign3A_166 : i32
    %sign3A_168 = arith.extui %sign3A_167 : i1 to i32
    %sign3A_169 = arith.constant 0 : i32
    %sign3A_170 = arith.cmpi slt, %squeeze3A_163, %sign3A_169 : i32
    %sign3A_171 = arith.extui %sign3A_170 : i1 to i32
    %sign3A_172 = arith.subi %sign3A_168, %sign3A_171 : i32
    %sign3A_173 = arith.constant 0 : i32
    %sign3A_174 = arith.cmpi sgt, %jit3A_164, %sign3A_173 : i32
    %sign3A_175 = arith.extui %sign3A_174 : i1 to i32
    %sign3A_176 = arith.constant 0 : i32
    %sign3A_177 = arith.cmpi slt, %jit3A_164, %sign3A_176 : i32
    %sign3A_178 = arith.extui %sign3A_177 : i1 to i32
    %sign3A_179 = arith.subi %sign3A_175, %sign3A_178 : i32
    %ne3A_180 = arith.cmpi ne, %sign3A_172, %sign3A_179 : i32
    %rem3A_181 = arith.remsi %squeeze3A_163, %jit3A_164 : i32
    %ne3A_182 = arith.constant 0 : i32
    %ne3A_183 = arith.cmpi ne, %rem3A_181, %ne3A_182 : i32
    %and3A_184 = arith.andi %ne3A_180, %ne3A_183 : i1
    %sub3A_185 = arith.constant 1 : i32
    %sub3A_186 = arith.subi %div3A_165, %sub3A_185 : i32
    %select_n3A_187 = arith.select %and3A_184, %sub3A_186, %div3A_165 : i32
    %min3A_188 = arith.constant 7810 : i32
    %min3A_189 = arith.minsi %select_n3A_187, %min3A_188 : i32
    %mul3A_190 = arith.constant 128 : i32
    %mul3A_191 = arith.muli %min3A_189, %mul3A_190 : i32
    %multiple_of3A_192 = tpu.assume_multiple %mul3A_191, 128 : i32
    %dma_start3A_193 = arith.constant 3 : i32
    %dma_start3A_194 = arith.constant 0 : i32
    %dma_start3A_195 = arith.constant 0 : i32
    %dma_start3A_196 = tpu.memref_slice %arg7[%dma_start3A_193, %dma_start3A_194, %dma_start3A_195] : memref<8x64x128xf32, #tpu.memory_space<vmem>> -> memref<1x32x128xf32, #tpu.memory_space<vmem>>
    %dma_start3A_197 = tpu.memref_squeeze %dma_start3A_196 : memref<1x32x128xf32, #tpu.memory_space<vmem>> -> memref<32x128xf32, #tpu.memory_space<vmem>>
    %dma_start3A_198 = arith.constant 0 : i32
    %dma_start3A_199 = tpu.memref_slice %arg3[%dma_start3A_198, %multiple_of3A_192] : memref<64x1000000xf32, #tpu.memory_space<hbm>> -> memref<32x128xf32, #tpu.memory_space<hbm>>
    %dma_start3A_200 = arith.constant 0 : i32
    %dma_start3A_201 = arith.constant 0 : i32
    %dma_start3A_202 = tpu.memref_slice %arg7[%dma_start3A_193, %dma_start3A_200, %dma_start3A_201] : memref<8x64x128xf32, #tpu.memory_space<vmem>> -> memref<1x32x128xf32, #tpu.memory_space<vmem>>
    %dma_start3A_203 = tpu.memref_squeeze %dma_start3A_202 : memref<1x32x128xf32, #tpu.memory_space<vmem>> -> memref<32x128xf32, #tpu.memory_space<vmem>>
    %dma_start3A_204 = arith.constant 0 : i32
    %dma_start3A_205 = tpu.memref_slice %arg3[%dma_start3A_204, %multiple_of3A_192] : memref<64x1000000xf32, #tpu.memory_space<hbm>> -> memref<32x128xf32, #tpu.memory_space<hbm>>
    tpu.enqueue_dma source(%dma_start3A_205 : memref<32x128xf32, #tpu.memory_space<hbm>>) target(%dma_start3A_203 : memref<32x128xf32, #tpu.memory_space<vmem>>) target_semaphore(%arg13 : memref<!tpu.dma_semaphore, #tpu.memory_space<semaphore_mem>>)
    %dma_start3A_206 = arith.constant 3 : i32
    %dma_start3A_207 = arith.constant 32 : i32
    %dma_start3A_208 = arith.constant 0 : i32
    %dma_start3A_209 = tpu.memref_slice %arg7[%dma_start3A_206, %dma_start3A_207, %dma_start3A_208] : memref<8x64x128xf32, #tpu.memory_space<vmem>> -> memref<1x32x128xf32, #tpu.memory_space<vmem>>
    %dma_start3A_210 = tpu.memref_squeeze %dma_start3A_209 : memref<1x32x128xf32, #tpu.memory_space<vmem>> -> memref<32x128xf32, #tpu.memory_space<vmem>>
    %dma_start3A_211 = arith.constant 32 : i32
    %dma_start3A_212 = tpu.memref_slice %arg3[%dma_start3A_211, %multiple_of3A_192] : memref<64x1000000xf32, #tpu.memory_space<hbm>> -> memref<32x128xf32, #tpu.memory_space<hbm>>
    %dma_start3A_213 = arith.constant 32 : i32
    %dma_start3A_214 = arith.constant 0 : i32
    %dma_start3A_215 = tpu.memref_slice %arg7[%dma_start3A_206, %dma_start3A_213, %dma_start3A_214] : memref<8x64x128xf32, #tpu.memory_space<vmem>> -> memref<1x32x128xf32, #tpu.memory_space<vmem>>
    %dma_start3A_216 = tpu.memref_squeeze %dma_start3A_215 : memref<1x32x128xf32, #tpu.memory_space<vmem>> -> memref<32x128xf32, #tpu.memory_space<vmem>>
    %dma_start3A_217 = arith.constant 32 : i32
    %dma_start3A_218 = tpu.memref_slice %arg3[%dma_start3A_217, %multiple_of3A_192] : memref<64x1000000xf32, #tpu.memory_space<hbm>> -> memref<32x128xf32, #tpu.memory_space<hbm>>
    tpu.enqueue_dma source(%dma_start3A_218 : memref<32x128xf32, #tpu.memory_space<hbm>>) target(%dma_start3A_216 : memref<32x128xf32, #tpu.memory_space<vmem>>) target_semaphore(%arg13 : memref<!tpu.dma_semaphore, #tpu.memory_space<semaphore_mem>>)
    %slice3A_219 = vector.extract_strided_slice %get3A_3 {offsets = [4], sizes = [1], strides = [1]} : vector<16xi32> to vector<1xi32>
    %squeeze3A_220 = vector.extract %slice3A_219[0] : i32 from vector<1xi32>
    %jit3A_221 = arith.constant 128 : i32
    %div3A_222 = arith.divsi %squeeze3A_220, %jit3A_221 : i32
    %sign3A_223 = arith.constant 0 : i32
    %sign3A_224 = arith.cmpi sgt, %squeeze3A_220, %sign3A_223 : i32
    %sign3A_225 = arith.extui %sign3A_224 : i1 to i32
    %sign3A_226 = arith.constant 0 : i32
    %sign3A_227 = arith.cmpi slt, %squeeze3A_220, %sign3A_226 : i32
    %sign3A_228 = arith.extui %sign3A_227 : i1 to i32
    %sign3A_229 = arith.subi %sign3A_225, %sign3A_228 : i32
    %sign3A_230 = arith.constant 0 : i32
    %sign3A_231 = arith.cmpi sgt, %jit3A_221, %sign3A_230 : i32
    %sign3A_232 = arith.extui %sign3A_231 : i1 to i32
    %sign3A_233 = arith.constant 0 : i32
    %sign3A_234 = arith.cmpi slt, %jit3A_221, %sign3A_233 : i32
    %sign3A_235 = arith.extui %sign3A_234 : i1 to i32
    %sign3A_236 = arith.subi %sign3A_232, %sign3A_235 : i32
    %ne3A_237 = arith.cmpi ne, %sign3A_229, %sign3A_236 : i32
    %rem3A_238 = arith.remsi %squeeze3A_220, %jit3A_221 : i32
    %ne3A_239 = arith.constant 0 : i32
    %ne3A_240 = arith.cmpi ne, %rem3A_238, %ne3A_239 : i32
    %and3A_241 = arith.andi %ne3A_237, %ne3A_240 : i1
    %sub3A_242 = arith.constant 1 : i32
    %sub3A_243 = arith.subi %div3A_222, %sub3A_242 : i32
    %select_n3A_244 = arith.select %and3A_241, %sub3A_243, %div3A_222 : i32
    %min3A_245 = arith.constant 7810 : i32
    %min3A_246 = arith.minsi %select_n3A_244, %min3A_245 : i32
    %mul3A_247 = arith.constant 128 : i32
    %mul3A_248 = arith.muli %min3A_246, %mul3A_247 : i32
    %multiple_of3A_249 = tpu.assume_multiple %mul3A_248, 128 : i32
    %dma_start3A_250 = arith.constant 4 : i32
    %dma_start3A_251 = arith.constant 0 : i32
    %dma_start3A_252 = arith.constant 0 : i32
    %dma_start3A_253 = tpu.memref_slice %arg7[%dma_start3A_250, %dma_start3A_251, %dma_start3A_252] : memref<8x64x128xf32, #tpu.memory_space<vmem>> -> memref<1x32x128xf32, #tpu.memory_space<vmem>>
    %dma_start3A_254 = tpu.memref_squeeze %dma_start3A_253 : memref<1x32x128xf32, #tpu.memory_space<vmem>> -> memref<32x128xf32, #tpu.memory_space<vmem>>
    %dma_start3A_255 = arith.constant 0 : i32
    %dma_start3A_256 = tpu.memref_slice %arg3[%dma_start3A_255, %multiple_of3A_249] : memref<64x1000000xf32, #tpu.memory_space<hbm>> -> memref<32x128xf32, #tpu.memory_space<hbm>>
    %dma_start3A_257 = arith.constant 0 : i32
    %dma_start3A_258 = arith.constant 0 : i32
    %dma_start3A_259 = tpu.memref_slice %arg7[%dma_start3A_250, %dma_start3A_257, %dma_start3A_258] : memref<8x64x128xf32, #tpu.memory_space<vmem>> -> memref<1x32x128xf32, #tpu.memory_space<vmem>>
    %dma_start3A_260 = tpu.memref_squeeze %dma_start3A_259 : memref<1x32x128xf32, #tpu.memory_space<vmem>> -> memref<32x128xf32, #tpu.memory_space<vmem>>
    %dma_start3A_261 = arith.constant 0 : i32
    %dma_start3A_262 = tpu.memref_slice %arg3[%dma_start3A_261, %multiple_of3A_249] : memref<64x1000000xf32, #tpu.memory_space<hbm>> -> memref<32x128xf32, #tpu.memory_space<hbm>>
    tpu.enqueue_dma source(%dma_start3A_262 : memref<32x128xf32, #tpu.memory_space<hbm>>) target(%dma_start3A_260 : memref<32x128xf32, #tpu.memory_space<vmem>>) target_semaphore(%arg14 : memref<!tpu.dma_semaphore, #tpu.memory_space<semaphore_mem>>)
    %dma_start3A_263 = arith.constant 4 : i32
    %dma_start3A_264 = arith.constant 32 : i32
    %dma_start3A_265 = arith.constant 0 : i32
    %dma_start3A_266 = tpu.memref_slice %arg7[%dma_start3A_263, %dma_start3A_264, %dma_start3A_265] : memref<8x64x128xf32, #tpu.memory_space<vmem>> -> memref<1x32x128xf32, #tpu.memory_space<vmem>>
    %dma_start3A_267 = tpu.memref_squeeze %dma_start3A_266 : memref<1x32x128xf32, #tpu.memory_space<vmem>> -> memref<32x128xf32, #tpu.memory_space<vmem>>
    %dma_start3A_268 = arith.constant 32 : i32
    %dma_start3A_269 = tpu.memref_slice %arg3[%dma_start3A_268, %multiple_of3A_249] : memref<64x1000000xf32, #tpu.memory_space<hbm>> -> memref<32x128xf32, #tpu.memory_space<hbm>>
    %dma_start3A_270 = arith.constant 32 : i32
    %dma_start3A_271 = arith.constant 0 : i32
    %dma_start3A_272 = tpu.memref_slice %arg7[%dma_start3A_263, %dma_start3A_270, %dma_start3A_271] : memref<8x64x128xf32, #tpu.memory_space<vmem>> -> memref<1x32x128xf32, #tpu.memory_space<vmem>>
    %dma_start3A_273 = tpu.memref_squeeze %dma_start3A_272 : memref<1x32x128xf32, #tpu.memory_space<vmem>> -> memref<32x128xf32, #tpu.memory_space<vmem>>
    %dma_start3A_274 = arith.constant 32 : i32
    %dma_start3A_275 = tpu.memref_slice %arg3[%dma_start3A_274, %multiple_of3A_249] : memref<64x1000000xf32, #tpu.memory_space<hbm>> -> memref<32x128xf32, #tpu.memory_space<hbm>>
    tpu.enqueue_dma source(%dma_start3A_275 : memref<32x128xf32, #tpu.memory_space<hbm>>) target(%dma_start3A_273 : memref<32x128xf32, #tpu.memory_space<vmem>>) target_semaphore(%arg14 : memref<!tpu.dma_semaphore, #tpu.memory_space<semaphore_mem>>)
    %slice3A_276 = vector.extract_strided_slice %get3A_3 {offsets = [5], sizes = [1], strides = [1]} : vector<16xi32> to vector<1xi32>
    %squeeze3A_277 = vector.extract %slice3A_276[0] : i32 from vector<1xi32>
    %jit3A_278 = arith.constant 128 : i32
    %div3A_279 = arith.divsi %squeeze3A_277, %jit3A_278 : i32
    %sign3A_280 = arith.constant 0 : i32
    %sign3A_281 = arith.cmpi sgt, %squeeze3A_277, %sign3A_280 : i32
    %sign3A_282 = arith.extui %sign3A_281 : i1 to i32
    %sign3A_283 = arith.constant 0 : i32
    %sign3A_284 = arith.cmpi slt, %squeeze3A_277, %sign3A_283 : i32
    %sign3A_285 = arith.extui %sign3A_284 : i1 to i32
    %sign3A_286 = arith.subi %sign3A_282, %sign3A_285 : i32
    %sign3A_287 = arith.constant 0 : i32
    %sign3A_288 = arith.cmpi sgt, %jit3A_278, %sign3A_287 : i32
    %sign3A_289 = arith.extui %sign3A_288 : i1 to i32
    %sign3A_290 = arith.constant 0 : i32
    %sign3A_291 = arith.cmpi slt, %jit3A_278, %sign3A_290 : i32
    %sign3A_292 = arith.extui %sign3A_291 : i1 to i32
    %sign3A_293 = arith.subi %sign3A_289, %sign3A_292 : i32
    %ne3A_294 = arith.cmpi ne, %sign3A_286, %sign3A_293 : i32
    %rem3A_295 = arith.remsi %squeeze3A_277, %jit3A_278 : i32
    %ne3A_296 = arith.constant 0 : i32
    %ne3A_297 = arith.cmpi ne, %rem3A_295, %ne3A_296 : i32
    %and3A_298 = arith.andi %ne3A_294, %ne3A_297 : i1
    %sub3A_299 = arith.constant 1 : i32
    %sub3A_300 = arith.subi %div3A_279, %sub3A_299 : i32
    %select_n3A_301 = arith.select %and3A_298, %sub3A_300, %div3A_279 : i32
    %min3A_302 = arith.constant 7810 : i32
    %min3A_303 = arith.minsi %select_n3A_301, %min3A_302 : i32
    %mul3A_304 = arith.constant 128 : i32
    %mul3A_305 = arith.muli %min3A_303, %mul3A_304 : i32
    %multiple_of3A_306 = tpu.assume_multiple %mul3A_305, 128 : i32
    %dma_start3A_307 = arith.constant 5 : i32
    %dma_start3A_308 = arith.constant 0 : i32
    %dma_start3A_309 = arith.constant 0 : i32
    %dma_start3A_310 = tpu.memref_slice %arg7[%dma_start3A_307, %dma_start3A_308, %dma_start3A_309] : memref<8x64x128xf32, #tpu.memory_space<vmem>> -> memref<1x32x128xf32, #tpu.memory_space<vmem>>
    %dma_start3A_311 = tpu.memref_squeeze %dma_start3A_310 : memref<1x32x128xf32, #tpu.memory_space<vmem>> -> memref<32x128xf32, #tpu.memory_space<vmem>>
    %dma_start3A_312 = arith.constant 0 : i32
    %dma_start3A_313 = tpu.memref_slice %arg3[%dma_start3A_312, %multiple_of3A_306] : memref<64x1000000xf32, #tpu.memory_space<hbm>> -> memref<32x128xf32, #tpu.memory_space<hbm>>
    %dma_start3A_314 = arith.constant 0 : i32
    %dma_start3A_315 = arith.constant 0 : i32
    %dma_start3A_316 = tpu.memref_slice %arg7[%dma_start3A_307, %dma_start3A_314, %dma_start3A_315] : memref<8x64x128xf32, #tpu.memory_space<vmem>> -> memref<1x32x128xf32, #tpu.memory_space<vmem>>
    %dma_start3A_317 = tpu.memref_squeeze %dma_start3A_316 : memref<1x32x128xf32, #tpu.memory_space<vmem>> -> memref<32x128xf32, #tpu.memory_space<vmem>>
    %dma_start3A_318 = arith.constant 0 : i32
    %dma_start3A_319 = tpu.memref_slice %arg3[%dma_start3A_318, %multiple_of3A_306] : memref<64x1000000xf32, #tpu.memory_space<hbm>> -> memref<32x128xf32, #tpu.memory_space<hbm>>
    tpu.enqueue_dma source(%dma_start3A_319 : memref<32x128xf32, #tpu.memory_space<hbm>>) target(%dma_start3A_317 : memref<32x128xf32, #tpu.memory_space<vmem>>) target_semaphore(%arg15 : memref<!tpu.dma_semaphore, #tpu.memory_space<semaphore_mem>>)
    %dma_start3A_320 = arith.constant 5 : i32
    %dma_start3A_321 = arith.constant 32 : i32
    %dma_start3A_322 = arith.constant 0 : i32
    %dma_start3A_323 = tpu.memref_slice %arg7[%dma_start3A_320, %dma_start3A_321, %dma_start3A_322] : memref<8x64x128xf32, #tpu.memory_space<vmem>> -> memref<1x32x128xf32, #tpu.memory_space<vmem>>
    %dma_start3A_324 = tpu.memref_squeeze %dma_start3A_323 : memref<1x32x128xf32, #tpu.memory_space<vmem>> -> memref<32x128xf32, #tpu.memory_space<vmem>>
    %dma_start3A_325 = arith.constant 32 : i32
    %dma_start3A_326 = tpu.memref_slice %arg3[%dma_start3A_325, %multiple_of3A_306] : memref<64x1000000xf32, #tpu.memory_space<hbm>> -> memref<32x128xf32, #tpu.memory_space<hbm>>
    %dma_start3A_327 = arith.constant 32 : i32
    %dma_start3A_328 = arith.constant 0 : i32
    %dma_start3A_329 = tpu.memref_slice %arg7[%dma_start3A_320, %dma_start3A_327, %dma_start3A_328] : memref<8x64x128xf32, #tpu.memory_space<vmem>> -> memref<1x32x128xf32, #tpu.memory_space<vmem>>
    %dma_start3A_330 = tpu.memref_squeeze %dma_start3A_329 : memref<1x32x128xf32, #tpu.memory_space<vmem>> -> memref<32x128xf32, #tpu.memory_space<vmem>>
    %dma_start3A_331 = arith.constant 32 : i32
    %dma_start3A_332 = tpu.memref_slice %arg3[%dma_start3A_331, %multiple_of3A_306] : memref<64x1000000xf32, #tpu.memory_space<hbm>> -> memref<32x128xf32, #tpu.memory_space<hbm>>
    tpu.enqueue_dma source(%dma_start3A_332 : memref<32x128xf32, #tpu.memory_space<hbm>>) target(%dma_start3A_330 : memref<32x128xf32, #tpu.memory_space<vmem>>) target_semaphore(%arg15 : memref<!tpu.dma_semaphore, #tpu.memory_space<semaphore_mem>>)
    %slice3A_333 = vector.extract_strided_slice %get3A_3 {offsets = [6], sizes = [1], strides = [1]} : vector<16xi32> to vector<1xi32>
    %squeeze3A_334 = vector.extract %slice3A_333[0] : i32 from vector<1xi32>
    %jit3A_335 = arith.constant 128 : i32
    %div3A_336 = arith.divsi %squeeze3A_334, %jit3A_335 : i32
    %sign3A_337 = arith.constant 0 : i32
    %sign3A_338 = arith.cmpi sgt, %squeeze3A_334, %sign3A_337 : i32
    %sign3A_339 = arith.extui %sign3A_338 : i1 to i32
    %sign3A_340 = arith.constant 0 : i32
    %sign3A_341 = arith.cmpi slt, %squeeze3A_334, %sign3A_340 : i32
    %sign3A_342 = arith.extui %sign3A_341 : i1 to i32
    %sign3A_343 = arith.subi %sign3A_339, %sign3A_342 : i32
    %sign3A_344 = arith.constant 0 : i32
    %sign3A_345 = arith.cmpi sgt, %jit3A_335, %sign3A_344 : i32
    %sign3A_346 = arith.extui %sign3A_345 : i1 to i32
    %sign3A_347 = arith.constant 0 : i32
    %sign3A_348 = arith.cmpi slt, %jit3A_335, %sign3A_347 : i32
    %sign3A_349 = arith.extui %sign3A_348 : i1 to i32
    %sign3A_350 = arith.subi %sign3A_346, %sign3A_349 : i32
    %ne3A_351 = arith.cmpi ne, %sign3A_343, %sign3A_350 : i32
    %rem3A_352 = arith.remsi %squeeze3A_334, %jit3A_335 : i32
    %ne3A_353 = arith.constant 0 : i32
    %ne3A_354 = arith.cmpi ne, %rem3A_352, %ne3A_353 : i32
    %and3A_355 = arith.andi %ne3A_351, %ne3A_354 : i1
    %sub3A_356 = arith.constant 1 : i32
    %sub3A_357 = arith.subi %div3A_336, %sub3A_356 : i32
    %select_n3A_358 = arith.select %and3A_355, %sub3A_357, %div3A_336 : i32
    %min3A_359 = arith.constant 7810 : i32
    %min3A_360 = arith.minsi %select_n3A_358, %min3A_359 : i32
    %mul3A_361 = arith.constant 128 : i32
    %mul3A_362 = arith.muli %min3A_360, %mul3A_361 : i32
    %multiple_of3A_363 = tpu.assume_multiple %mul3A_362, 128 : i32
    %dma_start3A_364 = arith.constant 6 : i32
    %dma_start3A_365 = arith.constant 0 : i32
    %dma_start3A_366 = arith.constant 0 : i32
    %dma_start3A_367 = tpu.memref_slice %arg7[%dma_start3A_364, %dma_start3A_365, %dma_start3A_366] : memref<8x64x128xf32, #tpu.memory_space<vmem>> -> memref<1x32x128xf32, #tpu.memory_space<vmem>>
    %dma_start3A_368 = tpu.memref_squeeze %dma_start3A_367 : memref<1x32x128xf32, #tpu.memory_space<vmem>> -> memref<32x128xf32, #tpu.memory_space<vmem>>
    %dma_start3A_369 = arith.constant 0 : i32
    %dma_start3A_370 = tpu.memref_slice %arg3[%dma_start3A_369, %multiple_of3A_363] : memref<64x1000000xf32, #tpu.memory_space<hbm>> -> memref<32x128xf32, #tpu.memory_space<hbm>>
    %dma_start3A_371 = arith.constant 0 : i32
    %dma_start3A_372 = arith.constant 0 : i32
    %dma_start3A_373 = tpu.memref_slice %arg7[%dma_start3A_364, %dma_start3A_371, %dma_start3A_372] : memref<8x64x128xf32, #tpu.memory_space<vmem>> -> memref<1x32x128xf32, #tpu.memory_space<vmem>>
    %dma_start3A_374 = tpu.memref_squeeze %dma_start3A_373 : memref<1x32x128xf32, #tpu.memory_space<vmem>> -> memref<32x128xf32, #tpu.memory_space<vmem>>
    %dma_start3A_375 = arith.constant 0 : i32
    %dma_start3A_376 = tpu.memref_slice %arg3[%dma_start3A_375, %multiple_of3A_363] : memref<64x1000000xf32, #tpu.memory_space<hbm>> -> memref<32x128xf32, #tpu.memory_space<hbm>>
    tpu.enqueue_dma source(%dma_start3A_376 : memref<32x128xf32, #tpu.memory_space<hbm>>) target(%dma_start3A_374 : memref<32x128xf32, #tpu.memory_space<vmem>>) target_semaphore(%arg16 : memref<!tpu.dma_semaphore, #tpu.memory_space<semaphore_mem>>)
    %dma_start3A_377 = arith.constant 6 : i32
    %dma_start3A_378 = arith.constant 32 : i32
    %dma_start3A_379 = arith.constant 0 : i32
    %dma_start3A_380 = tpu.memref_slice %arg7[%dma_start3A_377, %dma_start3A_378, %dma_start3A_379] : memref<8x64x128xf32, #tpu.memory_space<vmem>> -> memref<1x32x128xf32, #tpu.memory_space<vmem>>
    %dma_start3A_381 = tpu.memref_squeeze %dma_start3A_380 : memref<1x32x128xf32, #tpu.memory_space<vmem>> -> memref<32x128xf32, #tpu.memory_space<vmem>>
    %dma_start3A_382 = arith.constant 32 : i32
    %dma_start3A_383 = tpu.memref_slice %arg3[%dma_start3A_382, %multiple_of3A_363] : memref<64x1000000xf32, #tpu.memory_space<hbm>> -> memref<32x128xf32, #tpu.memory_space<hbm>>
    %dma_start3A_384 = arith.constant 32 : i32
    %dma_start3A_385 = arith.constant 0 : i32
    %dma_start3A_386 = tpu.memref_slice %arg7[%dma_start3A_377, %dma_start3A_384, %dma_start3A_385] : memref<8x64x128xf32, #tpu.memory_space<vmem>> -> memref<1x32x128xf32, #tpu.memory_space<vmem>>
    %dma_start3A_387 = tpu.memref_squeeze %dma_start3A_386 : memref<1x32x128xf32, #tpu.memory_space<vmem>> -> memref<32x128xf32, #tpu.memory_space<vmem>>
    %dma_start3A_388 = arith.constant 32 : i32
    %dma_start3A_389 = tpu.memref_slice %arg3[%dma_start3A_388, %multiple_of3A_363] : memref<64x1000000xf32, #tpu.memory_space<hbm>> -> memref<32x128xf32, #tpu.memory_space<hbm>>
    tpu.enqueue_dma source(%dma_start3A_389 : memref<32x128xf32, #tpu.memory_space<hbm>>) target(%dma_start3A_387 : memref<32x128xf32, #tpu.memory_space<vmem>>) target_semaphore(%arg16 : memref<!tpu.dma_semaphore, #tpu.memory_space<semaphore_mem>>)
    %slice3A_390 = vector.extract_strided_slice %get3A_3 {offsets = [7], sizes = [1], strides = [1]} : vector<16xi32> to vector<1xi32>
    %squeeze3A_391 = vector.extract %slice3A_390[0] : i32 from vector<1xi32>
    %jit3A_392 = arith.constant 128 : i32
    %div3A_393 = arith.divsi %squeeze3A_391, %jit3A_392 : i32
    %sign3A_394 = arith.constant 0 : i32
    %sign3A_395 = arith.cmpi sgt, %squeeze3A_391, %sign3A_394 : i32
    %sign3A_396 = arith.extui %sign3A_395 : i1 to i32
    %sign3A_397 = arith.constant 0 : i32
    %sign3A_398 = arith.cmpi slt, %squeeze3A_391, %sign3A_397 : i32
    %sign3A_399 = arith.extui %sign3A_398 : i1 to i32
    %sign3A_400 = arith.subi %sign3A_396, %sign3A_399 : i32
    %sign3A_401 = arith.constant 0 : i32
    %sign3A_402 = arith.cmpi sgt, %jit3A_392, %sign3A_401 : i32
    %sign3A_403 = arith.extui %sign3A_402 : i1 to i32
    %sign3A_404 = arith.constant 0 : i32
    %sign3A_405 = arith.cmpi slt, %jit3A_392, %sign3A_404 : i32
    %sign3A_406 = arith.extui %sign3A_405 : i1 to i32
    %sign3A_407 = arith.subi %sign3A_403, %sign3A_406 : i32
    %ne3A_408 = arith.cmpi ne, %sign3A_400, %sign3A_407 : i32
    %rem3A_409 = arith.remsi %squeeze3A_391, %jit3A_392 : i32
    %ne3A_410 = arith.constant 0 : i32
    %ne3A_411 = arith.cmpi ne, %rem3A_409, %ne3A_410 : i32
    %and3A_412 = arith.andi %ne3A_408, %ne3A_411 : i1
    %sub3A_413 = arith.constant 1 : i32
    %sub3A_414 = arith.subi %div3A_393, %sub3A_413 : i32
    %select_n3A_415 = arith.select %and3A_412, %sub3A_414, %div3A_393 : i32
    %min3A_416 = arith.constant 7810 : i32
    %min3A_417 = arith.minsi %select_n3A_415, %min3A_416 : i32
    %mul3A_418 = arith.constant 128 : i32
    %mul3A_419 = arith.muli %min3A_417, %mul3A_418 : i32
    %multiple_of3A_420 = tpu.assume_multiple %mul3A_419, 128 : i32
    %dma_start3A_421 = arith.constant 7 : i32
    %dma_start3A_422 = arith.constant 0 : i32
    %dma_start3A_423 = arith.constant 0 : i32
    %dma_start3A_424 = tpu.memref_slice %arg7[%dma_start3A_421, %dma_start3A_422, %dma_start3A_423] : memref<8x64x128xf32, #tpu.memory_space<vmem>> -> memref<1x32x128xf32, #tpu.memory_space<vmem>>
    %dma_start3A_425 = tpu.memref_squeeze %dma_start3A_424 : memref<1x32x128xf32, #tpu.memory_space<vmem>> -> memref<32x128xf32, #tpu.memory_space<vmem>>
    %dma_start3A_426 = arith.constant 0 : i32
    %dma_start3A_427 = tpu.memref_slice %arg3[%dma_start3A_426, %multiple_of3A_420] : memref<64x1000000xf32, #tpu.memory_space<hbm>> -> memref<32x128xf32, #tpu.memory_space<hbm>>
    %dma_start3A_428 = arith.constant 0 : i32
    %dma_start3A_429 = arith.constant 0 : i32
    %dma_start3A_430 = tpu.memref_slice %arg7[%dma_start3A_421, %dma_start3A_428, %dma_start3A_429] : memref<8x64x128xf32, #tpu.memory_space<vmem>> -> memref<1x32x128xf32, #tpu.memory_space<vmem>>
    %dma_start3A_431 = tpu.memref_squeeze %dma_start3A_430 : memref<1x32x128xf32, #tpu.memory_space<vmem>> -> memref<32x128xf32, #tpu.memory_space<vmem>>
    %dma_start3A_432 = arith.constant 0 : i32
    %dma_start3A_433 = tpu.memref_slice %arg3[%dma_start3A_432, %multiple_of3A_420] : memref<64x1000000xf32, #tpu.memory_space<hbm>> -> memref<32x128xf32, #tpu.memory_space<hbm>>
    tpu.enqueue_dma source(%dma_start3A_433 : memref<32x128xf32, #tpu.memory_space<hbm>>) target(%dma_start3A_431 : memref<32x128xf32, #tpu.memory_space<vmem>>) target_semaphore(%arg17 : memref<!tpu.dma_semaphore, #tpu.memory_space<semaphore_mem>>)
    %dma_start3A_434 = arith.constant 7 : i32
    %dma_start3A_435 = arith.constant 32 : i32
    %dma_start3A_436 = arith.constant 0 : i32
    %dma_start3A_437 = tpu.memref_slice %arg7[%dma_start3A_434, %dma_start3A_435, %dma_start3A_436] : memref<8x64x128xf32, #tpu.memory_space<vmem>> -> memref<1x32x128xf32, #tpu.memory_space<vmem>>
    %dma_start3A_438 = tpu.memref_squeeze %dma_start3A_437 : memref<1x32x128xf32, #tpu.memory_space<vmem>> -> memref<32x128xf32, #tpu.memory_space<vmem>>
    %dma_start3A_439 = arith.constant 32 : i32
    %dma_start3A_440 = tpu.memref_slice %arg3[%dma_start3A_439, %multiple_of3A_420] : memref<64x1000000xf32, #tpu.memory_space<hbm>> -> memref<32x128xf32, #tpu.memory_space<hbm>>
    %dma_start3A_441 = arith.constant 32 : i32
    %dma_start3A_442 = arith.constant 0 : i32
    %dma_start3A_443 = tpu.memref_slice %arg7[%dma_start3A_434, %dma_start3A_441, %dma_start3A_442] : memref<8x64x128xf32, #tpu.memory_space<vmem>> -> memref<1x32x128xf32, #tpu.memory_space<vmem>>
    %dma_start3A_444 = tpu.memref_squeeze %dma_start3A_443 : memref<1x32x128xf32, #tpu.memory_space<vmem>> -> memref<32x128xf32, #tpu.memory_space<vmem>>
    %dma_start3A_445 = arith.constant 32 : i32
    %dma_start3A_446 = tpu.memref_slice %arg3[%dma_start3A_445, %multiple_of3A_420] : memref<64x1000000xf32, #tpu.memory_space<hbm>> -> memref<32x128xf32, #tpu.memory_space<hbm>>
    tpu.enqueue_dma source(%dma_start3A_446 : memref<32x128xf32, #tpu.memory_space<hbm>>) target(%dma_start3A_444 : memref<32x128xf32, #tpu.memory_space<vmem>>) target_semaphore(%arg17 : memref<!tpu.dma_semaphore, #tpu.memory_space<semaphore_mem>>)
    %broadcast_in_dim3A = arith.constant 0.000000e+00 : f32
    %broadcast_in_dim3A_447 = vector.broadcast %broadcast_in_dim3A : f32 to vector<16xf32>
    %scan3A = arith.constant 0 : i32
    %scan3A_448 = arith.constant 40 : i32
    %scan3A_449 = arith.addi %scan3A, %scan3A_448 : i32
    %scan3A_450 = arith.constant 1 : i32
    %scan3A_451:5 = scf.for %scan3A_455 = %scan3A to %scan3A_449 step %scan3A_450 iter_args(%scan3A_456 = %broadcast_in_dim3A_447, %scan3A_457 = %broadcast_in_dim3A_447, %scan3A_458 = %broadcast_in_dim3A_447, %scan3A_459 = %broadcast_in_dim3A_447, %scan3A_460 = %get3A_3) -> (vector<16xf32>, vector<16xf32>, vector<16xf32>, vector<16xf32>, vector<16xi32>)  : i32 {
      %add3A_461 = arith.constant 1 : i32
      %add3A_462 = arith.addi %scan3A_455, %add3A_461 : i32
      %min3A_463 = arith.constant 39 : i32
      %min3A_464 = arith.minsi %add3A_462, %min3A_463 : i32
      %jit3A_465 = arith.constant 8 : i32
      %div3A_466 = arith.divsi %min3A_464, %jit3A_465 : i32
      %sign3A_467 = arith.constant 0 : i32
      %sign3A_468 = arith.cmpi sgt, %min3A_464, %sign3A_467 : i32
      %sign3A_469 = arith.extui %sign3A_468 : i1 to i32
      %sign3A_470 = arith.constant 0 : i32
      %sign3A_471 = arith.cmpi slt, %min3A_464, %sign3A_470 : i32
      %sign3A_472 = arith.extui %sign3A_471 : i1 to i32
      %sign3A_473 = arith.subi %sign3A_469, %sign3A_472 : i32
      %sign3A_474 = arith.constant 0 : i32
      %sign3A_475 = arith.cmpi sgt, %jit3A_465, %sign3A_474 : i32
      %sign3A_476 = arith.extui %sign3A_475 : i1 to i32
      %sign3A_477 = arith.constant 0 : i32
      %sign3A_478 = arith.cmpi slt, %jit3A_465, %sign3A_477 : i32
      %sign3A_479 = arith.extui %sign3A_478 : i1 to i32
      %sign3A_480 = arith.subi %sign3A_476, %sign3A_479 : i32
      %ne3A_481 = arith.cmpi ne, %sign3A_473, %sign3A_480 : i32
      %rem3A_482 = arith.remsi %min3A_464, %jit3A_465 : i32
      %ne3A_483 = arith.constant 0 : i32
      %ne3A_484 = arith.cmpi ne, %rem3A_482, %ne3A_483 : i32
      %and3A_485 = arith.andi %ne3A_481, %ne3A_484 : i1
      %sub3A_486 = arith.constant 1 : i32
      %sub3A_487 = arith.subi %div3A_466, %sub3A_486 : i32
      %select_n3A_488 = arith.select %and3A_485, %sub3A_487, %div3A_466 : i32
      %jit3A_489 = arith.constant 8 : i32
      %eq3A = arith.constant 0 : i32
      %eq3A_490 = arith.cmpi eq, %jit3A_489, %eq3A : i32
      %jit3A_491 = arith.constant 1 : i32
      %select_n3A_492 = arith.select %eq3A_490, %jit3A_491, %jit3A_489 : i32
      %rem3A_493 = arith.remsi %min3A_464, %select_n3A_492 : i32
      %ne3A_494 = arith.constant 0 : i32
      %ne3A_495 = arith.cmpi ne, %rem3A_493, %ne3A_494 : i32
      %lt3A = arith.constant 0 : i32
      %lt3A_496 = arith.cmpi slt, %rem3A_493, %lt3A : i32
      %lt3A_497 = arith.constant 0 : i32
      %lt3A_498 = arith.cmpi slt, %select_n3A_492, %lt3A_497 : i32
      %ne3A_499 = arith.xori %lt3A_496, %lt3A_498 : i1
      %and3A_500 = arith.andi %ne3A_499, %ne3A_495 : i1
      %add3A_501 = arith.addi %rem3A_493, %select_n3A_492 : i32
      %select_n3A_502 = arith.select %and3A_500, %add3A_501, %rem3A_493 : i32
      %mul3A_503 = arith.constant 16 : i32
      %mul3A_504 = arith.muli %select_n3A_502, %mul3A_503 : i32
      %get3A_505 = arith.index_cast %select_n3A_488 : i32 to index
      %get3A_506 = arith.index_cast %mul3A_504 : i32 to index
      %get3A_507 = tpu.vector_load %arg6[%get3A_505, %get3A_506] {strides = array<i32>} : memref<8x128xi32, #tpu.memory_space<vmem>>, vector<16xi32>,
      %mul3A_508 = arith.constant 16 : i32
      %mul3A_509 = arith.muli %scan3A_455, %mul3A_508 : i32
      %add3A_510 = arith.constant 0 : i32
      %add3A_511 = arith.addi %mul3A_509, %add3A_510 : i32
      %add3A_512 = arith.constant 0 : i32
      %add3A_513 = arith.addi %add3A_511, %add3A_512 : i32
      %dma_wait3A = arith.constant 0 : i32
      %dma_wait3A_514 = arith.constant 0 : i32
      %dma_wait3A_515 = arith.constant 0 : i32
      %dma_wait3A_516 = tpu.memref_slice %arg7[%dma_wait3A, %dma_wait3A_514, %dma_wait3A_515] : memref<8x64x128xf32, #tpu.memory_space<vmem>> -> memref<1x64x128xf32, #tpu.memory_space<vmem>>
      %dma_wait3A_517 = tpu.memref_squeeze %dma_wait3A_516 : memref<1x64x128xf32, #tpu.memory_space<vmem>> -> memref<64x128xf32, #tpu.memory_space<vmem>>
      %dma_wait3A_518 = arith.constant 0 : i32
      %dma_wait3A_519 = arith.constant 0 : i32
      %dma_wait3A_520 = tpu.memref_slice %arg3[%dma_wait3A_518, %dma_wait3A_519] : memref<64x1000000xf32, #tpu.memory_space<hbm>> -> memref<64x128xf32, #tpu.memory_space<hbm>>
      %dma_wait3A_521 = arith.constant 0 : i32
      %dma_wait3A_522 = arith.constant 0 : i32
      %dma_wait3A_523 = tpu.memref_slice %arg7[%dma_wait3A, %dma_wait3A_521, %dma_wait3A_522] : memref<8x64x128xf32, #tpu.memory_space<vmem>> -> memref<1x64x128xf32, #tpu.memory_space<vmem>>
      %dma_wait3A_524 = tpu.memref_squeeze %dma_wait3A_523 : memref<1x64x128xf32, #tpu.memory_space<vmem>> -> memref<64x128xf32, #tpu.memory_space<vmem>>
      %dma_wait3A_525 = arith.constant 0 : i32
      %dma_wait3A_526 = arith.constant 0 : i32
      %dma_wait3A_527 = tpu.memref_slice %arg3[%dma_wait3A_525, %dma_wait3A_526] : memref<64x1000000xf32, #tpu.memory_space<hbm>> -> memref<64x128xf32, #tpu.memory_space<hbm>>
      tpu.wait_dma2 semaphore(%arg10 : memref<!tpu.dma_semaphore, #tpu.memory_space<semaphore_mem>>) src(%dma_wait3A_527 : memref<64x128xf32, #tpu.memory_space<hbm>>) dst(%dma_wait3A_524 : memref<64x128xf32, #tpu.memory_space<vmem>>)
      %slice3A_528 = vector.extract_strided_slice %scan3A_460 {offsets = [0], sizes = [1], strides = [1]} : vector<16xi32> to vector<1xi32>
      %squeeze3A_529 = vector.extract %slice3A_528[0] : i32 from vector<1xi32>
      %jit3A_530 = arith.constant 128 : i32
      %div3A_531 = arith.divsi %squeeze3A_529, %jit3A_530 : i32
      %sign3A_532 = arith.constant 0 : i32
      %sign3A_533 = arith.cmpi sgt, %squeeze3A_529, %sign3A_532 : i32
      %sign3A_534 = arith.extui %sign3A_533 : i1 to i32
      %sign3A_535 = arith.constant 0 : i32
      %sign3A_536 = arith.cmpi slt, %squeeze3A_529, %sign3A_535 : i32
      %sign3A_537 = arith.extui %sign3A_536 : i1 to i32
      %sign3A_538 = arith.subi %sign3A_534, %sign3A_537 : i32
      %sign3A_539 = arith.constant 0 : i32
      %sign3A_540 = arith.cmpi sgt, %jit3A_530, %sign3A_539 : i32
      %sign3A_541 = arith.extui %sign3A_540 : i1 to i32
      %sign3A_542 = arith.constant 0 : i32
      %sign3A_543 = arith.cmpi slt, %jit3A_530, %sign3A_542 : i32
      %sign3A_544 = arith.extui %sign3A_543 : i1 to i32
      %sign3A_545 = arith.subi %sign3A_541, %sign3A_544 : i32
      %ne3A_546 = arith.cmpi ne, %sign3A_538, %sign3A_545 : i32
      %rem3A_547 = arith.remsi %squeeze3A_529, %jit3A_530 : i32
      %ne3A_548 = arith.constant 0 : i32
      %ne3A_549 = arith.cmpi ne, %rem3A_547, %ne3A_548 : i32
      %and3A_550 = arith.andi %ne3A_546, %ne3A_549 : i1
      %sub3A_551 = arith.constant 1 : i32
      %sub3A_552 = arith.subi %div3A_531, %sub3A_551 : i32
      %select_n3A_553 = arith.select %and3A_550, %sub3A_552, %div3A_531 : i32
      %min3A_554 = arith.constant 7810 : i32
      %min3A_555 = arith.minsi %select_n3A_553, %min3A_554 : i32
      %mul3A_556 = arith.constant 128 : i32
      %mul3A_557 = arith.muli %min3A_555, %mul3A_556 : i32
      %sub3A_558 = arith.subi %squeeze3A_529, %mul3A_557 : i32
      %min3A_559 = arith.constant 127 : i32
      %min3A_560 = arith.minsi %sub3A_558, %min3A_559 : i32
      %broadcast_in_dim3A_561 = vector.broadcast %min3A_560 : i32 to vector<16xi32>
      %sub3A_562 = arith.constant 999744 : i32
      %sub3A_563 = arith.subi %squeeze3A_529, %sub3A_562 : i32
      %jit3A_564 = arith.constant 0 : i32
      %jit3A_565 = arith.constant 255 : i32
      %max3A = arith.maxsi %jit3A_564, %sub3A_563 : i32
      %min3A_566 = arith.minsi %jit3A_565, %max3A : i32
      %broadcast_in_dim3A_567 = vector.broadcast %min3A_566 : i32 to vector<16xi32>
      %ge3A = arith.constant 999808 : i32
      %ge3A_568 = arith.cmpi sge, %squeeze3A_529, %ge3A : i32
      %convert_element_type3A = arith.extui %ge3A_568 : i1 to i32
      %convert_element_type3A_569 = arith.sitofp %convert_element_type3A : i32 to f32
      %iota3A = tpu.iota {dimensions = array<i32: 0>} : vector<16xi32>
      %add3A_570 = arith.constant 0 : i32
      %add3A_571 = vector.broadcast %add3A_570 : i32 to vector<16xi32>
      %add3A_572 = arith.addi %iota3A, %add3A_571 : vector<16xi32>
      %gather3A = arith.constant 0 : i32
      %gather3A_573 = arith.constant 0 : i32
      %gather3A_574 = arith.constant 0 : i32
      %gather3A_575 = tpu.memref_slice %arg7[%gather3A, %gather3A_573, %gather3A_574] : memref<8x64x128xf32, #tpu.memory_space<vmem>> -> memref<1x64x128xf32, #tpu.memory_space<vmem>>
      %gather3A_576 = tpu.memref_squeeze %gather3A_575 : memref<1x64x128xf32, #tpu.memory_space<vmem>> -> memref<64x128xf32, #tpu.memory_space<vmem>>
      %gather3A_577 = tpu.vector_load_idx %gather3A_576[%add3A_572, %broadcast_in_dim3A_561] : memref<64x128xf32, #tpu.memory_space<vmem>>[vector<16xi32>, vector<16xi32>], vector<16xf32>,
      %gather3A_578 = tpu.vector_load_idx %arg8[%add3A_572, %broadcast_in_dim3A_567] : memref<64x256xf32, #tpu.memory_space<vmem>>[vector<16xi32>, vector<16xi32>], vector<16xf32>,
      %sub3A_579 = arith.constant 1.000000e+00 : f32
      %sub3A_580 = arith.subf %sub3A_579, %convert_element_type3A_569 : f32
      %mul3A_581 = vector.broadcast %sub3A_580 : f32 to vector<16xf32>
      %mul3A_582 = arith.mulf %gather3A_577, %mul3A_581 : vector<16xf32>
      %add3A_583 = arith.addf %scan3A_456, %mul3A_582 : vector<16xf32>
      %mul3A_584 = vector.broadcast %convert_element_type3A_569 : f32 to vector<16xf32>
      %mul3A_585 = arith.mulf %gather3A_578, %mul3A_584 : vector<16xf32>
      %add3A_586 = arith.addf %add3A_583, %mul3A_585 : vector<16xf32>
      %iota3A_587 = tpu.iota {dimensions = array<i32: 0>} : vector<16xi32>
      %add3A_588 = arith.constant 16 : i32
      %add3A_589 = vector.broadcast %add3A_588 : i32 to vector<16xi32>
      %add3A_590 = arith.addi %iota3A_587, %add3A_589 : vector<16xi32>
      %gather3A_591 = arith.constant 0 : i32
      %gather3A_592 = arith.constant 0 : i32
      %gather3A_593 = arith.constant 0 : i32
      %gather3A_594 = tpu.memref_slice %arg7[%gather3A_591, %gather3A_592, %gather3A_593] : memref<8x64x128xf32, #tpu.memory_space<vmem>> -> memref<1x64x128xf32, #tpu.memory_space<vmem>>
      %gather3A_595 = tpu.memref_squeeze %gather3A_594 : memref<1x64x128xf32, #tpu.memory_space<vmem>> -> memref<64x128xf32, #tpu.memory_space<vmem>>
      %gather3A_596 = tpu.vector_load_idx %gather3A_595[%add3A_590, %broadcast_in_dim3A_561] : memref<64x128xf32, #tpu.memory_space<vmem>>[vector<16xi32>, vector<16xi32>], vector<16xf32>,
      %gather3A_597 = tpu.vector_load_idx %arg8[%add3A_590, %broadcast_in_dim3A_567] : memref<64x256xf32, #tpu.memory_space<vmem>>[vector<16xi32>, vector<16xi32>], vector<16xf32>,
      %sub3A_598 = arith.constant 1.000000e+00 : f32
      %sub3A_599 = arith.subf %sub3A_598, %convert_element_type3A_569 : f32
      %mul3A_600 = vector.broadcast %sub3A_599 : f32 to vector<16xf32>
      %mul3A_601 = arith.mulf %gather3A_596, %mul3A_600 : vector<16xf32>
      %add3A_602 = arith.addf %scan3A_457, %mul3A_601 : vector<16xf32>
      %mul3A_603 = vector.broadcast %convert_element_type3A_569 : f32 to vector<16xf32>
      %mul3A_604 = arith.mulf %gather3A_597, %mul3A_603 : vector<16xf32>
      %add3A_605 = arith.addf %add3A_602, %mul3A_604 : vector<16xf32>
      %iota3A_606 = tpu.iota {dimensions = array<i32: 0>} : vector<16xi32>
      %add3A_607 = arith.constant 32 : i32
      %add3A_608 = vector.broadcast %add3A_607 : i32 to vector<16xi32>
      %add3A_609 = arith.addi %iota3A_606, %add3A_608 : vector<16xi32>
      %gather3A_610 = arith.constant 0 : i32
      %gather3A_611 = arith.constant 0 : i32
      %gather3A_612 = arith.constant 0 : i32
      %gather3A_613 = tpu.memref_slice %arg7[%gather3A_610, %gather3A_611, %gather3A_612] : memref<8x64x128xf32, #tpu.memory_space<vmem>> -> memref<1x64x128xf32, #tpu.memory_space<vmem>>
      %gather3A_614 = tpu.memref_squeeze %gather3A_613 : memref<1x64x128xf32, #tpu.memory_space<vmem>> -> memref<64x128xf32, #tpu.memory_space<vmem>>
      %gather3A_615 = tpu.vector_load_idx %gather3A_614[%add3A_609, %broadcast_in_dim3A_561] : memref<64x128xf32, #tpu.memory_space<vmem>>[vector<16xi32>, vector<16xi32>], vector<16xf32>,
      %gather3A_616 = tpu.vector_load_idx %arg8[%add3A_609, %broadcast_in_dim3A_567] : memref<64x256xf32, #tpu.memory_space<vmem>>[vector<16xi32>, vector<16xi32>], vector<16xf32>,
      %sub3A_617 = arith.constant 1.000000e+00 : f32
      %sub3A_618 = arith.subf %sub3A_617, %convert_element_type3A_569 : f32
      %mul3A_619 = vector.broadcast %sub3A_618 : f32 to vector<16xf32>
      %mul3A_620 = arith.mulf %gather3A_615, %mul3A_619 : vector<16xf32>
      %add3A_621 = arith.addf %scan3A_458, %mul3A_620 : vector<16xf32>
      %mul3A_622 = vector.broadcast %convert_element_type3A_569 : f32 to vector<16xf32>
      %mul3A_623 = arith.mulf %gather3A_616, %mul3A_622 : vector<16xf32>
      %add3A_624 = arith.addf %add3A_621, %mul3A_623 : vector<16xf32>
      %iota3A_625 = tpu.iota {dimensions = array<i32: 0>} : vector<16xi32>
      %add3A_626 = arith.constant 48 : i32
      %add3A_627 = vector.broadcast %add3A_626 : i32 to vector<16xi32>
      %add3A_628 = arith.addi %iota3A_625, %add3A_627 : vector<16xi32>
      %gather3A_629 = arith.constant 0 : i32
      %gather3A_630 = arith.constant 0 : i32
      %gather3A_631 = arith.constant 0 : i32
      %gather3A_632 = tpu.memref_slice %arg7[%gather3A_629, %gather3A_630, %gather3A_631] : memref<8x64x128xf32, #tpu.memory_space<vmem>> -> memref<1x64x128xf32, #tpu.memory_space<vmem>>
      %gather3A_633 = tpu.memref_squeeze %gather3A_632 : memref<1x64x128xf32, #tpu.memory_space<vmem>> -> memref<64x128xf32, #tpu.memory_space<vmem>>
      %gather3A_634 = tpu.vector_load_idx %gather3A_633[%add3A_628, %broadcast_in_dim3A_561] : memref<64x128xf32, #tpu.memory_space<vmem>>[vector<16xi32>, vector<16xi32>], vector<16xf32>,
      %gather3A_635 = tpu.vector_load_idx %arg8[%add3A_628, %broadcast_in_dim3A_567] : memref<64x256xf32, #tpu.memory_space<vmem>>[vector<16xi32>, vector<16xi32>], vector<16xf32>,
      %sub3A_636 = arith.constant 1.000000e+00 : f32
      %sub3A_637 = arith.subf %sub3A_636, %convert_element_type3A_569 : f32
      %mul3A_638 = vector.broadcast %sub3A_637 : f32 to vector<16xf32>
      %mul3A_639 = arith.mulf %gather3A_634, %mul3A_638 : vector<16xf32>
      %add3A_640 = arith.addf %scan3A_459, %mul3A_639 : vector<16xf32>
      %mul3A_641 = vector.broadcast %convert_element_type3A_569 : f32 to vector<16xf32>
      %mul3A_642 = arith.mulf %gather3A_635, %mul3A_641 : vector<16xf32>
      %add3A_643 = arith.addf %add3A_640, %mul3A_642 : vector<16xf32>
      %slice3A_644 = vector.extract_strided_slice %scan3A_460 {offsets = [8], sizes = [1], strides = [1]} : vector<16xi32> to vector<1xi32>
      %squeeze3A_645 = vector.extract %slice3A_644[0] : i32 from vector<1xi32>
      %jit3A_646 = arith.constant 128 : i32
      %div3A_647 = arith.divsi %squeeze3A_645, %jit3A_646 : i32
      %sign3A_648 = arith.constant 0 : i32
      %sign3A_649 = arith.cmpi sgt, %squeeze3A_645, %sign3A_648 : i32
      %sign3A_650 = arith.extui %sign3A_649 : i1 to i32
      %sign3A_651 = arith.constant 0 : i32
      %sign3A_652 = arith.cmpi slt, %squeeze3A_645, %sign3A_651 : i32
      %sign3A_653 = arith.extui %sign3A_652 : i1 to i32
      %sign3A_654 = arith.subi %sign3A_650, %sign3A_653 : i32
      %sign3A_655 = arith.constant 0 : i32
      %sign3A_656 = arith.cmpi sgt, %jit3A_646, %sign3A_655 : i32
      %sign3A_657 = arith.extui %sign3A_656 : i1 to i32
      %sign3A_658 = arith.constant 0 : i32
      %sign3A_659 = arith.cmpi slt, %jit3A_646, %sign3A_658 : i32
      %sign3A_660 = arith.extui %sign3A_659 : i1 to i32
      %sign3A_661 = arith.subi %sign3A_657, %sign3A_660 : i32
      %ne3A_662 = arith.cmpi ne, %sign3A_654, %sign3A_661 : i32
      %rem3A_663 = arith.remsi %squeeze3A_645, %jit3A_646 : i32
      %ne3A_664 = arith.constant 0 : i32
      %ne3A_665 = arith.cmpi ne, %rem3A_663, %ne3A_664 : i32
      %and3A_666 = arith.andi %ne3A_662, %ne3A_665 : i1
      %sub3A_667 = arith.constant 1 : i32
      %sub3A_668 = arith.subi %div3A_647, %sub3A_667 : i32
      %select_n3A_669 = arith.select %and3A_666, %sub3A_668, %div3A_647 : i32
      %min3A_670 = arith.constant 7810 : i32
      %min3A_671 = arith.minsi %select_n3A_669, %min3A_670 : i32
      %mul3A_672 = arith.constant 128 : i32
      %mul3A_673 = arith.muli %min3A_671, %mul3A_672 : i32
      %multiple_of3A_674 = tpu.assume_multiple %mul3A_673, 128 : i32
      %dma_start3A_675 = arith.constant 0 : i32
      %dma_start3A_676 = arith.constant 0 : i32
      %dma_start3A_677 = arith.constant 0 : i32
      %dma_start3A_678 = tpu.memref_slice %arg7[%dma_start3A_675, %dma_start3A_676, %dma_start3A_677] : memref<8x64x128xf32, #tpu.memory_space<vmem>> -> memref<1x32x128xf32, #tpu.memory_space<vmem>>
      %dma_start3A_679 = tpu.memref_squeeze %dma_start3A_678 : memref<1x32x128xf32, #tpu.memory_space<vmem>> -> memref<32x128xf32, #tpu.memory_space<vmem>>
      %dma_start3A_680 = arith.constant 0 : i32
      %dma_start3A_681 = tpu.memref_slice %arg3[%dma_start3A_680, %multiple_of3A_674] : memref<64x1000000xf32, #tpu.memory_space<hbm>> -> memref<32x128xf32, #tpu.memory_space<hbm>>
      %dma_start3A_682 = arith.constant 0 : i32
      %dma_start3A_683 = arith.constant 0 : i32
      %dma_start3A_684 = tpu.memref_slice %arg7[%dma_start3A_675, %dma_start3A_682, %dma_start3A_683] : memref<8x64x128xf32, #tpu.memory_space<vmem>> -> memref<1x32x128xf32, #tpu.memory_space<vmem>>
      %dma_start3A_685 = tpu.memref_squeeze %dma_start3A_684 : memref<1x32x128xf32, #tpu.memory_space<vmem>> -> memref<32x128xf32, #tpu.memory_space<vmem>>
      %dma_start3A_686 = arith.constant 0 : i32
      %dma_start3A_687 = tpu.memref_slice %arg3[%dma_start3A_686, %multiple_of3A_674] : memref<64x1000000xf32, #tpu.memory_space<hbm>> -> memref<32x128xf32, #tpu.memory_space<hbm>>
      tpu.enqueue_dma source(%dma_start3A_687 : memref<32x128xf32, #tpu.memory_space<hbm>>) target(%dma_start3A_685 : memref<32x128xf32, #tpu.memory_space<vmem>>) target_semaphore(%arg10 : memref<!tpu.dma_semaphore, #tpu.memory_space<semaphore_mem>>)
      %dma_start3A_688 = arith.constant 0 : i32
      %dma_start3A_689 = arith.constant 32 : i32
      %dma_start3A_690 = arith.constant 0 : i32
      %dma_start3A_691 = tpu.memref_slice %arg7[%dma_start3A_688, %dma_start3A_689, %dma_start3A_690] : memref<8x64x128xf32, #tpu.memory_space<vmem>> -> memref<1x32x128xf32, #tpu.memory_space<vmem>>
      %dma_start3A_692 = tpu.memref_squeeze %dma_start3A_691 : memref<1x32x128xf32, #tpu.memory_space<vmem>> -> memref<32x128xf32, #tpu.memory_space<vmem>>
      %dma_start3A_693 = arith.constant 32 : i32
      %dma_start3A_694 = tpu.memref_slice %arg3[%dma_start3A_693, %multiple_of3A_674] : memref<64x1000000xf32, #tpu.memory_space<hbm>> -> memref<32x128xf32, #tpu.memory_space<hbm>>
      %dma_start3A_695 = arith.constant 32 : i32
      %dma_start3A_696 = arith.constant 0 : i32
      %dma_start3A_697 = tpu.memref_slice %arg7[%dma_start3A_688, %dma_start3A_695, %dma_start3A_696] : memref<8x64x128xf32, #tpu.memory_space<vmem>> -> memref<1x32x128xf32, #tpu.memory_space<vmem>>
      %dma_start3A_698 = tpu.memref_squeeze %dma_start3A_697 : memref<1x32x128xf32, #tpu.memory_space<vmem>> -> memref<32x128xf32, #tpu.memory_space<vmem>>
      %dma_start3A_699 = arith.constant 32 : i32
      %dma_start3A_700 = tpu.memref_slice %arg3[%dma_start3A_699, %multiple_of3A_674] : memref<64x1000000xf32, #tpu.memory_space<hbm>> -> memref<32x128xf32, #tpu.memory_space<hbm>>
      tpu.enqueue_dma source(%dma_start3A_700 : memref<32x128xf32, #tpu.memory_space<hbm>>) target(%dma_start3A_698 : memref<32x128xf32, #tpu.memory_space<vmem>>) target_semaphore(%arg10 : memref<!tpu.dma_semaphore, #tpu.memory_space<semaphore_mem>>)
      %jit3A_701 = arith.constant 20 : i32
      %div3A_702 = arith.divsi %add3A_513, %jit3A_701 : i32
      %sign3A_703 = arith.constant 0 : i32
      %sign3A_704 = arith.cmpi sgt, %add3A_513, %sign3A_703 : i32
      %sign3A_705 = arith.extui %sign3A_704 : i1 to i32
      %sign3A_706 = arith.constant 0 : i32
      %sign3A_707 = arith.cmpi slt, %add3A_513, %sign3A_706 : i32
      %sign3A_708 = arith.extui %sign3A_707 : i1 to i32
      %sign3A_709 = arith.subi %sign3A_705, %sign3A_708 : i32
      %sign3A_710 = arith.constant 0 : i32
      %sign3A_711 = arith.cmpi sgt, %jit3A_701, %sign3A_710 : i32
      %sign3A_712 = arith.extui %sign3A_711 : i1 to i32
      %sign3A_713 = arith.constant 0 : i32
      %sign3A_714 = arith.cmpi slt, %jit3A_701, %sign3A_713 : i32
      %sign3A_715 = arith.extui %sign3A_714 : i1 to i32
      %sign3A_716 = arith.subi %sign3A_712, %sign3A_715 : i32
      %ne3A_717 = arith.cmpi ne, %sign3A_709, %sign3A_716 : i32
      %rem3A_718 = arith.remsi %add3A_513, %jit3A_701 : i32
      %ne3A_719 = arith.constant 0 : i32
      %ne3A_720 = arith.cmpi ne, %rem3A_718, %ne3A_719 : i32
      %and3A_721 = arith.andi %ne3A_717, %ne3A_720 : i1
      %sub3A_722 = arith.constant 1 : i32
      %sub3A_723 = arith.subi %div3A_702, %sub3A_722 : i32
      %select_n3A_724 = arith.select %and3A_721, %sub3A_723, %div3A_702 : i32
      %mul3A_725 = arith.constant 5.000000e-02 : f32
      %mul3A_726 = vector.broadcast %mul3A_725 : f32 to vector<16xf32>
      %mul3A_727 = arith.mulf %add3A_586, %mul3A_726 : vector<16xf32>
      %swap3A = arith.index_cast %select_n3A_724 : i32 to index
      %swap3A_728 = arith.constant 0 : index
      %swap3A_729 = tpu.vector_load %arg9[%swap3A, %swap3A_728] {strides = array<i32>} : memref<32x128xf32, #tpu.memory_space<vmem>>, vector<16xf32>,
      tpu.vector_store %arg9[%swap3A, %swap3A_728], %mul3A_727 {strides = array<i32>} : memref<32x128xf32, #tpu.memory_space<vmem>>, vector<16xf32>,
      %mul3A_730 = arith.constant 5.000000e-02 : f32
      %mul3A_731 = vector.broadcast %mul3A_730 : f32 to vector<16xf32>
      %mul3A_732 = arith.mulf %add3A_605, %mul3A_731 : vector<16xf32>
      %swap3A_733 = arith.index_cast %select_n3A_724 : i32 to index
      %swap3A_734 = arith.constant 16 : index
      %swap3A_735 = tpu.vector_load %arg9[%swap3A_733, %swap3A_734] {strides = array<i32>} : memref<32x128xf32, #tpu.memory_space<vmem>>, vector<16xf32>,
      tpu.vector_store %arg9[%swap3A_733, %swap3A_734], %mul3A_732 {strides = array<i32>} : memref<32x128xf32, #tpu.memory_space<vmem>>, vector<16xf32>,
      %mul3A_736 = arith.constant 5.000000e-02 : f32
      %mul3A_737 = vector.broadcast %mul3A_736 : f32 to vector<16xf32>
      %mul3A_738 = arith.mulf %add3A_624, %mul3A_737 : vector<16xf32>
      %swap3A_739 = arith.index_cast %select_n3A_724 : i32 to index
      %swap3A_740 = arith.constant 32 : index
      %swap3A_741 = tpu.vector_load %arg9[%swap3A_739, %swap3A_740] {strides = array<i32>} : memref<32x128xf32, #tpu.memory_space<vmem>>, vector<16xf32>,
      tpu.vector_store %arg9[%swap3A_739, %swap3A_740], %mul3A_738 {strides = array<i32>} : memref<32x128xf32, #tpu.memory_space<vmem>>, vector<16xf32>,
      %mul3A_742 = arith.constant 5.000000e-02 : f32
      %mul3A_743 = vector.broadcast %mul3A_742 : f32 to vector<16xf32>
      %mul3A_744 = arith.mulf %add3A_643, %mul3A_743 : vector<16xf32>
      %swap3A_745 = arith.index_cast %select_n3A_724 : i32 to index
      %swap3A_746 = arith.constant 48 : index
      %swap3A_747 = tpu.vector_load %arg9[%swap3A_745, %swap3A_746] {strides = array<i32>} : memref<32x128xf32, #tpu.memory_space<vmem>>, vector<16xf32>,
      tpu.vector_store %arg9[%swap3A_745, %swap3A_746], %mul3A_744 {strides = array<i32>} : memref<32x128xf32, #tpu.memory_space<vmem>>, vector<16xf32>,
      %jit3A_748 = arith.constant 20 : i32
      %eq3A_749 = arith.constant 0 : i32
      %eq3A_750 = arith.cmpi eq, %jit3A_748, %eq3A_749 : i32
      %jit3A_751 = arith.constant 1 : i32
      %select_n3A_752 = arith.select %eq3A_750, %jit3A_751, %jit3A_748 : i32
      %rem3A_753 = arith.remsi %add3A_513, %select_n3A_752 : i32
      %ne3A_754 = arith.constant 0 : i32
      %ne3A_755 = arith.cmpi ne, %rem3A_753, %ne3A_754 : i32
      %lt3A_756 = arith.constant 0 : i32
      %lt3A_757 = arith.cmpi slt, %rem3A_753, %lt3A_756 : i32
      %lt3A_758 = arith.constant 0 : i32
      %lt3A_759 = arith.cmpi slt, %select_n3A_752, %lt3A_758 : i32
      %ne3A_760 = arith.xori %lt3A_757, %lt3A_759 : i1
      %and3A_761 = arith.andi %ne3A_760, %ne3A_755 : i1
      %add3A_762 = arith.addi %rem3A_753, %select_n3A_752 : i32
      %select_n3A_763 = arith.select %and3A_761, %add3A_762, %rem3A_753 : i32
      %eq3A_764 = arith.constant 19 : i32
      %eq3A_765 = arith.cmpi eq, %select_n3A_763, %eq3A_764 : i32
      %convert_element_type3A_766 = arith.extui %eq3A_765 : i1 to i32
      %convert_element_type3A_767 = arith.sitofp %convert_element_type3A_766 : i32 to f32
      %sub3A_768 = arith.constant 1.000000e+00 : f32
      %sub3A_769 = arith.subf %sub3A_768, %convert_element_type3A_767 : f32
      %mul3A_770 = vector.broadcast %sub3A_769 : f32 to vector<16xf32>
      %mul3A_771 = arith.mulf %add3A_586, %mul3A_770 : vector<16xf32>
      %mul3A_772 = vector.broadcast %sub3A_769 : f32 to vector<16xf32>
      %mul3A_773 = arith.mulf %add3A_605, %mul3A_772 : vector<16xf32>
      %mul3A_774 = vector.broadcast %sub3A_769 : f32 to vector<16xf32>
      %mul3A_775 = arith.mulf %add3A_624, %mul3A_774 : vector<16xf32>
      %mul3A_776 = vector.broadcast %sub3A_769 : f32 to vector<16xf32>
      %mul3A_777 = arith.mulf %add3A_643, %mul3A_776 : vector<16xf32>
      %mul3A_778 = arith.constant 16 : i32
      %mul3A_779 = arith.muli %scan3A_455, %mul3A_778 : i32
      %add3A_780 = arith.constant 0 : i32
      %add3A_781 = arith.addi %mul3A_779, %add3A_780 : i32
      %add3A_782 = arith.constant 1 : i32
      %add3A_783 = arith.addi %add3A_781, %add3A_782 : i32
      %dma_wait3A_784 = arith.constant 1 : i32
      %dma_wait3A_785 = arith.constant 0 : i32
      %dma_wait3A_786 = arith.constant 0 : i32
      %dma_wait3A_787 = tpu.memref_slice %arg7[%dma_wait3A_784, %dma_wait3A_785, %dma_wait3A_786] : memref<8x64x128xf32, #tpu.memory_space<vmem>> -> memref<1x64x128xf32, #tpu.memory_space<vmem>>
      %dma_wait3A_788 = tpu.memref_squeeze %dma_wait3A_787 : memref<1x64x128xf32, #tpu.memory_space<vmem>> -> memref<64x128xf32, #tpu.memory_space<vmem>>
      %dma_wait3A_789 = arith.constant 0 : i32
      %dma_wait3A_790 = arith.constant 0 : i32
      %dma_wait3A_791 = tpu.memref_slice %arg3[%dma_wait3A_789, %dma_wait3A_790] : memref<64x1000000xf32, #tpu.memory_space<hbm>> -> memref<64x128xf32, #tpu.memory_space<hbm>>
      %dma_wait3A_792 = arith.constant 0 : i32
      %dma_wait3A_793 = arith.constant 0 : i32
      %dma_wait3A_794 = tpu.memref_slice %arg7[%dma_wait3A_784, %dma_wait3A_792, %dma_wait3A_793] : memref<8x64x128xf32, #tpu.memory_space<vmem>> -> memref<1x64x128xf32, #tpu.memory_space<vmem>>
      %dma_wait3A_795 = tpu.memref_squeeze %dma_wait3A_794 : memref<1x64x128xf32, #tpu.memory_space<vmem>> -> memref<64x128xf32, #tpu.memory_space<vmem>>
      %dma_wait3A_796 = arith.constant 0 : i32
      %dma_wait3A_797 = arith.constant 0 : i32
      %dma_wait3A_798 = tpu.memref_slice %arg3[%dma_wait3A_796, %dma_wait3A_797] : memref<64x1000000xf32, #tpu.memory_space<hbm>> -> memref<64x128xf32, #tpu.memory_space<hbm>>
      tpu.wait_dma2 semaphore(%arg11 : memref<!tpu.dma_semaphore, #tpu.memory_space<semaphore_mem>>) src(%dma_wait3A_798 : memref<64x128xf32, #tpu.memory_space<hbm>>) dst(%dma_wait3A_795 : memref<64x128xf32, #tpu.memory_space<vmem>>)
      %slice3A_799 = vector.extract_strided_slice %scan3A_460 {offsets = [1], sizes = [1], strides = [1]} : vector<16xi32> to vector<1xi32>
      %squeeze3A_800 = vector.extract %slice3A_799[0] : i32 from vector<1xi32>
      %jit3A_801 = arith.constant 128 : i32
      %div3A_802 = arith.divsi %squeeze3A_800, %jit3A_801 : i32
      %sign3A_803 = arith.constant 0 : i32
      %sign3A_804 = arith.cmpi sgt, %squeeze3A_800, %sign3A_803 : i32
      %sign3A_805 = arith.extui %sign3A_804 : i1 to i32
      %sign3A_806 = arith.constant 0 : i32
      %sign3A_807 = arith.cmpi slt, %squeeze3A_800, %sign3A_806 : i32
      %sign3A_808 = arith.extui %sign3A_807 : i1 to i32
      %sign3A_809 = arith.subi %sign3A_805, %sign3A_808 : i32
      %sign3A_810 = arith.constant 0 : i32
      %sign3A_811 = arith.cmpi sgt, %jit3A_801, %sign3A_810 : i32
      %sign3A_812 = arith.extui %sign3A_811 : i1 to i32
      %sign3A_813 = arith.constant 0 : i32
      %sign3A_814 = arith.cmpi slt, %jit3A_801, %sign3A_813 : i32
      %sign3A_815 = arith.extui %sign3A_814 : i1 to i32
      %sign3A_816 = arith.subi %sign3A_812, %sign3A_815 : i32
      %ne3A_817 = arith.cmpi ne, %sign3A_809, %sign3A_816 : i32
      %rem3A_818 = arith.remsi %squeeze3A_800, %jit3A_801 : i32
      %ne3A_819 = arith.constant 0 : i32
      %ne3A_820 = arith.cmpi ne, %rem3A_818, %ne3A_819 : i32
      %and3A_821 = arith.andi %ne3A_817, %ne3A_820 : i1
      %sub3A_822 = arith.constant 1 : i32
      %sub3A_823 = arith.subi %div3A_802, %sub3A_822 : i32
      %select_n3A_824 = arith.select %and3A_821, %sub3A_823, %div3A_802 : i32
      %min3A_825 = arith.constant 7810 : i32
      %min3A_826 = arith.minsi %select_n3A_824, %min3A_825 : i32
      %mul3A_827 = arith.constant 128 : i32
      %mul3A_828 = arith.muli %min3A_826, %mul3A_827 : i32
      %sub3A_829 = arith.subi %squeeze3A_800, %mul3A_828 : i32
      %min3A_830 = arith.constant 127 : i32
      %min3A_831 = arith.minsi %sub3A_829, %min3A_830 : i32
      %broadcast_in_dim3A_832 = vector.broadcast %min3A_831 : i32 to vector<16xi32>
      %sub3A_833 = arith.constant 999744 : i32
      %sub3A_834 = arith.subi %squeeze3A_800, %sub3A_833 : i32
      %jit3A_835 = arith.constant 0 : i32
      %jit3A_836 = arith.constant 255 : i32
      %max3A_837 = arith.maxsi %jit3A_835, %sub3A_834 : i32
      %min3A_838 = arith.minsi %jit3A_836, %max3A_837 : i32
      %broadcast_in_dim3A_839 = vector.broadcast %min3A_838 : i32 to vector<16xi32>
      %ge3A_840 = arith.constant 999808 : i32
      %ge3A_841 = arith.cmpi sge, %squeeze3A_800, %ge3A_840 : i32
      %convert_element_type3A_842 = arith.extui %ge3A_841 : i1 to i32
      %convert_element_type3A_843 = arith.sitofp %convert_element_type3A_842 : i32 to f32
      %iota3A_844 = tpu.iota {dimensions = array<i32: 0>} : vector<16xi32>
      %add3A_845 = arith.constant 0 : i32
      %add3A_846 = vector.broadcast %add3A_845 : i32 to vector<16xi32>
      %add3A_847 = arith.addi %iota3A_844, %add3A_846 : vector<16xi32>
      %gather3A_848 = arith.constant 1 : i32
      %gather3A_849 = arith.constant 0 : i32
      %gather3A_850 = arith.constant 0 : i32
      %gather3A_851 = tpu.memref_slice %arg7[%gather3A_848, %gather3A_849, %gather3A_850] : memref<8x64x128xf32, #tpu.memory_space<vmem>> -> memref<1x64x128xf32, #tpu.memory_space<vmem>>
      %gather3A_852 = tpu.memref_squeeze %gather3A_851 : memref<1x64x128xf32, #tpu.memory_space<vmem>> -> memref<64x128xf32, #tpu.memory_space<vmem>>
      %gather3A_853 = tpu.vector_load_idx %gather3A_852[%add3A_847, %broadcast_in_dim3A_832] : memref<64x128xf32, #tpu.memory_space<vmem>>[vector<16xi32>, vector<16xi32>], vector<16xf32>,
      %gather3A_854 = tpu.vector_load_idx %arg8[%add3A_847, %broadcast_in_dim3A_839] : memref<64x256xf32, #tpu.memory_space<vmem>>[vector<16xi32>, vector<16xi32>], vector<16xf32>,
      %sub3A_855 = arith.constant 1.000000e+00 : f32
      %sub3A_856 = arith.subf %sub3A_855, %convert_element_type3A_843 : f32
      %mul3A_857 = vector.broadcast %sub3A_856 : f32 to vector<16xf32>
      %mul3A_858 = arith.mulf %gather3A_853, %mul3A_857 : vector<16xf32>
      %add3A_859 = arith.addf %mul3A_771, %mul3A_858 : vector<16xf32>
      %mul3A_860 = vector.broadcast %convert_element_type3A_843 : f32 to vector<16xf32>
      %mul3A_861 = arith.mulf %gather3A_854, %mul3A_860 : vector<16xf32>
      %add3A_862 = arith.addf %add3A_859, %mul3A_861 : vector<16xf32>
      %iota3A_863 = tpu.iota {dimensions = array<i32: 0>} : vector<16xi32>
      %add3A_864 = arith.constant 16 : i32
      %add3A_865 = vector.broadcast %add3A_864 : i32 to vector<16xi32>
      %add3A_866 = arith.addi %iota3A_863, %add3A_865 : vector<16xi32>
      %gather3A_867 = arith.constant 1 : i32
      %gather3A_868 = arith.constant 0 : i32
      %gather3A_869 = arith.constant 0 : i32
      %gather3A_870 = tpu.memref_slice %arg7[%gather3A_867, %gather3A_868, %gather3A_869] : memref<8x64x128xf32, #tpu.memory_space<vmem>> -> memref<1x64x128xf32, #tpu.memory_space<vmem>>
      %gather3A_871 = tpu.memref_squeeze %gather3A_870 : memref<1x64x128xf32, #tpu.memory_space<vmem>> -> memref<64x128xf32, #tpu.memory_space<vmem>>
      %gather3A_872 = tpu.vector_load_idx %gather3A_871[%add3A_866, %broadcast_in_dim3A_832] : memref<64x128xf32, #tpu.memory_space<vmem>>[vector<16xi32>, vector<16xi32>], vector<16xf32>,
      %gather3A_873 = tpu.vector_load_idx %arg8[%add3A_866, %broadcast_in_dim3A_839] : memref<64x256xf32, #tpu.memory_space<vmem>>[vector<16xi32>, vector<16xi32>], vector<16xf32>,
      %sub3A_874 = arith.constant 1.000000e+00 : f32
      %sub3A_875 = arith.subf %sub3A_874, %convert_element_type3A_843 : f32
      %mul3A_876 = vector.broadcast %sub3A_875 : f32 to vector<16xf32>
      %mul3A_877 = arith.mulf %gather3A_872, %mul3A_876 : vector<16xf32>
      %add3A_878 = arith.addf %mul3A_773, %mul3A_877 : vector<16xf32>
      %mul3A_879 = vector.broadcast %convert_element_type3A_843 : f32 to vector<16xf32>
      %mul3A_880 = arith.mulf %gather3A_873, %mul3A_879 : vector<16xf32>
      %add3A_881 = arith.addf %add3A_878, %mul3A_880 : vector<16xf32>
      %iota3A_882 = tpu.iota {dimensions = array<i32: 0>} : vector<16xi32>
      %add3A_883 = arith.constant 32 : i32
      %add3A_884 = vector.broadcast %add3A_883 : i32 to vector<16xi32>
      %add3A_885 = arith.addi %iota3A_882, %add3A_884 : vector<16xi32>
      %gather3A_886 = arith.constant 1 : i32
      %gather3A_887 = arith.constant 0 : i32
      %gather3A_888 = arith.constant 0 : i32
      %gather3A_889 = tpu.memref_slice %arg7[%gather3A_886, %gather3A_887, %gather3A_888] : memref<8x64x128xf32, #tpu.memory_space<vmem>> -> memref<1x64x128xf32, #tpu.memory_space<vmem>>
      %gather3A_890 = tpu.memref_squeeze %gather3A_889 : memref<1x64x128xf32, #tpu.memory_space<vmem>> -> memref<64x128xf32, #tpu.memory_space<vmem>>
      %gather3A_891 = tpu.vector_load_idx %gather3A_890[%add3A_885, %broadcast_in_dim3A_832] : memref<64x128xf32, #tpu.memory_space<vmem>>[vector<16xi32>, vector<16xi32>], vector<16xf32>,
      %gather3A_892 = tpu.vector_load_idx %arg8[%add3A_885, %broadcast_in_dim3A_839] : memref<64x256xf32, #tpu.memory_space<vmem>>[vector<16xi32>, vector<16xi32>], vector<16xf32>,
      %sub3A_893 = arith.constant 1.000000e+00 : f32
      %sub3A_894 = arith.subf %sub3A_893, %convert_element_type3A_843 : f32
      %mul3A_895 = vector.broadcast %sub3A_894 : f32 to vector<16xf32>
      %mul3A_896 = arith.mulf %gather3A_891, %mul3A_895 : vector<16xf32>
      %add3A_897 = arith.addf %mul3A_775, %mul3A_896 : vector<16xf32>
      %mul3A_898 = vector.broadcast %convert_element_type3A_843 : f32 to vector<16xf32>
      %mul3A_899 = arith.mulf %gather3A_892, %mul3A_898 : vector<16xf32>
      %add3A_900 = arith.addf %add3A_897, %mul3A_899 : vector<16xf32>
      %iota3A_901 = tpu.iota {dimensions = array<i32: 0>} : vector<16xi32>
      %add3A_902 = arith.constant 48 : i32
      %add3A_903 = vector.broadcast %add3A_902 : i32 to vector<16xi32>
      %add3A_904 = arith.addi %iota3A_901, %add3A_903 : vector<16xi32>
      %gather3A_905 = arith.constant 1 : i32
      %gather3A_906 = arith.constant 0 : i32
      %gather3A_907 = arith.constant 0 : i32
      %gather3A_908 = tpu.memref_slice %arg7[%gather3A_905, %gather3A_906, %gather3A_907] : memref<8x64x128xf32, #tpu.memory_space<vmem>> -> memref<1x64x128xf32, #tpu.memory_space<vmem>>
      %gather3A_909 = tpu.memref_squeeze %gather3A_908 : memref<1x64x128xf32, #tpu.memory_space<vmem>> -> memref<64x128xf32, #tpu.memory_space<vmem>>
      %gather3A_910 = tpu.vector_load_idx %gather3A_909[%add3A_904, %broadcast_in_dim3A_832] : memref<64x128xf32, #tpu.memory_space<vmem>>[vector<16xi32>, vector<16xi32>], vector<16xf32>,
      %gather3A_911 = tpu.vector_load_idx %arg8[%add3A_904, %broadcast_in_dim3A_839] : memref<64x256xf32, #tpu.memory_space<vmem>>[vector<16xi32>, vector<16xi32>], vector<16xf32>,
      %sub3A_912 = arith.constant 1.000000e+00 : f32
      %sub3A_913 = arith.subf %sub3A_912, %convert_element_type3A_843 : f32
      %mul3A_914 = vector.broadcast %sub3A_913 : f32 to vector<16xf32>
      %mul3A_915 = arith.mulf %gather3A_910, %mul3A_914 : vector<16xf32>
      %add3A_916 = arith.addf %mul3A_777, %mul3A_915 : vector<16xf32>
      %mul3A_917 = vector.broadcast %convert_element_type3A_843 : f32 to vector<16xf32>
      %mul3A_918 = arith.mulf %gather3A_911, %mul3A_917 : vector<16xf32>
      %add3A_919 = arith.addf %add3A_916, %mul3A_918 : vector<16xf32>
      %slice3A_920 = vector.extract_strided_slice %scan3A_460 {offsets = [9], sizes = [1], strides = [1]} : vector<16xi32> to vector<1xi32>
      %squeeze3A_921 = vector.extract %slice3A_920[0] : i32 from vector<1xi32>
      %jit3A_922 = arith.constant 128 : i32
      %div3A_923 = arith.divsi %squeeze3A_921, %jit3A_922 : i32
      %sign3A_924 = arith.constant 0 : i32
      %sign3A_925 = arith.cmpi sgt, %squeeze3A_921, %sign3A_924 : i32
      %sign3A_926 = arith.extui %sign3A_925 : i1 to i32
      %sign3A_927 = arith.constant 0 : i32
      %sign3A_928 = arith.cmpi slt, %squeeze3A_921, %sign3A_927 : i32
      %sign3A_929 = arith.extui %sign3A_928 : i1 to i32
      %sign3A_930 = arith.subi %sign3A_926, %sign3A_929 : i32
      %sign3A_931 = arith.constant 0 : i32
      %sign3A_932 = arith.cmpi sgt, %jit3A_922, %sign3A_931 : i32
      %sign3A_933 = arith.extui %sign3A_932 : i1 to i32
      %sign3A_934 = arith.constant 0 : i32
      %sign3A_935 = arith.cmpi slt, %jit3A_922, %sign3A_934 : i32
      %sign3A_936 = arith.extui %sign3A_935 : i1 to i32
      %sign3A_937 = arith.subi %sign3A_933, %sign3A_936 : i32
      %ne3A_938 = arith.cmpi ne, %sign3A_930, %sign3A_937 : i32
      %rem3A_939 = arith.remsi %squeeze3A_921, %jit3A_922 : i32
      %ne3A_940 = arith.constant 0 : i32
      %ne3A_941 = arith.cmpi ne, %rem3A_939, %ne3A_940 : i32
      %and3A_942 = arith.andi %ne3A_938, %ne3A_941 : i1
      %sub3A_943 = arith.constant 1 : i32
      %sub3A_944 = arith.subi %div3A_923, %sub3A_943 : i32
      %select_n3A_945 = arith.select %and3A_942, %sub3A_944, %div3A_923 : i32
      %min3A_946 = arith.constant 7810 : i32
      %min3A_947 = arith.minsi %select_n3A_945, %min3A_946 : i32
      %mul3A_948 = arith.constant 128 : i32
      %mul3A_949 = arith.muli %min3A_947, %mul3A_948 : i32
      %multiple_of3A_950 = tpu.assume_multiple %mul3A_949, 128 : i32
      %dma_start3A_951 = arith.constant 1 : i32
      %dma_start3A_952 = arith.constant 0 : i32
      %dma_start3A_953 = arith.constant 0 : i32
      %dma_start3A_954 = tpu.memref_slice %arg7[%dma_start3A_951, %dma_start3A_952, %dma_start3A_953] : memref<8x64x128xf32, #tpu.memory_space<vmem>> -> memref<1x32x128xf32, #tpu.memory_space<vmem>>
      %dma_start3A_955 = tpu.memref_squeeze %dma_start3A_954 : memref<1x32x128xf32, #tpu.memory_space<vmem>> -> memref<32x128xf32, #tpu.memory_space<vmem>>
      %dma_start3A_956 = arith.constant 0 : i32
      %dma_start3A_957 = tpu.memref_slice %arg3[%dma_start3A_956, %multiple_of3A_950] : memref<64x1000000xf32, #tpu.memory_space<hbm>> -> memref<32x128xf32, #tpu.memory_space<hbm>>
      %dma_start3A_958 = arith.constant 0 : i32
      %dma_start3A_959 = arith.constant 0 : i32
      %dma_start3A_960 = tpu.memref_slice %arg7[%dma_start3A_951, %dma_start3A_958, %dma_start3A_959] : memref<8x64x128xf32, #tpu.memory_space<vmem>> -> memref<1x32x128xf32, #tpu.memory_space<vmem>>
      %dma_start3A_961 = tpu.memref_squeeze %dma_start3A_960 : memref<1x32x128xf32, #tpu.memory_space<vmem>> -> memref<32x128xf32, #tpu.memory_space<vmem>>
      %dma_start3A_962 = arith.constant 0 : i32
      %dma_start3A_963 = tpu.memref_slice %arg3[%dma_start3A_962, %multiple_of3A_950] : memref<64x1000000xf32, #tpu.memory_space<hbm>> -> memref<32x128xf32, #tpu.memory_space<hbm>>
      tpu.enqueue_dma source(%dma_start3A_963 : memref<32x128xf32, #tpu.memory_space<hbm>>) target(%dma_start3A_961 : memref<32x128xf32, #tpu.memory_space<vmem>>) target_semaphore(%arg11 : memref<!tpu.dma_semaphore, #tpu.memory_space<semaphore_mem>>)
      %dma_start3A_964 = arith.constant 1 : i32
      %dma_start3A_965 = arith.constant 32 : i32
      %dma_start3A_966 = arith.constant 0 : i32
      %dma_start3A_967 = tpu.memref_slice %arg7[%dma_start3A_964, %dma_start3A_965, %dma_start3A_966] : memref<8x64x128xf32, #tpu.memory_space<vmem>> -> memref<1x32x128xf32, #tpu.memory_space<vmem>>
      %dma_start3A_968 = tpu.memref_squeeze %dma_start3A_967 : memref<1x32x128xf32, #tpu.memory_space<vmem>> -> memref<32x128xf32, #tpu.memory_space<vmem>>
      %dma_start3A_969 = arith.constant 32 : i32
      %dma_start3A_970 = tpu.memref_slice %arg3[%dma_start3A_969, %multiple_of3A_950] : memref<64x1000000xf32, #tpu.memory_space<hbm>> -> memref<32x128xf32, #tpu.memory_space<hbm>>
      %dma_start3A_971 = arith.constant 32 : i32
      %dma_start3A_972 = arith.constant 0 : i32
      %dma_start3A_973 = tpu.memref_slice %arg7[%dma_start3A_964, %dma_start3A_971, %dma_start3A_972] : memref<8x64x128xf32, #tpu.memory_space<vmem>> -> memref<1x32x128xf32, #tpu.memory_space<vmem>>
      %dma_start3A_974 = tpu.memref_squeeze %dma_start3A_973 : memref<1x32x128xf32, #tpu.memory_space<vmem>> -> memref<32x128xf32, #tpu.memory_space<vmem>>
      %dma_start3A_975 = arith.constant 32 : i32
      %dma_start3A_976 = tpu.memref_slice %arg3[%dma_start3A_975, %multiple_of3A_950] : memref<64x1000000xf32, #tpu.memory_space<hbm>> -> memref<32x128xf32, #tpu.memory_space<hbm>>
      tpu.enqueue_dma source(%dma_start3A_976 : memref<32x128xf32, #tpu.memory_space<hbm>>) target(%dma_start3A_974 : memref<32x128xf32, #tpu.memory_space<vmem>>) target_semaphore(%arg11 : memref<!tpu.dma_semaphore, #tpu.memory_space<semaphore_mem>>)
      %jit3A_977 = arith.constant 20 : i32
      %div3A_978 = arith.divsi %add3A_783, %jit3A_977 : i32
      %sign3A_979 = arith.constant 0 : i32
      %sign3A_980 = arith.cmpi sgt, %add3A_783, %sign3A_979 : i32
      %sign3A_981 = arith.extui %sign3A_980 : i1 to i32
      %sign3A_982 = arith.constant 0 : i32
      %sign3A_983 = arith.cmpi slt, %add3A_783, %sign3A_982 : i32
      %sign3A_984 = arith.extui %sign3A_983 : i1 to i32
      %sign3A_985 = arith.subi %sign3A_981, %sign3A_984 : i32
      %sign3A_986 = arith.constant 0 : i32
      %sign3A_987 = arith.cmpi sgt, %jit3A_977, %sign3A_986 : i32
      %sign3A_988 = arith.extui %sign3A_987 : i1 to i32
      %sign3A_989 = arith.constant 0 : i32
      %sign3A_990 = arith.cmpi slt, %jit3A_977, %sign3A_989 : i32
      %sign3A_991 = arith.extui %sign3A_990 : i1 to i32
      %sign3A_992 = arith.subi %sign3A_988, %sign3A_991 : i32
      %ne3A_993 = arith.cmpi ne, %sign3A_985, %sign3A_992 : i32
      %rem3A_994 = arith.remsi %add3A_783, %jit3A_977 : i32
      %ne3A_995 = arith.constant 0 : i32
      %ne3A_996 = arith.cmpi ne, %rem3A_994, %ne3A_995 : i32
      %and3A_997 = arith.andi %ne3A_993, %ne3A_996 : i1
      %sub3A_998 = arith.constant 1 : i32
      %sub3A_999 = arith.subi %div3A_978, %sub3A_998 : i32
      %select_n3A_1000 = arith.select %and3A_997, %sub3A_999, %div3A_978 : i32
      %mul3A_1001 = arith.constant 5.000000e-02 : f32
      %mul3A_1002 = vector.broadcast %mul3A_1001 : f32 to vector<16xf32>
      %mul3A_1003 = arith.mulf %add3A_862, %mul3A_1002 : vector<16xf32>
      %swap3A_1004 = arith.index_cast %select_n3A_1000 : i32 to index
      %swap3A_1005 = arith.constant 0 : index
      %swap3A_1006 = tpu.vector_load %arg9[%swap3A_1004, %swap3A_1005] {strides = array<i32>} : memref<32x128xf32, #tpu.memory_space<vmem>>, vector<16xf32>,
      tpu.vector_store %arg9[%swap3A_1004, %swap3A_1005], %mul3A_1003 {strides = array<i32>} : memref<32x128xf32, #tpu.memory_space<vmem>>, vector<16xf32>,
      %mul3A_1007 = arith.constant 5.000000e-02 : f32
      %mul3A_1008 = vector.broadcast %mul3A_1007 : f32 to vector<16xf32>
      %mul3A_1009 = arith.mulf %add3A_881, %mul3A_1008 : vector<16xf32>
      %swap3A_1010 = arith.index_cast %select_n3A_1000 : i32 to index
      %swap3A_1011 = arith.constant 16 : index
      %swap3A_1012 = tpu.vector_load %arg9[%swap3A_1010, %swap3A_1011] {strides = array<i32>} : memref<32x128xf32, #tpu.memory_space<vmem>>, vector<16xf32>,
      tpu.vector_store %arg9[%swap3A_1010, %swap3A_1011], %mul3A_1009 {strides = array<i32>} : memref<32x128xf32, #tpu.memory_space<vmem>>, vector<16xf32>,
      %mul3A_1013 = arith.constant 5.000000e-02 : f32
      %mul3A_1014 = vector.broadcast %mul3A_1013 : f32 to vector<16xf32>
      %mul3A_1015 = arith.mulf %add3A_900, %mul3A_1014 : vector<16xf32>
      %swap3A_1016 = arith.index_cast %select_n3A_1000 : i32 to index
      %swap3A_1017 = arith.constant 32 : index
      %swap3A_1018 = tpu.vector_load %arg9[%swap3A_1016, %swap3A_1017] {strides = array<i32>} : memref<32x128xf32, #tpu.memory_space<vmem>>, vector<16xf32>,
      tpu.vector_store %arg9[%swap3A_1016, %swap3A_1017], %mul3A_1015 {strides = array<i32>} : memref<32x128xf32, #tpu.memory_space<vmem>>, vector<16xf32>,
      %mul3A_1019 = arith.constant 5.000000e-02 : f32
      %mul3A_1020 = vector.broadcast %mul3A_1019 : f32 to vector<16xf32>
      %mul3A_1021 = arith.mulf %add3A_919, %mul3A_1020 : vector<16xf32>
      %swap3A_1022 = arith.index_cast %select_n3A_1000 : i32 to index
      %swap3A_1023 = arith.constant 48 : index
      %swap3A_1024 = tpu.vector_load %arg9[%swap3A_1022, %swap3A_1023] {strides = array<i32>} : memref<32x128xf32, #tpu.memory_space<vmem>>, vector<16xf32>,
      tpu.vector_store %arg9[%swap3A_1022, %swap3A_1023], %mul3A_1021 {strides = array<i32>} : memref<32x128xf32, #tpu.memory_space<vmem>>, vector<16xf32>,
      %jit3A_1025 = arith.constant 20 : i32
      %eq3A_1026 = arith.constant 0 : i32
      %eq3A_1027 = arith.cmpi eq, %jit3A_1025, %eq3A_1026 : i32
      %jit3A_1028 = arith.constant 1 : i32
      %select_n3A_1029 = arith.select %eq3A_1027, %jit3A_1028, %jit3A_1025 : i32
      %rem3A_1030 = arith.remsi %add3A_783, %select_n3A_1029 : i32
      %ne3A_1031 = arith.constant 0 : i32
      %ne3A_1032 = arith.cmpi ne, %rem3A_1030, %ne3A_1031 : i32
      %lt3A_1033 = arith.constant 0 : i32
      %lt3A_1034 = arith.cmpi slt, %rem3A_1030, %lt3A_1033 : i32
      %lt3A_1035 = arith.constant 0 : i32
      %lt3A_1036 = arith.cmpi slt, %select_n3A_1029, %lt3A_1035 : i32
      %ne3A_1037 = arith.xori %lt3A_1034, %lt3A_1036 : i1
      %and3A_1038 = arith.andi %ne3A_1037, %ne3A_1032 : i1
      %add3A_1039 = arith.addi %rem3A_1030, %select_n3A_1029 : i32
      %select_n3A_1040 = arith.select %and3A_1038, %add3A_1039, %rem3A_1030 : i32
      %eq3A_1041 = arith.constant 19 : i32
      %eq3A_1042 = arith.cmpi eq, %select_n3A_1040, %eq3A_1041 : i32
      %convert_element_type3A_1043 = arith.extui %eq3A_1042 : i1 to i32
      %convert_element_type3A_1044 = arith.sitofp %convert_element_type3A_1043 : i32 to f32
      %sub3A_1045 = arith.constant 1.000000e+00 : f32
      %sub3A_1046 = arith.subf %sub3A_1045, %convert_element_type3A_1044 : f32
      %mul3A_1047 = vector.broadcast %sub3A_1046 : f32 to vector<16xf32>
      %mul3A_1048 = arith.mulf %add3A_862, %mul3A_1047 : vector<16xf32>
      %mul3A_1049 = vector.broadcast %sub3A_1046 : f32 to vector<16xf32>
      %mul3A_1050 = arith.mulf %add3A_881, %mul3A_1049 : vector<16xf32>
      %mul3A_1051 = vector.broadcast %sub3A_1046 : f32 to vector<16xf32>
      %mul3A_1052 = arith.mulf %add3A_900, %mul3A_1051 : vector<16xf32>
      %mul3A_1053 = vector.broadcast %sub3A_1046 : f32 to vector<16xf32>
      %mul3A_1054 = arith.mulf %add3A_919, %mul3A_1053 : vector<16xf32>
      %mul3A_1055 = arith.constant 16 : i32
      %mul3A_1056 = arith.muli %scan3A_455, %mul3A_1055 : i32
      %add3A_1057 = arith.constant 0 : i32
      %add3A_1058 = arith.addi %mul3A_1056, %add3A_1057 : i32
      %add3A_1059 = arith.constant 2 : i32
      %add3A_1060 = arith.addi %add3A_1058, %add3A_1059 : i32
      %dma_wait3A_1061 = arith.constant 2 : i32
      %dma_wait3A_1062 = arith.constant 0 : i32
      %dma_wait3A_1063 = arith.constant 0 : i32
      %dma_wait3A_1064 = tpu.memref_slice %arg7[%dma_wait3A_1061, %dma_wait3A_1062, %dma_wait3A_1063] : memref<8x64x128xf32, #tpu.memory_space<vmem>> -> memref<1x64x128xf32, #tpu.memory_space<vmem>>
      %dma_wait3A_1065 = tpu.memref_squeeze %dma_wait3A_1064 : memref<1x64x128xf32, #tpu.memory_space<vmem>> -> memref<64x128xf32, #tpu.memory_space<vmem>>
      %dma_wait3A_1066 = arith.constant 0 : i32
      %dma_wait3A_1067 = arith.constant 0 : i32
      %dma_wait3A_1068 = tpu.memref_slice %arg3[%dma_wait3A_1066, %dma_wait3A_1067] : memref<64x1000000xf32, #tpu.memory_space<hbm>> -> memref<64x128xf32, #tpu.memory_space<hbm>>
      %dma_wait3A_1069 = arith.constant 0 : i32
      %dma_wait3A_1070 = arith.constant 0 : i32
      %dma_wait3A_1071 = tpu.memref_slice %arg7[%dma_wait3A_1061, %dma_wait3A_1069, %dma_wait3A_1070] : memref<8x64x128xf32, #tpu.memory_space<vmem>> -> memref<1x64x128xf32, #tpu.memory_space<vmem>>
      %dma_wait3A_1072 = tpu.memref_squeeze %dma_wait3A_1071 : memref<1x64x128xf32, #tpu.memory_space<vmem>> -> memref<64x128xf32, #tpu.memory_space<vmem>>
      %dma_wait3A_1073 = arith.constant 0 : i32
      %dma_wait3A_1074 = arith.constant 0 : i32
      %dma_wait3A_1075 = tpu.memref_slice %arg3[%dma_wait3A_1073, %dma_wait3A_1074] : memref<64x1000000xf32, #tpu.memory_space<hbm>> -> memref<64x128xf32, #tpu.memory_space<hbm>>
      tpu.wait_dma2 semaphore(%arg12 : memref<!tpu.dma_semaphore, #tpu.memory_space<semaphore_mem>>) src(%dma_wait3A_1075 : memref<64x128xf32, #tpu.memory_space<hbm>>) dst(%dma_wait3A_1072 : memref<64x128xf32, #tpu.memory_space<vmem>>)
      %slice3A_1076 = vector.extract_strided_slice %scan3A_460 {offsets = [2], sizes = [1], strides = [1]} : vector<16xi32> to vector<1xi32>
      %squeeze3A_1077 = vector.extract %slice3A_1076[0] : i32 from vector<1xi32>
      %jit3A_1078 = arith.constant 128 : i32
      %div3A_1079 = arith.divsi %squeeze3A_1077, %jit3A_1078 : i32
      %sign3A_1080 = arith.constant 0 : i32
      %sign3A_1081 = arith.cmpi sgt, %squeeze3A_1077, %sign3A_1080 : i32
      %sign3A_1082 = arith.extui %sign3A_1081 : i1 to i32
      %sign3A_1083 = arith.constant 0 : i32
      %sign3A_1084 = arith.cmpi slt, %squeeze3A_1077, %sign3A_1083 : i32
      %sign3A_1085 = arith.extui %sign3A_1084 : i1 to i32
      %sign3A_1086 = arith.subi %sign3A_1082, %sign3A_1085 : i32
      %sign3A_1087 = arith.constant 0 : i32
      %sign3A_1088 = arith.cmpi sgt, %jit3A_1078, %sign3A_1087 : i32
      %sign3A_1089 = arith.extui %sign3A_1088 : i1 to i32
      %sign3A_1090 = arith.constant 0 : i32
      %sign3A_1091 = arith.cmpi slt, %jit3A_1078, %sign3A_1090 : i32
      %sign3A_1092 = arith.extui %sign3A_1091 : i1 to i32
      %sign3A_1093 = arith.subi %sign3A_1089, %sign3A_1092 : i32
      %ne3A_1094 = arith.cmpi ne, %sign3A_1086, %sign3A_1093 : i32
      %rem3A_1095 = arith.remsi %squeeze3A_1077, %jit3A_1078 : i32
      %ne3A_1096 = arith.constant 0 : i32
      %ne3A_1097 = arith.cmpi ne, %rem3A_1095, %ne3A_1096 : i32
      %and3A_1098 = arith.andi %ne3A_1094, %ne3A_1097 : i1
      %sub3A_1099 = arith.constant 1 : i32
      %sub3A_1100 = arith.subi %div3A_1079, %sub3A_1099 : i32
      %select_n3A_1101 = arith.select %and3A_1098, %sub3A_1100, %div3A_1079 : i32
      %min3A_1102 = arith.constant 7810 : i32
      %min3A_1103 = arith.minsi %select_n3A_1101, %min3A_1102 : i32
      %mul3A_1104 = arith.constant 128 : i32
      %mul3A_1105 = arith.muli %min3A_1103, %mul3A_1104 : i32
      %sub3A_1106 = arith.subi %squeeze3A_1077, %mul3A_1105 : i32
      %min3A_1107 = arith.constant 127 : i32
      %min3A_1108 = arith.minsi %sub3A_1106, %min3A_1107 : i32
      %broadcast_in_dim3A_1109 = vector.broadcast %min3A_1108 : i32 to vector<16xi32>
      %sub3A_1110 = arith.constant 999744 : i32
      %sub3A_1111 = arith.subi %squeeze3A_1077, %sub3A_1110 : i32
      %jit3A_1112 = arith.constant 0 : i32
      %jit3A_1113 = arith.constant 255 : i32
      %max3A_1114 = arith.maxsi %jit3A_1112, %sub3A_1111 : i32
      %min3A_1115 = arith.minsi %jit3A_1113, %max3A_1114 : i32
      %broadcast_in_dim3A_1116 = vector.broadcast %min3A_1115 : i32 to vector<16xi32>
      %ge3A_1117 = arith.constant 999808 : i32
      %ge3A_1118 = arith.cmpi sge, %squeeze3A_1077, %ge3A_1117 : i32
      %convert_element_type3A_1119 = arith.extui %ge3A_1118 : i1 to i32
      %convert_element_type3A_1120 = arith.sitofp %convert_element_type3A_1119 : i32 to f32
      %iota3A_1121 = tpu.iota {dimensions = array<i32: 0>} : vector<16xi32>
      %add3A_1122 = arith.constant 0 : i32
      %add3A_1123 = vector.broadcast %add3A_1122 : i32 to vector<16xi32>
      %add3A_1124 = arith.addi %iota3A_1121, %add3A_1123 : vector<16xi32>
      %gather3A_1125 = arith.constant 2 : i32
      %gather3A_1126 = arith.constant 0 : i32
      %gather3A_1127 = arith.constant 0 : i32
      %gather3A_1128 = tpu.memref_slice %arg7[%gather3A_1125, %gather3A_1126, %gather3A_1127] : memref<8x64x128xf32, #tpu.memory_space<vmem>> -> memref<1x64x128xf32, #tpu.memory_space<vmem>>
      %gather3A_1129 = tpu.memref_squeeze %gather3A_1128 : memref<1x64x128xf32, #tpu.memory_space<vmem>> -> memref<64x128xf32, #tpu.memory_space<vmem>>
      %gather3A_1130 = tpu.vector_load_idx %gather3A_1129[%add3A_1124, %broadcast_in_dim3A_1109] : memref<64x128xf32, #tpu.memory_space<vmem>>[vector<16xi32>, vector<16xi32>], vector<16xf32>,
      %gather3A_1131 = tpu.vector_load_idx %arg8[%add3A_1124, %broadcast_in_dim3A_1116] : memref<64x256xf32, #tpu.memory_space<vmem>>[vector<16xi32>, vector<16xi32>], vector<16xf32>,
      %sub3A_1132 = arith.constant 1.000000e+00 : f32
      %sub3A_1133 = arith.subf %sub3A_1132, %convert_element_type3A_1120 : f32
      %mul3A_1134 = vector.broadcast %sub3A_1133 : f32 to vector<16xf32>
      %mul3A_1135 = arith.mulf %gather3A_1130, %mul3A_1134 : vector<16xf32>
      %add3A_1136 = arith.addf %mul3A_1048, %mul3A_1135 : vector<16xf32>
      %mul3A_1137 = vector.broadcast %convert_element_type3A_1120 : f32 to vector<16xf32>
      %mul3A_1138 = arith.mulf %gather3A_1131, %mul3A_1137 : vector<16xf32>
      %add3A_1139 = arith.addf %add3A_1136, %mul3A_1138 : vector<16xf32>
      %iota3A_1140 = tpu.iota {dimensions = array<i32: 0>} : vector<16xi32>
      %add3A_1141 = arith.constant 16 : i32
      %add3A_1142 = vector.broadcast %add3A_1141 : i32 to vector<16xi32>
      %add3A_1143 = arith.addi %iota3A_1140, %add3A_1142 : vector<16xi32>
      %gather3A_1144 = arith.constant 2 : i32
      %gather3A_1145 = arith.constant 0 : i32
      %gather3A_1146 = arith.constant 0 : i32
      %gather3A_1147 = tpu.memref_slice %arg7[%gather3A_1144, %gather3A_1145, %gather3A_1146] : memref<8x64x128xf32, #tpu.memory_space<vmem>> -> memref<1x64x128xf32, #tpu.memory_space<vmem>>
      %gather3A_1148 = tpu.memref_squeeze %gather3A_1147 : memref<1x64x128xf32, #tpu.memory_space<vmem>> -> memref<64x128xf32, #tpu.memory_space<vmem>>
      %gather3A_1149 = tpu.vector_load_idx %gather3A_1148[%add3A_1143, %broadcast_in_dim3A_1109] : memref<64x128xf32, #tpu.memory_space<vmem>>[vector<16xi32>, vector<16xi32>], vector<16xf32>,
      %gather3A_1150 = tpu.vector_load_idx %arg8[%add3A_1143, %broadcast_in_dim3A_1116] : memref<64x256xf32, #tpu.memory_space<vmem>>[vector<16xi32>, vector<16xi32>], vector<16xf32>,
      %sub3A_1151 = arith.constant 1.000000e+00 : f32
      %sub3A_1152 = arith.subf %sub3A_1151, %convert_element_type3A_1120 : f32
      %mul3A_1153 = vector.broadcast %sub3A_1152 : f32 to vector<16xf32>
      %mul3A_1154 = arith.mulf %gather3A_1149, %mul3A_1153 : vector<16xf32>
      %add3A_1155 = arith.addf %mul3A_1050, %mul3A_1154 : vector<16xf32>
      %mul3A_1156 = vector.broadcast %convert_element_type3A_1120 : f32 to vector<16xf32>
      %mul3A_1157 = arith.mulf %gather3A_1150, %mul3A_1156 : vector<16xf32>
      %add3A_1158 = arith.addf %add3A_1155, %mul3A_1157 : vector<16xf32>
      %iota3A_1159 = tpu.iota {dimensions = array<i32: 0>} : vector<16xi32>
      %add3A_1160 = arith.constant 32 : i32
      %add3A_1161 = vector.broadcast %add3A_1160 : i32 to vector<16xi32>
      %add3A_1162 = arith.addi %iota3A_1159, %add3A_1161 : vector<16xi32>
      %gather3A_1163 = arith.constant 2 : i32
      %gather3A_1164 = arith.constant 0 : i32
      %gather3A_1165 = arith.constant 0 : i32
      %gather3A_1166 = tpu.memref_slice %arg7[%gather3A_1163, %gather3A_1164, %gather3A_1165] : memref<8x64x128xf32, #tpu.memory_space<vmem>> -> memref<1x64x128xf32, #tpu.memory_space<vmem>>
      %gather3A_1167 = tpu.memref_squeeze %gather3A_1166 : memref<1x64x128xf32, #tpu.memory_space<vmem>> -> memref<64x128xf32, #tpu.memory_space<vmem>>
      %gather3A_1168 = tpu.vector_load_idx %gather3A_1167[%add3A_1162, %broadcast_in_dim3A_1109] : memref<64x128xf32, #tpu.memory_space<vmem>>[vector<16xi32>, vector<16xi32>], vector<16xf32>,
      %gather3A_1169 = tpu.vector_load_idx %arg8[%add3A_1162, %broadcast_in_dim3A_1116] : memref<64x256xf32, #tpu.memory_space<vmem>>[vector<16xi32>, vector<16xi32>], vector<16xf32>,
      %sub3A_1170 = arith.constant 1.000000e+00 : f32
      %sub3A_1171 = arith.subf %sub3A_1170, %convert_element_type3A_1120 : f32
      %mul3A_1172 = vector.broadcast %sub3A_1171 : f32 to vector<16xf32>
      %mul3A_1173 = arith.mulf %gather3A_1168, %mul3A_1172 : vector<16xf32>
      %add3A_1174 = arith.addf %mul3A_1052, %mul3A_1173 : vector<16xf32>
      %mul3A_1175 = vector.broadcast %convert_element_type3A_1120 : f32 to vector<16xf32>
      %mul3A_1176 = arith.mulf %gather3A_1169, %mul3A_1175 : vector<16xf32>
      %add3A_1177 = arith.addf %add3A_1174, %mul3A_1176 : vector<16xf32>
      %iota3A_1178 = tpu.iota {dimensions = array<i32: 0>} : vector<16xi32>
      %add3A_1179 = arith.constant 48 : i32
      %add3A_1180 = vector.broadcast %add3A_1179 : i32 to vector<16xi32>
      %add3A_1181 = arith.addi %iota3A_1178, %add3A_1180 : vector<16xi32>
      %gather3A_1182 = arith.constant 2 : i32
      %gather3A_1183 = arith.constant 0 : i32
      %gather3A_1184 = arith.constant 0 : i32
      %gather3A_1185 = tpu.memref_slice %arg7[%gather3A_1182, %gather3A_1183, %gather3A_1184] : memref<8x64x128xf32, #tpu.memory_space<vmem>> -> memref<1x64x128xf32, #tpu.memory_space<vmem>>
      %gather3A_1186 = tpu.memref_squeeze %gather3A_1185 : memref<1x64x128xf32, #tpu.memory_space<vmem>> -> memref<64x128xf32, #tpu.memory_space<vmem>>
      %gather3A_1187 = tpu.vector_load_idx %gather3A_1186[%add3A_1181, %broadcast_in_dim3A_1109] : memref<64x128xf32, #tpu.memory_space<vmem>>[vector<16xi32>, vector<16xi32>], vector<16xf32>,
      %gather3A_1188 = tpu.vector_load_idx %arg8[%add3A_1181, %broadcast_in_dim3A_1116] : memref<64x256xf32, #tpu.memory_space<vmem>>[vector<16xi32>, vector<16xi32>], vector<16xf32>,
      %sub3A_1189 = arith.constant 1.000000e+00 : f32
      %sub3A_1190 = arith.subf %sub3A_1189, %convert_element_type3A_1120 : f32
      %mul3A_1191 = vector.broadcast %sub3A_1190 : f32 to vector<16xf32>
      %mul3A_1192 = arith.mulf %gather3A_1187, %mul3A_1191 : vector<16xf32>
      %add3A_1193 = arith.addf %mul3A_1054, %mul3A_1192 : vector<16xf32>
      %mul3A_1194 = vector.broadcast %convert_element_type3A_1120 : f32 to vector<16xf32>
      %mul3A_1195 = arith.mulf %gather3A_1188, %mul3A_1194 : vector<16xf32>
      %add3A_1196 = arith.addf %add3A_1193, %mul3A_1195 : vector<16xf32>
      %slice3A_1197 = vector.extract_strided_slice %scan3A_460 {offsets = [10], sizes = [1], strides = [1]} : vector<16xi32> to vector<1xi32>
      %squeeze3A_1198 = vector.extract %slice3A_1197[0] : i32 from vector<1xi32>
      %jit3A_1199 = arith.constant 128 : i32
      %div3A_1200 = arith.divsi %squeeze3A_1198, %jit3A_1199 : i32
      %sign3A_1201 = arith.constant 0 : i32
      %sign3A_1202 = arith.cmpi sgt, %squeeze3A_1198, %sign3A_1201 : i32
      %sign3A_1203 = arith.extui %sign3A_1202 : i1 to i32
      %sign3A_1204 = arith.constant 0 : i32
      %sign3A_1205 = arith.cmpi slt, %squeeze3A_1198, %sign3A_1204 : i32
      %sign3A_1206 = arith.extui %sign3A_1205 : i1 to i32
      %sign3A_1207 = arith.subi %sign3A_1203, %sign3A_1206 : i32
      %sign3A_1208 = arith.constant 0 : i32
      %sign3A_1209 = arith.cmpi sgt, %jit3A_1199, %sign3A_1208 : i32
      %sign3A_1210 = arith.extui %sign3A_1209 : i1 to i32
      %sign3A_1211 = arith.constant 0 : i32
      %sign3A_1212 = arith.cmpi slt, %jit3A_1199, %sign3A_1211 : i32
      %sign3A_1213 = arith.extui %sign3A_1212 : i1 to i32
      %sign3A_1214 = arith.subi %sign3A_1210, %sign3A_1213 : i32
      %ne3A_1215 = arith.cmpi ne, %sign3A_1207, %sign3A_1214 : i32
      %rem3A_1216 = arith.remsi %squeeze3A_1198, %jit3A_1199 : i32
      %ne3A_1217 = arith.constant 0 : i32
      %ne3A_1218 = arith.cmpi ne, %rem3A_1216, %ne3A_1217 : i32
      %and3A_1219 = arith.andi %ne3A_1215, %ne3A_1218 : i1
      %sub3A_1220 = arith.constant 1 : i32
      %sub3A_1221 = arith.subi %div3A_1200, %sub3A_1220 : i32
      %select_n3A_1222 = arith.select %and3A_1219, %sub3A_1221, %div3A_1200 : i32
      %min3A_1223 = arith.constant 7810 : i32
      %min3A_1224 = arith.minsi %select_n3A_1222, %min3A_1223 : i32
      %mul3A_1225 = arith.constant 128 : i32
      %mul3A_1226 = arith.muli %min3A_1224, %mul3A_1225 : i32
      %multiple_of3A_1227 = tpu.assume_multiple %mul3A_1226, 128 : i32
      %dma_start3A_1228 = arith.constant 2 : i32
      %dma_start3A_1229 = arith.constant 0 : i32
      %dma_start3A_1230 = arith.constant 0 : i32
      %dma_start3A_1231 = tpu.memref_slice %arg7[%dma_start3A_1228, %dma_start3A_1229, %dma_start3A_1230] : memref<8x64x128xf32, #tpu.memory_space<vmem>> -> memref<1x32x128xf32, #tpu.memory_space<vmem>>
      %dma_start3A_1232 = tpu.memref_squeeze %dma_start3A_1231 : memref<1x32x128xf32, #tpu.memory_space<vmem>> -> memref<32x128xf32, #tpu.memory_space<vmem>>
      %dma_start3A_1233 = arith.constant 0 : i32
      %dma_start3A_1234 = tpu.memref_slice %arg3[%dma_start3A_1233, %multiple_of3A_1227] : memref<64x1000000xf32, #tpu.memory_space<hbm>> -> memref<32x128xf32, #tpu.memory_space<hbm>>
      %dma_start3A_1235 = arith.constant 0 : i32
      %dma_start3A_1236 = arith.constant 0 : i32
      %dma_start3A_1237 = tpu.memref_slice %arg7[%dma_start3A_1228, %dma_start3A_1235, %dma_start3A_1236] : memref<8x64x128xf32, #tpu.memory_space<vmem>> -> memref<1x32x128xf32, #tpu.memory_space<vmem>>
      %dma_start3A_1238 = tpu.memref_squeeze %dma_start3A_1237 : memref<1x32x128xf32, #tpu.memory_space<vmem>> -> memref<32x128xf32, #tpu.memory_space<vmem>>
      %dma_start3A_1239 = arith.constant 0 : i32
      %dma_start3A_1240 = tpu.memref_slice %arg3[%dma_start3A_1239, %multiple_of3A_1227] : memref<64x1000000xf32, #tpu.memory_space<hbm>> -> memref<32x128xf32, #tpu.memory_space<hbm>>
      tpu.enqueue_dma source(%dma_start3A_1240 : memref<32x128xf32, #tpu.memory_space<hbm>>) target(%dma_start3A_1238 : memref<32x128xf32, #tpu.memory_space<vmem>>) target_semaphore(%arg12 : memref<!tpu.dma_semaphore, #tpu.memory_space<semaphore_mem>>)
      %dma_start3A_1241 = arith.constant 2 : i32
      %dma_start3A_1242 = arith.constant 32 : i32
      %dma_start3A_1243 = arith.constant 0 : i32
      %dma_start3A_1244 = tpu.memref_slice %arg7[%dma_start3A_1241, %dma_start3A_1242, %dma_start3A_1243] : memref<8x64x128xf32, #tpu.memory_space<vmem>> -> memref<1x32x128xf32, #tpu.memory_space<vmem>>
      %dma_start3A_1245 = tpu.memref_squeeze %dma_start3A_1244 : memref<1x32x128xf32, #tpu.memory_space<vmem>> -> memref<32x128xf32, #tpu.memory_space<vmem>>
      %dma_start3A_1246 = arith.constant 32 : i32
      %dma_start3A_1247 = tpu.memref_slice %arg3[%dma_start3A_1246, %multiple_of3A_1227] : memref<64x1000000xf32, #tpu.memory_space<hbm>> -> memref<32x128xf32, #tpu.memory_space<hbm>>
      %dma_start3A_1248 = arith.constant 32 : i32
      %dma_start3A_1249 = arith.constant 0 : i32
      %dma_start3A_1250 = tpu.memref_slice %arg7[%dma_start3A_1241, %dma_start3A_1248, %dma_start3A_1249] : memref<8x64x128xf32, #tpu.memory_space<vmem>> -> memref<1x32x128xf32, #tpu.memory_space<vmem>>
      %dma_start3A_1251 = tpu.memref_squeeze %dma_start3A_1250 : memref<1x32x128xf32, #tpu.memory_space<vmem>> -> memref<32x128xf32, #tpu.memory_space<vmem>>
      %dma_start3A_1252 = arith.constant 32 : i32
      %dma_start3A_1253 = tpu.memref_slice %arg3[%dma_start3A_1252, %multiple_of3A_1227] : memref<64x1000000xf32, #tpu.memory_space<hbm>> -> memref<32x128xf32, #tpu.memory_space<hbm>>
      tpu.enqueue_dma source(%dma_start3A_1253 : memref<32x128xf32, #tpu.memory_space<hbm>>) target(%dma_start3A_1251 : memref<32x128xf32, #tpu.memory_space<vmem>>) target_semaphore(%arg12 : memref<!tpu.dma_semaphore, #tpu.memory_space<semaphore_mem>>)
      %jit3A_1254 = arith.constant 20 : i32
      %div3A_1255 = arith.divsi %add3A_1060, %jit3A_1254 : i32
      %sign3A_1256 = arith.constant 0 : i32
      %sign3A_1257 = arith.cmpi sgt, %add3A_1060, %sign3A_1256 : i32
      %sign3A_1258 = arith.extui %sign3A_1257 : i1 to i32
      %sign3A_1259 = arith.constant 0 : i32
      %sign3A_1260 = arith.cmpi slt, %add3A_1060, %sign3A_1259 : i32
      %sign3A_1261 = arith.extui %sign3A_1260 : i1 to i32
      %sign3A_1262 = arith.subi %sign3A_1258, %sign3A_1261 : i32
      %sign3A_1263 = arith.constant 0 : i32
      %sign3A_1264 = arith.cmpi sgt, %jit3A_1254, %sign3A_1263 : i32
      %sign3A_1265 = arith.extui %sign3A_1264 : i1 to i32
      %sign3A_1266 = arith.constant 0 : i32
      %sign3A_1267 = arith.cmpi slt, %jit3A_1254, %sign3A_1266 : i32
      %sign3A_1268 = arith.extui %sign3A_1267 : i1 to i32
      %sign3A_1269 = arith.subi %sign3A_1265, %sign3A_1268 : i32
      %ne3A_1270 = arith.cmpi ne, %sign3A_1262, %sign3A_1269 : i32
      %rem3A_1271 = arith.remsi %add3A_1060, %jit3A_1254 : i32
      %ne3A_1272 = arith.constant 0 : i32
      %ne3A_1273 = arith.cmpi ne, %rem3A_1271, %ne3A_1272 : i32
      %and3A_1274 = arith.andi %ne3A_1270, %ne3A_1273 : i1
      %sub3A_1275 = arith.constant 1 : i32
      %sub3A_1276 = arith.subi %div3A_1255, %sub3A_1275 : i32
      %select_n3A_1277 = arith.select %and3A_1274, %sub3A_1276, %div3A_1255 : i32
      %mul3A_1278 = arith.constant 5.000000e-02 : f32
      %mul3A_1279 = vector.broadcast %mul3A_1278 : f32 to vector<16xf32>
      %mul3A_1280 = arith.mulf %add3A_1139, %mul3A_1279 : vector<16xf32>
      %swap3A_1281 = arith.index_cast %select_n3A_1277 : i32 to index
      %swap3A_1282 = arith.constant 0 : index
      %swap3A_1283 = tpu.vector_load %arg9[%swap3A_1281, %swap3A_1282] {strides = array<i32>} : memref<32x128xf32, #tpu.memory_space<vmem>>, vector<16xf32>,
      tpu.vector_store %arg9[%swap3A_1281, %swap3A_1282], %mul3A_1280 {strides = array<i32>} : memref<32x128xf32, #tpu.memory_space<vmem>>, vector<16xf32>,
      %mul3A_1284 = arith.constant 5.000000e-02 : f32
      %mul3A_1285 = vector.broadcast %mul3A_1284 : f32 to vector<16xf32>
      %mul3A_1286 = arith.mulf %add3A_1158, %mul3A_1285 : vector<16xf32>
      %swap3A_1287 = arith.index_cast %select_n3A_1277 : i32 to index
      %swap3A_1288 = arith.constant 16 : index
      %swap3A_1289 = tpu.vector_load %arg9[%swap3A_1287, %swap3A_1288] {strides = array<i32>} : memref<32x128xf32, #tpu.memory_space<vmem>>, vector<16xf32>,
      tpu.vector_store %arg9[%swap3A_1287, %swap3A_1288], %mul3A_1286 {strides = array<i32>} : memref<32x128xf32, #tpu.memory_space<vmem>>, vector<16xf32>,
      %mul3A_1290 = arith.constant 5.000000e-02 : f32
      %mul3A_1291 = vector.broadcast %mul3A_1290 : f32 to vector<16xf32>
      %mul3A_1292 = arith.mulf %add3A_1177, %mul3A_1291 : vector<16xf32>
      %swap3A_1293 = arith.index_cast %select_n3A_1277 : i32 to index
      %swap3A_1294 = arith.constant 32 : index
      %swap3A_1295 = tpu.vector_load %arg9[%swap3A_1293, %swap3A_1294] {strides = array<i32>} : memref<32x128xf32, #tpu.memory_space<vmem>>, vector<16xf32>,
      tpu.vector_store %arg9[%swap3A_1293, %swap3A_1294], %mul3A_1292 {strides = array<i32>} : memref<32x128xf32, #tpu.memory_space<vmem>>, vector<16xf32>,
      %mul3A_1296 = arith.constant 5.000000e-02 : f32
      %mul3A_1297 = vector.broadcast %mul3A_1296 : f32 to vector<16xf32>
      %mul3A_1298 = arith.mulf %add3A_1196, %mul3A_1297 : vector<16xf32>
      %swap3A_1299 = arith.index_cast %select_n3A_1277 : i32 to index
      %swap3A_1300 = arith.constant 48 : index
      %swap3A_1301 = tpu.vector_load %arg9[%swap3A_1299, %swap3A_1300] {strides = array<i32>} : memref<32x128xf32, #tpu.memory_space<vmem>>, vector<16xf32>,
      tpu.vector_store %arg9[%swap3A_1299, %swap3A_1300], %mul3A_1298 {strides = array<i32>} : memref<32x128xf32, #tpu.memory_space<vmem>>, vector<16xf32>,
      %jit3A_1302 = arith.constant 20 : i32
      %eq3A_1303 = arith.constant 0 : i32
      %eq3A_1304 = arith.cmpi eq, %jit3A_1302, %eq3A_1303 : i32
      %jit3A_1305 = arith.constant 1 : i32
      %select_n3A_1306 = arith.select %eq3A_1304, %jit3A_1305, %jit3A_1302 : i32
      %rem3A_1307 = arith.remsi %add3A_1060, %select_n3A_1306 : i32
      %ne3A_1308 = arith.constant 0 : i32
      %ne3A_1309 = arith.cmpi ne, %rem3A_1307, %ne3A_1308 : i32
      %lt3A_1310 = arith.constant 0 : i32
      %lt3A_1311 = arith.cmpi slt, %rem3A_1307, %lt3A_1310 : i32
      %lt3A_1312 = arith.constant 0 : i32
      %lt3A_1313 = arith.cmpi slt, %select_n3A_1306, %lt3A_1312 : i32
      %ne3A_1314 = arith.xori %lt3A_1311, %lt3A_1313 : i1
      %and3A_1315 = arith.andi %ne3A_1314, %ne3A_1309 : i1
      %add3A_1316 = arith.addi %rem3A_1307, %select_n3A_1306 : i32
      %select_n3A_1317 = arith.select %and3A_1315, %add3A_1316, %rem3A_1307 : i32
      %eq3A_1318 = arith.constant 19 : i32
      %eq3A_1319 = arith.cmpi eq, %select_n3A_1317, %eq3A_1318 : i32
      %convert_element_type3A_1320 = arith.extui %eq3A_1319 : i1 to i32
      %convert_element_type3A_1321 = arith.sitofp %convert_element_type3A_1320 : i32 to f32
      %sub3A_1322 = arith.constant 1.000000e+00 : f32
      %sub3A_1323 = arith.subf %sub3A_1322, %convert_element_type3A_1321 : f32
      %mul3A_1324 = vector.broadcast %sub3A_1323 : f32 to vector<16xf32>
      %mul3A_1325 = arith.mulf %add3A_1139, %mul3A_1324 : vector<16xf32>
      %mul3A_1326 = vector.broadcast %sub3A_1323 : f32 to vector<16xf32>
      %mul3A_1327 = arith.mulf %add3A_1158, %mul3A_1326 : vector<16xf32>
      %mul3A_1328 = vector.broadcast %sub3A_1323 : f32 to vector<16xf32>
      %mul3A_1329 = arith.mulf %add3A_1177, %mul3A_1328 : vector<16xf32>
      %mul3A_1330 = vector.broadcast %sub3A_1323 : f32 to vector<16xf32>
      %mul3A_1331 = arith.mulf %add3A_1196, %mul3A_1330 : vector<16xf32>
      %mul3A_1332 = arith.constant 16 : i32
      %mul3A_1333 = arith.muli %scan3A_455, %mul3A_1332 : i32
      %add3A_1334 = arith.constant 0 : i32
      %add3A_1335 = arith.addi %mul3A_1333, %add3A_1334 : i32
      %add3A_1336 = arith.constant 3 : i32
      %add3A_1337 = arith.addi %add3A_1335, %add3A_1336 : i32
      %dma_wait3A_1338 = arith.constant 3 : i32
      %dma_wait3A_1339 = arith.constant 0 : i32
      %dma_wait3A_1340 = arith.constant 0 : i32
      %dma_wait3A_1341 = tpu.memref_slice %arg7[%dma_wait3A_1338, %dma_wait3A_1339, %dma_wait3A_1340] : memref<8x64x128xf32, #tpu.memory_space<vmem>> -> memref<1x64x128xf32, #tpu.memory_space<vmem>>
      %dma_wait3A_1342 = tpu.memref_squeeze %dma_wait3A_1341 : memref<1x64x128xf32, #tpu.memory_space<vmem>> -> memref<64x128xf32, #tpu.memory_space<vmem>>
      %dma_wait3A_1343 = arith.constant 0 : i32
      %dma_wait3A_1344 = arith.constant 0 : i32
      %dma_wait3A_1345 = tpu.memref_slice %arg3[%dma_wait3A_1343, %dma_wait3A_1344] : memref<64x1000000xf32, #tpu.memory_space<hbm>> -> memref<64x128xf32, #tpu.memory_space<hbm>>
      %dma_wait3A_1346 = arith.constant 0 : i32
      %dma_wait3A_1347 = arith.constant 0 : i32
      %dma_wait3A_1348 = tpu.memref_slice %arg7[%dma_wait3A_1338, %dma_wait3A_1346, %dma_wait3A_1347] : memref<8x64x128xf32, #tpu.memory_space<vmem>> -> memref<1x64x128xf32, #tpu.memory_space<vmem>>
      %dma_wait3A_1349 = tpu.memref_squeeze %dma_wait3A_1348 : memref<1x64x128xf32, #tpu.memory_space<vmem>> -> memref<64x128xf32, #tpu.memory_space<vmem>>
      %dma_wait3A_1350 = arith.constant 0 : i32
      %dma_wait3A_1351 = arith.constant 0 : i32
      %dma_wait3A_1352 = tpu.memref_slice %arg3[%dma_wait3A_1350, %dma_wait3A_1351] : memref<64x1000000xf32, #tpu.memory_space<hbm>> -> memref<64x128xf32, #tpu.memory_space<hbm>>
      tpu.wait_dma2 semaphore(%arg13 : memref<!tpu.dma_semaphore, #tpu.memory_space<semaphore_mem>>) src(%dma_wait3A_1352 : memref<64x128xf32, #tpu.memory_space<hbm>>) dst(%dma_wait3A_1349 : memref<64x128xf32, #tpu.memory_space<vmem>>)
      %slice3A_1353 = vector.extract_strided_slice %scan3A_460 {offsets = [3], sizes = [1], strides = [1]} : vector<16xi32> to vector<1xi32>
      %squeeze3A_1354 = vector.extract %slice3A_1353[0] : i32 from vector<1xi32>
      %jit3A_1355 = arith.constant 128 : i32
      %div3A_1356 = arith.divsi %squeeze3A_1354, %jit3A_1355 : i32
      %sign3A_1357 = arith.constant 0 : i32
      %sign3A_1358 = arith.cmpi sgt, %squeeze3A_1354, %sign3A_1357 : i32
      %sign3A_1359 = arith.extui %sign3A_1358 : i1 to i32
      %sign3A_1360 = arith.constant 0 : i32
      %sign3A_1361 = arith.cmpi slt, %squeeze3A_1354, %sign3A_1360 : i32
      %sign3A_1362 = arith.extui %sign3A_1361 : i1 to i32
      %sign3A_1363 = arith.subi %sign3A_1359, %sign3A_1362 : i32
      %sign3A_1364 = arith.constant 0 : i32
      %sign3A_1365 = arith.cmpi sgt, %jit3A_1355, %sign3A_1364 : i32
      %sign3A_1366 = arith.extui %sign3A_1365 : i1 to i32
      %sign3A_1367 = arith.constant 0 : i32
      %sign3A_1368 = arith.cmpi slt, %jit3A_1355, %sign3A_1367 : i32
      %sign3A_1369 = arith.extui %sign3A_1368 : i1 to i32
      %sign3A_1370 = arith.subi %sign3A_1366, %sign3A_1369 : i32
      %ne3A_1371 = arith.cmpi ne, %sign3A_1363, %sign3A_1370 : i32
      %rem3A_1372 = arith.remsi %squeeze3A_1354, %jit3A_1355 : i32
      %ne3A_1373 = arith.constant 0 : i32
      %ne3A_1374 = arith.cmpi ne, %rem3A_1372, %ne3A_1373 : i32
      %and3A_1375 = arith.andi %ne3A_1371, %ne3A_1374 : i1
      %sub3A_1376 = arith.constant 1 : i32
      %sub3A_1377 = arith.subi %div3A_1356, %sub3A_1376 : i32
      %select_n3A_1378 = arith.select %and3A_1375, %sub3A_1377, %div3A_1356 : i32
      %min3A_1379 = arith.constant 7810 : i32
      %min3A_1380 = arith.minsi %select_n3A_1378, %min3A_1379 : i32
      %mul3A_1381 = arith.constant 128 : i32
      %mul3A_1382 = arith.muli %min3A_1380, %mul3A_1381 : i32
      %sub3A_1383 = arith.subi %squeeze3A_1354, %mul3A_1382 : i32
      %min3A_1384 = arith.constant 127 : i32
      %min3A_1385 = arith.minsi %sub3A_1383, %min3A_1384 : i32
      %broadcast_in_dim3A_1386 = vector.broadcast %min3A_1385 : i32 to vector<16xi32>
      %sub3A_1387 = arith.constant 999744 : i32
      %sub3A_1388 = arith.subi %squeeze3A_1354, %sub3A_1387 : i32
      %jit3A_1389 = arith.constant 0 : i32
      %jit3A_1390 = arith.constant 255 : i32
      %max3A_1391 = arith.maxsi %jit3A_1389, %sub3A_1388 : i32
      %min3A_1392 = arith.minsi %jit3A_1390, %max3A_1391 : i32
      %broadcast_in_dim3A_1393 = vector.broadcast %min3A_1392 : i32 to vector<16xi32>
      %ge3A_1394 = arith.constant 999808 : i32
      %ge3A_1395 = arith.cmpi sge, %squeeze3A_1354, %ge3A_1394 : i32
      %convert_element_type3A_1396 = arith.extui %ge3A_1395 : i1 to i32
      %convert_element_type3A_1397 = arith.sitofp %convert_element_type3A_1396 : i32 to f32
      %iota3A_1398 = tpu.iota {dimensions = array<i32: 0>} : vector<16xi32>
      %add3A_1399 = arith.constant 0 : i32
      %add3A_1400 = vector.broadcast %add3A_1399 : i32 to vector<16xi32>
      %add3A_1401 = arith.addi %iota3A_1398, %add3A_1400 : vector<16xi32>
      %gather3A_1402 = arith.constant 3 : i32
      %gather3A_1403 = arith.constant 0 : i32
      %gather3A_1404 = arith.constant 0 : i32
      %gather3A_1405 = tpu.memref_slice %arg7[%gather3A_1402, %gather3A_1403, %gather3A_1404] : memref<8x64x128xf32, #tpu.memory_space<vmem>> -> memref<1x64x128xf32, #tpu.memory_space<vmem>>
      %gather3A_1406 = tpu.memref_squeeze %gather3A_1405 : memref<1x64x128xf32, #tpu.memory_space<vmem>> -> memref<64x128xf32, #tpu.memory_space<vmem>>
      %gather3A_1407 = tpu.vector_load_idx %gather3A_1406[%add3A_1401, %broadcast_in_dim3A_1386] : memref<64x128xf32, #tpu.memory_space<vmem>>[vector<16xi32>, vector<16xi32>], vector<16xf32>,
      %gather3A_1408 = tpu.vector_load_idx %arg8[%add3A_1401, %broadcast_in_dim3A_1393] : memref<64x256xf32, #tpu.memory_space<vmem>>[vector<16xi32>, vector<16xi32>], vector<16xf32>,
      %sub3A_1409 = arith.constant 1.000000e+00 : f32
      %sub3A_1410 = arith.subf %sub3A_1409, %convert_element_type3A_1397 : f32
      %mul3A_1411 = vector.broadcast %sub3A_1410 : f32 to vector<16xf32>
      %mul3A_1412 = arith.mulf %gather3A_1407, %mul3A_1411 : vector<16xf32>
      %add3A_1413 = arith.addf %mul3A_1325, %mul3A_1412 : vector<16xf32>
      %mul3A_1414 = vector.broadcast %convert_element_type3A_1397 : f32 to vector<16xf32>
      %mul3A_1415 = arith.mulf %gather3A_1408, %mul3A_1414 : vector<16xf32>
      %add3A_1416 = arith.addf %add3A_1413, %mul3A_1415 : vector<16xf32>
      %iota3A_1417 = tpu.iota {dimensions = array<i32: 0>} : vector<16xi32>
      %add3A_1418 = arith.constant 16 : i32
      %add3A_1419 = vector.broadcast %add3A_1418 : i32 to vector<16xi32>
      %add3A_1420 = arith.addi %iota3A_1417, %add3A_1419 : vector<16xi32>
      %gather3A_1421 = arith.constant 3 : i32
      %gather3A_1422 = arith.constant 0 : i32
      %gather3A_1423 = arith.constant 0 : i32
      %gather3A_1424 = tpu.memref_slice %arg7[%gather3A_1421, %gather3A_1422, %gather3A_1423] : memref<8x64x128xf32, #tpu.memory_space<vmem>> -> memref<1x64x128xf32, #tpu.memory_space<vmem>>
      %gather3A_1425 = tpu.memref_squeeze %gather3A_1424 : memref<1x64x128xf32, #tpu.memory_space<vmem>> -> memref<64x128xf32, #tpu.memory_space<vmem>>
      %gather3A_1426 = tpu.vector_load_idx %gather3A_1425[%add3A_1420, %broadcast_in_dim3A_1386] : memref<64x128xf32, #tpu.memory_space<vmem>>[vector<16xi32>, vector<16xi32>], vector<16xf32>,
      %gather3A_1427 = tpu.vector_load_idx %arg8[%add3A_1420, %broadcast_in_dim3A_1393] : memref<64x256xf32, #tpu.memory_space<vmem>>[vector<16xi32>, vector<16xi32>], vector<16xf32>,
      %sub3A_1428 = arith.constant 1.000000e+00 : f32
      %sub3A_1429 = arith.subf %sub3A_1428, %convert_element_type3A_1397 : f32
      %mul3A_1430 = vector.broadcast %sub3A_1429 : f32 to vector<16xf32>
      %mul3A_1431 = arith.mulf %gather3A_1426, %mul3A_1430 : vector<16xf32>
      %add3A_1432 = arith.addf %mul3A_1327, %mul3A_1431 : vector<16xf32>
      %mul3A_1433 = vector.broadcast %convert_element_type3A_1397 : f32 to vector<16xf32>
      %mul3A_1434 = arith.mulf %gather3A_1427, %mul3A_1433 : vector<16xf32>
      %add3A_1435 = arith.addf %add3A_1432, %mul3A_1434 : vector<16xf32>
      %iota3A_1436 = tpu.iota {dimensions = array<i32: 0>} : vector<16xi32>
      %add3A_1437 = arith.constant 32 : i32
      %add3A_1438 = vector.broadcast %add3A_1437 : i32 to vector<16xi32>
      %add3A_1439 = arith.addi %iota3A_1436, %add3A_1438 : vector<16xi32>
      %gather3A_1440 = arith.constant 3 : i32
      %gather3A_1441 = arith.constant 0 : i32
      %gather3A_1442 = arith.constant 0 : i32
      %gather3A_1443 = tpu.memref_slice %arg7[%gather3A_1440, %gather3A_1441, %gather3A_1442] : memref<8x64x128xf32, #tpu.memory_space<vmem>> -> memref<1x64x128xf32, #tpu.memory_space<vmem>>
      %gather3A_1444 = tpu.memref_squeeze %gather3A_1443 : memref<1x64x128xf32, #tpu.memory_space<vmem>> -> memref<64x128xf32, #tpu.memory_space<vmem>>
      %gather3A_1445 = tpu.vector_load_idx %gather3A_1444[%add3A_1439, %broadcast_in_dim3A_1386] : memref<64x128xf32, #tpu.memory_space<vmem>>[vector<16xi32>, vector<16xi32>], vector<16xf32>,
      %gather3A_1446 = tpu.vector_load_idx %arg8[%add3A_1439, %broadcast_in_dim3A_1393] : memref<64x256xf32, #tpu.memory_space<vmem>>[vector<16xi32>, vector<16xi32>], vector<16xf32>,
      %sub3A_1447 = arith.constant 1.000000e+00 : f32
      %sub3A_1448 = arith.subf %sub3A_1447, %convert_element_type3A_1397 : f32
      %mul3A_1449 = vector.broadcast %sub3A_1448 : f32 to vector<16xf32>
      %mul3A_1450 = arith.mulf %gather3A_1445, %mul3A_1449 : vector<16xf32>
      %add3A_1451 = arith.addf %mul3A_1329, %mul3A_1450 : vector<16xf32>
      %mul3A_1452 = vector.broadcast %convert_element_type3A_1397 : f32 to vector<16xf32>
      %mul3A_1453 = arith.mulf %gather3A_1446, %mul3A_1452 : vector<16xf32>
      %add3A_1454 = arith.addf %add3A_1451, %mul3A_1453 : vector<16xf32>
      %iota3A_1455 = tpu.iota {dimensions = array<i32: 0>} : vector<16xi32>
      %add3A_1456 = arith.constant 48 : i32
      %add3A_1457 = vector.broadcast %add3A_1456 : i32 to vector<16xi32>
      %add3A_1458 = arith.addi %iota3A_1455, %add3A_1457 : vector<16xi32>
      %gather3A_1459 = arith.constant 3 : i32
      %gather3A_1460 = arith.constant 0 : i32
      %gather3A_1461 = arith.constant 0 : i32
      %gather3A_1462 = tpu.memref_slice %arg7[%gather3A_1459, %gather3A_1460, %gather3A_1461] : memref<8x64x128xf32, #tpu.memory_space<vmem>> -> memref<1x64x128xf32, #tpu.memory_space<vmem>>
      %gather3A_1463 = tpu.memref_squeeze %gather3A_1462 : memref<1x64x128xf32, #tpu.memory_space<vmem>> -> memref<64x128xf32, #tpu.memory_space<vmem>>
      %gather3A_1464 = tpu.vector_load_idx %gather3A_1463[%add3A_1458, %broadcast_in_dim3A_1386] : memref<64x128xf32, #tpu.memory_space<vmem>>[vector<16xi32>, vector<16xi32>], vector<16xf32>,
      %gather3A_1465 = tpu.vector_load_idx %arg8[%add3A_1458, %broadcast_in_dim3A_1393] : memref<64x256xf32, #tpu.memory_space<vmem>>[vector<16xi32>, vector<16xi32>], vector<16xf32>,
      %sub3A_1466 = arith.constant 1.000000e+00 : f32
      %sub3A_1467 = arith.subf %sub3A_1466, %convert_element_type3A_1397 : f32
      %mul3A_1468 = vector.broadcast %sub3A_1467 : f32 to vector<16xf32>
      %mul3A_1469 = arith.mulf %gather3A_1464, %mul3A_1468 : vector<16xf32>
      %add3A_1470 = arith.addf %mul3A_1331, %mul3A_1469 : vector<16xf32>
      %mul3A_1471 = vector.broadcast %convert_element_type3A_1397 : f32 to vector<16xf32>
      %mul3A_1472 = arith.mulf %gather3A_1465, %mul3A_1471 : vector<16xf32>
      %add3A_1473 = arith.addf %add3A_1470, %mul3A_1472 : vector<16xf32>
      %slice3A_1474 = vector.extract_strided_slice %scan3A_460 {offsets = [11], sizes = [1], strides = [1]} : vector<16xi32> to vector<1xi32>
      %squeeze3A_1475 = vector.extract %slice3A_1474[0] : i32 from vector<1xi32>
      %jit3A_1476 = arith.constant 128 : i32
      %div3A_1477 = arith.divsi %squeeze3A_1475, %jit3A_1476 : i32
      %sign3A_1478 = arith.constant 0 : i32
      %sign3A_1479 = arith.cmpi sgt, %squeeze3A_1475, %sign3A_1478 : i32
      %sign3A_1480 = arith.extui %sign3A_1479 : i1 to i32
      %sign3A_1481 = arith.constant 0 : i32
      %sign3A_1482 = arith.cmpi slt, %squeeze3A_1475, %sign3A_1481 : i32
      %sign3A_1483 = arith.extui %sign3A_1482 : i1 to i32
      %sign3A_1484 = arith.subi %sign3A_1480, %sign3A_1483 : i32
      %sign3A_1485 = arith.constant 0 : i32
      %sign3A_1486 = arith.cmpi sgt, %jit3A_1476, %sign3A_1485 : i32
      %sign3A_1487 = arith.extui %sign3A_1486 : i1 to i32
      %sign3A_1488 = arith.constant 0 : i32
      %sign3A_1489 = arith.cmpi slt, %jit3A_1476, %sign3A_1488 : i32
      %sign3A_1490 = arith.extui %sign3A_1489 : i1 to i32
      %sign3A_1491 = arith.subi %sign3A_1487, %sign3A_1490 : i32
      %ne3A_1492 = arith.cmpi ne, %sign3A_1484, %sign3A_1491 : i32
      %rem3A_1493 = arith.remsi %squeeze3A_1475, %jit3A_1476 : i32
      %ne3A_1494 = arith.constant 0 : i32
      %ne3A_1495 = arith.cmpi ne, %rem3A_1493, %ne3A_1494 : i32
      %and3A_1496 = arith.andi %ne3A_1492, %ne3A_1495 : i1
      %sub3A_1497 = arith.constant 1 : i32
      %sub3A_1498 = arith.subi %div3A_1477, %sub3A_1497 : i32
      %select_n3A_1499 = arith.select %and3A_1496, %sub3A_1498, %div3A_1477 : i32
      %min3A_1500 = arith.constant 7810 : i32
      %min3A_1501 = arith.minsi %select_n3A_1499, %min3A_1500 : i32
      %mul3A_1502 = arith.constant 128 : i32
      %mul3A_1503 = arith.muli %min3A_1501, %mul3A_1502 : i32
      %multiple_of3A_1504 = tpu.assume_multiple %mul3A_1503, 128 : i32
      %dma_start3A_1505 = arith.constant 3 : i32
      %dma_start3A_1506 = arith.constant 0 : i32
      %dma_start3A_1507 = arith.constant 0 : i32
      %dma_start3A_1508 = tpu.memref_slice %arg7[%dma_start3A_1505, %dma_start3A_1506, %dma_start3A_1507] : memref<8x64x128xf32, #tpu.memory_space<vmem>> -> memref<1x32x128xf32, #tpu.memory_space<vmem>>
      %dma_start3A_1509 = tpu.memref_squeeze %dma_start3A_1508 : memref<1x32x128xf32, #tpu.memory_space<vmem>> -> memref<32x128xf32, #tpu.memory_space<vmem>>
      %dma_start3A_1510 = arith.constant 0 : i32
      %dma_start3A_1511 = tpu.memref_slice %arg3[%dma_start3A_1510, %multiple_of3A_1504] : memref<64x1000000xf32, #tpu.memory_space<hbm>> -> memref<32x128xf32, #tpu.memory_space<hbm>>
      %dma_start3A_1512 = arith.constant 0 : i32
      %dma_start3A_1513 = arith.constant 0 : i32
      %dma_start3A_1514 = tpu.memref_slice %arg7[%dma_start3A_1505, %dma_start3A_1512, %dma_start3A_1513] : memref<8x64x128xf32, #tpu.memory_space<vmem>> -> memref<1x32x128xf32, #tpu.memory_space<vmem>>
      %dma_start3A_1515 = tpu.memref_squeeze %dma_start3A_1514 : memref<1x32x128xf32, #tpu.memory_space<vmem>> -> memref<32x128xf32, #tpu.memory_space<vmem>>
      %dma_start3A_1516 = arith.constant 0 : i32
      %dma_start3A_1517 = tpu.memref_slice %arg3[%dma_start3A_1516, %multiple_of3A_1504] : memref<64x1000000xf32, #tpu.memory_space<hbm>> -> memref<32x128xf32, #tpu.memory_space<hbm>>
      tpu.enqueue_dma source(%dma_start3A_1517 : memref<32x128xf32, #tpu.memory_space<hbm>>) target(%dma_start3A_1515 : memref<32x128xf32, #tpu.memory_space<vmem>>) target_semaphore(%arg13 : memref<!tpu.dma_semaphore, #tpu.memory_space<semaphore_mem>>)
      %dma_start3A_1518 = arith.constant 3 : i32
      %dma_start3A_1519 = arith.constant 32 : i32
      %dma_start3A_1520 = arith.constant 0 : i32
      %dma_start3A_1521 = tpu.memref_slice %arg7[%dma_start3A_1518, %dma_start3A_1519, %dma_start3A_1520] : memref<8x64x128xf32, #tpu.memory_space<vmem>> -> memref<1x32x128xf32, #tpu.memory_space<vmem>>
      %dma_start3A_1522 = tpu.memref_squeeze %dma_start3A_1521 : memref<1x32x128xf32, #tpu.memory_space<vmem>> -> memref<32x128xf32, #tpu.memory_space<vmem>>
      %dma_start3A_1523 = arith.constant 32 : i32
      %dma_start3A_1524 = tpu.memref_slice %arg3[%dma_start3A_1523, %multiple_of3A_1504] : memref<64x1000000xf32, #tpu.memory_space<hbm>> -> memref<32x128xf32, #tpu.memory_space<hbm>>
      %dma_start3A_1525 = arith.constant 32 : i32
      %dma_start3A_1526 = arith.constant 0 : i32
      %dma_start3A_1527 = tpu.memref_slice %arg7[%dma_start3A_1518, %dma_start3A_1525, %dma_start3A_1526] : memref<8x64x128xf32, #tpu.memory_space<vmem>> -> memref<1x32x128xf32, #tpu.memory_space<vmem>>
      %dma_start3A_1528 = tpu.memref_squeeze %dma_start3A_1527 : memref<1x32x128xf32, #tpu.memory_space<vmem>> -> memref<32x128xf32, #tpu.memory_space<vmem>>
      %dma_start3A_1529 = arith.constant 32 : i32
      %dma_start3A_1530 = tpu.memref_slice %arg3[%dma_start3A_1529, %multiple_of3A_1504] : memref<64x1000000xf32, #tpu.memory_space<hbm>> -> memref<32x128xf32, #tpu.memory_space<hbm>>
      tpu.enqueue_dma source(%dma_start3A_1530 : memref<32x128xf32, #tpu.memory_space<hbm>>) target(%dma_start3A_1528 : memref<32x128xf32, #tpu.memory_space<vmem>>) target_semaphore(%arg13 : memref<!tpu.dma_semaphore, #tpu.memory_space<semaphore_mem>>)
      %jit3A_1531 = arith.constant 20 : i32
      %div3A_1532 = arith.divsi %add3A_1337, %jit3A_1531 : i32
      %sign3A_1533 = arith.constant 0 : i32
      %sign3A_1534 = arith.cmpi sgt, %add3A_1337, %sign3A_1533 : i32
      %sign3A_1535 = arith.extui %sign3A_1534 : i1 to i32
      %sign3A_1536 = arith.constant 0 : i32
      %sign3A_1537 = arith.cmpi slt, %add3A_1337, %sign3A_1536 : i32
      %sign3A_1538 = arith.extui %sign3A_1537 : i1 to i32
      %sign3A_1539 = arith.subi %sign3A_1535, %sign3A_1538 : i32
      %sign3A_1540 = arith.constant 0 : i32
      %sign3A_1541 = arith.cmpi sgt, %jit3A_1531, %sign3A_1540 : i32
      %sign3A_1542 = arith.extui %sign3A_1541 : i1 to i32
      %sign3A_1543 = arith.constant 0 : i32
      %sign3A_1544 = arith.cmpi slt, %jit3A_1531, %sign3A_1543 : i32
      %sign3A_1545 = arith.extui %sign3A_1544 : i1 to i32
      %sign3A_1546 = arith.subi %sign3A_1542, %sign3A_1545 : i32
      %ne3A_1547 = arith.cmpi ne, %sign3A_1539, %sign3A_1546 : i32
      %rem3A_1548 = arith.remsi %add3A_1337, %jit3A_1531 : i32
      %ne3A_1549 = arith.constant 0 : i32
      %ne3A_1550 = arith.cmpi ne, %rem3A_1548, %ne3A_1549 : i32
      %and3A_1551 = arith.andi %ne3A_1547, %ne3A_1550 : i1
      %sub3A_1552 = arith.constant 1 : i32
      %sub3A_1553 = arith.subi %div3A_1532, %sub3A_1552 : i32
      %select_n3A_1554 = arith.select %and3A_1551, %sub3A_1553, %div3A_1532 : i32
      %mul3A_1555 = arith.constant 5.000000e-02 : f32
      %mul3A_1556 = vector.broadcast %mul3A_1555 : f32 to vector<16xf32>
      %mul3A_1557 = arith.mulf %add3A_1416, %mul3A_1556 : vector<16xf32>
      %swap3A_1558 = arith.index_cast %select_n3A_1554 : i32 to index
      %swap3A_1559 = arith.constant 0 : index
      %swap3A_1560 = tpu.vector_load %arg9[%swap3A_1558, %swap3A_1559] {strides = array<i32>} : memref<32x128xf32, #tpu.memory_space<vmem>>, vector<16xf32>,
      tpu.vector_store %arg9[%swap3A_1558, %swap3A_1559], %mul3A_1557 {strides = array<i32>} : memref<32x128xf32, #tpu.memory_space<vmem>>, vector<16xf32>,
      %mul3A_1561 = arith.constant 5.000000e-02 : f32
      %mul3A_1562 = vector.broadcast %mul3A_1561 : f32 to vector<16xf32>
      %mul3A_1563 = arith.mulf %add3A_1435, %mul3A_1562 : vector<16xf32>
      %swap3A_1564 = arith.index_cast %select_n3A_1554 : i32 to index
      %swap3A_1565 = arith.constant 16 : index
      %swap3A_1566 = tpu.vector_load %arg9[%swap3A_1564, %swap3A_1565] {strides = array<i32>} : memref<32x128xf32, #tpu.memory_space<vmem>>, vector<16xf32>,
      tpu.vector_store %arg9[%swap3A_1564, %swap3A_1565], %mul3A_1563 {strides = array<i32>} : memref<32x128xf32, #tpu.memory_space<vmem>>, vector<16xf32>,
      %mul3A_1567 = arith.constant 5.000000e-02 : f32
      %mul3A_1568 = vector.broadcast %mul3A_1567 : f32 to vector<16xf32>
      %mul3A_1569 = arith.mulf %add3A_1454, %mul3A_1568 : vector<16xf32>
      %swap3A_1570 = arith.index_cast %select_n3A_1554 : i32 to index
      %swap3A_1571 = arith.constant 32 : index
      %swap3A_1572 = tpu.vector_load %arg9[%swap3A_1570, %swap3A_1571] {strides = array<i32>} : memref<32x128xf32, #tpu.memory_space<vmem>>, vector<16xf32>,
      tpu.vector_store %arg9[%swap3A_1570, %swap3A_1571], %mul3A_1569 {strides = array<i32>} : memref<32x128xf32, #tpu.memory_space<vmem>>, vector<16xf32>,
      %mul3A_1573 = arith.constant 5.000000e-02 : f32
      %mul3A_1574 = vector.broadcast %mul3A_1573 : f32 to vector<16xf32>
      %mul3A_1575 = arith.mulf %add3A_1473, %mul3A_1574 : vector<16xf32>
      %swap3A_1576 = arith.index_cast %select_n3A_1554 : i32 to index
      %swap3A_1577 = arith.constant 48 : index
      %swap3A_1578 = tpu.vector_load %arg9[%swap3A_1576, %swap3A_1577] {strides = array<i32>} : memref<32x128xf32, #tpu.memory_space<vmem>>, vector<16xf32>,
      tpu.vector_store %arg9[%swap3A_1576, %swap3A_1577], %mul3A_1575 {strides = array<i32>} : memref<32x128xf32, #tpu.memory_space<vmem>>, vector<16xf32>,
      %jit3A_1579 = arith.constant 20 : i32
      %eq3A_1580 = arith.constant 0 : i32
      %eq3A_1581 = arith.cmpi eq, %jit3A_1579, %eq3A_1580 : i32
      %jit3A_1582 = arith.constant 1 : i32
      %select_n3A_1583 = arith.select %eq3A_1581, %jit3A_1582, %jit3A_1579 : i32
      %rem3A_1584 = arith.remsi %add3A_1337, %select_n3A_1583 : i32
      %ne3A_1585 = arith.constant 0 : i32
      %ne3A_1586 = arith.cmpi ne, %rem3A_1584, %ne3A_1585 : i32
      %lt3A_1587 = arith.constant 0 : i32
      %lt3A_1588 = arith.cmpi slt, %rem3A_1584, %lt3A_1587 : i32
      %lt3A_1589 = arith.constant 0 : i32
      %lt3A_1590 = arith.cmpi slt, %select_n3A_1583, %lt3A_1589 : i32
      %ne3A_1591 = arith.xori %lt3A_1588, %lt3A_1590 : i1
      %and3A_1592 = arith.andi %ne3A_1591, %ne3A_1586 : i1
      %add3A_1593 = arith.addi %rem3A_1584, %select_n3A_1583 : i32
      %select_n3A_1594 = arith.select %and3A_1592, %add3A_1593, %rem3A_1584 : i32
      %eq3A_1595 = arith.constant 19 : i32
      %eq3A_1596 = arith.cmpi eq, %select_n3A_1594, %eq3A_1595 : i32
      %convert_element_type3A_1597 = arith.extui %eq3A_1596 : i1 to i32
      %convert_element_type3A_1598 = arith.sitofp %convert_element_type3A_1597 : i32 to f32
      %sub3A_1599 = arith.constant 1.000000e+00 : f32
      %sub3A_1600 = arith.subf %sub3A_1599, %convert_element_type3A_1598 : f32
      %mul3A_1601 = vector.broadcast %sub3A_1600 : f32 to vector<16xf32>
      %mul3A_1602 = arith.mulf %add3A_1416, %mul3A_1601 : vector<16xf32>
      %mul3A_1603 = vector.broadcast %sub3A_1600 : f32 to vector<16xf32>
      %mul3A_1604 = arith.mulf %add3A_1435, %mul3A_1603 : vector<16xf32>
      %mul3A_1605 = vector.broadcast %sub3A_1600 : f32 to vector<16xf32>
      %mul3A_1606 = arith.mulf %add3A_1454, %mul3A_1605 : vector<16xf32>
      %mul3A_1607 = vector.broadcast %sub3A_1600 : f32 to vector<16xf32>
      %mul3A_1608 = arith.mulf %add3A_1473, %mul3A_1607 : vector<16xf32>
      %mul3A_1609 = arith.constant 16 : i32
      %mul3A_1610 = arith.muli %scan3A_455, %mul3A_1609 : i32
      %add3A_1611 = arith.constant 0 : i32
      %add3A_1612 = arith.addi %mul3A_1610, %add3A_1611 : i32
      %add3A_1613 = arith.constant 4 : i32
      %add3A_1614 = arith.addi %add3A_1612, %add3A_1613 : i32
      %dma_wait3A_1615 = arith.constant 4 : i32
      %dma_wait3A_1616 = arith.constant 0 : i32
      %dma_wait3A_1617 = arith.constant 0 : i32
      %dma_wait3A_1618 = tpu.memref_slice %arg7[%dma_wait3A_1615, %dma_wait3A_1616, %dma_wait3A_1617] : memref<8x64x128xf32, #tpu.memory_space<vmem>> -> memref<1x64x128xf32, #tpu.memory_space<vmem>>
      %dma_wait3A_1619 = tpu.memref_squeeze %dma_wait3A_1618 : memref<1x64x128xf32, #tpu.memory_space<vmem>> -> memref<64x128xf32, #tpu.memory_space<vmem>>
      %dma_wait3A_1620 = arith.constant 0 : i32
      %dma_wait3A_1621 = arith.constant 0 : i32
      %dma_wait3A_1622 = tpu.memref_slice %arg3[%dma_wait3A_1620, %dma_wait3A_1621] : memref<64x1000000xf32, #tpu.memory_space<hbm>> -> memref<64x128xf32, #tpu.memory_space<hbm>>
      %dma_wait3A_1623 = arith.constant 0 : i32
      %dma_wait3A_1624 = arith.constant 0 : i32
      %dma_wait3A_1625 = tpu.memref_slice %arg7[%dma_wait3A_1615, %dma_wait3A_1623, %dma_wait3A_1624] : memref<8x64x128xf32, #tpu.memory_space<vmem>> -> memref<1x64x128xf32, #tpu.memory_space<vmem>>
      %dma_wait3A_1626 = tpu.memref_squeeze %dma_wait3A_1625 : memref<1x64x128xf32, #tpu.memory_space<vmem>> -> memref<64x128xf32, #tpu.memory_space<vmem>>
      %dma_wait3A_1627 = arith.constant 0 : i32
      %dma_wait3A_1628 = arith.constant 0 : i32
      %dma_wait3A_1629 = tpu.memref_slice %arg3[%dma_wait3A_1627, %dma_wait3A_1628] : memref<64x1000000xf32, #tpu.memory_space<hbm>> -> memref<64x128xf32, #tpu.memory_space<hbm>>
      tpu.wait_dma2 semaphore(%arg14 : memref<!tpu.dma_semaphore, #tpu.memory_space<semaphore_mem>>) src(%dma_wait3A_1629 : memref<64x128xf32, #tpu.memory_space<hbm>>) dst(%dma_wait3A_1626 : memref<64x128xf32, #tpu.memory_space<vmem>>)
      %slice3A_1630 = vector.extract_strided_slice %scan3A_460 {offsets = [4], sizes = [1], strides = [1]} : vector<16xi32> to vector<1xi32>
      %squeeze3A_1631 = vector.extract %slice3A_1630[0] : i32 from vector<1xi32>
      %jit3A_1632 = arith.constant 128 : i32
      %div3A_1633 = arith.divsi %squeeze3A_1631, %jit3A_1632 : i32
      %sign3A_1634 = arith.constant 0 : i32
      %sign3A_1635 = arith.cmpi sgt, %squeeze3A_1631, %sign3A_1634 : i32
      %sign3A_1636 = arith.extui %sign3A_1635 : i1 to i32
      %sign3A_1637 = arith.constant 0 : i32
      %sign3A_1638 = arith.cmpi slt, %squeeze3A_1631, %sign3A_1637 : i32
      %sign3A_1639 = arith.extui %sign3A_1638 : i1 to i32
      %sign3A_1640 = arith.subi %sign3A_1636, %sign3A_1639 : i32
      %sign3A_1641 = arith.constant 0 : i32
      %sign3A_1642 = arith.cmpi sgt, %jit3A_1632, %sign3A_1641 : i32
      %sign3A_1643 = arith.extui %sign3A_1642 : i1 to i32
      %sign3A_1644 = arith.constant 0 : i32
      %sign3A_1645 = arith.cmpi slt, %jit3A_1632, %sign3A_1644 : i32
      %sign3A_1646 = arith.extui %sign3A_1645 : i1 to i32
      %sign3A_1647 = arith.subi %sign3A_1643, %sign3A_1646 : i32
      %ne3A_1648 = arith.cmpi ne, %sign3A_1640, %sign3A_1647 : i32
      %rem3A_1649 = arith.remsi %squeeze3A_1631, %jit3A_1632 : i32
      %ne3A_1650 = arith.constant 0 : i32
      %ne3A_1651 = arith.cmpi ne, %rem3A_1649, %ne3A_1650 : i32
      %and3A_1652 = arith.andi %ne3A_1648, %ne3A_1651 : i1
      %sub3A_1653 = arith.constant 1 : i32
      %sub3A_1654 = arith.subi %div3A_1633, %sub3A_1653 : i32
      %select_n3A_1655 = arith.select %and3A_1652, %sub3A_1654, %div3A_1633 : i32
      %min3A_1656 = arith.constant 7810 : i32
      %min3A_1657 = arith.minsi %select_n3A_1655, %min3A_1656 : i32
      %mul3A_1658 = arith.constant 128 : i32
      %mul3A_1659 = arith.muli %min3A_1657, %mul3A_1658 : i32
      %sub3A_1660 = arith.subi %squeeze3A_1631, %mul3A_1659 : i32
      %min3A_1661 = arith.constant 127 : i32
      %min3A_1662 = arith.minsi %sub3A_1660, %min3A_1661 : i32
      %broadcast_in_dim3A_1663 = vector.broadcast %min3A_1662 : i32 to vector<16xi32>
      %sub3A_1664 = arith.constant 999744 : i32
      %sub3A_1665 = arith.subi %squeeze3A_1631, %sub3A_1664 : i32
      %jit3A_1666 = arith.constant 0 : i32
      %jit3A_1667 = arith.constant 255 : i32
      %max3A_1668 = arith.maxsi %jit3A_1666, %sub3A_1665 : i32
      %min3A_1669 = arith.minsi %jit3A_1667, %max3A_1668 : i32
      %broadcast_in_dim3A_1670 = vector.broadcast %min3A_1669 : i32 to vector<16xi32>
      %ge3A_1671 = arith.constant 999808 : i32
      %ge3A_1672 = arith.cmpi sge, %squeeze3A_1631, %ge3A_1671 : i32
      %convert_element_type3A_1673 = arith.extui %ge3A_1672 : i1 to i32
      %convert_element_type3A_1674 = arith.sitofp %convert_element_type3A_1673 : i32 to f32
      %iota3A_1675 = tpu.iota {dimensions = array<i32: 0>} : vector<16xi32>
      %add3A_1676 = arith.constant 0 : i32
      %add3A_1677 = vector.broadcast %add3A_1676 : i32 to vector<16xi32>
      %add3A_1678 = arith.addi %iota3A_1675, %add3A_1677 : vector<16xi32>
      %gather3A_1679 = arith.constant 4 : i32
      %gather3A_1680 = arith.constant 0 : i32
      %gather3A_1681 = arith.constant 0 : i32
      %gather3A_1682 = tpu.memref_slice %arg7[%gather3A_1679, %gather3A_1680, %gather3A_1681] : memref<8x64x128xf32, #tpu.memory_space<vmem>> -> memref<1x64x128xf32, #tpu.memory_space<vmem>>
      %gather3A_1683 = tpu.memref_squeeze %gather3A_1682 : memref<1x64x128xf32, #tpu.memory_space<vmem>> -> memref<64x128xf32, #tpu.memory_space<vmem>>
      %gather3A_1684 = tpu.vector_load_idx %gather3A_1683[%add3A_1678, %broadcast_in_dim3A_1663] : memref<64x128xf32, #tpu.memory_space<vmem>>[vector<16xi32>, vector<16xi32>], vector<16xf32>,
      %gather3A_1685 = tpu.vector_load_idx %arg8[%add3A_1678, %broadcast_in_dim3A_1670] : memref<64x256xf32, #tpu.memory_space<vmem>>[vector<16xi32>, vector<16xi32>], vector<16xf32>,
      %sub3A_1686 = arith.constant 1.000000e+00 : f32
      %sub3A_1687 = arith.subf %sub3A_1686, %convert_element_type3A_1674 : f32
      %mul3A_1688 = vector.broadcast %sub3A_1687 : f32 to vector<16xf32>
      %mul3A_1689 = arith.mulf %gather3A_1684, %mul3A_1688 : vector<16xf32>
      %add3A_1690 = arith.addf %mul3A_1602, %mul3A_1689 : vector<16xf32>
      %mul3A_1691 = vector.broadcast %convert_element_type3A_1674 : f32 to vector<16xf32>
      %mul3A_1692 = arith.mulf %gather3A_1685, %mul3A_1691 : vector<16xf32>
      %add3A_1693 = arith.addf %add3A_1690, %mul3A_1692 : vector<16xf32>
      %iota3A_1694 = tpu.iota {dimensions = array<i32: 0>} : vector<16xi32>
      %add3A_1695 = arith.constant 16 : i32
      %add3A_1696 = vector.broadcast %add3A_1695 : i32 to vector<16xi32>
      %add3A_1697 = arith.addi %iota3A_1694, %add3A_1696 : vector<16xi32>
      %gather3A_1698 = arith.constant 4 : i32
      %gather3A_1699 = arith.constant 0 : i32
      %gather3A_1700 = arith.constant 0 : i32
      %gather3A_1701 = tpu.memref_slice %arg7[%gather3A_1698, %gather3A_1699, %gather3A_1700] : memref<8x64x128xf32, #tpu.memory_space<vmem>> -> memref<1x64x128xf32, #tpu.memory_space<vmem>>
      %gather3A_1702 = tpu.memref_squeeze %gather3A_1701 : memref<1x64x128xf32, #tpu.memory_space<vmem>> -> memref<64x128xf32, #tpu.memory_space<vmem>>
      %gather3A_1703 = tpu.vector_load_idx %gather3A_1702[%add3A_1697, %broadcast_in_dim3A_1663] : memref<64x128xf32, #tpu.memory_space<vmem>>[vector<16xi32>, vector<16xi32>], vector<16xf32>,
      %gather3A_1704 = tpu.vector_load_idx %arg8[%add3A_1697, %broadcast_in_dim3A_1670] : memref<64x256xf32, #tpu.memory_space<vmem>>[vector<16xi32>, vector<16xi32>], vector<16xf32>,
      %sub3A_1705 = arith.constant 1.000000e+00 : f32
      %sub3A_1706 = arith.subf %sub3A_1705, %convert_element_type3A_1674 : f32
      %mul3A_1707 = vector.broadcast %sub3A_1706 : f32 to vector<16xf32>
      %mul3A_1708 = arith.mulf %gather3A_1703, %mul3A_1707 : vector<16xf32>
      %add3A_1709 = arith.addf %mul3A_1604, %mul3A_1708 : vector<16xf32>
      %mul3A_1710 = vector.broadcast %convert_element_type3A_1674 : f32 to vector<16xf32>
      %mul3A_1711 = arith.mulf %gather3A_1704, %mul3A_1710 : vector<16xf32>
      %add3A_1712 = arith.addf %add3A_1709, %mul3A_1711 : vector<16xf32>
      %iota3A_1713 = tpu.iota {dimensions = array<i32: 0>} : vector<16xi32>
      %add3A_1714 = arith.constant 32 : i32
      %add3A_1715 = vector.broadcast %add3A_1714 : i32 to vector<16xi32>
      %add3A_1716 = arith.addi %iota3A_1713, %add3A_1715 : vector<16xi32>
      %gather3A_1717 = arith.constant 4 : i32
      %gather3A_1718 = arith.constant 0 : i32
      %gather3A_1719 = arith.constant 0 : i32
      %gather3A_1720 = tpu.memref_slice %arg7[%gather3A_1717, %gather3A_1718, %gather3A_1719] : memref<8x64x128xf32, #tpu.memory_space<vmem>> -> memref<1x64x128xf32, #tpu.memory_space<vmem>>
      %gather3A_1721 = tpu.memref_squeeze %gather3A_1720 : memref<1x64x128xf32, #tpu.memory_space<vmem>> -> memref<64x128xf32, #tpu.memory_space<vmem>>
      %gather3A_1722 = tpu.vector_load_idx %gather3A_1721[%add3A_1716, %broadcast_in_dim3A_1663] : memref<64x128xf32, #tpu.memory_space<vmem>>[vector<16xi32>, vector<16xi32>], vector<16xf32>,
      %gather3A_1723 = tpu.vector_load_idx %arg8[%add3A_1716, %broadcast_in_dim3A_1670] : memref<64x256xf32, #tpu.memory_space<vmem>>[vector<16xi32>, vector<16xi32>], vector<16xf32>,
      %sub3A_1724 = arith.constant 1.000000e+00 : f32
      %sub3A_1725 = arith.subf %sub3A_1724, %convert_element_type3A_1674 : f32
      %mul3A_1726 = vector.broadcast %sub3A_1725 : f32 to vector<16xf32>
      %mul3A_1727 = arith.mulf %gather3A_1722, %mul3A_1726 : vector<16xf32>
      %add3A_1728 = arith.addf %mul3A_1606, %mul3A_1727 : vector<16xf32>
      %mul3A_1729 = vector.broadcast %convert_element_type3A_1674 : f32 to vector<16xf32>
      %mul3A_1730 = arith.mulf %gather3A_1723, %mul3A_1729 : vector<16xf32>
      %add3A_1731 = arith.addf %add3A_1728, %mul3A_1730 : vector<16xf32>
      %iota3A_1732 = tpu.iota {dimensions = array<i32: 0>} : vector<16xi32>
      %add3A_1733 = arith.constant 48 : i32
      %add3A_1734 = vector.broadcast %add3A_1733 : i32 to vector<16xi32>
      %add3A_1735 = arith.addi %iota3A_1732, %add3A_1734 : vector<16xi32>
      %gather3A_1736 = arith.constant 4 : i32
      %gather3A_1737 = arith.constant 0 : i32
      %gather3A_1738 = arith.constant 0 : i32
      %gather3A_1739 = tpu.memref_slice %arg7[%gather3A_1736, %gather3A_1737, %gather3A_1738] : memref<8x64x128xf32, #tpu.memory_space<vmem>> -> memref<1x64x128xf32, #tpu.memory_space<vmem>>
      %gather3A_1740 = tpu.memref_squeeze %gather3A_1739 : memref<1x64x128xf32, #tpu.memory_space<vmem>> -> memref<64x128xf32, #tpu.memory_space<vmem>>
      %gather3A_1741 = tpu.vector_load_idx %gather3A_1740[%add3A_1735, %broadcast_in_dim3A_1663] : memref<64x128xf32, #tpu.memory_space<vmem>>[vector<16xi32>, vector<16xi32>], vector<16xf32>,
      %gather3A_1742 = tpu.vector_load_idx %arg8[%add3A_1735, %broadcast_in_dim3A_1670] : memref<64x256xf32, #tpu.memory_space<vmem>>[vector<16xi32>, vector<16xi32>], vector<16xf32>,
      %sub3A_1743 = arith.constant 1.000000e+00 : f32
      %sub3A_1744 = arith.subf %sub3A_1743, %convert_element_type3A_1674 : f32
      %mul3A_1745 = vector.broadcast %sub3A_1744 : f32 to vector<16xf32>
      %mul3A_1746 = arith.mulf %gather3A_1741, %mul3A_1745 : vector<16xf32>
      %add3A_1747 = arith.addf %mul3A_1608, %mul3A_1746 : vector<16xf32>
      %mul3A_1748 = vector.broadcast %convert_element_type3A_1674 : f32 to vector<16xf32>
      %mul3A_1749 = arith.mulf %gather3A_1742, %mul3A_1748 : vector<16xf32>
      %add3A_1750 = arith.addf %add3A_1747, %mul3A_1749 : vector<16xf32>
      %slice3A_1751 = vector.extract_strided_slice %scan3A_460 {offsets = [12], sizes = [1], strides = [1]} : vector<16xi32> to vector<1xi32>
      %squeeze3A_1752 = vector.extract %slice3A_1751[0] : i32 from vector<1xi32>
      %jit3A_1753 = arith.constant 128 : i32
      %div3A_1754 = arith.divsi %squeeze3A_1752, %jit3A_1753 : i32
      %sign3A_1755 = arith.constant 0 : i32
      %sign3A_1756 = arith.cmpi sgt, %squeeze3A_1752, %sign3A_1755 : i32
      %sign3A_1757 = arith.extui %sign3A_1756 : i1 to i32
      %sign3A_1758 = arith.constant 0 : i32
      %sign3A_1759 = arith.cmpi slt, %squeeze3A_1752, %sign3A_1758 : i32
      %sign3A_1760 = arith.extui %sign3A_1759 : i1 to i32
      %sign3A_1761 = arith.subi %sign3A_1757, %sign3A_1760 : i32
      %sign3A_1762 = arith.constant 0 : i32
      %sign3A_1763 = arith.cmpi sgt, %jit3A_1753, %sign3A_1762 : i32
      %sign3A_1764 = arith.extui %sign3A_1763 : i1 to i32
      %sign3A_1765 = arith.constant 0 : i32
      %sign3A_1766 = arith.cmpi slt, %jit3A_1753, %sign3A_1765 : i32
      %sign3A_1767 = arith.extui %sign3A_1766 : i1 to i32
      %sign3A_1768 = arith.subi %sign3A_1764, %sign3A_1767 : i32
      %ne3A_1769 = arith.cmpi ne, %sign3A_1761, %sign3A_1768 : i32
      %rem3A_1770 = arith.remsi %squeeze3A_1752, %jit3A_1753 : i32
      %ne3A_1771 = arith.constant 0 : i32
      %ne3A_1772 = arith.cmpi ne, %rem3A_1770, %ne3A_1771 : i32
      %and3A_1773 = arith.andi %ne3A_1769, %ne3A_1772 : i1
      %sub3A_1774 = arith.constant 1 : i32
      %sub3A_1775 = arith.subi %div3A_1754, %sub3A_1774 : i32
      %select_n3A_1776 = arith.select %and3A_1773, %sub3A_1775, %div3A_1754 : i32
      %min3A_1777 = arith.constant 7810 : i32
      %min3A_1778 = arith.minsi %select_n3A_1776, %min3A_1777 : i32
      %mul3A_1779 = arith.constant 128 : i32
      %mul3A_1780 = arith.muli %min3A_1778, %mul3A_1779 : i32
      %multiple_of3A_1781 = tpu.assume_multiple %mul3A_1780, 128 : i32
      %dma_start3A_1782 = arith.constant 4 : i32
      %dma_start3A_1783 = arith.constant 0 : i32
      %dma_start3A_1784 = arith.constant 0 : i32
      %dma_start3A_1785 = tpu.memref_slice %arg7[%dma_start3A_1782, %dma_start3A_1783, %dma_start3A_1784] : memref<8x64x128xf32, #tpu.memory_space<vmem>> -> memref<1x32x128xf32, #tpu.memory_space<vmem>>
      %dma_start3A_1786 = tpu.memref_squeeze %dma_start3A_1785 : memref<1x32x128xf32, #tpu.memory_space<vmem>> -> memref<32x128xf32, #tpu.memory_space<vmem>>
      %dma_start3A_1787 = arith.constant 0 : i32
      %dma_start3A_1788 = tpu.memref_slice %arg3[%dma_start3A_1787, %multiple_of3A_1781] : memref<64x1000000xf32, #tpu.memory_space<hbm>> -> memref<32x128xf32, #tpu.memory_space<hbm>>
      %dma_start3A_1789 = arith.constant 0 : i32
      %dma_start3A_1790 = arith.constant 0 : i32
      %dma_start3A_1791 = tpu.memref_slice %arg7[%dma_start3A_1782, %dma_start3A_1789, %dma_start3A_1790] : memref<8x64x128xf32, #tpu.memory_space<vmem>> -> memref<1x32x128xf32, #tpu.memory_space<vmem>>
      %dma_start3A_1792 = tpu.memref_squeeze %dma_start3A_1791 : memref<1x32x128xf32, #tpu.memory_space<vmem>> -> memref<32x128xf32, #tpu.memory_space<vmem>>
      %dma_start3A_1793 = arith.constant 0 : i32
      %dma_start3A_1794 = tpu.memref_slice %arg3[%dma_start3A_1793, %multiple_of3A_1781] : memref<64x1000000xf32, #tpu.memory_space<hbm>> -> memref<32x128xf32, #tpu.memory_space<hbm>>
      tpu.enqueue_dma source(%dma_start3A_1794 : memref<32x128xf32, #tpu.memory_space<hbm>>) target(%dma_start3A_1792 : memref<32x128xf32, #tpu.memory_space<vmem>>) target_semaphore(%arg14 : memref<!tpu.dma_semaphore, #tpu.memory_space<semaphore_mem>>)
      %dma_start3A_1795 = arith.constant 4 : i32
      %dma_start3A_1796 = arith.constant 32 : i32
      %dma_start3A_1797 = arith.constant 0 : i32
      %dma_start3A_1798 = tpu.memref_slice %arg7[%dma_start3A_1795, %dma_start3A_1796, %dma_start3A_1797] : memref<8x64x128xf32, #tpu.memory_space<vmem>> -> memref<1x32x128xf32, #tpu.memory_space<vmem>>
      %dma_start3A_1799 = tpu.memref_squeeze %dma_start3A_1798 : memref<1x32x128xf32, #tpu.memory_space<vmem>> -> memref<32x128xf32, #tpu.memory_space<vmem>>
      %dma_start3A_1800 = arith.constant 32 : i32
      %dma_start3A_1801 = tpu.memref_slice %arg3[%dma_start3A_1800, %multiple_of3A_1781] : memref<64x1000000xf32, #tpu.memory_space<hbm>> -> memref<32x128xf32, #tpu.memory_space<hbm>>
      %dma_start3A_1802 = arith.constant 32 : i32
      %dma_start3A_1803 = arith.constant 0 : i32
      %dma_start3A_1804 = tpu.memref_slice %arg7[%dma_start3A_1795, %dma_start3A_1802, %dma_start3A_1803] : memref<8x64x128xf32, #tpu.memory_space<vmem>> -> memref<1x32x128xf32, #tpu.memory_space<vmem>>
      %dma_start3A_1805 = tpu.memref_squeeze %dma_start3A_1804 : memref<1x32x128xf32, #tpu.memory_space<vmem>> -> memref<32x128xf32, #tpu.memory_space<vmem>>
      %dma_start3A_1806 = arith.constant 32 : i32
      %dma_start3A_1807 = tpu.memref_slice %arg3[%dma_start3A_1806, %multiple_of3A_1781] : memref<64x1000000xf32, #tpu.memory_space<hbm>> -> memref<32x128xf32, #tpu.memory_space<hbm>>
      tpu.enqueue_dma source(%dma_start3A_1807 : memref<32x128xf32, #tpu.memory_space<hbm>>) target(%dma_start3A_1805 : memref<32x128xf32, #tpu.memory_space<vmem>>) target_semaphore(%arg14 : memref<!tpu.dma_semaphore, #tpu.memory_space<semaphore_mem>>)
      %jit3A_1808 = arith.constant 20 : i32
      %div3A_1809 = arith.divsi %add3A_1614, %jit3A_1808 : i32
      %sign3A_1810 = arith.constant 0 : i32
      %sign3A_1811 = arith.cmpi sgt, %add3A_1614, %sign3A_1810 : i32
      %sign3A_1812 = arith.extui %sign3A_1811 : i1 to i32
      %sign3A_1813 = arith.constant 0 : i32
      %sign3A_1814 = arith.cmpi slt, %add3A_1614, %sign3A_1813 : i32
      %sign3A_1815 = arith.extui %sign3A_1814 : i1 to i32
      %sign3A_1816 = arith.subi %sign3A_1812, %sign3A_1815 : i32
      %sign3A_1817 = arith.constant 0 : i32
      %sign3A_1818 = arith.cmpi sgt, %jit3A_1808, %sign3A_1817 : i32
      %sign3A_1819 = arith.extui %sign3A_1818 : i1 to i32
      %sign3A_1820 = arith.constant 0 : i32
      %sign3A_1821 = arith.cmpi slt, %jit3A_1808, %sign3A_1820 : i32
      %sign3A_1822 = arith.extui %sign3A_1821 : i1 to i32
      %sign3A_1823 = arith.subi %sign3A_1819, %sign3A_1822 : i32
      %ne3A_1824 = arith.cmpi ne, %sign3A_1816, %sign3A_1823 : i32
      %rem3A_1825 = arith.remsi %add3A_1614, %jit3A_1808 : i32
      %ne3A_1826 = arith.constant 0 : i32
      %ne3A_1827 = arith.cmpi ne, %rem3A_1825, %ne3A_1826 : i32
      %and3A_1828 = arith.andi %ne3A_1824, %ne3A_1827 : i1
      %sub3A_1829 = arith.constant 1 : i32
      %sub3A_1830 = arith.subi %div3A_1809, %sub3A_1829 : i32
      %select_n3A_1831 = arith.select %and3A_1828, %sub3A_1830, %div3A_1809 : i32
      %mul3A_1832 = arith.constant 5.000000e-02 : f32
      %mul3A_1833 = vector.broadcast %mul3A_1832 : f32 to vector<16xf32>
      %mul3A_1834 = arith.mulf %add3A_1693, %mul3A_1833 : vector<16xf32>
      %swap3A_1835 = arith.index_cast %select_n3A_1831 : i32 to index
      %swap3A_1836 = arith.constant 0 : index
      %swap3A_1837 = tpu.vector_load %arg9[%swap3A_1835, %swap3A_1836] {strides = array<i32>} : memref<32x128xf32, #tpu.memory_space<vmem>>, vector<16xf32>,
      tpu.vector_store %arg9[%swap3A_1835, %swap3A_1836], %mul3A_1834 {strides = array<i32>} : memref<32x128xf32, #tpu.memory_space<vmem>>, vector<16xf32>,
      %mul3A_1838 = arith.constant 5.000000e-02 : f32
      %mul3A_1839 = vector.broadcast %mul3A_1838 : f32 to vector<16xf32>
      %mul3A_1840 = arith.mulf %add3A_1712, %mul3A_1839 : vector<16xf32>
      %swap3A_1841 = arith.index_cast %select_n3A_1831 : i32 to index
      %swap3A_1842 = arith.constant 16 : index
      %swap3A_1843 = tpu.vector_load %arg9[%swap3A_1841, %swap3A_1842] {strides = array<i32>} : memref<32x128xf32, #tpu.memory_space<vmem>>, vector<16xf32>,
      tpu.vector_store %arg9[%swap3A_1841, %swap3A_1842], %mul3A_1840 {strides = array<i32>} : memref<32x128xf32, #tpu.memory_space<vmem>>, vector<16xf32>,
      %mul3A_1844 = arith.constant 5.000000e-02 : f32
      %mul3A_1845 = vector.broadcast %mul3A_1844 : f32 to vector<16xf32>
      %mul3A_1846 = arith.mulf %add3A_1731, %mul3A_1845 : vector<16xf32>
      %swap3A_1847 = arith.index_cast %select_n3A_1831 : i32 to index
      %swap3A_1848 = arith.constant 32 : index
      %swap3A_1849 = tpu.vector_load %arg9[%swap3A_1847, %swap3A_1848] {strides = array<i32>} : memref<32x128xf32, #tpu.memory_space<vmem>>, vector<16xf32>,
      tpu.vector_store %arg9[%swap3A_1847, %swap3A_1848], %mul3A_1846 {strides = array<i32>} : memref<32x128xf32, #tpu.memory_space<vmem>>, vector<16xf32>,
      %mul3A_1850 = arith.constant 5.000000e-02 : f32
      %mul3A_1851 = vector.broadcast %mul3A_1850 : f32 to vector<16xf32>
      %mul3A_1852 = arith.mulf %add3A_1750, %mul3A_1851 : vector<16xf32>
      %swap3A_1853 = arith.index_cast %select_n3A_1831 : i32 to index
      %swap3A_1854 = arith.constant 48 : index
      %swap3A_1855 = tpu.vector_load %arg9[%swap3A_1853, %swap3A_1854] {strides = array<i32>} : memref<32x128xf32, #tpu.memory_space<vmem>>, vector<16xf32>,
      tpu.vector_store %arg9[%swap3A_1853, %swap3A_1854], %mul3A_1852 {strides = array<i32>} : memref<32x128xf32, #tpu.memory_space<vmem>>, vector<16xf32>,
      %jit3A_1856 = arith.constant 20 : i32
      %eq3A_1857 = arith.constant 0 : i32
      %eq3A_1858 = arith.cmpi eq, %jit3A_1856, %eq3A_1857 : i32
      %jit3A_1859 = arith.constant 1 : i32
      %select_n3A_1860 = arith.select %eq3A_1858, %jit3A_1859, %jit3A_1856 : i32
      %rem3A_1861 = arith.remsi %add3A_1614, %select_n3A_1860 : i32
      %ne3A_1862 = arith.constant 0 : i32
      %ne3A_1863 = arith.cmpi ne, %rem3A_1861, %ne3A_1862 : i32
      %lt3A_1864 = arith.constant 0 : i32
      %lt3A_1865 = arith.cmpi slt, %rem3A_1861, %lt3A_1864 : i32
      %lt3A_1866 = arith.constant 0 : i32
      %lt3A_1867 = arith.cmpi slt, %select_n3A_1860, %lt3A_1866 : i32
      %ne3A_1868 = arith.xori %lt3A_1865, %lt3A_1867 : i1
      %and3A_1869 = arith.andi %ne3A_1868, %ne3A_1863 : i1
      %add3A_1870 = arith.addi %rem3A_1861, %select_n3A_1860 : i32
      %select_n3A_1871 = arith.select %and3A_1869, %add3A_1870, %rem3A_1861 : i32
      %eq3A_1872 = arith.constant 19 : i32
      %eq3A_1873 = arith.cmpi eq, %select_n3A_1871, %eq3A_1872 : i32
      %convert_element_type3A_1874 = arith.extui %eq3A_1873 : i1 to i32
      %convert_element_type3A_1875 = arith.sitofp %convert_element_type3A_1874 : i32 to f32
      %sub3A_1876 = arith.constant 1.000000e+00 : f32
      %sub3A_1877 = arith.subf %sub3A_1876, %convert_element_type3A_1875 : f32
      %mul3A_1878 = vector.broadcast %sub3A_1877 : f32 to vector<16xf32>
      %mul3A_1879 = arith.mulf %add3A_1693, %mul3A_1878 : vector<16xf32>
      %mul3A_1880 = vector.broadcast %sub3A_1877 : f32 to vector<16xf32>
      %mul3A_1881 = arith.mulf %add3A_1712, %mul3A_1880 : vector<16xf32>
      %mul3A_1882 = vector.broadcast %sub3A_1877 : f32 to vector<16xf32>
      %mul3A_1883 = arith.mulf %add3A_1731, %mul3A_1882 : vector<16xf32>
      %mul3A_1884 = vector.broadcast %sub3A_1877 : f32 to vector<16xf32>
      %mul3A_1885 = arith.mulf %add3A_1750, %mul3A_1884 : vector<16xf32>
      %mul3A_1886 = arith.constant 16 : i32
      %mul3A_1887 = arith.muli %scan3A_455, %mul3A_1886 : i32
      %add3A_1888 = arith.constant 0 : i32
      %add3A_1889 = arith.addi %mul3A_1887, %add3A_1888 : i32
      %add3A_1890 = arith.constant 5 : i32
      %add3A_1891 = arith.addi %add3A_1889, %add3A_1890 : i32
      %dma_wait3A_1892 = arith.constant 5 : i32
      %dma_wait3A_1893 = arith.constant 0 : i32
      %dma_wait3A_1894 = arith.constant 0 : i32
      %dma_wait3A_1895 = tpu.memref_slice %arg7[%dma_wait3A_1892, %dma_wait3A_1893, %dma_wait3A_1894] : memref<8x64x128xf32, #tpu.memory_space<vmem>> -> memref<1x64x128xf32, #tpu.memory_space<vmem>>
      %dma_wait3A_1896 = tpu.memref_squeeze %dma_wait3A_1895 : memref<1x64x128xf32, #tpu.memory_space<vmem>> -> memref<64x128xf32, #tpu.memory_space<vmem>>
      %dma_wait3A_1897 = arith.constant 0 : i32
      %dma_wait3A_1898 = arith.constant 0 : i32
      %dma_wait3A_1899 = tpu.memref_slice %arg3[%dma_wait3A_1897, %dma_wait3A_1898] : memref<64x1000000xf32, #tpu.memory_space<hbm>> -> memref<64x128xf32, #tpu.memory_space<hbm>>
      %dma_wait3A_1900 = arith.constant 0 : i32
      %dma_wait3A_1901 = arith.constant 0 : i32
      %dma_wait3A_1902 = tpu.memref_slice %arg7[%dma_wait3A_1892, %dma_wait3A_1900, %dma_wait3A_1901] : memref<8x64x128xf32, #tpu.memory_space<vmem>> -> memref<1x64x128xf32, #tpu.memory_space<vmem>>
      %dma_wait3A_1903 = tpu.memref_squeeze %dma_wait3A_1902 : memref<1x64x128xf32, #tpu.memory_space<vmem>> -> memref<64x128xf32, #tpu.memory_space<vmem>>
      %dma_wait3A_1904 = arith.constant 0 : i32
      %dma_wait3A_1905 = arith.constant 0 : i32
      %dma_wait3A_1906 = tpu.memref_slice %arg3[%dma_wait3A_1904, %dma_wait3A_1905] : memref<64x1000000xf32, #tpu.memory_space<hbm>> -> memref<64x128xf32, #tpu.memory_space<hbm>>
      tpu.wait_dma2 semaphore(%arg15 : memref<!tpu.dma_semaphore, #tpu.memory_space<semaphore_mem>>) src(%dma_wait3A_1906 : memref<64x128xf32, #tpu.memory_space<hbm>>) dst(%dma_wait3A_1903 : memref<64x128xf32, #tpu.memory_space<vmem>>)
      %slice3A_1907 = vector.extract_strided_slice %scan3A_460 {offsets = [5], sizes = [1], strides = [1]} : vector<16xi32> to vector<1xi32>
      %squeeze3A_1908 = vector.extract %slice3A_1907[0] : i32 from vector<1xi32>
      %jit3A_1909 = arith.constant 128 : i32
      %div3A_1910 = arith.divsi %squeeze3A_1908, %jit3A_1909 : i32
      %sign3A_1911 = arith.constant 0 : i32
      %sign3A_1912 = arith.cmpi sgt, %squeeze3A_1908, %sign3A_1911 : i32
      %sign3A_1913 = arith.extui %sign3A_1912 : i1 to i32
      %sign3A_1914 = arith.constant 0 : i32
      %sign3A_1915 = arith.cmpi slt, %squeeze3A_1908, %sign3A_1914 : i32
      %sign3A_1916 = arith.extui %sign3A_1915 : i1 to i32
      %sign3A_1917 = arith.subi %sign3A_1913, %sign3A_1916 : i32
      %sign3A_1918 = arith.constant 0 : i32
      %sign3A_1919 = arith.cmpi sgt, %jit3A_1909, %sign3A_1918 : i32
      %sign3A_1920 = arith.extui %sign3A_1919 : i1 to i32
      %sign3A_1921 = arith.constant 0 : i32
      %sign3A_1922 = arith.cmpi slt, %jit3A_1909, %sign3A_1921 : i32
      %sign3A_1923 = arith.extui %sign3A_1922 : i1 to i32
      %sign3A_1924 = arith.subi %sign3A_1920, %sign3A_1923 : i32
      %ne3A_1925 = arith.cmpi ne, %sign3A_1917, %sign3A_1924 : i32
      %rem3A_1926 = arith.remsi %squeeze3A_1908, %jit3A_1909 : i32
      %ne3A_1927 = arith.constant 0 : i32
      %ne3A_1928 = arith.cmpi ne, %rem3A_1926, %ne3A_1927 : i32
      %and3A_1929 = arith.andi %ne3A_1925, %ne3A_1928 : i1
      %sub3A_1930 = arith.constant 1 : i32
      %sub3A_1931 = arith.subi %div3A_1910, %sub3A_1930 : i32
      %select_n3A_1932 = arith.select %and3A_1929, %sub3A_1931, %div3A_1910 : i32
      %min3A_1933 = arith.constant 7810 : i32
      %min3A_1934 = arith.minsi %select_n3A_1932, %min3A_1933 : i32
      %mul3A_1935 = arith.constant 128 : i32
      %mul3A_1936 = arith.muli %min3A_1934, %mul3A_1935 : i32
      %sub3A_1937 = arith.subi %squeeze3A_1908, %mul3A_1936 : i32
      %min3A_1938 = arith.constant 127 : i32
      %min3A_1939 = arith.minsi %sub3A_1937, %min3A_1938 : i32
      %broadcast_in_dim3A_1940 = vector.broadcast %min3A_1939 : i32 to vector<16xi32>
      %sub3A_1941 = arith.constant 999744 : i32
      %sub3A_1942 = arith.subi %squeeze3A_1908, %sub3A_1941 : i32
      %jit3A_1943 = arith.constant 0 : i32
      %jit3A_1944 = arith.constant 255 : i32
      %max3A_1945 = arith.maxsi %jit3A_1943, %sub3A_1942 : i32
      %min3A_1946 = arith.minsi %jit3A_1944, %max3A_1945 : i32
      %broadcast_in_dim3A_1947 = vector.broadcast %min3A_1946 : i32 to vector<16xi32>
      %ge3A_1948 = arith.constant 999808 : i32
      %ge3A_1949 = arith.cmpi sge, %squeeze3A_1908, %ge3A_1948 : i32
      %convert_element_type3A_1950 = arith.extui %ge3A_1949 : i1 to i32
      %convert_element_type3A_1951 = arith.sitofp %convert_element_type3A_1950 : i32 to f32
      %iota3A_1952 = tpu.iota {dimensions = array<i32: 0>} : vector<16xi32>
      %add3A_1953 = arith.constant 0 : i32
      %add3A_1954 = vector.broadcast %add3A_1953 : i32 to vector<16xi32>
      %add3A_1955 = arith.addi %iota3A_1952, %add3A_1954 : vector<16xi32>
      %gather3A_1956 = arith.constant 5 : i32
      %gather3A_1957 = arith.constant 0 : i32
      %gather3A_1958 = arith.constant 0 : i32
      %gather3A_1959 = tpu.memref_slice %arg7[%gather3A_1956, %gather3A_1957, %gather3A_1958] : memref<8x64x128xf32, #tpu.memory_space<vmem>> -> memref<1x64x128xf32, #tpu.memory_space<vmem>>
      %gather3A_1960 = tpu.memref_squeeze %gather3A_1959 : memref<1x64x128xf32, #tpu.memory_space<vmem>> -> memref<64x128xf32, #tpu.memory_space<vmem>>
      %gather3A_1961 = tpu.vector_load_idx %gather3A_1960[%add3A_1955, %broadcast_in_dim3A_1940] : memref<64x128xf32, #tpu.memory_space<vmem>>[vector<16xi32>, vector<16xi32>], vector<16xf32>,
      %gather3A_1962 = tpu.vector_load_idx %arg8[%add3A_1955, %broadcast_in_dim3A_1947] : memref<64x256xf32, #tpu.memory_space<vmem>>[vector<16xi32>, vector<16xi32>], vector<16xf32>,
      %sub3A_1963 = arith.constant 1.000000e+00 : f32
      %sub3A_1964 = arith.subf %sub3A_1963, %convert_element_type3A_1951 : f32
      %mul3A_1965 = vector.broadcast %sub3A_1964 : f32 to vector<16xf32>
      %mul3A_1966 = arith.mulf %gather3A_1961, %mul3A_1965 : vector<16xf32>
      %add3A_1967 = arith.addf %mul3A_1879, %mul3A_1966 : vector<16xf32>
      %mul3A_1968 = vector.broadcast %convert_element_type3A_1951 : f32 to vector<16xf32>
      %mul3A_1969 = arith.mulf %gather3A_1962, %mul3A_1968 : vector<16xf32>
      %add3A_1970 = arith.addf %add3A_1967, %mul3A_1969 : vector<16xf32>
      %iota3A_1971 = tpu.iota {dimensions = array<i32: 0>} : vector<16xi32>
      %add3A_1972 = arith.constant 16 : i32
      %add3A_1973 = vector.broadcast %add3A_1972 : i32 to vector<16xi32>
      %add3A_1974 = arith.addi %iota3A_1971, %add3A_1973 : vector<16xi32>
      %gather3A_1975 = arith.constant 5 : i32
      %gather3A_1976 = arith.constant 0 : i32
      %gather3A_1977 = arith.constant 0 : i32
      %gather3A_1978 = tpu.memref_slice %arg7[%gather3A_1975, %gather3A_1976, %gather3A_1977] : memref<8x64x128xf32, #tpu.memory_space<vmem>> -> memref<1x64x128xf32, #tpu.memory_space<vmem>>
      %gather3A_1979 = tpu.memref_squeeze %gather3A_1978 : memref<1x64x128xf32, #tpu.memory_space<vmem>> -> memref<64x128xf32, #tpu.memory_space<vmem>>
      %gather3A_1980 = tpu.vector_load_idx %gather3A_1979[%add3A_1974, %broadcast_in_dim3A_1940] : memref<64x128xf32, #tpu.memory_space<vmem>>[vector<16xi32>, vector<16xi32>], vector<16xf32>,
      %gather3A_1981 = tpu.vector_load_idx %arg8[%add3A_1974, %broadcast_in_dim3A_1947] : memref<64x256xf32, #tpu.memory_space<vmem>>[vector<16xi32>, vector<16xi32>], vector<16xf32>,
      %sub3A_1982 = arith.constant 1.000000e+00 : f32
      %sub3A_1983 = arith.subf %sub3A_1982, %convert_element_type3A_1951 : f32
      %mul3A_1984 = vector.broadcast %sub3A_1983 : f32 to vector<16xf32>
      %mul3A_1985 = arith.mulf %gather3A_1980, %mul3A_1984 : vector<16xf32>
      %add3A_1986 = arith.addf %mul3A_1881, %mul3A_1985 : vector<16xf32>
      %mul3A_1987 = vector.broadcast %convert_element_type3A_1951 : f32 to vector<16xf32>
      %mul3A_1988 = arith.mulf %gather3A_1981, %mul3A_1987 : vector<16xf32>
      %add3A_1989 = arith.addf %add3A_1986, %mul3A_1988 : vector<16xf32>
      %iota3A_1990 = tpu.iota {dimensions = array<i32: 0>} : vector<16xi32>
      %add3A_1991 = arith.constant 32 : i32
      %add3A_1992 = vector.broadcast %add3A_1991 : i32 to vector<16xi32>
      %add3A_1993 = arith.addi %iota3A_1990, %add3A_1992 : vector<16xi32>
      %gather3A_1994 = arith.constant 5 : i32
      %gather3A_1995 = arith.constant 0 : i32
      %gather3A_1996 = arith.constant 0 : i32
      %gather3A_1997 = tpu.memref_slice %arg7[%gather3A_1994, %gather3A_1995, %gather3A_1996] : memref<8x64x128xf32, #tpu.memory_space<vmem>> -> memref<1x64x128xf32, #tpu.memory_space<vmem>>
      %gather3A_1998 = tpu.memref_squeeze %gather3A_1997 : memref<1x64x128xf32, #tpu.memory_space<vmem>> -> memref<64x128xf32, #tpu.memory_space<vmem>>
      %gather3A_1999 = tpu.vector_load_idx %gather3A_1998[%add3A_1993, %broadcast_in_dim3A_1940] : memref<64x128xf32, #tpu.memory_space<vmem>>[vector<16xi32>, vector<16xi32>], vector<16xf32>,
      %gather3A_2000 = tpu.vector_load_idx %arg8[%add3A_1993, %broadcast_in_dim3A_1947] : memref<64x256xf32, #tpu.memory_space<vmem>>[vector<16xi32>, vector<16xi32>], vector<16xf32>,
      %sub3A_2001 = arith.constant 1.000000e+00 : f32
      %sub3A_2002 = arith.subf %sub3A_2001, %convert_element_type3A_1951 : f32
      %mul3A_2003 = vector.broadcast %sub3A_2002 : f32 to vector<16xf32>
      %mul3A_2004 = arith.mulf %gather3A_1999, %mul3A_2003 : vector<16xf32>
      %add3A_2005 = arith.addf %mul3A_1883, %mul3A_2004 : vector<16xf32>
      %mul3A_2006 = vector.broadcast %convert_element_type3A_1951 : f32 to vector<16xf32>
      %mul3A_2007 = arith.mulf %gather3A_2000, %mul3A_2006 : vector<16xf32>
      %add3A_2008 = arith.addf %add3A_2005, %mul3A_2007 : vector<16xf32>
      %iota3A_2009 = tpu.iota {dimensions = array<i32: 0>} : vector<16xi32>
      %add3A_2010 = arith.constant 48 : i32
      %add3A_2011 = vector.broadcast %add3A_2010 : i32 to vector<16xi32>
      %add3A_2012 = arith.addi %iota3A_2009, %add3A_2011 : vector<16xi32>
      %gather3A_2013 = arith.constant 5 : i32
      %gather3A_2014 = arith.constant 0 : i32
      %gather3A_2015 = arith.constant 0 : i32
      %gather3A_2016 = tpu.memref_slice %arg7[%gather3A_2013, %gather3A_2014, %gather3A_2015] : memref<8x64x128xf32, #tpu.memory_space<vmem>> -> memref<1x64x128xf32, #tpu.memory_space<vmem>>
      %gather3A_2017 = tpu.memref_squeeze %gather3A_2016 : memref<1x64x128xf32, #tpu.memory_space<vmem>> -> memref<64x128xf32, #tpu.memory_space<vmem>>
      %gather3A_2018 = tpu.vector_load_idx %gather3A_2017[%add3A_2012, %broadcast_in_dim3A_1940] : memref<64x128xf32, #tpu.memory_space<vmem>>[vector<16xi32>, vector<16xi32>], vector<16xf32>,
      %gather3A_2019 = tpu.vector_load_idx %arg8[%add3A_2012, %broadcast_in_dim3A_1947] : memref<64x256xf32, #tpu.memory_space<vmem>>[vector<16xi32>, vector<16xi32>], vector<16xf32>,
      %sub3A_2020 = arith.constant 1.000000e+00 : f32
      %sub3A_2021 = arith.subf %sub3A_2020, %convert_element_type3A_1951 : f32
      %mul3A_2022 = vector.broadcast %sub3A_2021 : f32 to vector<16xf32>
      %mul3A_2023 = arith.mulf %gather3A_2018, %mul3A_2022 : vector<16xf32>
      %add3A_2024 = arith.addf %mul3A_1885, %mul3A_2023 : vector<16xf32>
      %mul3A_2025 = vector.broadcast %convert_element_type3A_1951 : f32 to vector<16xf32>
      %mul3A_2026 = arith.mulf %gather3A_2019, %mul3A_2025 : vector<16xf32>
      %add3A_2027 = arith.addf %add3A_2024, %mul3A_2026 : vector<16xf32>
      %slice3A_2028 = vector.extract_strided_slice %scan3A_460 {offsets = [13], sizes = [1], strides = [1]} : vector<16xi32> to vector<1xi32>
      %squeeze3A_2029 = vector.extract %slice3A_2028[0] : i32 from vector<1xi32>
      %jit3A_2030 = arith.constant 128 : i32
      %div3A_2031 = arith.divsi %squeeze3A_2029, %jit3A_2030 : i32
      %sign3A_2032 = arith.constant 0 : i32
      %sign3A_2033 = arith.cmpi sgt, %squeeze3A_2029, %sign3A_2032 : i32
      %sign3A_2034 = arith.extui %sign3A_2033 : i1 to i32
      %sign3A_2035 = arith.constant 0 : i32
      %sign3A_2036 = arith.cmpi slt, %squeeze3A_2029, %sign3A_2035 : i32
      %sign3A_2037 = arith.extui %sign3A_2036 : i1 to i32
      %sign3A_2038 = arith.subi %sign3A_2034, %sign3A_2037 : i32
      %sign3A_2039 = arith.constant 0 : i32
      %sign3A_2040 = arith.cmpi sgt, %jit3A_2030, %sign3A_2039 : i32
      %sign3A_2041 = arith.extui %sign3A_2040 : i1 to i32
      %sign3A_2042 = arith.constant 0 : i32
      %sign3A_2043 = arith.cmpi slt, %jit3A_2030, %sign3A_2042 : i32
      %sign3A_2044 = arith.extui %sign3A_2043 : i1 to i32
      %sign3A_2045 = arith.subi %sign3A_2041, %sign3A_2044 : i32
      %ne3A_2046 = arith.cmpi ne, %sign3A_2038, %sign3A_2045 : i32
      %rem3A_2047 = arith.remsi %squeeze3A_2029, %jit3A_2030 : i32
      %ne3A_2048 = arith.constant 0 : i32
      %ne3A_2049 = arith.cmpi ne, %rem3A_2047, %ne3A_2048 : i32
      %and3A_2050 = arith.andi %ne3A_2046, %ne3A_2049 : i1
      %sub3A_2051 = arith.constant 1 : i32
      %sub3A_2052 = arith.subi %div3A_2031, %sub3A_2051 : i32
      %select_n3A_2053 = arith.select %and3A_2050, %sub3A_2052, %div3A_2031 : i32
      %min3A_2054 = arith.constant 7810 : i32
      %min3A_2055 = arith.minsi %select_n3A_2053, %min3A_2054 : i32
      %mul3A_2056 = arith.constant 128 : i32
      %mul3A_2057 = arith.muli %min3A_2055, %mul3A_2056 : i32
      %multiple_of3A_2058 = tpu.assume_multiple %mul3A_2057, 128 : i32
      %dma_start3A_2059 = arith.constant 5 : i32
      %dma_start3A_2060 = arith.constant 0 : i32
      %dma_start3A_2061 = arith.constant 0 : i32
      %dma_start3A_2062 = tpu.memref_slice %arg7[%dma_start3A_2059, %dma_start3A_2060, %dma_start3A_2061] : memref<8x64x128xf32, #tpu.memory_space<vmem>> -> memref<1x32x128xf32, #tpu.memory_space<vmem>>
      %dma_start3A_2063 = tpu.memref_squeeze %dma_start3A_2062 : memref<1x32x128xf32, #tpu.memory_space<vmem>> -> memref<32x128xf32, #tpu.memory_space<vmem>>
      %dma_start3A_2064 = arith.constant 0 : i32
      %dma_start3A_2065 = tpu.memref_slice %arg3[%dma_start3A_2064, %multiple_of3A_2058] : memref<64x1000000xf32, #tpu.memory_space<hbm>> -> memref<32x128xf32, #tpu.memory_space<hbm>>
      %dma_start3A_2066 = arith.constant 0 : i32
      %dma_start3A_2067 = arith.constant 0 : i32
      %dma_start3A_2068 = tpu.memref_slice %arg7[%dma_start3A_2059, %dma_start3A_2066, %dma_start3A_2067] : memref<8x64x128xf32, #tpu.memory_space<vmem>> -> memref<1x32x128xf32, #tpu.memory_space<vmem>>
      %dma_start3A_2069 = tpu.memref_squeeze %dma_start3A_2068 : memref<1x32x128xf32, #tpu.memory_space<vmem>> -> memref<32x128xf32, #tpu.memory_space<vmem>>
      %dma_start3A_2070 = arith.constant 0 : i32
      %dma_start3A_2071 = tpu.memref_slice %arg3[%dma_start3A_2070, %multiple_of3A_2058] : memref<64x1000000xf32, #tpu.memory_space<hbm>> -> memref<32x128xf32, #tpu.memory_space<hbm>>
      tpu.enqueue_dma source(%dma_start3A_2071 : memref<32x128xf32, #tpu.memory_space<hbm>>) target(%dma_start3A_2069 : memref<32x128xf32, #tpu.memory_space<vmem>>) target_semaphore(%arg15 : memref<!tpu.dma_semaphore, #tpu.memory_space<semaphore_mem>>)
      %dma_start3A_2072 = arith.constant 5 : i32
      %dma_start3A_2073 = arith.constant 32 : i32
      %dma_start3A_2074 = arith.constant 0 : i32
      %dma_start3A_2075 = tpu.memref_slice %arg7[%dma_start3A_2072, %dma_start3A_2073, %dma_start3A_2074] : memref<8x64x128xf32, #tpu.memory_space<vmem>> -> memref<1x32x128xf32, #tpu.memory_space<vmem>>
      %dma_start3A_2076 = tpu.memref_squeeze %dma_start3A_2075 : memref<1x32x128xf32, #tpu.memory_space<vmem>> -> memref<32x128xf32, #tpu.memory_space<vmem>>
      %dma_start3A_2077 = arith.constant 32 : i32
      %dma_start3A_2078 = tpu.memref_slice %arg3[%dma_start3A_2077, %multiple_of3A_2058] : memref<64x1000000xf32, #tpu.memory_space<hbm>> -> memref<32x128xf32, #tpu.memory_space<hbm>>
      %dma_start3A_2079 = arith.constant 32 : i32
      %dma_start3A_2080 = arith.constant 0 : i32
      %dma_start3A_2081 = tpu.memref_slice %arg7[%dma_start3A_2072, %dma_start3A_2079, %dma_start3A_2080] : memref<8x64x128xf32, #tpu.memory_space<vmem>> -> memref<1x32x128xf32, #tpu.memory_space<vmem>>
      %dma_start3A_2082 = tpu.memref_squeeze %dma_start3A_2081 : memref<1x32x128xf32, #tpu.memory_space<vmem>> -> memref<32x128xf32, #tpu.memory_space<vmem>>
      %dma_start3A_2083 = arith.constant 32 : i32
      %dma_start3A_2084 = tpu.memref_slice %arg3[%dma_start3A_2083, %multiple_of3A_2058] : memref<64x1000000xf32, #tpu.memory_space<hbm>> -> memref<32x128xf32, #tpu.memory_space<hbm>>
      tpu.enqueue_dma source(%dma_start3A_2084 : memref<32x128xf32, #tpu.memory_space<hbm>>) target(%dma_start3A_2082 : memref<32x128xf32, #tpu.memory_space<vmem>>) target_semaphore(%arg15 : memref<!tpu.dma_semaphore, #tpu.memory_space<semaphore_mem>>)
      %jit3A_2085 = arith.constant 20 : i32
      %div3A_2086 = arith.divsi %add3A_1891, %jit3A_2085 : i32
      %sign3A_2087 = arith.constant 0 : i32
      %sign3A_2088 = arith.cmpi sgt, %add3A_1891, %sign3A_2087 : i32
      %sign3A_2089 = arith.extui %sign3A_2088 : i1 to i32
      %sign3A_2090 = arith.constant 0 : i32
      %sign3A_2091 = arith.cmpi slt, %add3A_1891, %sign3A_2090 : i32
      %sign3A_2092 = arith.extui %sign3A_2091 : i1 to i32
      %sign3A_2093 = arith.subi %sign3A_2089, %sign3A_2092 : i32
      %sign3A_2094 = arith.constant 0 : i32
      %sign3A_2095 = arith.cmpi sgt, %jit3A_2085, %sign3A_2094 : i32
      %sign3A_2096 = arith.extui %sign3A_2095 : i1 to i32
      %sign3A_2097 = arith.constant 0 : i32
      %sign3A_2098 = arith.cmpi slt, %jit3A_2085, %sign3A_2097 : i32
      %sign3A_2099 = arith.extui %sign3A_2098 : i1 to i32
      %sign3A_2100 = arith.subi %sign3A_2096, %sign3A_2099 : i32
      %ne3A_2101 = arith.cmpi ne, %sign3A_2093, %sign3A_2100 : i32
      %rem3A_2102 = arith.remsi %add3A_1891, %jit3A_2085 : i32
      %ne3A_2103 = arith.constant 0 : i32
      %ne3A_2104 = arith.cmpi ne, %rem3A_2102, %ne3A_2103 : i32
      %and3A_2105 = arith.andi %ne3A_2101, %ne3A_2104 : i1
      %sub3A_2106 = arith.constant 1 : i32
      %sub3A_2107 = arith.subi %div3A_2086, %sub3A_2106 : i32
      %select_n3A_2108 = arith.select %and3A_2105, %sub3A_2107, %div3A_2086 : i32
      %mul3A_2109 = arith.constant 5.000000e-02 : f32
      %mul3A_2110 = vector.broadcast %mul3A_2109 : f32 to vector<16xf32>
      %mul3A_2111 = arith.mulf %add3A_1970, %mul3A_2110 : vector<16xf32>
      %swap3A_2112 = arith.index_cast %select_n3A_2108 : i32 to index
      %swap3A_2113 = arith.constant 0 : index
      %swap3A_2114 = tpu.vector_load %arg9[%swap3A_2112, %swap3A_2113] {strides = array<i32>} : memref<32x128xf32, #tpu.memory_space<vmem>>, vector<16xf32>,
      tpu.vector_store %arg9[%swap3A_2112, %swap3A_2113], %mul3A_2111 {strides = array<i32>} : memref<32x128xf32, #tpu.memory_space<vmem>>, vector<16xf32>,
      %mul3A_2115 = arith.constant 5.000000e-02 : f32
      %mul3A_2116 = vector.broadcast %mul3A_2115 : f32 to vector<16xf32>
      %mul3A_2117 = arith.mulf %add3A_1989, %mul3A_2116 : vector<16xf32>
      %swap3A_2118 = arith.index_cast %select_n3A_2108 : i32 to index
      %swap3A_2119 = arith.constant 16 : index
      %swap3A_2120 = tpu.vector_load %arg9[%swap3A_2118, %swap3A_2119] {strides = array<i32>} : memref<32x128xf32, #tpu.memory_space<vmem>>, vector<16xf32>,
      tpu.vector_store %arg9[%swap3A_2118, %swap3A_2119], %mul3A_2117 {strides = array<i32>} : memref<32x128xf32, #tpu.memory_space<vmem>>, vector<16xf32>,
      %mul3A_2121 = arith.constant 5.000000e-02 : f32
      %mul3A_2122 = vector.broadcast %mul3A_2121 : f32 to vector<16xf32>
      %mul3A_2123 = arith.mulf %add3A_2008, %mul3A_2122 : vector<16xf32>
      %swap3A_2124 = arith.index_cast %select_n3A_2108 : i32 to index
      %swap3A_2125 = arith.constant 32 : index
      %swap3A_2126 = tpu.vector_load %arg9[%swap3A_2124, %swap3A_2125] {strides = array<i32>} : memref<32x128xf32, #tpu.memory_space<vmem>>, vector<16xf32>,
      tpu.vector_store %arg9[%swap3A_2124, %swap3A_2125], %mul3A_2123 {strides = array<i32>} : memref<32x128xf32, #tpu.memory_space<vmem>>, vector<16xf32>,
      %mul3A_2127 = arith.constant 5.000000e-02 : f32
      %mul3A_2128 = vector.broadcast %mul3A_2127 : f32 to vector<16xf32>
      %mul3A_2129 = arith.mulf %add3A_2027, %mul3A_2128 : vector<16xf32>
      %swap3A_2130 = arith.index_cast %select_n3A_2108 : i32 to index
      %swap3A_2131 = arith.constant 48 : index
      %swap3A_2132 = tpu.vector_load %arg9[%swap3A_2130, %swap3A_2131] {strides = array<i32>} : memref<32x128xf32, #tpu.memory_space<vmem>>, vector<16xf32>,
      tpu.vector_store %arg9[%swap3A_2130, %swap3A_2131], %mul3A_2129 {strides = array<i32>} : memref<32x128xf32, #tpu.memory_space<vmem>>, vector<16xf32>,
      %jit3A_2133 = arith.constant 20 : i32
      %eq3A_2134 = arith.constant 0 : i32
      %eq3A_2135 = arith.cmpi eq, %jit3A_2133, %eq3A_2134 : i32
      %jit3A_2136 = arith.constant 1 : i32
      %select_n3A_2137 = arith.select %eq3A_2135, %jit3A_2136, %jit3A_2133 : i32
      %rem3A_2138 = arith.remsi %add3A_1891, %select_n3A_2137 : i32
      %ne3A_2139 = arith.constant 0 : i32
      %ne3A_2140 = arith.cmpi ne, %rem3A_2138, %ne3A_2139 : i32
      %lt3A_2141 = arith.constant 0 : i32
      %lt3A_2142 = arith.cmpi slt, %rem3A_2138, %lt3A_2141 : i32
      %lt3A_2143 = arith.constant 0 : i32
      %lt3A_2144 = arith.cmpi slt, %select_n3A_2137, %lt3A_2143 : i32
      %ne3A_2145 = arith.xori %lt3A_2142, %lt3A_2144 : i1
      %and3A_2146 = arith.andi %ne3A_2145, %ne3A_2140 : i1
      %add3A_2147 = arith.addi %rem3A_2138, %select_n3A_2137 : i32
      %select_n3A_2148 = arith.select %and3A_2146, %add3A_2147, %rem3A_2138 : i32
      %eq3A_2149 = arith.constant 19 : i32
      %eq3A_2150 = arith.cmpi eq, %select_n3A_2148, %eq3A_2149 : i32
      %convert_element_type3A_2151 = arith.extui %eq3A_2150 : i1 to i32
      %convert_element_type3A_2152 = arith.sitofp %convert_element_type3A_2151 : i32 to f32
      %sub3A_2153 = arith.constant 1.000000e+00 : f32
      %sub3A_2154 = arith.subf %sub3A_2153, %convert_element_type3A_2152 : f32
      %mul3A_2155 = vector.broadcast %sub3A_2154 : f32 to vector<16xf32>
      %mul3A_2156 = arith.mulf %add3A_1970, %mul3A_2155 : vector<16xf32>
      %mul3A_2157 = vector.broadcast %sub3A_2154 : f32 to vector<16xf32>
      %mul3A_2158 = arith.mulf %add3A_1989, %mul3A_2157 : vector<16xf32>
      %mul3A_2159 = vector.broadcast %sub3A_2154 : f32 to vector<16xf32>
      %mul3A_2160 = arith.mulf %add3A_2008, %mul3A_2159 : vector<16xf32>
      %mul3A_2161 = vector.broadcast %sub3A_2154 : f32 to vector<16xf32>
      %mul3A_2162 = arith.mulf %add3A_2027, %mul3A_2161 : vector<16xf32>
      %mul3A_2163 = arith.constant 16 : i32
      %mul3A_2164 = arith.muli %scan3A_455, %mul3A_2163 : i32
      %add3A_2165 = arith.constant 0 : i32
      %add3A_2166 = arith.addi %mul3A_2164, %add3A_2165 : i32
      %add3A_2167 = arith.constant 6 : i32
      %add3A_2168 = arith.addi %add3A_2166, %add3A_2167 : i32
      %dma_wait3A_2169 = arith.constant 6 : i32
      %dma_wait3A_2170 = arith.constant 0 : i32
      %dma_wait3A_2171 = arith.constant 0 : i32
      %dma_wait3A_2172 = tpu.memref_slice %arg7[%dma_wait3A_2169, %dma_wait3A_2170, %dma_wait3A_2171] : memref<8x64x128xf32, #tpu.memory_space<vmem>> -> memref<1x64x128xf32, #tpu.memory_space<vmem>>
      %dma_wait3A_2173 = tpu.memref_squeeze %dma_wait3A_2172 : memref<1x64x128xf32, #tpu.memory_space<vmem>> -> memref<64x128xf32, #tpu.memory_space<vmem>>
      %dma_wait3A_2174 = arith.constant 0 : i32
      %dma_wait3A_2175 = arith.constant 0 : i32
      %dma_wait3A_2176 = tpu.memref_slice %arg3[%dma_wait3A_2174, %dma_wait3A_2175] : memref<64x1000000xf32, #tpu.memory_space<hbm>> -> memref<64x128xf32, #tpu.memory_space<hbm>>
      %dma_wait3A_2177 = arith.constant 0 : i32
      %dma_wait3A_2178 = arith.constant 0 : i32
      %dma_wait3A_2179 = tpu.memref_slice %arg7[%dma_wait3A_2169, %dma_wait3A_2177, %dma_wait3A_2178] : memref<8x64x128xf32, #tpu.memory_space<vmem>> -> memref<1x64x128xf32, #tpu.memory_space<vmem>>
      %dma_wait3A_2180 = tpu.memref_squeeze %dma_wait3A_2179 : memref<1x64x128xf32, #tpu.memory_space<vmem>> -> memref<64x128xf32, #tpu.memory_space<vmem>>
      %dma_wait3A_2181 = arith.constant 0 : i32
      %dma_wait3A_2182 = arith.constant 0 : i32
      %dma_wait3A_2183 = tpu.memref_slice %arg3[%dma_wait3A_2181, %dma_wait3A_2182] : memref<64x1000000xf32, #tpu.memory_space<hbm>> -> memref<64x128xf32, #tpu.memory_space<hbm>>
      tpu.wait_dma2 semaphore(%arg16 : memref<!tpu.dma_semaphore, #tpu.memory_space<semaphore_mem>>) src(%dma_wait3A_2183 : memref<64x128xf32, #tpu.memory_space<hbm>>) dst(%dma_wait3A_2180 : memref<64x128xf32, #tpu.memory_space<vmem>>)
      %slice3A_2184 = vector.extract_strided_slice %scan3A_460 {offsets = [6], sizes = [1], strides = [1]} : vector<16xi32> to vector<1xi32>
      %squeeze3A_2185 = vector.extract %slice3A_2184[0] : i32 from vector<1xi32>
      %jit3A_2186 = arith.constant 128 : i32
      %div3A_2187 = arith.divsi %squeeze3A_2185, %jit3A_2186 : i32
      %sign3A_2188 = arith.constant 0 : i32
      %sign3A_2189 = arith.cmpi sgt, %squeeze3A_2185, %sign3A_2188 : i32
      %sign3A_2190 = arith.extui %sign3A_2189 : i1 to i32
      %sign3A_2191 = arith.constant 0 : i32
      %sign3A_2192 = arith.cmpi slt, %squeeze3A_2185, %sign3A_2191 : i32
      %sign3A_2193 = arith.extui %sign3A_2192 : i1 to i32
      %sign3A_2194 = arith.subi %sign3A_2190, %sign3A_2193 : i32
      %sign3A_2195 = arith.constant 0 : i32
      %sign3A_2196 = arith.cmpi sgt, %jit3A_2186, %sign3A_2195 : i32
      %sign3A_2197 = arith.extui %sign3A_2196 : i1 to i32
      %sign3A_2198 = arith.constant 0 : i32
      %sign3A_2199 = arith.cmpi slt, %jit3A_2186, %sign3A_2198 : i32
      %sign3A_2200 = arith.extui %sign3A_2199 : i1 to i32
      %sign3A_2201 = arith.subi %sign3A_2197, %sign3A_2200 : i32
      %ne3A_2202 = arith.cmpi ne, %sign3A_2194, %sign3A_2201 : i32
      %rem3A_2203 = arith.remsi %squeeze3A_2185, %jit3A_2186 : i32
      %ne3A_2204 = arith.constant 0 : i32
      %ne3A_2205 = arith.cmpi ne, %rem3A_2203, %ne3A_2204 : i32
      %and3A_2206 = arith.andi %ne3A_2202, %ne3A_2205 : i1
      %sub3A_2207 = arith.constant 1 : i32
      %sub3A_2208 = arith.subi %div3A_2187, %sub3A_2207 : i32
      %select_n3A_2209 = arith.select %and3A_2206, %sub3A_2208, %div3A_2187 : i32
      %min3A_2210 = arith.constant 7810 : i32
      %min3A_2211 = arith.minsi %select_n3A_2209, %min3A_2210 : i32
      %mul3A_2212 = arith.constant 128 : i32
      %mul3A_2213 = arith.muli %min3A_2211, %mul3A_2212 : i32
      %sub3A_2214 = arith.subi %squeeze3A_2185, %mul3A_2213 : i32
      %min3A_2215 = arith.constant 127 : i32
      %min3A_2216 = arith.minsi %sub3A_2214, %min3A_2215 : i32
      %broadcast_in_dim3A_2217 = vector.broadcast %min3A_2216 : i32 to vector<16xi32>
      %sub3A_2218 = arith.constant 999744 : i32
      %sub3A_2219 = arith.subi %squeeze3A_2185, %sub3A_2218 : i32
      %jit3A_2220 = arith.constant 0 : i32
      %jit3A_2221 = arith.constant 255 : i32
      %max3A_2222 = arith.maxsi %jit3A_2220, %sub3A_2219 : i32
      %min3A_2223 = arith.minsi %jit3A_2221, %max3A_2222 : i32
      %broadcast_in_dim3A_2224 = vector.broadcast %min3A_2223 : i32 to vector<16xi32>
      %ge3A_2225 = arith.constant 999808 : i32
      %ge3A_2226 = arith.cmpi sge, %squeeze3A_2185, %ge3A_2225 : i32
      %convert_element_type3A_2227 = arith.extui %ge3A_2226 : i1 to i32
      %convert_element_type3A_2228 = arith.sitofp %convert_element_type3A_2227 : i32 to f32
      %iota3A_2229 = tpu.iota {dimensions = array<i32: 0>} : vector<16xi32>
      %add3A_2230 = arith.constant 0 : i32
      %add3A_2231 = vector.broadcast %add3A_2230 : i32 to vector<16xi32>
      %add3A_2232 = arith.addi %iota3A_2229, %add3A_2231 : vector<16xi32>
      %gather3A_2233 = arith.constant 6 : i32
      %gather3A_2234 = arith.constant 0 : i32
      %gather3A_2235 = arith.constant 0 : i32
      %gather3A_2236 = tpu.memref_slice %arg7[%gather3A_2233, %gather3A_2234, %gather3A_2235] : memref<8x64x128xf32, #tpu.memory_space<vmem>> -> memref<1x64x128xf32, #tpu.memory_space<vmem>>
      %gather3A_2237 = tpu.memref_squeeze %gather3A_2236 : memref<1x64x128xf32, #tpu.memory_space<vmem>> -> memref<64x128xf32, #tpu.memory_space<vmem>>
      %gather3A_2238 = tpu.vector_load_idx %gather3A_2237[%add3A_2232, %broadcast_in_dim3A_2217] : memref<64x128xf32, #tpu.memory_space<vmem>>[vector<16xi32>, vector<16xi32>], vector<16xf32>,
      %gather3A_2239 = tpu.vector_load_idx %arg8[%add3A_2232, %broadcast_in_dim3A_2224] : memref<64x256xf32, #tpu.memory_space<vmem>>[vector<16xi32>, vector<16xi32>], vector<16xf32>,
      %sub3A_2240 = arith.constant 1.000000e+00 : f32
      %sub3A_2241 = arith.subf %sub3A_2240, %convert_element_type3A_2228 : f32
      %mul3A_2242 = vector.broadcast %sub3A_2241 : f32 to vector<16xf32>
      %mul3A_2243 = arith.mulf %gather3A_2238, %mul3A_2242 : vector<16xf32>
      %add3A_2244 = arith.addf %mul3A_2156, %mul3A_2243 : vector<16xf32>
      %mul3A_2245 = vector.broadcast %convert_element_type3A_2228 : f32 to vector<16xf32>
      %mul3A_2246 = arith.mulf %gather3A_2239, %mul3A_2245 : vector<16xf32>
      %add3A_2247 = arith.addf %add3A_2244, %mul3A_2246 : vector<16xf32>
      %iota3A_2248 = tpu.iota {dimensions = array<i32: 0>} : vector<16xi32>
      %add3A_2249 = arith.constant 16 : i32
      %add3A_2250 = vector.broadcast %add3A_2249 : i32 to vector<16xi32>
      %add3A_2251 = arith.addi %iota3A_2248, %add3A_2250 : vector<16xi32>
      %gather3A_2252 = arith.constant 6 : i32
      %gather3A_2253 = arith.constant 0 : i32
      %gather3A_2254 = arith.constant 0 : i32
      %gather3A_2255 = tpu.memref_slice %arg7[%gather3A_2252, %gather3A_2253, %gather3A_2254] : memref<8x64x128xf32, #tpu.memory_space<vmem>> -> memref<1x64x128xf32, #tpu.memory_space<vmem>>
      %gather3A_2256 = tpu.memref_squeeze %gather3A_2255 : memref<1x64x128xf32, #tpu.memory_space<vmem>> -> memref<64x128xf32, #tpu.memory_space<vmem>>
      %gather3A_2257 = tpu.vector_load_idx %gather3A_2256[%add3A_2251, %broadcast_in_dim3A_2217] : memref<64x128xf32, #tpu.memory_space<vmem>>[vector<16xi32>, vector<16xi32>], vector<16xf32>,
      %gather3A_2258 = tpu.vector_load_idx %arg8[%add3A_2251, %broadcast_in_dim3A_2224] : memref<64x256xf32, #tpu.memory_space<vmem>>[vector<16xi32>, vector<16xi32>], vector<16xf32>,
      %sub3A_2259 = arith.constant 1.000000e+00 : f32
      %sub3A_2260 = arith.subf %sub3A_2259, %convert_element_type3A_2228 : f32
      %mul3A_2261 = vector.broadcast %sub3A_2260 : f32 to vector<16xf32>
      %mul3A_2262 = arith.mulf %gather3A_2257, %mul3A_2261 : vector<16xf32>
      %add3A_2263 = arith.addf %mul3A_2158, %mul3A_2262 : vector<16xf32>
      %mul3A_2264 = vector.broadcast %convert_element_type3A_2228 : f32 to vector<16xf32>
      %mul3A_2265 = arith.mulf %gather3A_2258, %mul3A_2264 : vector<16xf32>
      %add3A_2266 = arith.addf %add3A_2263, %mul3A_2265 : vector<16xf32>
      %iota3A_2267 = tpu.iota {dimensions = array<i32: 0>} : vector<16xi32>
      %add3A_2268 = arith.constant 32 : i32
      %add3A_2269 = vector.broadcast %add3A_2268 : i32 to vector<16xi32>
      %add3A_2270 = arith.addi %iota3A_2267, %add3A_2269 : vector<16xi32>
      %gather3A_2271 = arith.constant 6 : i32
      %gather3A_2272 = arith.constant 0 : i32
      %gather3A_2273 = arith.constant 0 : i32
      %gather3A_2274 = tpu.memref_slice %arg7[%gather3A_2271, %gather3A_2272, %gather3A_2273] : memref<8x64x128xf32, #tpu.memory_space<vmem>> -> memref<1x64x128xf32, #tpu.memory_space<vmem>>
      %gather3A_2275 = tpu.memref_squeeze %gather3A_2274 : memref<1x64x128xf32, #tpu.memory_space<vmem>> -> memref<64x128xf32, #tpu.memory_space<vmem>>
      %gather3A_2276 = tpu.vector_load_idx %gather3A_2275[%add3A_2270, %broadcast_in_dim3A_2217] : memref<64x128xf32, #tpu.memory_space<vmem>>[vector<16xi32>, vector<16xi32>], vector<16xf32>,
      %gather3A_2277 = tpu.vector_load_idx %arg8[%add3A_2270, %broadcast_in_dim3A_2224] : memref<64x256xf32, #tpu.memory_space<vmem>>[vector<16xi32>, vector<16xi32>], vector<16xf32>,
      %sub3A_2278 = arith.constant 1.000000e+00 : f32
      %sub3A_2279 = arith.subf %sub3A_2278, %convert_element_type3A_2228 : f32
      %mul3A_2280 = vector.broadcast %sub3A_2279 : f32 to vector<16xf32>
      %mul3A_2281 = arith.mulf %gather3A_2276, %mul3A_2280 : vector<16xf32>
      %add3A_2282 = arith.addf %mul3A_2160, %mul3A_2281 : vector<16xf32>
      %mul3A_2283 = vector.broadcast %convert_element_type3A_2228 : f32 to vector<16xf32>
      %mul3A_2284 = arith.mulf %gather3A_2277, %mul3A_2283 : vector<16xf32>
      %add3A_2285 = arith.addf %add3A_2282, %mul3A_2284 : vector<16xf32>
      %iota3A_2286 = tpu.iota {dimensions = array<i32: 0>} : vector<16xi32>
      %add3A_2287 = arith.constant 48 : i32
      %add3A_2288 = vector.broadcast %add3A_2287 : i32 to vector<16xi32>
      %add3A_2289 = arith.addi %iota3A_2286, %add3A_2288 : vector<16xi32>
      %gather3A_2290 = arith.constant 6 : i32
      %gather3A_2291 = arith.constant 0 : i32
      %gather3A_2292 = arith.constant 0 : i32
      %gather3A_2293 = tpu.memref_slice %arg7[%gather3A_2290, %gather3A_2291, %gather3A_2292] : memref<8x64x128xf32, #tpu.memory_space<vmem>> -> memref<1x64x128xf32, #tpu.memory_space<vmem>>
      %gather3A_2294 = tpu.memref_squeeze %gather3A_2293 : memref<1x64x128xf32, #tpu.memory_space<vmem>> -> memref<64x128xf32, #tpu.memory_space<vmem>>
      %gather3A_2295 = tpu.vector_load_idx %gather3A_2294[%add3A_2289, %broadcast_in_dim3A_2217] : memref<64x128xf32, #tpu.memory_space<vmem>>[vector<16xi32>, vector<16xi32>], vector<16xf32>,
      %gather3A_2296 = tpu.vector_load_idx %arg8[%add3A_2289, %broadcast_in_dim3A_2224] : memref<64x256xf32, #tpu.memory_space<vmem>>[vector<16xi32>, vector<16xi32>], vector<16xf32>,
      %sub3A_2297 = arith.constant 1.000000e+00 : f32
      %sub3A_2298 = arith.subf %sub3A_2297, %convert_element_type3A_2228 : f32
      %mul3A_2299 = vector.broadcast %sub3A_2298 : f32 to vector<16xf32>
      %mul3A_2300 = arith.mulf %gather3A_2295, %mul3A_2299 : vector<16xf32>
      %add3A_2301 = arith.addf %mul3A_2162, %mul3A_2300 : vector<16xf32>
      %mul3A_2302 = vector.broadcast %convert_element_type3A_2228 : f32 to vector<16xf32>
      %mul3A_2303 = arith.mulf %gather3A_2296, %mul3A_2302 : vector<16xf32>
      %add3A_2304 = arith.addf %add3A_2301, %mul3A_2303 : vector<16xf32>
      %slice3A_2305 = vector.extract_strided_slice %scan3A_460 {offsets = [14], sizes = [1], strides = [1]} : vector<16xi32> to vector<1xi32>
      %squeeze3A_2306 = vector.extract %slice3A_2305[0] : i32 from vector<1xi32>
      %jit3A_2307 = arith.constant 128 : i32
      %div3A_2308 = arith.divsi %squeeze3A_2306, %jit3A_2307 : i32
      %sign3A_2309 = arith.constant 0 : i32
      %sign3A_2310 = arith.cmpi sgt, %squeeze3A_2306, %sign3A_2309 : i32
      %sign3A_2311 = arith.extui %sign3A_2310 : i1 to i32
      %sign3A_2312 = arith.constant 0 : i32
      %sign3A_2313 = arith.cmpi slt, %squeeze3A_2306, %sign3A_2312 : i32
      %sign3A_2314 = arith.extui %sign3A_2313 : i1 to i32
      %sign3A_2315 = arith.subi %sign3A_2311, %sign3A_2314 : i32
      %sign3A_2316 = arith.constant 0 : i32
      %sign3A_2317 = arith.cmpi sgt, %jit3A_2307, %sign3A_2316 : i32
      %sign3A_2318 = arith.extui %sign3A_2317 : i1 to i32
      %sign3A_2319 = arith.constant 0 : i32
      %sign3A_2320 = arith.cmpi slt, %jit3A_2307, %sign3A_2319 : i32
      %sign3A_2321 = arith.extui %sign3A_2320 : i1 to i32
      %sign3A_2322 = arith.subi %sign3A_2318, %sign3A_2321 : i32
      %ne3A_2323 = arith.cmpi ne, %sign3A_2315, %sign3A_2322 : i32
      %rem3A_2324 = arith.remsi %squeeze3A_2306, %jit3A_2307 : i32
      %ne3A_2325 = arith.constant 0 : i32
      %ne3A_2326 = arith.cmpi ne, %rem3A_2324, %ne3A_2325 : i32
      %and3A_2327 = arith.andi %ne3A_2323, %ne3A_2326 : i1
      %sub3A_2328 = arith.constant 1 : i32
      %sub3A_2329 = arith.subi %div3A_2308, %sub3A_2328 : i32
      %select_n3A_2330 = arith.select %and3A_2327, %sub3A_2329, %div3A_2308 : i32
      %min3A_2331 = arith.constant 7810 : i32
      %min3A_2332 = arith.minsi %select_n3A_2330, %min3A_2331 : i32
      %mul3A_2333 = arith.constant 128 : i32
      %mul3A_2334 = arith.muli %min3A_2332, %mul3A_2333 : i32
      %multiple_of3A_2335 = tpu.assume_multiple %mul3A_2334, 128 : i32
      %dma_start3A_2336 = arith.constant 6 : i32
      %dma_start3A_2337 = arith.constant 0 : i32
      %dma_start3A_2338 = arith.constant 0 : i32
      %dma_start3A_2339 = tpu.memref_slice %arg7[%dma_start3A_2336, %dma_start3A_2337, %dma_start3A_2338] : memref<8x64x128xf32, #tpu.memory_space<vmem>> -> memref<1x32x128xf32, #tpu.memory_space<vmem>>
      %dma_start3A_2340 = tpu.memref_squeeze %dma_start3A_2339 : memref<1x32x128xf32, #tpu.memory_space<vmem>> -> memref<32x128xf32, #tpu.memory_space<vmem>>
      %dma_start3A_2341 = arith.constant 0 : i32
      %dma_start3A_2342 = tpu.memref_slice %arg3[%dma_start3A_2341, %multiple_of3A_2335] : memref<64x1000000xf32, #tpu.memory_space<hbm>> -> memref<32x128xf32, #tpu.memory_space<hbm>>
      %dma_start3A_2343 = arith.constant 0 : i32
      %dma_start3A_2344 = arith.constant 0 : i32
      %dma_start3A_2345 = tpu.memref_slice %arg7[%dma_start3A_2336, %dma_start3A_2343, %dma_start3A_2344] : memref<8x64x128xf32, #tpu.memory_space<vmem>> -> memref<1x32x128xf32, #tpu.memory_space<vmem>>
      %dma_start3A_2346 = tpu.memref_squeeze %dma_start3A_2345 : memref<1x32x128xf32, #tpu.memory_space<vmem>> -> memref<32x128xf32, #tpu.memory_space<vmem>>
      %dma_start3A_2347 = arith.constant 0 : i32
      %dma_start3A_2348 = tpu.memref_slice %arg3[%dma_start3A_2347, %multiple_of3A_2335] : memref<64x1000000xf32, #tpu.memory_space<hbm>> -> memref<32x128xf32, #tpu.memory_space<hbm>>
      tpu.enqueue_dma source(%dma_start3A_2348 : memref<32x128xf32, #tpu.memory_space<hbm>>) target(%dma_start3A_2346 : memref<32x128xf32, #tpu.memory_space<vmem>>) target_semaphore(%arg16 : memref<!tpu.dma_semaphore, #tpu.memory_space<semaphore_mem>>)
      %dma_start3A_2349 = arith.constant 6 : i32
      %dma_start3A_2350 = arith.constant 32 : i32
      %dma_start3A_2351 = arith.constant 0 : i32
      %dma_start3A_2352 = tpu.memref_slice %arg7[%dma_start3A_2349, %dma_start3A_2350, %dma_start3A_2351] : memref<8x64x128xf32, #tpu.memory_space<vmem>> -> memref<1x32x128xf32, #tpu.memory_space<vmem>>
      %dma_start3A_2353 = tpu.memref_squeeze %dma_start3A_2352 : memref<1x32x128xf32, #tpu.memory_space<vmem>> -> memref<32x128xf32, #tpu.memory_space<vmem>>
      %dma_start3A_2354 = arith.constant 32 : i32
      %dma_start3A_2355 = tpu.memref_slice %arg3[%dma_start3A_2354, %multiple_of3A_2335] : memref<64x1000000xf32, #tpu.memory_space<hbm>> -> memref<32x128xf32, #tpu.memory_space<hbm>>
      %dma_start3A_2356 = arith.constant 32 : i32
      %dma_start3A_2357 = arith.constant 0 : i32
      %dma_start3A_2358 = tpu.memref_slice %arg7[%dma_start3A_2349, %dma_start3A_2356, %dma_start3A_2357] : memref<8x64x128xf32, #tpu.memory_space<vmem>> -> memref<1x32x128xf32, #tpu.memory_space<vmem>>
      %dma_start3A_2359 = tpu.memref_squeeze %dma_start3A_2358 : memref<1x32x128xf32, #tpu.memory_space<vmem>> -> memref<32x128xf32, #tpu.memory_space<vmem>>
      %dma_start3A_2360 = arith.constant 32 : i32
      %dma_start3A_2361 = tpu.memref_slice %arg3[%dma_start3A_2360, %multiple_of3A_2335] : memref<64x1000000xf32, #tpu.memory_space<hbm>> -> memref<32x128xf32, #tpu.memory_space<hbm>>
      tpu.enqueue_dma source(%dma_start3A_2361 : memref<32x128xf32, #tpu.memory_space<hbm>>) target(%dma_start3A_2359 : memref<32x128xf32, #tpu.memory_space<vmem>>) target_semaphore(%arg16 : memref<!tpu.dma_semaphore, #tpu.memory_space<semaphore_mem>>)
      %jit3A_2362 = arith.constant 20 : i32
      %div3A_2363 = arith.divsi %add3A_2168, %jit3A_2362 : i32
      %sign3A_2364 = arith.constant 0 : i32
      %sign3A_2365 = arith.cmpi sgt, %add3A_2168, %sign3A_2364 : i32
      %sign3A_2366 = arith.extui %sign3A_2365 : i1 to i32
      %sign3A_2367 = arith.constant 0 : i32
      %sign3A_2368 = arith.cmpi slt, %add3A_2168, %sign3A_2367 : i32
      %sign3A_2369 = arith.extui %sign3A_2368 : i1 to i32
      %sign3A_2370 = arith.subi %sign3A_2366, %sign3A_2369 : i32
      %sign3A_2371 = arith.constant 0 : i32
      %sign3A_2372 = arith.cmpi sgt, %jit3A_2362, %sign3A_2371 : i32
      %sign3A_2373 = arith.extui %sign3A_2372 : i1 to i32
      %sign3A_2374 = arith.constant 0 : i32
      %sign3A_2375 = arith.cmpi slt, %jit3A_2362, %sign3A_2374 : i32
      %sign3A_2376 = arith.extui %sign3A_2375 : i1 to i32
      %sign3A_2377 = arith.subi %sign3A_2373, %sign3A_2376 : i32
      %ne3A_2378 = arith.cmpi ne, %sign3A_2370, %sign3A_2377 : i32
      %rem3A_2379 = arith.remsi %add3A_2168, %jit3A_2362 : i32
      %ne3A_2380 = arith.constant 0 : i32
      %ne3A_2381 = arith.cmpi ne, %rem3A_2379, %ne3A_2380 : i32
      %and3A_2382 = arith.andi %ne3A_2378, %ne3A_2381 : i1
      %sub3A_2383 = arith.constant 1 : i32
      %sub3A_2384 = arith.subi %div3A_2363, %sub3A_2383 : i32
      %select_n3A_2385 = arith.select %and3A_2382, %sub3A_2384, %div3A_2363 : i32
      %mul3A_2386 = arith.constant 5.000000e-02 : f32
      %mul3A_2387 = vector.broadcast %mul3A_2386 : f32 to vector<16xf32>
      %mul3A_2388 = arith.mulf %add3A_2247, %mul3A_2387 : vector<16xf32>
      %swap3A_2389 = arith.index_cast %select_n3A_2385 : i32 to index
      %swap3A_2390 = arith.constant 0 : index
      %swap3A_2391 = tpu.vector_load %arg9[%swap3A_2389, %swap3A_2390] {strides = array<i32>} : memref<32x128xf32, #tpu.memory_space<vmem>>, vector<16xf32>,
      tpu.vector_store %arg9[%swap3A_2389, %swap3A_2390], %mul3A_2388 {strides = array<i32>} : memref<32x128xf32, #tpu.memory_space<vmem>>, vector<16xf32>,
      %mul3A_2392 = arith.constant 5.000000e-02 : f32
      %mul3A_2393 = vector.broadcast %mul3A_2392 : f32 to vector<16xf32>
      %mul3A_2394 = arith.mulf %add3A_2266, %mul3A_2393 : vector<16xf32>
      %swap3A_2395 = arith.index_cast %select_n3A_2385 : i32 to index
      %swap3A_2396 = arith.constant 16 : index
      %swap3A_2397 = tpu.vector_load %arg9[%swap3A_2395, %swap3A_2396] {strides = array<i32>} : memref<32x128xf32, #tpu.memory_space<vmem>>, vector<16xf32>,
      tpu.vector_store %arg9[%swap3A_2395, %swap3A_2396], %mul3A_2394 {strides = array<i32>} : memref<32x128xf32, #tpu.memory_space<vmem>>, vector<16xf32>,
      %mul3A_2398 = arith.constant 5.000000e-02 : f32
      %mul3A_2399 = vector.broadcast %mul3A_2398 : f32 to vector<16xf32>
      %mul3A_2400 = arith.mulf %add3A_2285, %mul3A_2399 : vector<16xf32>
      %swap3A_2401 = arith.index_cast %select_n3A_2385 : i32 to index
      %swap3A_2402 = arith.constant 32 : index
      %swap3A_2403 = tpu.vector_load %arg9[%swap3A_2401, %swap3A_2402] {strides = array<i32>} : memref<32x128xf32, #tpu.memory_space<vmem>>, vector<16xf32>,
      tpu.vector_store %arg9[%swap3A_2401, %swap3A_2402], %mul3A_2400 {strides = array<i32>} : memref<32x128xf32, #tpu.memory_space<vmem>>, vector<16xf32>,
      %mul3A_2404 = arith.constant 5.000000e-02 : f32
      %mul3A_2405 = vector.broadcast %mul3A_2404 : f32 to vector<16xf32>
      %mul3A_2406 = arith.mulf %add3A_2304, %mul3A_2405 : vector<16xf32>
      %swap3A_2407 = arith.index_cast %select_n3A_2385 : i32 to index
      %swap3A_2408 = arith.constant 48 : index
      %swap3A_2409 = tpu.vector_load %arg9[%swap3A_2407, %swap3A_2408] {strides = array<i32>} : memref<32x128xf32, #tpu.memory_space<vmem>>, vector<16xf32>,
      tpu.vector_store %arg9[%swap3A_2407, %swap3A_2408], %mul3A_2406 {strides = array<i32>} : memref<32x128xf32, #tpu.memory_space<vmem>>, vector<16xf32>,
      %jit3A_2410 = arith.constant 20 : i32
      %eq3A_2411 = arith.constant 0 : i32
      %eq3A_2412 = arith.cmpi eq, %jit3A_2410, %eq3A_2411 : i32
      %jit3A_2413 = arith.constant 1 : i32
      %select_n3A_2414 = arith.select %eq3A_2412, %jit3A_2413, %jit3A_2410 : i32
      %rem3A_2415 = arith.remsi %add3A_2168, %select_n3A_2414 : i32
      %ne3A_2416 = arith.constant 0 : i32
      %ne3A_2417 = arith.cmpi ne, %rem3A_2415, %ne3A_2416 : i32
      %lt3A_2418 = arith.constant 0 : i32
      %lt3A_2419 = arith.cmpi slt, %rem3A_2415, %lt3A_2418 : i32
      %lt3A_2420 = arith.constant 0 : i32
      %lt3A_2421 = arith.cmpi slt, %select_n3A_2414, %lt3A_2420 : i32
      %ne3A_2422 = arith.xori %lt3A_2419, %lt3A_2421 : i1
      %and3A_2423 = arith.andi %ne3A_2422, %ne3A_2417 : i1
      %add3A_2424 = arith.addi %rem3A_2415, %select_n3A_2414 : i32
      %select_n3A_2425 = arith.select %and3A_2423, %add3A_2424, %rem3A_2415 : i32
      %eq3A_2426 = arith.constant 19 : i32
      %eq3A_2427 = arith.cmpi eq, %select_n3A_2425, %eq3A_2426 : i32
      %convert_element_type3A_2428 = arith.extui %eq3A_2427 : i1 to i32
      %convert_element_type3A_2429 = arith.sitofp %convert_element_type3A_2428 : i32 to f32
      %sub3A_2430 = arith.constant 1.000000e+00 : f32
      %sub3A_2431 = arith.subf %sub3A_2430, %convert_element_type3A_2429 : f32
      %mul3A_2432 = vector.broadcast %sub3A_2431 : f32 to vector<16xf32>
      %mul3A_2433 = arith.mulf %add3A_2247, %mul3A_2432 : vector<16xf32>
      %mul3A_2434 = vector.broadcast %sub3A_2431 : f32 to vector<16xf32>
      %mul3A_2435 = arith.mulf %add3A_2266, %mul3A_2434 : vector<16xf32>
      %mul3A_2436 = vector.broadcast %sub3A_2431 : f32 to vector<16xf32>
      %mul3A_2437 = arith.mulf %add3A_2285, %mul3A_2436 : vector<16xf32>
      %mul3A_2438 = vector.broadcast %sub3A_2431 : f32 to vector<16xf32>
      %mul3A_2439 = arith.mulf %add3A_2304, %mul3A_2438 : vector<16xf32>
      %mul3A_2440 = arith.constant 16 : i32
      %mul3A_2441 = arith.muli %scan3A_455, %mul3A_2440 : i32
      %add3A_2442 = arith.constant 0 : i32
      %add3A_2443 = arith.addi %mul3A_2441, %add3A_2442 : i32
      %add3A_2444 = arith.constant 7 : i32
      %add3A_2445 = arith.addi %add3A_2443, %add3A_2444 : i32
      %dma_wait3A_2446 = arith.constant 7 : i32
      %dma_wait3A_2447 = arith.constant 0 : i32
      %dma_wait3A_2448 = arith.constant 0 : i32
      %dma_wait3A_2449 = tpu.memref_slice %arg7[%dma_wait3A_2446, %dma_wait3A_2447, %dma_wait3A_2448] : memref<8x64x128xf32, #tpu.memory_space<vmem>> -> memref<1x64x128xf32, #tpu.memory_space<vmem>>
      %dma_wait3A_2450 = tpu.memref_squeeze %dma_wait3A_2449 : memref<1x64x128xf32, #tpu.memory_space<vmem>> -> memref<64x128xf32, #tpu.memory_space<vmem>>
      %dma_wait3A_2451 = arith.constant 0 : i32
      %dma_wait3A_2452 = arith.constant 0 : i32
      %dma_wait3A_2453 = tpu.memref_slice %arg3[%dma_wait3A_2451, %dma_wait3A_2452] : memref<64x1000000xf32, #tpu.memory_space<hbm>> -> memref<64x128xf32, #tpu.memory_space<hbm>>
      %dma_wait3A_2454 = arith.constant 0 : i32
      %dma_wait3A_2455 = arith.constant 0 : i32
      %dma_wait3A_2456 = tpu.memref_slice %arg7[%dma_wait3A_2446, %dma_wait3A_2454, %dma_wait3A_2455] : memref<8x64x128xf32, #tpu.memory_space<vmem>> -> memref<1x64x128xf32, #tpu.memory_space<vmem>>
      %dma_wait3A_2457 = tpu.memref_squeeze %dma_wait3A_2456 : memref<1x64x128xf32, #tpu.memory_space<vmem>> -> memref<64x128xf32, #tpu.memory_space<vmem>>
      %dma_wait3A_2458 = arith.constant 0 : i32
      %dma_wait3A_2459 = arith.constant 0 : i32
      %dma_wait3A_2460 = tpu.memref_slice %arg3[%dma_wait3A_2458, %dma_wait3A_2459] : memref<64x1000000xf32, #tpu.memory_space<hbm>> -> memref<64x128xf32, #tpu.memory_space<hbm>>
      tpu.wait_dma2 semaphore(%arg17 : memref<!tpu.dma_semaphore, #tpu.memory_space<semaphore_mem>>) src(%dma_wait3A_2460 : memref<64x128xf32, #tpu.memory_space<hbm>>) dst(%dma_wait3A_2457 : memref<64x128xf32, #tpu.memory_space<vmem>>)
      %slice3A_2461 = vector.extract_strided_slice %scan3A_460 {offsets = [7], sizes = [1], strides = [1]} : vector<16xi32> to vector<1xi32>
      %squeeze3A_2462 = vector.extract %slice3A_2461[0] : i32 from vector<1xi32>
      %jit3A_2463 = arith.constant 128 : i32
      %div3A_2464 = arith.divsi %squeeze3A_2462, %jit3A_2463 : i32
      %sign3A_2465 = arith.constant 0 : i32
      %sign3A_2466 = arith.cmpi sgt, %squeeze3A_2462, %sign3A_2465 : i32
      %sign3A_2467 = arith.extui %sign3A_2466 : i1 to i32
      %sign3A_2468 = arith.constant 0 : i32
      %sign3A_2469 = arith.cmpi slt, %squeeze3A_2462, %sign3A_2468 : i32
      %sign3A_2470 = arith.extui %sign3A_2469 : i1 to i32
      %sign3A_2471 = arith.subi %sign3A_2467, %sign3A_2470 : i32
      %sign3A_2472 = arith.constant 0 : i32
      %sign3A_2473 = arith.cmpi sgt, %jit3A_2463, %sign3A_2472 : i32
      %sign3A_2474 = arith.extui %sign3A_2473 : i1 to i32
      %sign3A_2475 = arith.constant 0 : i32
      %sign3A_2476 = arith.cmpi slt, %jit3A_2463, %sign3A_2475 : i32
      %sign3A_2477 = arith.extui %sign3A_2476 : i1 to i32
      %sign3A_2478 = arith.subi %sign3A_2474, %sign3A_2477 : i32
      %ne3A_2479 = arith.cmpi ne, %sign3A_2471, %sign3A_2478 : i32
      %rem3A_2480 = arith.remsi %squeeze3A_2462, %jit3A_2463 : i32
      %ne3A_2481 = arith.constant 0 : i32
      %ne3A_2482 = arith.cmpi ne, %rem3A_2480, %ne3A_2481 : i32
      %and3A_2483 = arith.andi %ne3A_2479, %ne3A_2482 : i1
      %sub3A_2484 = arith.constant 1 : i32
      %sub3A_2485 = arith.subi %div3A_2464, %sub3A_2484 : i32
      %select_n3A_2486 = arith.select %and3A_2483, %sub3A_2485, %div3A_2464 : i32
      %min3A_2487 = arith.constant 7810 : i32
      %min3A_2488 = arith.minsi %select_n3A_2486, %min3A_2487 : i32
      %mul3A_2489 = arith.constant 128 : i32
      %mul3A_2490 = arith.muli %min3A_2488, %mul3A_2489 : i32
      %sub3A_2491 = arith.subi %squeeze3A_2462, %mul3A_2490 : i32
      %min3A_2492 = arith.constant 127 : i32
      %min3A_2493 = arith.minsi %sub3A_2491, %min3A_2492 : i32
      %broadcast_in_dim3A_2494 = vector.broadcast %min3A_2493 : i32 to vector<16xi32>
      %sub3A_2495 = arith.constant 999744 : i32
      %sub3A_2496 = arith.subi %squeeze3A_2462, %sub3A_2495 : i32
      %jit3A_2497 = arith.constant 0 : i32
      %jit3A_2498 = arith.constant 255 : i32
      %max3A_2499 = arith.maxsi %jit3A_2497, %sub3A_2496 : i32
      %min3A_2500 = arith.minsi %jit3A_2498, %max3A_2499 : i32
      %broadcast_in_dim3A_2501 = vector.broadcast %min3A_2500 : i32 to vector<16xi32>
      %ge3A_2502 = arith.constant 999808 : i32
      %ge3A_2503 = arith.cmpi sge, %squeeze3A_2462, %ge3A_2502 : i32
      %convert_element_type3A_2504 = arith.extui %ge3A_2503 : i1 to i32
      %convert_element_type3A_2505 = arith.sitofp %convert_element_type3A_2504 : i32 to f32
      %iota3A_2506 = tpu.iota {dimensions = array<i32: 0>} : vector<16xi32>
      %add3A_2507 = arith.constant 0 : i32
      %add3A_2508 = vector.broadcast %add3A_2507 : i32 to vector<16xi32>
      %add3A_2509 = arith.addi %iota3A_2506, %add3A_2508 : vector<16xi32>
      %gather3A_2510 = arith.constant 7 : i32
      %gather3A_2511 = arith.constant 0 : i32
      %gather3A_2512 = arith.constant 0 : i32
      %gather3A_2513 = tpu.memref_slice %arg7[%gather3A_2510, %gather3A_2511, %gather3A_2512] : memref<8x64x128xf32, #tpu.memory_space<vmem>> -> memref<1x64x128xf32, #tpu.memory_space<vmem>>
      %gather3A_2514 = tpu.memref_squeeze %gather3A_2513 : memref<1x64x128xf32, #tpu.memory_space<vmem>> -> memref<64x128xf32, #tpu.memory_space<vmem>>
      %gather3A_2515 = tpu.vector_load_idx %gather3A_2514[%add3A_2509, %broadcast_in_dim3A_2494] : memref<64x128xf32, #tpu.memory_space<vmem>>[vector<16xi32>, vector<16xi32>], vector<16xf32>,
      %gather3A_2516 = tpu.vector_load_idx %arg8[%add3A_2509, %broadcast_in_dim3A_2501] : memref<64x256xf32, #tpu.memory_space<vmem>>[vector<16xi32>, vector<16xi32>], vector<16xf32>,
      %sub3A_2517 = arith.constant 1.000000e+00 : f32
      %sub3A_2518 = arith.subf %sub3A_2517, %convert_element_type3A_2505 : f32
      %mul3A_2519 = vector.broadcast %sub3A_2518 : f32 to vector<16xf32>
      %mul3A_2520 = arith.mulf %gather3A_2515, %mul3A_2519 : vector<16xf32>
      %add3A_2521 = arith.addf %mul3A_2433, %mul3A_2520 : vector<16xf32>
      %mul3A_2522 = vector.broadcast %convert_element_type3A_2505 : f32 to vector<16xf32>
      %mul3A_2523 = arith.mulf %gather3A_2516, %mul3A_2522 : vector<16xf32>
      %add3A_2524 = arith.addf %add3A_2521, %mul3A_2523 : vector<16xf32>
      %iota3A_2525 = tpu.iota {dimensions = array<i32: 0>} : vector<16xi32>
      %add3A_2526 = arith.constant 16 : i32
      %add3A_2527 = vector.broadcast %add3A_2526 : i32 to vector<16xi32>
      %add3A_2528 = arith.addi %iota3A_2525, %add3A_2527 : vector<16xi32>
      %gather3A_2529 = arith.constant 7 : i32
      %gather3A_2530 = arith.constant 0 : i32
      %gather3A_2531 = arith.constant 0 : i32
      %gather3A_2532 = tpu.memref_slice %arg7[%gather3A_2529, %gather3A_2530, %gather3A_2531] : memref<8x64x128xf32, #tpu.memory_space<vmem>> -> memref<1x64x128xf32, #tpu.memory_space<vmem>>
      %gather3A_2533 = tpu.memref_squeeze %gather3A_2532 : memref<1x64x128xf32, #tpu.memory_space<vmem>> -> memref<64x128xf32, #tpu.memory_space<vmem>>
      %gather3A_2534 = tpu.vector_load_idx %gather3A_2533[%add3A_2528, %broadcast_in_dim3A_2494] : memref<64x128xf32, #tpu.memory_space<vmem>>[vector<16xi32>, vector<16xi32>], vector<16xf32>,
      %gather3A_2535 = tpu.vector_load_idx %arg8[%add3A_2528, %broadcast_in_dim3A_2501] : memref<64x256xf32, #tpu.memory_space<vmem>>[vector<16xi32>, vector<16xi32>], vector<16xf32>,
      %sub3A_2536 = arith.constant 1.000000e+00 : f32
      %sub3A_2537 = arith.subf %sub3A_2536, %convert_element_type3A_2505 : f32
      %mul3A_2538 = vector.broadcast %sub3A_2537 : f32 to vector<16xf32>
      %mul3A_2539 = arith.mulf %gather3A_2534, %mul3A_2538 : vector<16xf32>
      %add3A_2540 = arith.addf %mul3A_2435, %mul3A_2539 : vector<16xf32>
      %mul3A_2541 = vector.broadcast %convert_element_type3A_2505 : f32 to vector<16xf32>
      %mul3A_2542 = arith.mulf %gather3A_2535, %mul3A_2541 : vector<16xf32>
      %add3A_2543 = arith.addf %add3A_2540, %mul3A_2542 : vector<16xf32>
      %iota3A_2544 = tpu.iota {dimensions = array<i32: 0>} : vector<16xi32>
      %add3A_2545 = arith.constant 32 : i32
      %add3A_2546 = vector.broadcast %add3A_2545 : i32 to vector<16xi32>
      %add3A_2547 = arith.addi %iota3A_2544, %add3A_2546 : vector<16xi32>
      %gather3A_2548 = arith.constant 7 : i32
      %gather3A_2549 = arith.constant 0 : i32
      %gather3A_2550 = arith.constant 0 : i32
      %gather3A_2551 = tpu.memref_slice %arg7[%gather3A_2548, %gather3A_2549, %gather3A_2550] : memref<8x64x128xf32, #tpu.memory_space<vmem>> -> memref<1x64x128xf32, #tpu.memory_space<vmem>>
      %gather3A_2552 = tpu.memref_squeeze %gather3A_2551 : memref<1x64x128xf32, #tpu.memory_space<vmem>> -> memref<64x128xf32, #tpu.memory_space<vmem>>
      %gather3A_2553 = tpu.vector_load_idx %gather3A_2552[%add3A_2547, %broadcast_in_dim3A_2494] : memref<64x128xf32, #tpu.memory_space<vmem>>[vector<16xi32>, vector<16xi32>], vector<16xf32>,
      %gather3A_2554 = tpu.vector_load_idx %arg8[%add3A_2547, %broadcast_in_dim3A_2501] : memref<64x256xf32, #tpu.memory_space<vmem>>[vector<16xi32>, vector<16xi32>], vector<16xf32>,
      %sub3A_2555 = arith.constant 1.000000e+00 : f32
      %sub3A_2556 = arith.subf %sub3A_2555, %convert_element_type3A_2505 : f32
      %mul3A_2557 = vector.broadcast %sub3A_2556 : f32 to vector<16xf32>
      %mul3A_2558 = arith.mulf %gather3A_2553, %mul3A_2557 : vector<16xf32>
      %add3A_2559 = arith.addf %mul3A_2437, %mul3A_2558 : vector<16xf32>
      %mul3A_2560 = vector.broadcast %convert_element_type3A_2505 : f32 to vector<16xf32>
      %mul3A_2561 = arith.mulf %gather3A_2554, %mul3A_2560 : vector<16xf32>
      %add3A_2562 = arith.addf %add3A_2559, %mul3A_2561 : vector<16xf32>
      %iota3A_2563 = tpu.iota {dimensions = array<i32: 0>} : vector<16xi32>
      %add3A_2564 = arith.constant 48 : i32
      %add3A_2565 = vector.broadcast %add3A_2564 : i32 to vector<16xi32>
      %add3A_2566 = arith.addi %iota3A_2563, %add3A_2565 : vector<16xi32>
      %gather3A_2567 = arith.constant 7 : i32
      %gather3A_2568 = arith.constant 0 : i32
      %gather3A_2569 = arith.constant 0 : i32
      %gather3A_2570 = tpu.memref_slice %arg7[%gather3A_2567, %gather3A_2568, %gather3A_2569] : memref<8x64x128xf32, #tpu.memory_space<vmem>> -> memref<1x64x128xf32, #tpu.memory_space<vmem>>
      %gather3A_2571 = tpu.memref_squeeze %gather3A_2570 : memref<1x64x128xf32, #tpu.memory_space<vmem>> -> memref<64x128xf32, #tpu.memory_space<vmem>>
      %gather3A_2572 = tpu.vector_load_idx %gather3A_2571[%add3A_2566, %broadcast_in_dim3A_2494] : memref<64x128xf32, #tpu.memory_space<vmem>>[vector<16xi32>, vector<16xi32>], vector<16xf32>,
      %gather3A_2573 = tpu.vector_load_idx %arg8[%add3A_2566, %broadcast_in_dim3A_2501] : memref<64x256xf32, #tpu.memory_space<vmem>>[vector<16xi32>, vector<16xi32>], vector<16xf32>,
      %sub3A_2574 = arith.constant 1.000000e+00 : f32
      %sub3A_2575 = arith.subf %sub3A_2574, %convert_element_type3A_2505 : f32
      %mul3A_2576 = vector.broadcast %sub3A_2575 : f32 to vector<16xf32>
      %mul3A_2577 = arith.mulf %gather3A_2572, %mul3A_2576 : vector<16xf32>
      %add3A_2578 = arith.addf %mul3A_2439, %mul3A_2577 : vector<16xf32>
      %mul3A_2579 = vector.broadcast %convert_element_type3A_2505 : f32 to vector<16xf32>
      %mul3A_2580 = arith.mulf %gather3A_2573, %mul3A_2579 : vector<16xf32>
      %add3A_2581 = arith.addf %add3A_2578, %mul3A_2580 : vector<16xf32>
      %slice3A_2582 = vector.extract_strided_slice %scan3A_460 {offsets = [15], sizes = [1], strides = [1]} : vector<16xi32> to vector<1xi32>
      %squeeze3A_2583 = vector.extract %slice3A_2582[0] : i32 from vector<1xi32>
      %jit3A_2584 = arith.constant 128 : i32
      %div3A_2585 = arith.divsi %squeeze3A_2583, %jit3A_2584 : i32
      %sign3A_2586 = arith.constant 0 : i32
      %sign3A_2587 = arith.cmpi sgt, %squeeze3A_2583, %sign3A_2586 : i32
      %sign3A_2588 = arith.extui %sign3A_2587 : i1 to i32
      %sign3A_2589 = arith.constant 0 : i32
      %sign3A_2590 = arith.cmpi slt, %squeeze3A_2583, %sign3A_2589 : i32
      %sign3A_2591 = arith.extui %sign3A_2590 : i1 to i32
      %sign3A_2592 = arith.subi %sign3A_2588, %sign3A_2591 : i32
      %sign3A_2593 = arith.constant 0 : i32
      %sign3A_2594 = arith.cmpi sgt, %jit3A_2584, %sign3A_2593 : i32
      %sign3A_2595 = arith.extui %sign3A_2594 : i1 to i32
      %sign3A_2596 = arith.constant 0 : i32
      %sign3A_2597 = arith.cmpi slt, %jit3A_2584, %sign3A_2596 : i32
      %sign3A_2598 = arith.extui %sign3A_2597 : i1 to i32
      %sign3A_2599 = arith.subi %sign3A_2595, %sign3A_2598 : i32
      %ne3A_2600 = arith.cmpi ne, %sign3A_2592, %sign3A_2599 : i32
      %rem3A_2601 = arith.remsi %squeeze3A_2583, %jit3A_2584 : i32
      %ne3A_2602 = arith.constant 0 : i32
      %ne3A_2603 = arith.cmpi ne, %rem3A_2601, %ne3A_2602 : i32
      %and3A_2604 = arith.andi %ne3A_2600, %ne3A_2603 : i1
      %sub3A_2605 = arith.constant 1 : i32
      %sub3A_2606 = arith.subi %div3A_2585, %sub3A_2605 : i32
      %select_n3A_2607 = arith.select %and3A_2604, %sub3A_2606, %div3A_2585 : i32
      %min3A_2608 = arith.constant 7810 : i32
      %min3A_2609 = arith.minsi %select_n3A_2607, %min3A_2608 : i32
      %mul3A_2610 = arith.constant 128 : i32
      %mul3A_2611 = arith.muli %min3A_2609, %mul3A_2610 : i32
      %multiple_of3A_2612 = tpu.assume_multiple %mul3A_2611, 128 : i32
      %dma_start3A_2613 = arith.constant 7 : i32
      %dma_start3A_2614 = arith.constant 0 : i32
      %dma_start3A_2615 = arith.constant 0 : i32
      %dma_start3A_2616 = tpu.memref_slice %arg7[%dma_start3A_2613, %dma_start3A_2614, %dma_start3A_2615] : memref<8x64x128xf32, #tpu.memory_space<vmem>> -> memref<1x32x128xf32, #tpu.memory_space<vmem>>
      %dma_start3A_2617 = tpu.memref_squeeze %dma_start3A_2616 : memref<1x32x128xf32, #tpu.memory_space<vmem>> -> memref<32x128xf32, #tpu.memory_space<vmem>>
      %dma_start3A_2618 = arith.constant 0 : i32
      %dma_start3A_2619 = tpu.memref_slice %arg3[%dma_start3A_2618, %multiple_of3A_2612] : memref<64x1000000xf32, #tpu.memory_space<hbm>> -> memref<32x128xf32, #tpu.memory_space<hbm>>
      %dma_start3A_2620 = arith.constant 0 : i32
      %dma_start3A_2621 = arith.constant 0 : i32
      %dma_start3A_2622 = tpu.memref_slice %arg7[%dma_start3A_2613, %dma_start3A_2620, %dma_start3A_2621] : memref<8x64x128xf32, #tpu.memory_space<vmem>> -> memref<1x32x128xf32, #tpu.memory_space<vmem>>
      %dma_start3A_2623 = tpu.memref_squeeze %dma_start3A_2622 : memref<1x32x128xf32, #tpu.memory_space<vmem>> -> memref<32x128xf32, #tpu.memory_space<vmem>>
      %dma_start3A_2624 = arith.constant 0 : i32
      %dma_start3A_2625 = tpu.memref_slice %arg3[%dma_start3A_2624, %multiple_of3A_2612] : memref<64x1000000xf32, #tpu.memory_space<hbm>> -> memref<32x128xf32, #tpu.memory_space<hbm>>
      tpu.enqueue_dma source(%dma_start3A_2625 : memref<32x128xf32, #tpu.memory_space<hbm>>) target(%dma_start3A_2623 : memref<32x128xf32, #tpu.memory_space<vmem>>) target_semaphore(%arg17 : memref<!tpu.dma_semaphore, #tpu.memory_space<semaphore_mem>>)
      %dma_start3A_2626 = arith.constant 7 : i32
      %dma_start3A_2627 = arith.constant 32 : i32
      %dma_start3A_2628 = arith.constant 0 : i32
      %dma_start3A_2629 = tpu.memref_slice %arg7[%dma_start3A_2626, %dma_start3A_2627, %dma_start3A_2628] : memref<8x64x128xf32, #tpu.memory_space<vmem>> -> memref<1x32x128xf32, #tpu.memory_space<vmem>>
      %dma_start3A_2630 = tpu.memref_squeeze %dma_start3A_2629 : memref<1x32x128xf32, #tpu.memory_space<vmem>> -> memref<32x128xf32, #tpu.memory_space<vmem>>
      %dma_start3A_2631 = arith.constant 32 : i32
      %dma_start3A_2632 = tpu.memref_slice %arg3[%dma_start3A_2631, %multiple_of3A_2612] : memref<64x1000000xf32, #tpu.memory_space<hbm>> -> memref<32x128xf32, #tpu.memory_space<hbm>>
      %dma_start3A_2633 = arith.constant 32 : i32
      %dma_start3A_2634 = arith.constant 0 : i32
      %dma_start3A_2635 = tpu.memref_slice %arg7[%dma_start3A_2626, %dma_start3A_2633, %dma_start3A_2634] : memref<8x64x128xf32, #tpu.memory_space<vmem>> -> memref<1x32x128xf32, #tpu.memory_space<vmem>>
      %dma_start3A_2636 = tpu.memref_squeeze %dma_start3A_2635 : memref<1x32x128xf32, #tpu.memory_space<vmem>> -> memref<32x128xf32, #tpu.memory_space<vmem>>
      %dma_start3A_2637 = arith.constant 32 : i32
      %dma_start3A_2638 = tpu.memref_slice %arg3[%dma_start3A_2637, %multiple_of3A_2612] : memref<64x1000000xf32, #tpu.memory_space<hbm>> -> memref<32x128xf32, #tpu.memory_space<hbm>>
      tpu.enqueue_dma source(%dma_start3A_2638 : memref<32x128xf32, #tpu.memory_space<hbm>>) target(%dma_start3A_2636 : memref<32x128xf32, #tpu.memory_space<vmem>>) target_semaphore(%arg17 : memref<!tpu.dma_semaphore, #tpu.memory_space<semaphore_mem>>)
      %jit3A_2639 = arith.constant 20 : i32
      %div3A_2640 = arith.divsi %add3A_2445, %jit3A_2639 : i32
      %sign3A_2641 = arith.constant 0 : i32
      %sign3A_2642 = arith.cmpi sgt, %add3A_2445, %sign3A_2641 : i32
      %sign3A_2643 = arith.extui %sign3A_2642 : i1 to i32
      %sign3A_2644 = arith.constant 0 : i32
      %sign3A_2645 = arith.cmpi slt, %add3A_2445, %sign3A_2644 : i32
      %sign3A_2646 = arith.extui %sign3A_2645 : i1 to i32
      %sign3A_2647 = arith.subi %sign3A_2643, %sign3A_2646 : i32
      %sign3A_2648 = arith.constant 0 : i32
      %sign3A_2649 = arith.cmpi sgt, %jit3A_2639, %sign3A_2648 : i32
      %sign3A_2650 = arith.extui %sign3A_2649 : i1 to i32
      %sign3A_2651 = arith.constant 0 : i32
      %sign3A_2652 = arith.cmpi slt, %jit3A_2639, %sign3A_2651 : i32
      %sign3A_2653 = arith.extui %sign3A_2652 : i1 to i32
      %sign3A_2654 = arith.subi %sign3A_2650, %sign3A_2653 : i32
      %ne3A_2655 = arith.cmpi ne, %sign3A_2647, %sign3A_2654 : i32
      %rem3A_2656 = arith.remsi %add3A_2445, %jit3A_2639 : i32
      %ne3A_2657 = arith.constant 0 : i32
      %ne3A_2658 = arith.cmpi ne, %rem3A_2656, %ne3A_2657 : i32
      %and3A_2659 = arith.andi %ne3A_2655, %ne3A_2658 : i1
      %sub3A_2660 = arith.constant 1 : i32
      %sub3A_2661 = arith.subi %div3A_2640, %sub3A_2660 : i32
      %select_n3A_2662 = arith.select %and3A_2659, %sub3A_2661, %div3A_2640 : i32
      %mul3A_2663 = arith.constant 5.000000e-02 : f32
      %mul3A_2664 = vector.broadcast %mul3A_2663 : f32 to vector<16xf32>
      %mul3A_2665 = arith.mulf %add3A_2524, %mul3A_2664 : vector<16xf32>
      %swap3A_2666 = arith.index_cast %select_n3A_2662 : i32 to index
      %swap3A_2667 = arith.constant 0 : index
      %swap3A_2668 = tpu.vector_load %arg9[%swap3A_2666, %swap3A_2667] {strides = array<i32>} : memref<32x128xf32, #tpu.memory_space<vmem>>, vector<16xf32>,
      tpu.vector_store %arg9[%swap3A_2666, %swap3A_2667], %mul3A_2665 {strides = array<i32>} : memref<32x128xf32, #tpu.memory_space<vmem>>, vector<16xf32>,
      %mul3A_2669 = arith.constant 5.000000e-02 : f32
      %mul3A_2670 = vector.broadcast %mul3A_2669 : f32 to vector<16xf32>
      %mul3A_2671 = arith.mulf %add3A_2543, %mul3A_2670 : vector<16xf32>
      %swap3A_2672 = arith.index_cast %select_n3A_2662 : i32 to index
      %swap3A_2673 = arith.constant 16 : index
      %swap3A_2674 = tpu.vector_load %arg9[%swap3A_2672, %swap3A_2673] {strides = array<i32>} : memref<32x128xf32, #tpu.memory_space<vmem>>, vector<16xf32>,
      tpu.vector_store %arg9[%swap3A_2672, %swap3A_2673], %mul3A_2671 {strides = array<i32>} : memref<32x128xf32, #tpu.memory_space<vmem>>, vector<16xf32>,
      %mul3A_2675 = arith.constant 5.000000e-02 : f32
      %mul3A_2676 = vector.broadcast %mul3A_2675 : f32 to vector<16xf32>
      %mul3A_2677 = arith.mulf %add3A_2562, %mul3A_2676 : vector<16xf32>
      %swap3A_2678 = arith.index_cast %select_n3A_2662 : i32 to index
      %swap3A_2679 = arith.constant 32 : index
      %swap3A_2680 = tpu.vector_load %arg9[%swap3A_2678, %swap3A_2679] {strides = array<i32>} : memref<32x128xf32, #tpu.memory_space<vmem>>, vector<16xf32>,
      tpu.vector_store %arg9[%swap3A_2678, %swap3A_2679], %mul3A_2677 {strides = array<i32>} : memref<32x128xf32, #tpu.memory_space<vmem>>, vector<16xf32>,
      %mul3A_2681 = arith.constant 5.000000e-02 : f32
      %mul3A_2682 = vector.broadcast %mul3A_2681 : f32 to vector<16xf32>
      %mul3A_2683 = arith.mulf %add3A_2581, %mul3A_2682 : vector<16xf32>
      %swap3A_2684 = arith.index_cast %select_n3A_2662 : i32 to index
      %swap3A_2685 = arith.constant 48 : index
      %swap3A_2686 = tpu.vector_load %arg9[%swap3A_2684, %swap3A_2685] {strides = array<i32>} : memref<32x128xf32, #tpu.memory_space<vmem>>, vector<16xf32>,
      tpu.vector_store %arg9[%swap3A_2684, %swap3A_2685], %mul3A_2683 {strides = array<i32>} : memref<32x128xf32, #tpu.memory_space<vmem>>, vector<16xf32>,
      %jit3A_2687 = arith.constant 20 : i32
      %eq3A_2688 = arith.constant 0 : i32
      %eq3A_2689 = arith.cmpi eq, %jit3A_2687, %eq3A_2688 : i32
      %jit3A_2690 = arith.constant 1 : i32
      %select_n3A_2691 = arith.select %eq3A_2689, %jit3A_2690, %jit3A_2687 : i32
      %rem3A_2692 = arith.remsi %add3A_2445, %select_n3A_2691 : i32
      %ne3A_2693 = arith.constant 0 : i32
      %ne3A_2694 = arith.cmpi ne, %rem3A_2692, %ne3A_2693 : i32
      %lt3A_2695 = arith.constant 0 : i32
      %lt3A_2696 = arith.cmpi slt, %rem3A_2692, %lt3A_2695 : i32
      %lt3A_2697 = arith.constant 0 : i32
      %lt3A_2698 = arith.cmpi slt, %select_n3A_2691, %lt3A_2697 : i32
      %ne3A_2699 = arith.xori %lt3A_2696, %lt3A_2698 : i1
      %and3A_2700 = arith.andi %ne3A_2699, %ne3A_2694 : i1
      %add3A_2701 = arith.addi %rem3A_2692, %select_n3A_2691 : i32
      %select_n3A_2702 = arith.select %and3A_2700, %add3A_2701, %rem3A_2692 : i32
      %eq3A_2703 = arith.constant 19 : i32
      %eq3A_2704 = arith.cmpi eq, %select_n3A_2702, %eq3A_2703 : i32
      %convert_element_type3A_2705 = arith.extui %eq3A_2704 : i1 to i32
      %convert_element_type3A_2706 = arith.sitofp %convert_element_type3A_2705 : i32 to f32
      %sub3A_2707 = arith.constant 1.000000e+00 : f32
      %sub3A_2708 = arith.subf %sub3A_2707, %convert_element_type3A_2706 : f32
      %mul3A_2709 = vector.broadcast %sub3A_2708 : f32 to vector<16xf32>
      %mul3A_2710 = arith.mulf %add3A_2524, %mul3A_2709 : vector<16xf32>
      %mul3A_2711 = vector.broadcast %sub3A_2708 : f32 to vector<16xf32>
      %mul3A_2712 = arith.mulf %add3A_2543, %mul3A_2711 : vector<16xf32>
      %mul3A_2713 = vector.broadcast %sub3A_2708 : f32 to vector<16xf32>
      %mul3A_2714 = arith.mulf %add3A_2562, %mul3A_2713 : vector<16xf32>
      %mul3A_2715 = vector.broadcast %sub3A_2708 : f32 to vector<16xf32>
      %mul3A_2716 = arith.mulf %add3A_2581, %mul3A_2715 : vector<16xf32>
      %mul3A_2717 = arith.constant 16 : i32
      %mul3A_2718 = arith.muli %scan3A_455, %mul3A_2717 : i32
      %add3A_2719 = arith.constant 8 : i32
      %add3A_2720 = arith.addi %mul3A_2718, %add3A_2719 : i32
      %add3A_2721 = arith.constant 0 : i32
      %add3A_2722 = arith.addi %add3A_2720, %add3A_2721 : i32
      %dma_wait3A_2723 = arith.constant 0 : i32
      %dma_wait3A_2724 = arith.constant 0 : i32
      %dma_wait3A_2725 = arith.constant 0 : i32
      %dma_wait3A_2726 = tpu.memref_slice %arg7[%dma_wait3A_2723, %dma_wait3A_2724, %dma_wait3A_2725] : memref<8x64x128xf32, #tpu.memory_space<vmem>> -> memref<1x64x128xf32, #tpu.memory_space<vmem>>
      %dma_wait3A_2727 = tpu.memref_squeeze %dma_wait3A_2726 : memref<1x64x128xf32, #tpu.memory_space<vmem>> -> memref<64x128xf32, #tpu.memory_space<vmem>>
      %dma_wait3A_2728 = arith.constant 0 : i32
      %dma_wait3A_2729 = arith.constant 0 : i32
      %dma_wait3A_2730 = tpu.memref_slice %arg3[%dma_wait3A_2728, %dma_wait3A_2729] : memref<64x1000000xf32, #tpu.memory_space<hbm>> -> memref<64x128xf32, #tpu.memory_space<hbm>>
      %dma_wait3A_2731 = arith.constant 0 : i32
      %dma_wait3A_2732 = arith.constant 0 : i32
      %dma_wait3A_2733 = tpu.memref_slice %arg7[%dma_wait3A_2723, %dma_wait3A_2731, %dma_wait3A_2732] : memref<8x64x128xf32, #tpu.memory_space<vmem>> -> memref<1x64x128xf32, #tpu.memory_space<vmem>>
      %dma_wait3A_2734 = tpu.memref_squeeze %dma_wait3A_2733 : memref<1x64x128xf32, #tpu.memory_space<vmem>> -> memref<64x128xf32, #tpu.memory_space<vmem>>
      %dma_wait3A_2735 = arith.constant 0 : i32
      %dma_wait3A_2736 = arith.constant 0 : i32
      %dma_wait3A_2737 = tpu.memref_slice %arg3[%dma_wait3A_2735, %dma_wait3A_2736] : memref<64x1000000xf32, #tpu.memory_space<hbm>> -> memref<64x128xf32, #tpu.memory_space<hbm>>
      tpu.wait_dma2 semaphore(%arg10 : memref<!tpu.dma_semaphore, #tpu.memory_space<semaphore_mem>>) src(%dma_wait3A_2737 : memref<64x128xf32, #tpu.memory_space<hbm>>) dst(%dma_wait3A_2734 : memref<64x128xf32, #tpu.memory_space<vmem>>)
      %slice3A_2738 = vector.extract_strided_slice %scan3A_460 {offsets = [8], sizes = [1], strides = [1]} : vector<16xi32> to vector<1xi32>
      %squeeze3A_2739 = vector.extract %slice3A_2738[0] : i32 from vector<1xi32>
      %jit3A_2740 = arith.constant 128 : i32
      %div3A_2741 = arith.divsi %squeeze3A_2739, %jit3A_2740 : i32
      %sign3A_2742 = arith.constant 0 : i32
      %sign3A_2743 = arith.cmpi sgt, %squeeze3A_2739, %sign3A_2742 : i32
      %sign3A_2744 = arith.extui %sign3A_2743 : i1 to i32
      %sign3A_2745 = arith.constant 0 : i32
      %sign3A_2746 = arith.cmpi slt, %squeeze3A_2739, %sign3A_2745 : i32
      %sign3A_2747 = arith.extui %sign3A_2746 : i1 to i32
      %sign3A_2748 = arith.subi %sign3A_2744, %sign3A_2747 : i32
      %sign3A_2749 = arith.constant 0 : i32
      %sign3A_2750 = arith.cmpi sgt, %jit3A_2740, %sign3A_2749 : i32
      %sign3A_2751 = arith.extui %sign3A_2750 : i1 to i32
      %sign3A_2752 = arith.constant 0 : i32
      %sign3A_2753 = arith.cmpi slt, %jit3A_2740, %sign3A_2752 : i32
      %sign3A_2754 = arith.extui %sign3A_2753 : i1 to i32
      %sign3A_2755 = arith.subi %sign3A_2751, %sign3A_2754 : i32
      %ne3A_2756 = arith.cmpi ne, %sign3A_2748, %sign3A_2755 : i32
      %rem3A_2757 = arith.remsi %squeeze3A_2739, %jit3A_2740 : i32
      %ne3A_2758 = arith.constant 0 : i32
      %ne3A_2759 = arith.cmpi ne, %rem3A_2757, %ne3A_2758 : i32
      %and3A_2760 = arith.andi %ne3A_2756, %ne3A_2759 : i1
      %sub3A_2761 = arith.constant 1 : i32
      %sub3A_2762 = arith.subi %div3A_2741, %sub3A_2761 : i32
      %select_n3A_2763 = arith.select %and3A_2760, %sub3A_2762, %div3A_2741 : i32
      %min3A_2764 = arith.constant 7810 : i32
      %min3A_2765 = arith.minsi %select_n3A_2763, %min3A_2764 : i32
      %mul3A_2766 = arith.constant 128 : i32
      %mul3A_2767 = arith.muli %min3A_2765, %mul3A_2766 : i32
      %sub3A_2768 = arith.subi %squeeze3A_2739, %mul3A_2767 : i32
      %min3A_2769 = arith.constant 127 : i32
      %min3A_2770 = arith.minsi %sub3A_2768, %min3A_2769 : i32
      %broadcast_in_dim3A_2771 = vector.broadcast %min3A_2770 : i32 to vector<16xi32>
      %sub3A_2772 = arith.constant 999744 : i32
      %sub3A_2773 = arith.subi %squeeze3A_2739, %sub3A_2772 : i32
      %jit3A_2774 = arith.constant 0 : i32
      %jit3A_2775 = arith.constant 255 : i32
      %max3A_2776 = arith.maxsi %jit3A_2774, %sub3A_2773 : i32
      %min3A_2777 = arith.minsi %jit3A_2775, %max3A_2776 : i32
      %broadcast_in_dim3A_2778 = vector.broadcast %min3A_2777 : i32 to vector<16xi32>
      %ge3A_2779 = arith.constant 999808 : i32
      %ge3A_2780 = arith.cmpi sge, %squeeze3A_2739, %ge3A_2779 : i32
      %convert_element_type3A_2781 = arith.extui %ge3A_2780 : i1 to i32
      %convert_element_type3A_2782 = arith.sitofp %convert_element_type3A_2781 : i32 to f32
      %iota3A_2783 = tpu.iota {dimensions = array<i32: 0>} : vector<16xi32>
      %add3A_2784 = arith.constant 0 : i32
      %add3A_2785 = vector.broadcast %add3A_2784 : i32 to vector<16xi32>
      %add3A_2786 = arith.addi %iota3A_2783, %add3A_2785 : vector<16xi32>
      %gather3A_2787 = arith.constant 0 : i32
      %gather3A_2788 = arith.constant 0 : i32
      %gather3A_2789 = arith.constant 0 : i32
      %gather3A_2790 = tpu.memref_slice %arg7[%gather3A_2787, %gather3A_2788, %gather3A_2789] : memref<8x64x128xf32, #tpu.memory_space<vmem>> -> memref<1x64x128xf32, #tpu.memory_space<vmem>>
      %gather3A_2791 = tpu.memref_squeeze %gather3A_2790 : memref<1x64x128xf32, #tpu.memory_space<vmem>> -> memref<64x128xf32, #tpu.memory_space<vmem>>
      %gather3A_2792 = tpu.vector_load_idx %gather3A_2791[%add3A_2786, %broadcast_in_dim3A_2771] : memref<64x128xf32, #tpu.memory_space<vmem>>[vector<16xi32>, vector<16xi32>], vector<16xf32>,
      %gather3A_2793 = tpu.vector_load_idx %arg8[%add3A_2786, %broadcast_in_dim3A_2778] : memref<64x256xf32, #tpu.memory_space<vmem>>[vector<16xi32>, vector<16xi32>], vector<16xf32>,
      %sub3A_2794 = arith.constant 1.000000e+00 : f32
      %sub3A_2795 = arith.subf %sub3A_2794, %convert_element_type3A_2782 : f32
      %mul3A_2796 = vector.broadcast %sub3A_2795 : f32 to vector<16xf32>
      %mul3A_2797 = arith.mulf %gather3A_2792, %mul3A_2796 : vector<16xf32>
      %add3A_2798 = arith.addf %mul3A_2710, %mul3A_2797 : vector<16xf32>
      %mul3A_2799 = vector.broadcast %convert_element_type3A_2782 : f32 to vector<16xf32>
      %mul3A_2800 = arith.mulf %gather3A_2793, %mul3A_2799 : vector<16xf32>
      %add3A_2801 = arith.addf %add3A_2798, %mul3A_2800 : vector<16xf32>
      %iota3A_2802 = tpu.iota {dimensions = array<i32: 0>} : vector<16xi32>
      %add3A_2803 = arith.constant 16 : i32
      %add3A_2804 = vector.broadcast %add3A_2803 : i32 to vector<16xi32>
      %add3A_2805 = arith.addi %iota3A_2802, %add3A_2804 : vector<16xi32>
      %gather3A_2806 = arith.constant 0 : i32
      %gather3A_2807 = arith.constant 0 : i32
      %gather3A_2808 = arith.constant 0 : i32
      %gather3A_2809 = tpu.memref_slice %arg7[%gather3A_2806, %gather3A_2807, %gather3A_2808] : memref<8x64x128xf32, #tpu.memory_space<vmem>> -> memref<1x64x128xf32, #tpu.memory_space<vmem>>
      %gather3A_2810 = tpu.memref_squeeze %gather3A_2809 : memref<1x64x128xf32, #tpu.memory_space<vmem>> -> memref<64x128xf32, #tpu.memory_space<vmem>>
      %gather3A_2811 = tpu.vector_load_idx %gather3A_2810[%add3A_2805, %broadcast_in_dim3A_2771] : memref<64x128xf32, #tpu.memory_space<vmem>>[vector<16xi32>, vector<16xi32>], vector<16xf32>,
      %gather3A_2812 = tpu.vector_load_idx %arg8[%add3A_2805, %broadcast_in_dim3A_2778] : memref<64x256xf32, #tpu.memory_space<vmem>>[vector<16xi32>, vector<16xi32>], vector<16xf32>,
      %sub3A_2813 = arith.constant 1.000000e+00 : f32
      %sub3A_2814 = arith.subf %sub3A_2813, %convert_element_type3A_2782 : f32
      %mul3A_2815 = vector.broadcast %sub3A_2814 : f32 to vector<16xf32>
      %mul3A_2816 = arith.mulf %gather3A_2811, %mul3A_2815 : vector<16xf32>
      %add3A_2817 = arith.addf %mul3A_2712, %mul3A_2816 : vector<16xf32>
      %mul3A_2818 = vector.broadcast %convert_element_type3A_2782 : f32 to vector<16xf32>
      %mul3A_2819 = arith.mulf %gather3A_2812, %mul3A_2818 : vector<16xf32>
      %add3A_2820 = arith.addf %add3A_2817, %mul3A_2819 : vector<16xf32>
      %iota3A_2821 = tpu.iota {dimensions = array<i32: 0>} : vector<16xi32>
      %add3A_2822 = arith.constant 32 : i32
      %add3A_2823 = vector.broadcast %add3A_2822 : i32 to vector<16xi32>
      %add3A_2824 = arith.addi %iota3A_2821, %add3A_2823 : vector<16xi32>
      %gather3A_2825 = arith.constant 0 : i32
      %gather3A_2826 = arith.constant 0 : i32
      %gather3A_2827 = arith.constant 0 : i32
      %gather3A_2828 = tpu.memref_slice %arg7[%gather3A_2825, %gather3A_2826, %gather3A_2827] : memref<8x64x128xf32, #tpu.memory_space<vmem>> -> memref<1x64x128xf32, #tpu.memory_space<vmem>>
      %gather3A_2829 = tpu.memref_squeeze %gather3A_2828 : memref<1x64x128xf32, #tpu.memory_space<vmem>> -> memref<64x128xf32, #tpu.memory_space<vmem>>
      %gather3A_2830 = tpu.vector_load_idx %gather3A_2829[%add3A_2824, %broadcast_in_dim3A_2771] : memref<64x128xf32, #tpu.memory_space<vmem>>[vector<16xi32>, vector<16xi32>], vector<16xf32>,
      %gather3A_2831 = tpu.vector_load_idx %arg8[%add3A_2824, %broadcast_in_dim3A_2778] : memref<64x256xf32, #tpu.memory_space<vmem>>[vector<16xi32>, vector<16xi32>], vector<16xf32>,
      %sub3A_2832 = arith.constant 1.000000e+00 : f32
      %sub3A_2833 = arith.subf %sub3A_2832, %convert_element_type3A_2782 : f32
      %mul3A_2834 = vector.broadcast %sub3A_2833 : f32 to vector<16xf32>
      %mul3A_2835 = arith.mulf %gather3A_2830, %mul3A_2834 : vector<16xf32>
      %add3A_2836 = arith.addf %mul3A_2714, %mul3A_2835 : vector<16xf32>
      %mul3A_2837 = vector.broadcast %convert_element_type3A_2782 : f32 to vector<16xf32>
      %mul3A_2838 = arith.mulf %gather3A_2831, %mul3A_2837 : vector<16xf32>
      %add3A_2839 = arith.addf %add3A_2836, %mul3A_2838 : vector<16xf32>
      %iota3A_2840 = tpu.iota {dimensions = array<i32: 0>} : vector<16xi32>
      %add3A_2841 = arith.constant 48 : i32
      %add3A_2842 = vector.broadcast %add3A_2841 : i32 to vector<16xi32>
      %add3A_2843 = arith.addi %iota3A_2840, %add3A_2842 : vector<16xi32>
      %gather3A_2844 = arith.constant 0 : i32
      %gather3A_2845 = arith.constant 0 : i32
      %gather3A_2846 = arith.constant 0 : i32
      %gather3A_2847 = tpu.memref_slice %arg7[%gather3A_2844, %gather3A_2845, %gather3A_2846] : memref<8x64x128xf32, #tpu.memory_space<vmem>> -> memref<1x64x128xf32, #tpu.memory_space<vmem>>
      %gather3A_2848 = tpu.memref_squeeze %gather3A_2847 : memref<1x64x128xf32, #tpu.memory_space<vmem>> -> memref<64x128xf32, #tpu.memory_space<vmem>>
      %gather3A_2849 = tpu.vector_load_idx %gather3A_2848[%add3A_2843, %broadcast_in_dim3A_2771] : memref<64x128xf32, #tpu.memory_space<vmem>>[vector<16xi32>, vector<16xi32>], vector<16xf32>,
      %gather3A_2850 = tpu.vector_load_idx %arg8[%add3A_2843, %broadcast_in_dim3A_2778] : memref<64x256xf32, #tpu.memory_space<vmem>>[vector<16xi32>, vector<16xi32>], vector<16xf32>,
      %sub3A_2851 = arith.constant 1.000000e+00 : f32
      %sub3A_2852 = arith.subf %sub3A_2851, %convert_element_type3A_2782 : f32
      %mul3A_2853 = vector.broadcast %sub3A_2852 : f32 to vector<16xf32>
      %mul3A_2854 = arith.mulf %gather3A_2849, %mul3A_2853 : vector<16xf32>
      %add3A_2855 = arith.addf %mul3A_2716, %mul3A_2854 : vector<16xf32>
      %mul3A_2856 = vector.broadcast %convert_element_type3A_2782 : f32 to vector<16xf32>
      %mul3A_2857 = arith.mulf %gather3A_2850, %mul3A_2856 : vector<16xf32>
      %add3A_2858 = arith.addf %add3A_2855, %mul3A_2857 : vector<16xf32>
      %lt3A_2859 = arith.constant 39 : i32
      %lt3A_2860 = arith.cmpi slt, %scan3A_455, %lt3A_2859 : i32
      %convert_element_type3A_2861 = arith.extui %lt3A_2860 : i1 to i32
      %cond3A = arith.constant 0 : i32
      %cond3A_2862 = arith.cmpi ne, %convert_element_type3A_2861, %cond3A : i32
      scf.if %cond3A_2862 {
        %slice3A_4516 = vector.extract_strided_slice %get3A_507 {offsets = [0], sizes = [1], strides = [1]} : vector<16xi32> to vector<1xi32>
        %squeeze3A_4517 = vector.extract %slice3A_4516[0] : i32 from vector<1xi32>
        %jit3A_4518 = arith.constant 128 : i32
        %div3A_4519 = arith.divsi %squeeze3A_4517, %jit3A_4518 : i32
        %sign3A_4520 = arith.constant 0 : i32
        %sign3A_4521 = arith.cmpi sgt, %squeeze3A_4517, %sign3A_4520 : i32
        %sign3A_4522 = arith.extui %sign3A_4521 : i1 to i32
        %sign3A_4523 = arith.constant 0 : i32
        %sign3A_4524 = arith.cmpi slt, %squeeze3A_4517, %sign3A_4523 : i32
        %sign3A_4525 = arith.extui %sign3A_4524 : i1 to i32
        %sign3A_4526 = arith.subi %sign3A_4522, %sign3A_4525 : i32
        %sign3A_4527 = arith.constant 0 : i32
        %sign3A_4528 = arith.cmpi sgt, %jit3A_4518, %sign3A_4527 : i32
        %sign3A_4529 = arith.extui %sign3A_4528 : i1 to i32
        %sign3A_4530 = arith.constant 0 : i32
        %sign3A_4531 = arith.cmpi slt, %jit3A_4518, %sign3A_4530 : i32
        %sign3A_4532 = arith.extui %sign3A_4531 : i1 to i32
        %sign3A_4533 = arith.subi %sign3A_4529, %sign3A_4532 : i32
        %ne3A_4534 = arith.cmpi ne, %sign3A_4526, %sign3A_4533 : i32
        %rem3A_4535 = arith.remsi %squeeze3A_4517, %jit3A_4518 : i32
        %ne3A_4536 = arith.constant 0 : i32
        %ne3A_4537 = arith.cmpi ne, %rem3A_4535, %ne3A_4536 : i32
        %and3A_4538 = arith.andi %ne3A_4534, %ne3A_4537 : i1
        %sub3A_4539 = arith.constant 1 : i32
        %sub3A_4540 = arith.subi %div3A_4519, %sub3A_4539 : i32
        %select_n3A_4541 = arith.select %and3A_4538, %sub3A_4540, %div3A_4519 : i32
        %min3A_4542 = arith.constant 7810 : i32
        %min3A_4543 = arith.minsi %select_n3A_4541, %min3A_4542 : i32
        %mul3A_4544 = arith.constant 128 : i32
        %mul3A_4545 = arith.muli %min3A_4543, %mul3A_4544 : i32
        %multiple_of3A_4546 = tpu.assume_multiple %mul3A_4545, 128 : i32
        %dma_start3A_4547 = arith.constant 0 : i32
        %dma_start3A_4548 = arith.constant 0 : i32
        %dma_start3A_4549 = arith.constant 0 : i32
        %dma_start3A_4550 = tpu.memref_slice %arg7[%dma_start3A_4547, %dma_start3A_4548, %dma_start3A_4549] : memref<8x64x128xf32, #tpu.memory_space<vmem>> -> memref<1x32x128xf32, #tpu.memory_space<vmem>>
        %dma_start3A_4551 = tpu.memref_squeeze %dma_start3A_4550 : memref<1x32x128xf32, #tpu.memory_space<vmem>> -> memref<32x128xf32, #tpu.memory_space<vmem>>
        %dma_start3A_4552 = arith.constant 0 : i32
        %dma_start3A_4553 = tpu.memref_slice %arg3[%dma_start3A_4552, %multiple_of3A_4546] : memref<64x1000000xf32, #tpu.memory_space<hbm>> -> memref<32x128xf32, #tpu.memory_space<hbm>>
        %dma_start3A_4554 = arith.constant 0 : i32
        %dma_start3A_4555 = arith.constant 0 : i32
        %dma_start3A_4556 = tpu.memref_slice %arg7[%dma_start3A_4547, %dma_start3A_4554, %dma_start3A_4555] : memref<8x64x128xf32, #tpu.memory_space<vmem>> -> memref<1x32x128xf32, #tpu.memory_space<vmem>>
        %dma_start3A_4557 = tpu.memref_squeeze %dma_start3A_4556 : memref<1x32x128xf32, #tpu.memory_space<vmem>> -> memref<32x128xf32, #tpu.memory_space<vmem>>
        %dma_start3A_4558 = arith.constant 0 : i32
        %dma_start3A_4559 = tpu.memref_slice %arg3[%dma_start3A_4558, %multiple_of3A_4546] : memref<64x1000000xf32, #tpu.memory_space<hbm>> -> memref<32x128xf32, #tpu.memory_space<hbm>>
        tpu.enqueue_dma source(%dma_start3A_4559 : memref<32x128xf32, #tpu.memory_space<hbm>>) target(%dma_start3A_4557 : memref<32x128xf32, #tpu.memory_space<vmem>>) target_semaphore(%arg10 : memref<!tpu.dma_semaphore, #tpu.memory_space<semaphore_mem>>)
        %dma_start3A_4560 = arith.constant 0 : i32
        %dma_start3A_4561 = arith.constant 32 : i32
        %dma_start3A_4562 = arith.constant 0 : i32
        %dma_start3A_4563 = tpu.memref_slice %arg7[%dma_start3A_4560, %dma_start3A_4561, %dma_start3A_4562] : memref<8x64x128xf32, #tpu.memory_space<vmem>> -> memref<1x32x128xf32, #tpu.memory_space<vmem>>
        %dma_start3A_4564 = tpu.memref_squeeze %dma_start3A_4563 : memref<1x32x128xf32, #tpu.memory_space<vmem>> -> memref<32x128xf32, #tpu.memory_space<vmem>>
        %dma_start3A_4565 = arith.constant 32 : i32
        %dma_start3A_4566 = tpu.memref_slice %arg3[%dma_start3A_4565, %multiple_of3A_4546] : memref<64x1000000xf32, #tpu.memory_space<hbm>> -> memref<32x128xf32, #tpu.memory_space<hbm>>
        %dma_start3A_4567 = arith.constant 32 : i32
        %dma_start3A_4568 = arith.constant 0 : i32
        %dma_start3A_4569 = tpu.memref_slice %arg7[%dma_start3A_4560, %dma_start3A_4567, %dma_start3A_4568] : memref<8x64x128xf32, #tpu.memory_space<vmem>> -> memref<1x32x128xf32, #tpu.memory_space<vmem>>
        %dma_start3A_4570 = tpu.memref_squeeze %dma_start3A_4569 : memref<1x32x128xf32, #tpu.memory_space<vmem>> -> memref<32x128xf32, #tpu.memory_space<vmem>>
        %dma_start3A_4571 = arith.constant 32 : i32
        %dma_start3A_4572 = tpu.memref_slice %arg3[%dma_start3A_4571, %multiple_of3A_4546] : memref<64x1000000xf32, #tpu.memory_space<hbm>> -> memref<32x128xf32, #tpu.memory_space<hbm>>
        tpu.enqueue_dma source(%dma_start3A_4572 : memref<32x128xf32, #tpu.memory_space<hbm>>) target(%dma_start3A_4570 : memref<32x128xf32, #tpu.memory_space<vmem>>) target_semaphore(%arg10 : memref<!tpu.dma_semaphore, #tpu.memory_space<semaphore_mem>>)
      } else {
      }
      %jit3A_2863 = arith.constant 20 : i32
      %div3A_2864 = arith.divsi %add3A_2722, %jit3A_2863 : i32
      %sign3A_2865 = arith.constant 0 : i32
      %sign3A_2866 = arith.cmpi sgt, %add3A_2722, %sign3A_2865 : i32
      %sign3A_2867 = arith.extui %sign3A_2866 : i1 to i32
      %sign3A_2868 = arith.constant 0 : i32
      %sign3A_2869 = arith.cmpi slt, %add3A_2722, %sign3A_2868 : i32
      %sign3A_2870 = arith.extui %sign3A_2869 : i1 to i32
      %sign3A_2871 = arith.subi %sign3A_2867, %sign3A_2870 : i32
      %sign3A_2872 = arith.constant 0 : i32
      %sign3A_2873 = arith.cmpi sgt, %jit3A_2863, %sign3A_2872 : i32
      %sign3A_2874 = arith.extui %sign3A_2873 : i1 to i32
      %sign3A_2875 = arith.constant 0 : i32
      %sign3A_2876 = arith.cmpi slt, %jit3A_2863, %sign3A_2875 : i32
      %sign3A_2877 = arith.extui %sign3A_2876 : i1 to i32
      %sign3A_2878 = arith.subi %sign3A_2874, %sign3A_2877 : i32
      %ne3A_2879 = arith.cmpi ne, %sign3A_2871, %sign3A_2878 : i32
      %rem3A_2880 = arith.remsi %add3A_2722, %jit3A_2863 : i32
      %ne3A_2881 = arith.constant 0 : i32
      %ne3A_2882 = arith.cmpi ne, %rem3A_2880, %ne3A_2881 : i32
      %and3A_2883 = arith.andi %ne3A_2879, %ne3A_2882 : i1
      %sub3A_2884 = arith.constant 1 : i32
      %sub3A_2885 = arith.subi %div3A_2864, %sub3A_2884 : i32
      %select_n3A_2886 = arith.select %and3A_2883, %sub3A_2885, %div3A_2864 : i32
      %mul3A_2887 = arith.constant 5.000000e-02 : f32
      %mul3A_2888 = vector.broadcast %mul3A_2887 : f32 to vector<16xf32>
      %mul3A_2889 = arith.mulf %add3A_2801, %mul3A_2888 : vector<16xf32>
      %swap3A_2890 = arith.index_cast %select_n3A_2886 : i32 to index
      %swap3A_2891 = arith.constant 0 : index
      %swap3A_2892 = tpu.vector_load %arg9[%swap3A_2890, %swap3A_2891] {strides = array<i32>} : memref<32x128xf32, #tpu.memory_space<vmem>>, vector<16xf32>,
      tpu.vector_store %arg9[%swap3A_2890, %swap3A_2891], %mul3A_2889 {strides = array<i32>} : memref<32x128xf32, #tpu.memory_space<vmem>>, vector<16xf32>,
      %mul3A_2893 = arith.constant 5.000000e-02 : f32
      %mul3A_2894 = vector.broadcast %mul3A_2893 : f32 to vector<16xf32>
      %mul3A_2895 = arith.mulf %add3A_2820, %mul3A_2894 : vector<16xf32>
      %swap3A_2896 = arith.index_cast %select_n3A_2886 : i32 to index
      %swap3A_2897 = arith.constant 16 : index
      %swap3A_2898 = tpu.vector_load %arg9[%swap3A_2896, %swap3A_2897] {strides = array<i32>} : memref<32x128xf32, #tpu.memory_space<vmem>>, vector<16xf32>,
      tpu.vector_store %arg9[%swap3A_2896, %swap3A_2897], %mul3A_2895 {strides = array<i32>} : memref<32x128xf32, #tpu.memory_space<vmem>>, vector<16xf32>,
      %mul3A_2899 = arith.constant 5.000000e-02 : f32
      %mul3A_2900 = vector.broadcast %mul3A_2899 : f32 to vector<16xf32>
      %mul3A_2901 = arith.mulf %add3A_2839, %mul3A_2900 : vector<16xf32>
      %swap3A_2902 = arith.index_cast %select_n3A_2886 : i32 to index
      %swap3A_2903 = arith.constant 32 : index
      %swap3A_2904 = tpu.vector_load %arg9[%swap3A_2902, %swap3A_2903] {strides = array<i32>} : memref<32x128xf32, #tpu.memory_space<vmem>>, vector<16xf32>,
      tpu.vector_store %arg9[%swap3A_2902, %swap3A_2903], %mul3A_2901 {strides = array<i32>} : memref<32x128xf32, #tpu.memory_space<vmem>>, vector<16xf32>,
      %mul3A_2905 = arith.constant 5.000000e-02 : f32
      %mul3A_2906 = vector.broadcast %mul3A_2905 : f32 to vector<16xf32>
      %mul3A_2907 = arith.mulf %add3A_2858, %mul3A_2906 : vector<16xf32>
      %swap3A_2908 = arith.index_cast %select_n3A_2886 : i32 to index
      %swap3A_2909 = arith.constant 48 : index
      %swap3A_2910 = tpu.vector_load %arg9[%swap3A_2908, %swap3A_2909] {strides = array<i32>} : memref<32x128xf32, #tpu.memory_space<vmem>>, vector<16xf32>,
      tpu.vector_store %arg9[%swap3A_2908, %swap3A_2909], %mul3A_2907 {strides = array<i32>} : memref<32x128xf32, #tpu.memory_space<vmem>>, vector<16xf32>,
      %jit3A_2911 = arith.constant 20 : i32
      %eq3A_2912 = arith.constant 0 : i32
      %eq3A_2913 = arith.cmpi eq, %jit3A_2911, %eq3A_2912 : i32
      %jit3A_2914 = arith.constant 1 : i32
      %select_n3A_2915 = arith.select %eq3A_2913, %jit3A_2914, %jit3A_2911 : i32
      %rem3A_2916 = arith.remsi %add3A_2722, %select_n3A_2915 : i32
      %ne3A_2917 = arith.constant 0 : i32
      %ne3A_2918 = arith.cmpi ne, %rem3A_2916, %ne3A_2917 : i32
      %lt3A_2919 = arith.constant 0 : i32
      %lt3A_2920 = arith.cmpi slt, %rem3A_2916, %lt3A_2919 : i32
      %lt3A_2921 = arith.constant 0 : i32
      %lt3A_2922 = arith.cmpi slt, %select_n3A_2915, %lt3A_2921 : i32
      %ne3A_2923 = arith.xori %lt3A_2920, %lt3A_2922 : i1
      %and3A_2924 = arith.andi %ne3A_2923, %ne3A_2918 : i1
      %add3A_2925 = arith.addi %rem3A_2916, %select_n3A_2915 : i32
      %select_n3A_2926 = arith.select %and3A_2924, %add3A_2925, %rem3A_2916 : i32
      %eq3A_2927 = arith.constant 19 : i32
      %eq3A_2928 = arith.cmpi eq, %select_n3A_2926, %eq3A_2927 : i32
      %convert_element_type3A_2929 = arith.extui %eq3A_2928 : i1 to i32
      %convert_element_type3A_2930 = arith.sitofp %convert_element_type3A_2929 : i32 to f32
      %sub3A_2931 = arith.constant 1.000000e+00 : f32
      %sub3A_2932 = arith.subf %sub3A_2931, %convert_element_type3A_2930 : f32
      %mul3A_2933 = vector.broadcast %sub3A_2932 : f32 to vector<16xf32>
      %mul3A_2934 = arith.mulf %add3A_2801, %mul3A_2933 : vector<16xf32>
      %mul3A_2935 = vector.broadcast %sub3A_2932 : f32 to vector<16xf32>
      %mul3A_2936 = arith.mulf %add3A_2820, %mul3A_2935 : vector<16xf32>
      %mul3A_2937 = vector.broadcast %sub3A_2932 : f32 to vector<16xf32>
      %mul3A_2938 = arith.mulf %add3A_2839, %mul3A_2937 : vector<16xf32>
      %mul3A_2939 = vector.broadcast %sub3A_2932 : f32 to vector<16xf32>
      %mul3A_2940 = arith.mulf %add3A_2858, %mul3A_2939 : vector<16xf32>
      %mul3A_2941 = arith.constant 16 : i32
      %mul3A_2942 = arith.muli %scan3A_455, %mul3A_2941 : i32
      %add3A_2943 = arith.constant 8 : i32
      %add3A_2944 = arith.addi %mul3A_2942, %add3A_2943 : i32
      %add3A_2945 = arith.constant 1 : i32
      %add3A_2946 = arith.addi %add3A_2944, %add3A_2945 : i32
      %dma_wait3A_2947 = arith.constant 1 : i32
      %dma_wait3A_2948 = arith.constant 0 : i32
      %dma_wait3A_2949 = arith.constant 0 : i32
      %dma_wait3A_2950 = tpu.memref_slice %arg7[%dma_wait3A_2947, %dma_wait3A_2948, %dma_wait3A_2949] : memref<8x64x128xf32, #tpu.memory_space<vmem>> -> memref<1x64x128xf32, #tpu.memory_space<vmem>>
      %dma_wait3A_2951 = tpu.memref_squeeze %dma_wait3A_2950 : memref<1x64x128xf32, #tpu.memory_space<vmem>> -> memref<64x128xf32, #tpu.memory_space<vmem>>
      %dma_wait3A_2952 = arith.constant 0 : i32
      %dma_wait3A_2953 = arith.constant 0 : i32
      %dma_wait3A_2954 = tpu.memref_slice %arg3[%dma_wait3A_2952, %dma_wait3A_2953] : memref<64x1000000xf32, #tpu.memory_space<hbm>> -> memref<64x128xf32, #tpu.memory_space<hbm>>
      %dma_wait3A_2955 = arith.constant 0 : i32
      %dma_wait3A_2956 = arith.constant 0 : i32
      %dma_wait3A_2957 = tpu.memref_slice %arg7[%dma_wait3A_2947, %dma_wait3A_2955, %dma_wait3A_2956] : memref<8x64x128xf32, #tpu.memory_space<vmem>> -> memref<1x64x128xf32, #tpu.memory_space<vmem>>
      %dma_wait3A_2958 = tpu.memref_squeeze %dma_wait3A_2957 : memref<1x64x128xf32, #tpu.memory_space<vmem>> -> memref<64x128xf32, #tpu.memory_space<vmem>>
      %dma_wait3A_2959 = arith.constant 0 : i32
      %dma_wait3A_2960 = arith.constant 0 : i32
      %dma_wait3A_2961 = tpu.memref_slice %arg3[%dma_wait3A_2959, %dma_wait3A_2960] : memref<64x1000000xf32, #tpu.memory_space<hbm>> -> memref<64x128xf32, #tpu.memory_space<hbm>>
      tpu.wait_dma2 semaphore(%arg11 : memref<!tpu.dma_semaphore, #tpu.memory_space<semaphore_mem>>) src(%dma_wait3A_2961 : memref<64x128xf32, #tpu.memory_space<hbm>>) dst(%dma_wait3A_2958 : memref<64x128xf32, #tpu.memory_space<vmem>>)
      %slice3A_2962 = vector.extract_strided_slice %scan3A_460 {offsets = [9], sizes = [1], strides = [1]} : vector<16xi32> to vector<1xi32>
      %squeeze3A_2963 = vector.extract %slice3A_2962[0] : i32 from vector<1xi32>
      %jit3A_2964 = arith.constant 128 : i32
      %div3A_2965 = arith.divsi %squeeze3A_2963, %jit3A_2964 : i32
      %sign3A_2966 = arith.constant 0 : i32
      %sign3A_2967 = arith.cmpi sgt, %squeeze3A_2963, %sign3A_2966 : i32
      %sign3A_2968 = arith.extui %sign3A_2967 : i1 to i32
      %sign3A_2969 = arith.constant 0 : i32
      %sign3A_2970 = arith.cmpi slt, %squeeze3A_2963, %sign3A_2969 : i32
      %sign3A_2971 = arith.extui %sign3A_2970 : i1 to i32
      %sign3A_2972 = arith.subi %sign3A_2968, %sign3A_2971 : i32
      %sign3A_2973 = arith.constant 0 : i32
      %sign3A_2974 = arith.cmpi sgt, %jit3A_2964, %sign3A_2973 : i32
      %sign3A_2975 = arith.extui %sign3A_2974 : i1 to i32
      %sign3A_2976 = arith.constant 0 : i32
      %sign3A_2977 = arith.cmpi slt, %jit3A_2964, %sign3A_2976 : i32
      %sign3A_2978 = arith.extui %sign3A_2977 : i1 to i32
      %sign3A_2979 = arith.subi %sign3A_2975, %sign3A_2978 : i32
      %ne3A_2980 = arith.cmpi ne, %sign3A_2972, %sign3A_2979 : i32
      %rem3A_2981 = arith.remsi %squeeze3A_2963, %jit3A_2964 : i32
      %ne3A_2982 = arith.constant 0 : i32
      %ne3A_2983 = arith.cmpi ne, %rem3A_2981, %ne3A_2982 : i32
      %and3A_2984 = arith.andi %ne3A_2980, %ne3A_2983 : i1
      %sub3A_2985 = arith.constant 1 : i32
      %sub3A_2986 = arith.subi %div3A_2965, %sub3A_2985 : i32
      %select_n3A_2987 = arith.select %and3A_2984, %sub3A_2986, %div3A_2965 : i32
      %min3A_2988 = arith.constant 7810 : i32
      %min3A_2989 = arith.minsi %select_n3A_2987, %min3A_2988 : i32
      %mul3A_2990 = arith.constant 128 : i32
      %mul3A_2991 = arith.muli %min3A_2989, %mul3A_2990 : i32
      %sub3A_2992 = arith.subi %squeeze3A_2963, %mul3A_2991 : i32
      %min3A_2993 = arith.constant 127 : i32
      %min3A_2994 = arith.minsi %sub3A_2992, %min3A_2993 : i32
      %broadcast_in_dim3A_2995 = vector.broadcast %min3A_2994 : i32 to vector<16xi32>
      %sub3A_2996 = arith.constant 999744 : i32
      %sub3A_2997 = arith.subi %squeeze3A_2963, %sub3A_2996 : i32
      %jit3A_2998 = arith.constant 0 : i32
      %jit3A_2999 = arith.constant 255 : i32
      %max3A_3000 = arith.maxsi %jit3A_2998, %sub3A_2997 : i32
      %min3A_3001 = arith.minsi %jit3A_2999, %max3A_3000 : i32
      %broadcast_in_dim3A_3002 = vector.broadcast %min3A_3001 : i32 to vector<16xi32>
      %ge3A_3003 = arith.constant 999808 : i32
      %ge3A_3004 = arith.cmpi sge, %squeeze3A_2963, %ge3A_3003 : i32
      %convert_element_type3A_3005 = arith.extui %ge3A_3004 : i1 to i32
      %convert_element_type3A_3006 = arith.sitofp %convert_element_type3A_3005 : i32 to f32
      %iota3A_3007 = tpu.iota {dimensions = array<i32: 0>} : vector<16xi32>
      %add3A_3008 = arith.constant 0 : i32
      %add3A_3009 = vector.broadcast %add3A_3008 : i32 to vector<16xi32>
      %add3A_3010 = arith.addi %iota3A_3007, %add3A_3009 : vector<16xi32>
      %gather3A_3011 = arith.constant 1 : i32
      %gather3A_3012 = arith.constant 0 : i32
      %gather3A_3013 = arith.constant 0 : i32
      %gather3A_3014 = tpu.memref_slice %arg7[%gather3A_3011, %gather3A_3012, %gather3A_3013] : memref<8x64x128xf32, #tpu.memory_space<vmem>> -> memref<1x64x128xf32, #tpu.memory_space<vmem>>
      %gather3A_3015 = tpu.memref_squeeze %gather3A_3014 : memref<1x64x128xf32, #tpu.memory_space<vmem>> -> memref<64x128xf32, #tpu.memory_space<vmem>>
      %gather3A_3016 = tpu.vector_load_idx %gather3A_3015[%add3A_3010, %broadcast_in_dim3A_2995] : memref<64x128xf32, #tpu.memory_space<vmem>>[vector<16xi32>, vector<16xi32>], vector<16xf32>,
      %gather3A_3017 = tpu.vector_load_idx %arg8[%add3A_3010, %broadcast_in_dim3A_3002] : memref<64x256xf32, #tpu.memory_space<vmem>>[vector<16xi32>, vector<16xi32>], vector<16xf32>,
      %sub3A_3018 = arith.constant 1.000000e+00 : f32
      %sub3A_3019 = arith.subf %sub3A_3018, %convert_element_type3A_3006 : f32
      %mul3A_3020 = vector.broadcast %sub3A_3019 : f32 to vector<16xf32>
      %mul3A_3021 = arith.mulf %gather3A_3016, %mul3A_3020 : vector<16xf32>
      %add3A_3022 = arith.addf %mul3A_2934, %mul3A_3021 : vector<16xf32>
      %mul3A_3023 = vector.broadcast %convert_element_type3A_3006 : f32 to vector<16xf32>
      %mul3A_3024 = arith.mulf %gather3A_3017, %mul3A_3023 : vector<16xf32>
      %add3A_3025 = arith.addf %add3A_3022, %mul3A_3024 : vector<16xf32>
      %iota3A_3026 = tpu.iota {dimensions = array<i32: 0>} : vector<16xi32>
      %add3A_3027 = arith.constant 16 : i32
      %add3A_3028 = vector.broadcast %add3A_3027 : i32 to vector<16xi32>
      %add3A_3029 = arith.addi %iota3A_3026, %add3A_3028 : vector<16xi32>
      %gather3A_3030 = arith.constant 1 : i32
      %gather3A_3031 = arith.constant 0 : i32
      %gather3A_3032 = arith.constant 0 : i32
      %gather3A_3033 = tpu.memref_slice %arg7[%gather3A_3030, %gather3A_3031, %gather3A_3032] : memref<8x64x128xf32, #tpu.memory_space<vmem>> -> memref<1x64x128xf32, #tpu.memory_space<vmem>>
      %gather3A_3034 = tpu.memref_squeeze %gather3A_3033 : memref<1x64x128xf32, #tpu.memory_space<vmem>> -> memref<64x128xf32, #tpu.memory_space<vmem>>
      %gather3A_3035 = tpu.vector_load_idx %gather3A_3034[%add3A_3029, %broadcast_in_dim3A_2995] : memref<64x128xf32, #tpu.memory_space<vmem>>[vector<16xi32>, vector<16xi32>], vector<16xf32>,
      %gather3A_3036 = tpu.vector_load_idx %arg8[%add3A_3029, %broadcast_in_dim3A_3002] : memref<64x256xf32, #tpu.memory_space<vmem>>[vector<16xi32>, vector<16xi32>], vector<16xf32>,
      %sub3A_3037 = arith.constant 1.000000e+00 : f32
      %sub3A_3038 = arith.subf %sub3A_3037, %convert_element_type3A_3006 : f32
      %mul3A_3039 = vector.broadcast %sub3A_3038 : f32 to vector<16xf32>
      %mul3A_3040 = arith.mulf %gather3A_3035, %mul3A_3039 : vector<16xf32>
      %add3A_3041 = arith.addf %mul3A_2936, %mul3A_3040 : vector<16xf32>
      %mul3A_3042 = vector.broadcast %convert_element_type3A_3006 : f32 to vector<16xf32>
      %mul3A_3043 = arith.mulf %gather3A_3036, %mul3A_3042 : vector<16xf32>
      %add3A_3044 = arith.addf %add3A_3041, %mul3A_3043 : vector<16xf32>
      %iota3A_3045 = tpu.iota {dimensions = array<i32: 0>} : vector<16xi32>
      %add3A_3046 = arith.constant 32 : i32
      %add3A_3047 = vector.broadcast %add3A_3046 : i32 to vector<16xi32>
      %add3A_3048 = arith.addi %iota3A_3045, %add3A_3047 : vector<16xi32>
      %gather3A_3049 = arith.constant 1 : i32
      %gather3A_3050 = arith.constant 0 : i32
      %gather3A_3051 = arith.constant 0 : i32
      %gather3A_3052 = tpu.memref_slice %arg7[%gather3A_3049, %gather3A_3050, %gather3A_3051] : memref<8x64x128xf32, #tpu.memory_space<vmem>> -> memref<1x64x128xf32, #tpu.memory_space<vmem>>
      %gather3A_3053 = tpu.memref_squeeze %gather3A_3052 : memref<1x64x128xf32, #tpu.memory_space<vmem>> -> memref<64x128xf32, #tpu.memory_space<vmem>>
      %gather3A_3054 = tpu.vector_load_idx %gather3A_3053[%add3A_3048, %broadcast_in_dim3A_2995] : memref<64x128xf32, #tpu.memory_space<vmem>>[vector<16xi32>, vector<16xi32>], vector<16xf32>,
      %gather3A_3055 = tpu.vector_load_idx %arg8[%add3A_3048, %broadcast_in_dim3A_3002] : memref<64x256xf32, #tpu.memory_space<vmem>>[vector<16xi32>, vector<16xi32>], vector<16xf32>,
      %sub3A_3056 = arith.constant 1.000000e+00 : f32
      %sub3A_3057 = arith.subf %sub3A_3056, %convert_element_type3A_3006 : f32
      %mul3A_3058 = vector.broadcast %sub3A_3057 : f32 to vector<16xf32>
      %mul3A_3059 = arith.mulf %gather3A_3054, %mul3A_3058 : vector<16xf32>
      %add3A_3060 = arith.addf %mul3A_2938, %mul3A_3059 : vector<16xf32>
      %mul3A_3061 = vector.broadcast %convert_element_type3A_3006 : f32 to vector<16xf32>
      %mul3A_3062 = arith.mulf %gather3A_3055, %mul3A_3061 : vector<16xf32>
      %add3A_3063 = arith.addf %add3A_3060, %mul3A_3062 : vector<16xf32>
      %iota3A_3064 = tpu.iota {dimensions = array<i32: 0>} : vector<16xi32>
      %add3A_3065 = arith.constant 48 : i32
      %add3A_3066 = vector.broadcast %add3A_3065 : i32 to vector<16xi32>
      %add3A_3067 = arith.addi %iota3A_3064, %add3A_3066 : vector<16xi32>
      %gather3A_3068 = arith.constant 1 : i32
      %gather3A_3069 = arith.constant 0 : i32
      %gather3A_3070 = arith.constant 0 : i32
      %gather3A_3071 = tpu.memref_slice %arg7[%gather3A_3068, %gather3A_3069, %gather3A_3070] : memref<8x64x128xf32, #tpu.memory_space<vmem>> -> memref<1x64x128xf32, #tpu.memory_space<vmem>>
      %gather3A_3072 = tpu.memref_squeeze %gather3A_3071 : memref<1x64x128xf32, #tpu.memory_space<vmem>> -> memref<64x128xf32, #tpu.memory_space<vmem>>
      %gather3A_3073 = tpu.vector_load_idx %gather3A_3072[%add3A_3067, %broadcast_in_dim3A_2995] : memref<64x128xf32, #tpu.memory_space<vmem>>[vector<16xi32>, vector<16xi32>], vector<16xf32>,
      %gather3A_3074 = tpu.vector_load_idx %arg8[%add3A_3067, %broadcast_in_dim3A_3002] : memref<64x256xf32, #tpu.memory_space<vmem>>[vector<16xi32>, vector<16xi32>], vector<16xf32>,
      %sub3A_3075 = arith.constant 1.000000e+00 : f32
      %sub3A_3076 = arith.subf %sub3A_3075, %convert_element_type3A_3006 : f32
      %mul3A_3077 = vector.broadcast %sub3A_3076 : f32 to vector<16xf32>
      %mul3A_3078 = arith.mulf %gather3A_3073, %mul3A_3077 : vector<16xf32>
      %add3A_3079 = arith.addf %mul3A_2940, %mul3A_3078 : vector<16xf32>
      %mul3A_3080 = vector.broadcast %convert_element_type3A_3006 : f32 to vector<16xf32>
      %mul3A_3081 = arith.mulf %gather3A_3074, %mul3A_3080 : vector<16xf32>
      %add3A_3082 = arith.addf %add3A_3079, %mul3A_3081 : vector<16xf32>
      %lt3A_3083 = arith.constant 39 : i32
      %lt3A_3084 = arith.cmpi slt, %scan3A_455, %lt3A_3083 : i32
      %convert_element_type3A_3085 = arith.extui %lt3A_3084 : i1 to i32
      %cond3A_3086 = arith.constant 0 : i32
      %cond3A_3087 = arith.cmpi ne, %convert_element_type3A_3085, %cond3A_3086 : i32
      scf.if %cond3A_3087 {
        %slice3A_4516 = vector.extract_strided_slice %get3A_507 {offsets = [1], sizes = [1], strides = [1]} : vector<16xi32> to vector<1xi32>
        %squeeze3A_4517 = vector.extract %slice3A_4516[0] : i32 from vector<1xi32>
        %jit3A_4518 = arith.constant 128 : i32
        %div3A_4519 = arith.divsi %squeeze3A_4517, %jit3A_4518 : i32
        %sign3A_4520 = arith.constant 0 : i32
        %sign3A_4521 = arith.cmpi sgt, %squeeze3A_4517, %sign3A_4520 : i32
        %sign3A_4522 = arith.extui %sign3A_4521 : i1 to i32
        %sign3A_4523 = arith.constant 0 : i32
        %sign3A_4524 = arith.cmpi slt, %squeeze3A_4517, %sign3A_4523 : i32
        %sign3A_4525 = arith.extui %sign3A_4524 : i1 to i32
        %sign3A_4526 = arith.subi %sign3A_4522, %sign3A_4525 : i32
        %sign3A_4527 = arith.constant 0 : i32
        %sign3A_4528 = arith.cmpi sgt, %jit3A_4518, %sign3A_4527 : i32
        %sign3A_4529 = arith.extui %sign3A_4528 : i1 to i32
        %sign3A_4530 = arith.constant 0 : i32
        %sign3A_4531 = arith.cmpi slt, %jit3A_4518, %sign3A_4530 : i32
        %sign3A_4532 = arith.extui %sign3A_4531 : i1 to i32
        %sign3A_4533 = arith.subi %sign3A_4529, %sign3A_4532 : i32
        %ne3A_4534 = arith.cmpi ne, %sign3A_4526, %sign3A_4533 : i32
        %rem3A_4535 = arith.remsi %squeeze3A_4517, %jit3A_4518 : i32
        %ne3A_4536 = arith.constant 0 : i32
        %ne3A_4537 = arith.cmpi ne, %rem3A_4535, %ne3A_4536 : i32
        %and3A_4538 = arith.andi %ne3A_4534, %ne3A_4537 : i1
        %sub3A_4539 = arith.constant 1 : i32
        %sub3A_4540 = arith.subi %div3A_4519, %sub3A_4539 : i32
        %select_n3A_4541 = arith.select %and3A_4538, %sub3A_4540, %div3A_4519 : i32
        %min3A_4542 = arith.constant 7810 : i32
        %min3A_4543 = arith.minsi %select_n3A_4541, %min3A_4542 : i32
        %mul3A_4544 = arith.constant 128 : i32
        %mul3A_4545 = arith.muli %min3A_4543, %mul3A_4544 : i32
        %multiple_of3A_4546 = tpu.assume_multiple %mul3A_4545, 128 : i32
        %dma_start3A_4547 = arith.constant 1 : i32
        %dma_start3A_4548 = arith.constant 0 : i32
        %dma_start3A_4549 = arith.constant 0 : i32
        %dma_start3A_4550 = tpu.memref_slice %arg7[%dma_start3A_4547, %dma_start3A_4548, %dma_start3A_4549] : memref<8x64x128xf32, #tpu.memory_space<vmem>> -> memref<1x32x128xf32, #tpu.memory_space<vmem>>
        %dma_start3A_4551 = tpu.memref_squeeze %dma_start3A_4550 : memref<1x32x128xf32, #tpu.memory_space<vmem>> -> memref<32x128xf32, #tpu.memory_space<vmem>>
        %dma_start3A_4552 = arith.constant 0 : i32
        %dma_start3A_4553 = tpu.memref_slice %arg3[%dma_start3A_4552, %multiple_of3A_4546] : memref<64x1000000xf32, #tpu.memory_space<hbm>> -> memref<32x128xf32, #tpu.memory_space<hbm>>
        %dma_start3A_4554 = arith.constant 0 : i32
        %dma_start3A_4555 = arith.constant 0 : i32
        %dma_start3A_4556 = tpu.memref_slice %arg7[%dma_start3A_4547, %dma_start3A_4554, %dma_start3A_4555] : memref<8x64x128xf32, #tpu.memory_space<vmem>> -> memref<1x32x128xf32, #tpu.memory_space<vmem>>
        %dma_start3A_4557 = tpu.memref_squeeze %dma_start3A_4556 : memref<1x32x128xf32, #tpu.memory_space<vmem>> -> memref<32x128xf32, #tpu.memory_space<vmem>>
        %dma_start3A_4558 = arith.constant 0 : i32
        %dma_start3A_4559 = tpu.memref_slice %arg3[%dma_start3A_4558, %multiple_of3A_4546] : memref<64x1000000xf32, #tpu.memory_space<hbm>> -> memref<32x128xf32, #tpu.memory_space<hbm>>
        tpu.enqueue_dma source(%dma_start3A_4559 : memref<32x128xf32, #tpu.memory_space<hbm>>) target(%dma_start3A_4557 : memref<32x128xf32, #tpu.memory_space<vmem>>) target_semaphore(%arg11 : memref<!tpu.dma_semaphore, #tpu.memory_space<semaphore_mem>>)
        %dma_start3A_4560 = arith.constant 1 : i32
        %dma_start3A_4561 = arith.constant 32 : i32
        %dma_start3A_4562 = arith.constant 0 : i32
        %dma_start3A_4563 = tpu.memref_slice %arg7[%dma_start3A_4560, %dma_start3A_4561, %dma_start3A_4562] : memref<8x64x128xf32, #tpu.memory_space<vmem>> -> memref<1x32x128xf32, #tpu.memory_space<vmem>>
        %dma_start3A_4564 = tpu.memref_squeeze %dma_start3A_4563 : memref<1x32x128xf32, #tpu.memory_space<vmem>> -> memref<32x128xf32, #tpu.memory_space<vmem>>
        %dma_start3A_4565 = arith.constant 32 : i32
        %dma_start3A_4566 = tpu.memref_slice %arg3[%dma_start3A_4565, %multiple_of3A_4546] : memref<64x1000000xf32, #tpu.memory_space<hbm>> -> memref<32x128xf32, #tpu.memory_space<hbm>>
        %dma_start3A_4567 = arith.constant 32 : i32
        %dma_start3A_4568 = arith.constant 0 : i32
        %dma_start3A_4569 = tpu.memref_slice %arg7[%dma_start3A_4560, %dma_start3A_4567, %dma_start3A_4568] : memref<8x64x128xf32, #tpu.memory_space<vmem>> -> memref<1x32x128xf32, #tpu.memory_space<vmem>>
        %dma_start3A_4570 = tpu.memref_squeeze %dma_start3A_4569 : memref<1x32x128xf32, #tpu.memory_space<vmem>> -> memref<32x128xf32, #tpu.memory_space<vmem>>
        %dma_start3A_4571 = arith.constant 32 : i32
        %dma_start3A_4572 = tpu.memref_slice %arg3[%dma_start3A_4571, %multiple_of3A_4546] : memref<64x1000000xf32, #tpu.memory_space<hbm>> -> memref<32x128xf32, #tpu.memory_space<hbm>>
        tpu.enqueue_dma source(%dma_start3A_4572 : memref<32x128xf32, #tpu.memory_space<hbm>>) target(%dma_start3A_4570 : memref<32x128xf32, #tpu.memory_space<vmem>>) target_semaphore(%arg11 : memref<!tpu.dma_semaphore, #tpu.memory_space<semaphore_mem>>)
      } else {
      }
      %jit3A_3088 = arith.constant 20 : i32
      %div3A_3089 = arith.divsi %add3A_2946, %jit3A_3088 : i32
      %sign3A_3090 = arith.constant 0 : i32
      %sign3A_3091 = arith.cmpi sgt, %add3A_2946, %sign3A_3090 : i32
      %sign3A_3092 = arith.extui %sign3A_3091 : i1 to i32
      %sign3A_3093 = arith.constant 0 : i32
      %sign3A_3094 = arith.cmpi slt, %add3A_2946, %sign3A_3093 : i32
      %sign3A_3095 = arith.extui %sign3A_3094 : i1 to i32
      %sign3A_3096 = arith.subi %sign3A_3092, %sign3A_3095 : i32
      %sign3A_3097 = arith.constant 0 : i32
      %sign3A_3098 = arith.cmpi sgt, %jit3A_3088, %sign3A_3097 : i32
      %sign3A_3099 = arith.extui %sign3A_3098 : i1 to i32
      %sign3A_3100 = arith.constant 0 : i32
      %sign3A_3101 = arith.cmpi slt, %jit3A_3088, %sign3A_3100 : i32
      %sign3A_3102 = arith.extui %sign3A_3101 : i1 to i32
      %sign3A_3103 = arith.subi %sign3A_3099, %sign3A_3102 : i32
      %ne3A_3104 = arith.cmpi ne, %sign3A_3096, %sign3A_3103 : i32
      %rem3A_3105 = arith.remsi %add3A_2946, %jit3A_3088 : i32
      %ne3A_3106 = arith.constant 0 : i32
      %ne3A_3107 = arith.cmpi ne, %rem3A_3105, %ne3A_3106 : i32
      %and3A_3108 = arith.andi %ne3A_3104, %ne3A_3107 : i1
      %sub3A_3109 = arith.constant 1 : i32
      %sub3A_3110 = arith.subi %div3A_3089, %sub3A_3109 : i32
      %select_n3A_3111 = arith.select %and3A_3108, %sub3A_3110, %div3A_3089 : i32
      %mul3A_3112 = arith.constant 5.000000e-02 : f32
      %mul3A_3113 = vector.broadcast %mul3A_3112 : f32 to vector<16xf32>
      %mul3A_3114 = arith.mulf %add3A_3025, %mul3A_3113 : vector<16xf32>
      %swap3A_3115 = arith.index_cast %select_n3A_3111 : i32 to index
      %swap3A_3116 = arith.constant 0 : index
      %swap3A_3117 = tpu.vector_load %arg9[%swap3A_3115, %swap3A_3116] {strides = array<i32>} : memref<32x128xf32, #tpu.memory_space<vmem>>, vector<16xf32>,
      tpu.vector_store %arg9[%swap3A_3115, %swap3A_3116], %mul3A_3114 {strides = array<i32>} : memref<32x128xf32, #tpu.memory_space<vmem>>, vector<16xf32>,
      %mul3A_3118 = arith.constant 5.000000e-02 : f32
      %mul3A_3119 = vector.broadcast %mul3A_3118 : f32 to vector<16xf32>
      %mul3A_3120 = arith.mulf %add3A_3044, %mul3A_3119 : vector<16xf32>
      %swap3A_3121 = arith.index_cast %select_n3A_3111 : i32 to index
      %swap3A_3122 = arith.constant 16 : index
      %swap3A_3123 = tpu.vector_load %arg9[%swap3A_3121, %swap3A_3122] {strides = array<i32>} : memref<32x128xf32, #tpu.memory_space<vmem>>, vector<16xf32>,
      tpu.vector_store %arg9[%swap3A_3121, %swap3A_3122], %mul3A_3120 {strides = array<i32>} : memref<32x128xf32, #tpu.memory_space<vmem>>, vector<16xf32>,
      %mul3A_3124 = arith.constant 5.000000e-02 : f32
      %mul3A_3125 = vector.broadcast %mul3A_3124 : f32 to vector<16xf32>
      %mul3A_3126 = arith.mulf %add3A_3063, %mul3A_3125 : vector<16xf32>
      %swap3A_3127 = arith.index_cast %select_n3A_3111 : i32 to index
      %swap3A_3128 = arith.constant 32 : index
      %swap3A_3129 = tpu.vector_load %arg9[%swap3A_3127, %swap3A_3128] {strides = array<i32>} : memref<32x128xf32, #tpu.memory_space<vmem>>, vector<16xf32>,
      tpu.vector_store %arg9[%swap3A_3127, %swap3A_3128], %mul3A_3126 {strides = array<i32>} : memref<32x128xf32, #tpu.memory_space<vmem>>, vector<16xf32>,
      %mul3A_3130 = arith.constant 5.000000e-02 : f32
      %mul3A_3131 = vector.broadcast %mul3A_3130 : f32 to vector<16xf32>
      %mul3A_3132 = arith.mulf %add3A_3082, %mul3A_3131 : vector<16xf32>
      %swap3A_3133 = arith.index_cast %select_n3A_3111 : i32 to index
      %swap3A_3134 = arith.constant 48 : index
      %swap3A_3135 = tpu.vector_load %arg9[%swap3A_3133, %swap3A_3134] {strides = array<i32>} : memref<32x128xf32, #tpu.memory_space<vmem>>, vector<16xf32>,
      tpu.vector_store %arg9[%swap3A_3133, %swap3A_3134], %mul3A_3132 {strides = array<i32>} : memref<32x128xf32, #tpu.memory_space<vmem>>, vector<16xf32>,
      %jit3A_3136 = arith.constant 20 : i32
      %eq3A_3137 = arith.constant 0 : i32
      %eq3A_3138 = arith.cmpi eq, %jit3A_3136, %eq3A_3137 : i32
      %jit3A_3139 = arith.constant 1 : i32
      %select_n3A_3140 = arith.select %eq3A_3138, %jit3A_3139, %jit3A_3136 : i32
      %rem3A_3141 = arith.remsi %add3A_2946, %select_n3A_3140 : i32
      %ne3A_3142 = arith.constant 0 : i32
      %ne3A_3143 = arith.cmpi ne, %rem3A_3141, %ne3A_3142 : i32
      %lt3A_3144 = arith.constant 0 : i32
      %lt3A_3145 = arith.cmpi slt, %rem3A_3141, %lt3A_3144 : i32
      %lt3A_3146 = arith.constant 0 : i32
      %lt3A_3147 = arith.cmpi slt, %select_n3A_3140, %lt3A_3146 : i32
      %ne3A_3148 = arith.xori %lt3A_3145, %lt3A_3147 : i1
      %and3A_3149 = arith.andi %ne3A_3148, %ne3A_3143 : i1
      %add3A_3150 = arith.addi %rem3A_3141, %select_n3A_3140 : i32
      %select_n3A_3151 = arith.select %and3A_3149, %add3A_3150, %rem3A_3141 : i32
      %eq3A_3152 = arith.constant 19 : i32
      %eq3A_3153 = arith.cmpi eq, %select_n3A_3151, %eq3A_3152 : i32
      %convert_element_type3A_3154 = arith.extui %eq3A_3153 : i1 to i32
      %convert_element_type3A_3155 = arith.sitofp %convert_element_type3A_3154 : i32 to f32
      %sub3A_3156 = arith.constant 1.000000e+00 : f32
      %sub3A_3157 = arith.subf %sub3A_3156, %convert_element_type3A_3155 : f32
      %mul3A_3158 = vector.broadcast %sub3A_3157 : f32 to vector<16xf32>
      %mul3A_3159 = arith.mulf %add3A_3025, %mul3A_3158 : vector<16xf32>
      %mul3A_3160 = vector.broadcast %sub3A_3157 : f32 to vector<16xf32>
      %mul3A_3161 = arith.mulf %add3A_3044, %mul3A_3160 : vector<16xf32>
      %mul3A_3162 = vector.broadcast %sub3A_3157 : f32 to vector<16xf32>
      %mul3A_3163 = arith.mulf %add3A_3063, %mul3A_3162 : vector<16xf32>
      %mul3A_3164 = vector.broadcast %sub3A_3157 : f32 to vector<16xf32>
      %mul3A_3165 = arith.mulf %add3A_3082, %mul3A_3164 : vector<16xf32>
      %mul3A_3166 = arith.constant 16 : i32
      %mul3A_3167 = arith.muli %scan3A_455, %mul3A_3166 : i32
      %add3A_3168 = arith.constant 8 : i32
      %add3A_3169 = arith.addi %mul3A_3167, %add3A_3168 : i32
      %add3A_3170 = arith.constant 2 : i32
      %add3A_3171 = arith.addi %add3A_3169, %add3A_3170 : i32
      %dma_wait3A_3172 = arith.constant 2 : i32
      %dma_wait3A_3173 = arith.constant 0 : i32
      %dma_wait3A_3174 = arith.constant 0 : i32
      %dma_wait3A_3175 = tpu.memref_slice %arg7[%dma_wait3A_3172, %dma_wait3A_3173, %dma_wait3A_3174] : memref<8x64x128xf32, #tpu.memory_space<vmem>> -> memref<1x64x128xf32, #tpu.memory_space<vmem>>
      %dma_wait3A_3176 = tpu.memref_squeeze %dma_wait3A_3175 : memref<1x64x128xf32, #tpu.memory_space<vmem>> -> memref<64x128xf32, #tpu.memory_space<vmem>>
      %dma_wait3A_3177 = arith.constant 0 : i32
      %dma_wait3A_3178 = arith.constant 0 : i32
      %dma_wait3A_3179 = tpu.memref_slice %arg3[%dma_wait3A_3177, %dma_wait3A_3178] : memref<64x1000000xf32, #tpu.memory_space<hbm>> -> memref<64x128xf32, #tpu.memory_space<hbm>>
      %dma_wait3A_3180 = arith.constant 0 : i32
      %dma_wait3A_3181 = arith.constant 0 : i32
      %dma_wait3A_3182 = tpu.memref_slice %arg7[%dma_wait3A_3172, %dma_wait3A_3180, %dma_wait3A_3181] : memref<8x64x128xf32, #tpu.memory_space<vmem>> -> memref<1x64x128xf32, #tpu.memory_space<vmem>>
      %dma_wait3A_3183 = tpu.memref_squeeze %dma_wait3A_3182 : memref<1x64x128xf32, #tpu.memory_space<vmem>> -> memref<64x128xf32, #tpu.memory_space<vmem>>
      %dma_wait3A_3184 = arith.constant 0 : i32
      %dma_wait3A_3185 = arith.constant 0 : i32
      %dma_wait3A_3186 = tpu.memref_slice %arg3[%dma_wait3A_3184, %dma_wait3A_3185] : memref<64x1000000xf32, #tpu.memory_space<hbm>> -> memref<64x128xf32, #tpu.memory_space<hbm>>
      tpu.wait_dma2 semaphore(%arg12 : memref<!tpu.dma_semaphore, #tpu.memory_space<semaphore_mem>>) src(%dma_wait3A_3186 : memref<64x128xf32, #tpu.memory_space<hbm>>) dst(%dma_wait3A_3183 : memref<64x128xf32, #tpu.memory_space<vmem>>)
      %slice3A_3187 = vector.extract_strided_slice %scan3A_460 {offsets = [10], sizes = [1], strides = [1]} : vector<16xi32> to vector<1xi32>
      %squeeze3A_3188 = vector.extract %slice3A_3187[0] : i32 from vector<1xi32>
      %jit3A_3189 = arith.constant 128 : i32
      %div3A_3190 = arith.divsi %squeeze3A_3188, %jit3A_3189 : i32
      %sign3A_3191 = arith.constant 0 : i32
      %sign3A_3192 = arith.cmpi sgt, %squeeze3A_3188, %sign3A_3191 : i32
      %sign3A_3193 = arith.extui %sign3A_3192 : i1 to i32
      %sign3A_3194 = arith.constant 0 : i32
      %sign3A_3195 = arith.cmpi slt, %squeeze3A_3188, %sign3A_3194 : i32
      %sign3A_3196 = arith.extui %sign3A_3195 : i1 to i32
      %sign3A_3197 = arith.subi %sign3A_3193, %sign3A_3196 : i32
      %sign3A_3198 = arith.constant 0 : i32
      %sign3A_3199 = arith.cmpi sgt, %jit3A_3189, %sign3A_3198 : i32
      %sign3A_3200 = arith.extui %sign3A_3199 : i1 to i32
      %sign3A_3201 = arith.constant 0 : i32
      %sign3A_3202 = arith.cmpi slt, %jit3A_3189, %sign3A_3201 : i32
      %sign3A_3203 = arith.extui %sign3A_3202 : i1 to i32
      %sign3A_3204 = arith.subi %sign3A_3200, %sign3A_3203 : i32
      %ne3A_3205 = arith.cmpi ne, %sign3A_3197, %sign3A_3204 : i32
      %rem3A_3206 = arith.remsi %squeeze3A_3188, %jit3A_3189 : i32
      %ne3A_3207 = arith.constant 0 : i32
      %ne3A_3208 = arith.cmpi ne, %rem3A_3206, %ne3A_3207 : i32
      %and3A_3209 = arith.andi %ne3A_3205, %ne3A_3208 : i1
      %sub3A_3210 = arith.constant 1 : i32
      %sub3A_3211 = arith.subi %div3A_3190, %sub3A_3210 : i32
      %select_n3A_3212 = arith.select %and3A_3209, %sub3A_3211, %div3A_3190 : i32
      %min3A_3213 = arith.constant 7810 : i32
      %min3A_3214 = arith.minsi %select_n3A_3212, %min3A_3213 : i32
      %mul3A_3215 = arith.constant 128 : i32
      %mul3A_3216 = arith.muli %min3A_3214, %mul3A_3215 : i32
      %sub3A_3217 = arith.subi %squeeze3A_3188, %mul3A_3216 : i32
      %min3A_3218 = arith.constant 127 : i32
      %min3A_3219 = arith.minsi %sub3A_3217, %min3A_3218 : i32
      %broadcast_in_dim3A_3220 = vector.broadcast %min3A_3219 : i32 to vector<16xi32>
      %sub3A_3221 = arith.constant 999744 : i32
      %sub3A_3222 = arith.subi %squeeze3A_3188, %sub3A_3221 : i32
      %jit3A_3223 = arith.constant 0 : i32
      %jit3A_3224 = arith.constant 255 : i32
      %max3A_3225 = arith.maxsi %jit3A_3223, %sub3A_3222 : i32
      %min3A_3226 = arith.minsi %jit3A_3224, %max3A_3225 : i32
      %broadcast_in_dim3A_3227 = vector.broadcast %min3A_3226 : i32 to vector<16xi32>
      %ge3A_3228 = arith.constant 999808 : i32
      %ge3A_3229 = arith.cmpi sge, %squeeze3A_3188, %ge3A_3228 : i32
      %convert_element_type3A_3230 = arith.extui %ge3A_3229 : i1 to i32
      %convert_element_type3A_3231 = arith.sitofp %convert_element_type3A_3230 : i32 to f32
      %iota3A_3232 = tpu.iota {dimensions = array<i32: 0>} : vector<16xi32>
      %add3A_3233 = arith.constant 0 : i32
      %add3A_3234 = vector.broadcast %add3A_3233 : i32 to vector<16xi32>
      %add3A_3235 = arith.addi %iota3A_3232, %add3A_3234 : vector<16xi32>
      %gather3A_3236 = arith.constant 2 : i32
      %gather3A_3237 = arith.constant 0 : i32
      %gather3A_3238 = arith.constant 0 : i32
      %gather3A_3239 = tpu.memref_slice %arg7[%gather3A_3236, %gather3A_3237, %gather3A_3238] : memref<8x64x128xf32, #tpu.memory_space<vmem>> -> memref<1x64x128xf32, #tpu.memory_space<vmem>>
      %gather3A_3240 = tpu.memref_squeeze %gather3A_3239 : memref<1x64x128xf32, #tpu.memory_space<vmem>> -> memref<64x128xf32, #tpu.memory_space<vmem>>
      %gather3A_3241 = tpu.vector_load_idx %gather3A_3240[%add3A_3235, %broadcast_in_dim3A_3220] : memref<64x128xf32, #tpu.memory_space<vmem>>[vector<16xi32>, vector<16xi32>], vector<16xf32>,
      %gather3A_3242 = tpu.vector_load_idx %arg8[%add3A_3235, %broadcast_in_dim3A_3227] : memref<64x256xf32, #tpu.memory_space<vmem>>[vector<16xi32>, vector<16xi32>], vector<16xf32>,
      %sub3A_3243 = arith.constant 1.000000e+00 : f32
      %sub3A_3244 = arith.subf %sub3A_3243, %convert_element_type3A_3231 : f32
      %mul3A_3245 = vector.broadcast %sub3A_3244 : f32 to vector<16xf32>
      %mul3A_3246 = arith.mulf %gather3A_3241, %mul3A_3245 : vector<16xf32>
      %add3A_3247 = arith.addf %mul3A_3159, %mul3A_3246 : vector<16xf32>
      %mul3A_3248 = vector.broadcast %convert_element_type3A_3231 : f32 to vector<16xf32>
      %mul3A_3249 = arith.mulf %gather3A_3242, %mul3A_3248 : vector<16xf32>
      %add3A_3250 = arith.addf %add3A_3247, %mul3A_3249 : vector<16xf32>
      %iota3A_3251 = tpu.iota {dimensions = array<i32: 0>} : vector<16xi32>
      %add3A_3252 = arith.constant 16 : i32
      %add3A_3253 = vector.broadcast %add3A_3252 : i32 to vector<16xi32>
      %add3A_3254 = arith.addi %iota3A_3251, %add3A_3253 : vector<16xi32>
      %gather3A_3255 = arith.constant 2 : i32
      %gather3A_3256 = arith.constant 0 : i32
      %gather3A_3257 = arith.constant 0 : i32
      %gather3A_3258 = tpu.memref_slice %arg7[%gather3A_3255, %gather3A_3256, %gather3A_3257] : memref<8x64x128xf32, #tpu.memory_space<vmem>> -> memref<1x64x128xf32, #tpu.memory_space<vmem>>
      %gather3A_3259 = tpu.memref_squeeze %gather3A_3258 : memref<1x64x128xf32, #tpu.memory_space<vmem>> -> memref<64x128xf32, #tpu.memory_space<vmem>>
      %gather3A_3260 = tpu.vector_load_idx %gather3A_3259[%add3A_3254, %broadcast_in_dim3A_3220] : memref<64x128xf32, #tpu.memory_space<vmem>>[vector<16xi32>, vector<16xi32>], vector<16xf32>,
      %gather3A_3261 = tpu.vector_load_idx %arg8[%add3A_3254, %broadcast_in_dim3A_3227] : memref<64x256xf32, #tpu.memory_space<vmem>>[vector<16xi32>, vector<16xi32>], vector<16xf32>,
      %sub3A_3262 = arith.constant 1.000000e+00 : f32
      %sub3A_3263 = arith.subf %sub3A_3262, %convert_element_type3A_3231 : f32
      %mul3A_3264 = vector.broadcast %sub3A_3263 : f32 to vector<16xf32>
      %mul3A_3265 = arith.mulf %gather3A_3260, %mul3A_3264 : vector<16xf32>
      %add3A_3266 = arith.addf %mul3A_3161, %mul3A_3265 : vector<16xf32>
      %mul3A_3267 = vector.broadcast %convert_element_type3A_3231 : f32 to vector<16xf32>
      %mul3A_3268 = arith.mulf %gather3A_3261, %mul3A_3267 : vector<16xf32>
      %add3A_3269 = arith.addf %add3A_3266, %mul3A_3268 : vector<16xf32>
      %iota3A_3270 = tpu.iota {dimensions = array<i32: 0>} : vector<16xi32>
      %add3A_3271 = arith.constant 32 : i32
      %add3A_3272 = vector.broadcast %add3A_3271 : i32 to vector<16xi32>
      %add3A_3273 = arith.addi %iota3A_3270, %add3A_3272 : vector<16xi32>
      %gather3A_3274 = arith.constant 2 : i32
      %gather3A_3275 = arith.constant 0 : i32
      %gather3A_3276 = arith.constant 0 : i32
      %gather3A_3277 = tpu.memref_slice %arg7[%gather3A_3274, %gather3A_3275, %gather3A_3276] : memref<8x64x128xf32, #tpu.memory_space<vmem>> -> memref<1x64x128xf32, #tpu.memory_space<vmem>>
      %gather3A_3278 = tpu.memref_squeeze %gather3A_3277 : memref<1x64x128xf32, #tpu.memory_space<vmem>> -> memref<64x128xf32, #tpu.memory_space<vmem>>
      %gather3A_3279 = tpu.vector_load_idx %gather3A_3278[%add3A_3273, %broadcast_in_dim3A_3220] : memref<64x128xf32, #tpu.memory_space<vmem>>[vector<16xi32>, vector<16xi32>], vector<16xf32>,
      %gather3A_3280 = tpu.vector_load_idx %arg8[%add3A_3273, %broadcast_in_dim3A_3227] : memref<64x256xf32, #tpu.memory_space<vmem>>[vector<16xi32>, vector<16xi32>], vector<16xf32>,
      %sub3A_3281 = arith.constant 1.000000e+00 : f32
      %sub3A_3282 = arith.subf %sub3A_3281, %convert_element_type3A_3231 : f32
      %mul3A_3283 = vector.broadcast %sub3A_3282 : f32 to vector<16xf32>
      %mul3A_3284 = arith.mulf %gather3A_3279, %mul3A_3283 : vector<16xf32>
      %add3A_3285 = arith.addf %mul3A_3163, %mul3A_3284 : vector<16xf32>
      %mul3A_3286 = vector.broadcast %convert_element_type3A_3231 : f32 to vector<16xf32>
      %mul3A_3287 = arith.mulf %gather3A_3280, %mul3A_3286 : vector<16xf32>
      %add3A_3288 = arith.addf %add3A_3285, %mul3A_3287 : vector<16xf32>
      %iota3A_3289 = tpu.iota {dimensions = array<i32: 0>} : vector<16xi32>
      %add3A_3290 = arith.constant 48 : i32
      %add3A_3291 = vector.broadcast %add3A_3290 : i32 to vector<16xi32>
      %add3A_3292 = arith.addi %iota3A_3289, %add3A_3291 : vector<16xi32>
      %gather3A_3293 = arith.constant 2 : i32
      %gather3A_3294 = arith.constant 0 : i32
      %gather3A_3295 = arith.constant 0 : i32
      %gather3A_3296 = tpu.memref_slice %arg7[%gather3A_3293, %gather3A_3294, %gather3A_3295] : memref<8x64x128xf32, #tpu.memory_space<vmem>> -> memref<1x64x128xf32, #tpu.memory_space<vmem>>
      %gather3A_3297 = tpu.memref_squeeze %gather3A_3296 : memref<1x64x128xf32, #tpu.memory_space<vmem>> -> memref<64x128xf32, #tpu.memory_space<vmem>>
      %gather3A_3298 = tpu.vector_load_idx %gather3A_3297[%add3A_3292, %broadcast_in_dim3A_3220] : memref<64x128xf32, #tpu.memory_space<vmem>>[vector<16xi32>, vector<16xi32>], vector<16xf32>,
      %gather3A_3299 = tpu.vector_load_idx %arg8[%add3A_3292, %broadcast_in_dim3A_3227] : memref<64x256xf32, #tpu.memory_space<vmem>>[vector<16xi32>, vector<16xi32>], vector<16xf32>,
      %sub3A_3300 = arith.constant 1.000000e+00 : f32
      %sub3A_3301 = arith.subf %sub3A_3300, %convert_element_type3A_3231 : f32
      %mul3A_3302 = vector.broadcast %sub3A_3301 : f32 to vector<16xf32>
      %mul3A_3303 = arith.mulf %gather3A_3298, %mul3A_3302 : vector<16xf32>
      %add3A_3304 = arith.addf %mul3A_3165, %mul3A_3303 : vector<16xf32>
      %mul3A_3305 = vector.broadcast %convert_element_type3A_3231 : f32 to vector<16xf32>
      %mul3A_3306 = arith.mulf %gather3A_3299, %mul3A_3305 : vector<16xf32>
      %add3A_3307 = arith.addf %add3A_3304, %mul3A_3306 : vector<16xf32>
      %lt3A_3308 = arith.constant 39 : i32
      %lt3A_3309 = arith.cmpi slt, %scan3A_455, %lt3A_3308 : i32
      %convert_element_type3A_3310 = arith.extui %lt3A_3309 : i1 to i32
      %cond3A_3311 = arith.constant 0 : i32
      %cond3A_3312 = arith.cmpi ne, %convert_element_type3A_3310, %cond3A_3311 : i32
      scf.if %cond3A_3312 {
        %slice3A_4516 = vector.extract_strided_slice %get3A_507 {offsets = [2], sizes = [1], strides = [1]} : vector<16xi32> to vector<1xi32>
        %squeeze3A_4517 = vector.extract %slice3A_4516[0] : i32 from vector<1xi32>
        %jit3A_4518 = arith.constant 128 : i32
        %div3A_4519 = arith.divsi %squeeze3A_4517, %jit3A_4518 : i32
        %sign3A_4520 = arith.constant 0 : i32
        %sign3A_4521 = arith.cmpi sgt, %squeeze3A_4517, %sign3A_4520 : i32
        %sign3A_4522 = arith.extui %sign3A_4521 : i1 to i32
        %sign3A_4523 = arith.constant 0 : i32
        %sign3A_4524 = arith.cmpi slt, %squeeze3A_4517, %sign3A_4523 : i32
        %sign3A_4525 = arith.extui %sign3A_4524 : i1 to i32
        %sign3A_4526 = arith.subi %sign3A_4522, %sign3A_4525 : i32
        %sign3A_4527 = arith.constant 0 : i32
        %sign3A_4528 = arith.cmpi sgt, %jit3A_4518, %sign3A_4527 : i32
        %sign3A_4529 = arith.extui %sign3A_4528 : i1 to i32
        %sign3A_4530 = arith.constant 0 : i32
        %sign3A_4531 = arith.cmpi slt, %jit3A_4518, %sign3A_4530 : i32
        %sign3A_4532 = arith.extui %sign3A_4531 : i1 to i32
        %sign3A_4533 = arith.subi %sign3A_4529, %sign3A_4532 : i32
        %ne3A_4534 = arith.cmpi ne, %sign3A_4526, %sign3A_4533 : i32
        %rem3A_4535 = arith.remsi %squeeze3A_4517, %jit3A_4518 : i32
        %ne3A_4536 = arith.constant 0 : i32
        %ne3A_4537 = arith.cmpi ne, %rem3A_4535, %ne3A_4536 : i32
        %and3A_4538 = arith.andi %ne3A_4534, %ne3A_4537 : i1
        %sub3A_4539 = arith.constant 1 : i32
        %sub3A_4540 = arith.subi %div3A_4519, %sub3A_4539 : i32
        %select_n3A_4541 = arith.select %and3A_4538, %sub3A_4540, %div3A_4519 : i32
        %min3A_4542 = arith.constant 7810 : i32
        %min3A_4543 = arith.minsi %select_n3A_4541, %min3A_4542 : i32
        %mul3A_4544 = arith.constant 128 : i32
        %mul3A_4545 = arith.muli %min3A_4543, %mul3A_4544 : i32
        %multiple_of3A_4546 = tpu.assume_multiple %mul3A_4545, 128 : i32
        %dma_start3A_4547 = arith.constant 2 : i32
        %dma_start3A_4548 = arith.constant 0 : i32
        %dma_start3A_4549 = arith.constant 0 : i32
        %dma_start3A_4550 = tpu.memref_slice %arg7[%dma_start3A_4547, %dma_start3A_4548, %dma_start3A_4549] : memref<8x64x128xf32, #tpu.memory_space<vmem>> -> memref<1x32x128xf32, #tpu.memory_space<vmem>>
        %dma_start3A_4551 = tpu.memref_squeeze %dma_start3A_4550 : memref<1x32x128xf32, #tpu.memory_space<vmem>> -> memref<32x128xf32, #tpu.memory_space<vmem>>
        %dma_start3A_4552 = arith.constant 0 : i32
        %dma_start3A_4553 = tpu.memref_slice %arg3[%dma_start3A_4552, %multiple_of3A_4546] : memref<64x1000000xf32, #tpu.memory_space<hbm>> -> memref<32x128xf32, #tpu.memory_space<hbm>>
        %dma_start3A_4554 = arith.constant 0 : i32
        %dma_start3A_4555 = arith.constant 0 : i32
        %dma_start3A_4556 = tpu.memref_slice %arg7[%dma_start3A_4547, %dma_start3A_4554, %dma_start3A_4555] : memref<8x64x128xf32, #tpu.memory_space<vmem>> -> memref<1x32x128xf32, #tpu.memory_space<vmem>>
        %dma_start3A_4557 = tpu.memref_squeeze %dma_start3A_4556 : memref<1x32x128xf32, #tpu.memory_space<vmem>> -> memref<32x128xf32, #tpu.memory_space<vmem>>
        %dma_start3A_4558 = arith.constant 0 : i32
        %dma_start3A_4559 = tpu.memref_slice %arg3[%dma_start3A_4558, %multiple_of3A_4546] : memref<64x1000000xf32, #tpu.memory_space<hbm>> -> memref<32x128xf32, #tpu.memory_space<hbm>>
        tpu.enqueue_dma source(%dma_start3A_4559 : memref<32x128xf32, #tpu.memory_space<hbm>>) target(%dma_start3A_4557 : memref<32x128xf32, #tpu.memory_space<vmem>>) target_semaphore(%arg12 : memref<!tpu.dma_semaphore, #tpu.memory_space<semaphore_mem>>)
        %dma_start3A_4560 = arith.constant 2 : i32
        %dma_start3A_4561 = arith.constant 32 : i32
        %dma_start3A_4562 = arith.constant 0 : i32
        %dma_start3A_4563 = tpu.memref_slice %arg7[%dma_start3A_4560, %dma_start3A_4561, %dma_start3A_4562] : memref<8x64x128xf32, #tpu.memory_space<vmem>> -> memref<1x32x128xf32, #tpu.memory_space<vmem>>
        %dma_start3A_4564 = tpu.memref_squeeze %dma_start3A_4563 : memref<1x32x128xf32, #tpu.memory_space<vmem>> -> memref<32x128xf32, #tpu.memory_space<vmem>>
        %dma_start3A_4565 = arith.constant 32 : i32
        %dma_start3A_4566 = tpu.memref_slice %arg3[%dma_start3A_4565, %multiple_of3A_4546] : memref<64x1000000xf32, #tpu.memory_space<hbm>> -> memref<32x128xf32, #tpu.memory_space<hbm>>
        %dma_start3A_4567 = arith.constant 32 : i32
        %dma_start3A_4568 = arith.constant 0 : i32
        %dma_start3A_4569 = tpu.memref_slice %arg7[%dma_start3A_4560, %dma_start3A_4567, %dma_start3A_4568] : memref<8x64x128xf32, #tpu.memory_space<vmem>> -> memref<1x32x128xf32, #tpu.memory_space<vmem>>
        %dma_start3A_4570 = tpu.memref_squeeze %dma_start3A_4569 : memref<1x32x128xf32, #tpu.memory_space<vmem>> -> memref<32x128xf32, #tpu.memory_space<vmem>>
        %dma_start3A_4571 = arith.constant 32 : i32
        %dma_start3A_4572 = tpu.memref_slice %arg3[%dma_start3A_4571, %multiple_of3A_4546] : memref<64x1000000xf32, #tpu.memory_space<hbm>> -> memref<32x128xf32, #tpu.memory_space<hbm>>
        tpu.enqueue_dma source(%dma_start3A_4572 : memref<32x128xf32, #tpu.memory_space<hbm>>) target(%dma_start3A_4570 : memref<32x128xf32, #tpu.memory_space<vmem>>) target_semaphore(%arg12 : memref<!tpu.dma_semaphore, #tpu.memory_space<semaphore_mem>>)
      } else {
      }
      %jit3A_3313 = arith.constant 20 : i32
      %div3A_3314 = arith.divsi %add3A_3171, %jit3A_3313 : i32
      %sign3A_3315 = arith.constant 0 : i32
      %sign3A_3316 = arith.cmpi sgt, %add3A_3171, %sign3A_3315 : i32
      %sign3A_3317 = arith.extui %sign3A_3316 : i1 to i32
      %sign3A_3318 = arith.constant 0 : i32
      %sign3A_3319 = arith.cmpi slt, %add3A_3171, %sign3A_3318 : i32
      %sign3A_3320 = arith.extui %sign3A_3319 : i1 to i32
      %sign3A_3321 = arith.subi %sign3A_3317, %sign3A_3320 : i32
      %sign3A_3322 = arith.constant 0 : i32
      %sign3A_3323 = arith.cmpi sgt, %jit3A_3313, %sign3A_3322 : i32
      %sign3A_3324 = arith.extui %sign3A_3323 : i1 to i32
      %sign3A_3325 = arith.constant 0 : i32
      %sign3A_3326 = arith.cmpi slt, %jit3A_3313, %sign3A_3325 : i32
      %sign3A_3327 = arith.extui %sign3A_3326 : i1 to i32
      %sign3A_3328 = arith.subi %sign3A_3324, %sign3A_3327 : i32
      %ne3A_3329 = arith.cmpi ne, %sign3A_3321, %sign3A_3328 : i32
      %rem3A_3330 = arith.remsi %add3A_3171, %jit3A_3313 : i32
      %ne3A_3331 = arith.constant 0 : i32
      %ne3A_3332 = arith.cmpi ne, %rem3A_3330, %ne3A_3331 : i32
      %and3A_3333 = arith.andi %ne3A_3329, %ne3A_3332 : i1
      %sub3A_3334 = arith.constant 1 : i32
      %sub3A_3335 = arith.subi %div3A_3314, %sub3A_3334 : i32
      %select_n3A_3336 = arith.select %and3A_3333, %sub3A_3335, %div3A_3314 : i32
      %mul3A_3337 = arith.constant 5.000000e-02 : f32
      %mul3A_3338 = vector.broadcast %mul3A_3337 : f32 to vector<16xf32>
      %mul3A_3339 = arith.mulf %add3A_3250, %mul3A_3338 : vector<16xf32>
      %swap3A_3340 = arith.index_cast %select_n3A_3336 : i32 to index
      %swap3A_3341 = arith.constant 0 : index
      %swap3A_3342 = tpu.vector_load %arg9[%swap3A_3340, %swap3A_3341] {strides = array<i32>} : memref<32x128xf32, #tpu.memory_space<vmem>>, vector<16xf32>,
      tpu.vector_store %arg9[%swap3A_3340, %swap3A_3341], %mul3A_3339 {strides = array<i32>} : memref<32x128xf32, #tpu.memory_space<vmem>>, vector<16xf32>,
      %mul3A_3343 = arith.constant 5.000000e-02 : f32
      %mul3A_3344 = vector.broadcast %mul3A_3343 : f32 to vector<16xf32>
      %mul3A_3345 = arith.mulf %add3A_3269, %mul3A_3344 : vector<16xf32>
      %swap3A_3346 = arith.index_cast %select_n3A_3336 : i32 to index
      %swap3A_3347 = arith.constant 16 : index
      %swap3A_3348 = tpu.vector_load %arg9[%swap3A_3346, %swap3A_3347] {strides = array<i32>} : memref<32x128xf32, #tpu.memory_space<vmem>>, vector<16xf32>,
      tpu.vector_store %arg9[%swap3A_3346, %swap3A_3347], %mul3A_3345 {strides = array<i32>} : memref<32x128xf32, #tpu.memory_space<vmem>>, vector<16xf32>,
      %mul3A_3349 = arith.constant 5.000000e-02 : f32
      %mul3A_3350 = vector.broadcast %mul3A_3349 : f32 to vector<16xf32>
      %mul3A_3351 = arith.mulf %add3A_3288, %mul3A_3350 : vector<16xf32>
      %swap3A_3352 = arith.index_cast %select_n3A_3336 : i32 to index
      %swap3A_3353 = arith.constant 32 : index
      %swap3A_3354 = tpu.vector_load %arg9[%swap3A_3352, %swap3A_3353] {strides = array<i32>} : memref<32x128xf32, #tpu.memory_space<vmem>>, vector<16xf32>,
      tpu.vector_store %arg9[%swap3A_3352, %swap3A_3353], %mul3A_3351 {strides = array<i32>} : memref<32x128xf32, #tpu.memory_space<vmem>>, vector<16xf32>,
      %mul3A_3355 = arith.constant 5.000000e-02 : f32
      %mul3A_3356 = vector.broadcast %mul3A_3355 : f32 to vector<16xf32>
      %mul3A_3357 = arith.mulf %add3A_3307, %mul3A_3356 : vector<16xf32>
      %swap3A_3358 = arith.index_cast %select_n3A_3336 : i32 to index
      %swap3A_3359 = arith.constant 48 : index
      %swap3A_3360 = tpu.vector_load %arg9[%swap3A_3358, %swap3A_3359] {strides = array<i32>} : memref<32x128xf32, #tpu.memory_space<vmem>>, vector<16xf32>,
      tpu.vector_store %arg9[%swap3A_3358, %swap3A_3359], %mul3A_3357 {strides = array<i32>} : memref<32x128xf32, #tpu.memory_space<vmem>>, vector<16xf32>,
      %jit3A_3361 = arith.constant 20 : i32
      %eq3A_3362 = arith.constant 0 : i32
      %eq3A_3363 = arith.cmpi eq, %jit3A_3361, %eq3A_3362 : i32
      %jit3A_3364 = arith.constant 1 : i32
      %select_n3A_3365 = arith.select %eq3A_3363, %jit3A_3364, %jit3A_3361 : i32
      %rem3A_3366 = arith.remsi %add3A_3171, %select_n3A_3365 : i32
      %ne3A_3367 = arith.constant 0 : i32
      %ne3A_3368 = arith.cmpi ne, %rem3A_3366, %ne3A_3367 : i32
      %lt3A_3369 = arith.constant 0 : i32
      %lt3A_3370 = arith.cmpi slt, %rem3A_3366, %lt3A_3369 : i32
      %lt3A_3371 = arith.constant 0 : i32
      %lt3A_3372 = arith.cmpi slt, %select_n3A_3365, %lt3A_3371 : i32
      %ne3A_3373 = arith.xori %lt3A_3370, %lt3A_3372 : i1
      %and3A_3374 = arith.andi %ne3A_3373, %ne3A_3368 : i1
      %add3A_3375 = arith.addi %rem3A_3366, %select_n3A_3365 : i32
      %select_n3A_3376 = arith.select %and3A_3374, %add3A_3375, %rem3A_3366 : i32
      %eq3A_3377 = arith.constant 19 : i32
      %eq3A_3378 = arith.cmpi eq, %select_n3A_3376, %eq3A_3377 : i32
      %convert_element_type3A_3379 = arith.extui %eq3A_3378 : i1 to i32
      %convert_element_type3A_3380 = arith.sitofp %convert_element_type3A_3379 : i32 to f32
      %sub3A_3381 = arith.constant 1.000000e+00 : f32
      %sub3A_3382 = arith.subf %sub3A_3381, %convert_element_type3A_3380 : f32
      %mul3A_3383 = vector.broadcast %sub3A_3382 : f32 to vector<16xf32>
      %mul3A_3384 = arith.mulf %add3A_3250, %mul3A_3383 : vector<16xf32>
      %mul3A_3385 = vector.broadcast %sub3A_3382 : f32 to vector<16xf32>
      %mul3A_3386 = arith.mulf %add3A_3269, %mul3A_3385 : vector<16xf32>
      %mul3A_3387 = vector.broadcast %sub3A_3382 : f32 to vector<16xf32>
      %mul3A_3388 = arith.mulf %add3A_3288, %mul3A_3387 : vector<16xf32>
      %mul3A_3389 = vector.broadcast %sub3A_3382 : f32 to vector<16xf32>
      %mul3A_3390 = arith.mulf %add3A_3307, %mul3A_3389 : vector<16xf32>
      %mul3A_3391 = arith.constant 16 : i32
      %mul3A_3392 = arith.muli %scan3A_455, %mul3A_3391 : i32
      %add3A_3393 = arith.constant 8 : i32
      %add3A_3394 = arith.addi %mul3A_3392, %add3A_3393 : i32
      %add3A_3395 = arith.constant 3 : i32
      %add3A_3396 = arith.addi %add3A_3394, %add3A_3395 : i32
      %dma_wait3A_3397 = arith.constant 3 : i32
      %dma_wait3A_3398 = arith.constant 0 : i32
      %dma_wait3A_3399 = arith.constant 0 : i32
      %dma_wait3A_3400 = tpu.memref_slice %arg7[%dma_wait3A_3397, %dma_wait3A_3398, %dma_wait3A_3399] : memref<8x64x128xf32, #tpu.memory_space<vmem>> -> memref<1x64x128xf32, #tpu.memory_space<vmem>>
      %dma_wait3A_3401 = tpu.memref_squeeze %dma_wait3A_3400 : memref<1x64x128xf32, #tpu.memory_space<vmem>> -> memref<64x128xf32, #tpu.memory_space<vmem>>
      %dma_wait3A_3402 = arith.constant 0 : i32
      %dma_wait3A_3403 = arith.constant 0 : i32
      %dma_wait3A_3404 = tpu.memref_slice %arg3[%dma_wait3A_3402, %dma_wait3A_3403] : memref<64x1000000xf32, #tpu.memory_space<hbm>> -> memref<64x128xf32, #tpu.memory_space<hbm>>
      %dma_wait3A_3405 = arith.constant 0 : i32
      %dma_wait3A_3406 = arith.constant 0 : i32
      %dma_wait3A_3407 = tpu.memref_slice %arg7[%dma_wait3A_3397, %dma_wait3A_3405, %dma_wait3A_3406] : memref<8x64x128xf32, #tpu.memory_space<vmem>> -> memref<1x64x128xf32, #tpu.memory_space<vmem>>
      %dma_wait3A_3408 = tpu.memref_squeeze %dma_wait3A_3407 : memref<1x64x128xf32, #tpu.memory_space<vmem>> -> memref<64x128xf32, #tpu.memory_space<vmem>>
      %dma_wait3A_3409 = arith.constant 0 : i32
      %dma_wait3A_3410 = arith.constant 0 : i32
      %dma_wait3A_3411 = tpu.memref_slice %arg3[%dma_wait3A_3409, %dma_wait3A_3410] : memref<64x1000000xf32, #tpu.memory_space<hbm>> -> memref<64x128xf32, #tpu.memory_space<hbm>>
      tpu.wait_dma2 semaphore(%arg13 : memref<!tpu.dma_semaphore, #tpu.memory_space<semaphore_mem>>) src(%dma_wait3A_3411 : memref<64x128xf32, #tpu.memory_space<hbm>>) dst(%dma_wait3A_3408 : memref<64x128xf32, #tpu.memory_space<vmem>>)
      %slice3A_3412 = vector.extract_strided_slice %scan3A_460 {offsets = [11], sizes = [1], strides = [1]} : vector<16xi32> to vector<1xi32>
      %squeeze3A_3413 = vector.extract %slice3A_3412[0] : i32 from vector<1xi32>
      %jit3A_3414 = arith.constant 128 : i32
      %div3A_3415 = arith.divsi %squeeze3A_3413, %jit3A_3414 : i32
      %sign3A_3416 = arith.constant 0 : i32
      %sign3A_3417 = arith.cmpi sgt, %squeeze3A_3413, %sign3A_3416 : i32
      %sign3A_3418 = arith.extui %sign3A_3417 : i1 to i32
      %sign3A_3419 = arith.constant 0 : i32
      %sign3A_3420 = arith.cmpi slt, %squeeze3A_3413, %sign3A_3419 : i32
      %sign3A_3421 = arith.extui %sign3A_3420 : i1 to i32
      %sign3A_3422 = arith.subi %sign3A_3418, %sign3A_3421 : i32
      %sign3A_3423 = arith.constant 0 : i32
      %sign3A_3424 = arith.cmpi sgt, %jit3A_3414, %sign3A_3423 : i32
      %sign3A_3425 = arith.extui %sign3A_3424 : i1 to i32
      %sign3A_3426 = arith.constant 0 : i32
      %sign3A_3427 = arith.cmpi slt, %jit3A_3414, %sign3A_3426 : i32
      %sign3A_3428 = arith.extui %sign3A_3427 : i1 to i32
      %sign3A_3429 = arith.subi %sign3A_3425, %sign3A_3428 : i32
      %ne3A_3430 = arith.cmpi ne, %sign3A_3422, %sign3A_3429 : i32
      %rem3A_3431 = arith.remsi %squeeze3A_3413, %jit3A_3414 : i32
      %ne3A_3432 = arith.constant 0 : i32
      %ne3A_3433 = arith.cmpi ne, %rem3A_3431, %ne3A_3432 : i32
      %and3A_3434 = arith.andi %ne3A_3430, %ne3A_3433 : i1
      %sub3A_3435 = arith.constant 1 : i32
      %sub3A_3436 = arith.subi %div3A_3415, %sub3A_3435 : i32
      %select_n3A_3437 = arith.select %and3A_3434, %sub3A_3436, %div3A_3415 : i32
      %min3A_3438 = arith.constant 7810 : i32
      %min3A_3439 = arith.minsi %select_n3A_3437, %min3A_3438 : i32
      %mul3A_3440 = arith.constant 128 : i32
      %mul3A_3441 = arith.muli %min3A_3439, %mul3A_3440 : i32
      %sub3A_3442 = arith.subi %squeeze3A_3413, %mul3A_3441 : i32
      %min3A_3443 = arith.constant 127 : i32
      %min3A_3444 = arith.minsi %sub3A_3442, %min3A_3443 : i32
      %broadcast_in_dim3A_3445 = vector.broadcast %min3A_3444 : i32 to vector<16xi32>
      %sub3A_3446 = arith.constant 999744 : i32
      %sub3A_3447 = arith.subi %squeeze3A_3413, %sub3A_3446 : i32
      %jit3A_3448 = arith.constant 0 : i32
      %jit3A_3449 = arith.constant 255 : i32
      %max3A_3450 = arith.maxsi %jit3A_3448, %sub3A_3447 : i32
      %min3A_3451 = arith.minsi %jit3A_3449, %max3A_3450 : i32
      %broadcast_in_dim3A_3452 = vector.broadcast %min3A_3451 : i32 to vector<16xi32>
      %ge3A_3453 = arith.constant 999808 : i32
      %ge3A_3454 = arith.cmpi sge, %squeeze3A_3413, %ge3A_3453 : i32
      %convert_element_type3A_3455 = arith.extui %ge3A_3454 : i1 to i32
      %convert_element_type3A_3456 = arith.sitofp %convert_element_type3A_3455 : i32 to f32
      %iota3A_3457 = tpu.iota {dimensions = array<i32: 0>} : vector<16xi32>
      %add3A_3458 = arith.constant 0 : i32
      %add3A_3459 = vector.broadcast %add3A_3458 : i32 to vector<16xi32>
      %add3A_3460 = arith.addi %iota3A_3457, %add3A_3459 : vector<16xi32>
      %gather3A_3461 = arith.constant 3 : i32
      %gather3A_3462 = arith.constant 0 : i32
      %gather3A_3463 = arith.constant 0 : i32
      %gather3A_3464 = tpu.memref_slice %arg7[%gather3A_3461, %gather3A_3462, %gather3A_3463] : memref<8x64x128xf32, #tpu.memory_space<vmem>> -> memref<1x64x128xf32, #tpu.memory_space<vmem>>
      %gather3A_3465 = tpu.memref_squeeze %gather3A_3464 : memref<1x64x128xf32, #tpu.memory_space<vmem>> -> memref<64x128xf32, #tpu.memory_space<vmem>>
      %gather3A_3466 = tpu.vector_load_idx %gather3A_3465[%add3A_3460, %broadcast_in_dim3A_3445] : memref<64x128xf32, #tpu.memory_space<vmem>>[vector<16xi32>, vector<16xi32>], vector<16xf32>,
      %gather3A_3467 = tpu.vector_load_idx %arg8[%add3A_3460, %broadcast_in_dim3A_3452] : memref<64x256xf32, #tpu.memory_space<vmem>>[vector<16xi32>, vector<16xi32>], vector<16xf32>,
      %sub3A_3468 = arith.constant 1.000000e+00 : f32
      %sub3A_3469 = arith.subf %sub3A_3468, %convert_element_type3A_3456 : f32
      %mul3A_3470 = vector.broadcast %sub3A_3469 : f32 to vector<16xf32>
      %mul3A_3471 = arith.mulf %gather3A_3466, %mul3A_3470 : vector<16xf32>
      %add3A_3472 = arith.addf %mul3A_3384, %mul3A_3471 : vector<16xf32>
      %mul3A_3473 = vector.broadcast %convert_element_type3A_3456 : f32 to vector<16xf32>
      %mul3A_3474 = arith.mulf %gather3A_3467, %mul3A_3473 : vector<16xf32>
      %add3A_3475 = arith.addf %add3A_3472, %mul3A_3474 : vector<16xf32>
      %iota3A_3476 = tpu.iota {dimensions = array<i32: 0>} : vector<16xi32>
      %add3A_3477 = arith.constant 16 : i32
      %add3A_3478 = vector.broadcast %add3A_3477 : i32 to vector<16xi32>
      %add3A_3479 = arith.addi %iota3A_3476, %add3A_3478 : vector<16xi32>
      %gather3A_3480 = arith.constant 3 : i32
      %gather3A_3481 = arith.constant 0 : i32
      %gather3A_3482 = arith.constant 0 : i32
      %gather3A_3483 = tpu.memref_slice %arg7[%gather3A_3480, %gather3A_3481, %gather3A_3482] : memref<8x64x128xf32, #tpu.memory_space<vmem>> -> memref<1x64x128xf32, #tpu.memory_space<vmem>>
      %gather3A_3484 = tpu.memref_squeeze %gather3A_3483 : memref<1x64x128xf32, #tpu.memory_space<vmem>> -> memref<64x128xf32, #tpu.memory_space<vmem>>
      %gather3A_3485 = tpu.vector_load_idx %gather3A_3484[%add3A_3479, %broadcast_in_dim3A_3445] : memref<64x128xf32, #tpu.memory_space<vmem>>[vector<16xi32>, vector<16xi32>], vector<16xf32>,
      %gather3A_3486 = tpu.vector_load_idx %arg8[%add3A_3479, %broadcast_in_dim3A_3452] : memref<64x256xf32, #tpu.memory_space<vmem>>[vector<16xi32>, vector<16xi32>], vector<16xf32>,
      %sub3A_3487 = arith.constant 1.000000e+00 : f32
      %sub3A_3488 = arith.subf %sub3A_3487, %convert_element_type3A_3456 : f32
      %mul3A_3489 = vector.broadcast %sub3A_3488 : f32 to vector<16xf32>
      %mul3A_3490 = arith.mulf %gather3A_3485, %mul3A_3489 : vector<16xf32>
      %add3A_3491 = arith.addf %mul3A_3386, %mul3A_3490 : vector<16xf32>
      %mul3A_3492 = vector.broadcast %convert_element_type3A_3456 : f32 to vector<16xf32>
      %mul3A_3493 = arith.mulf %gather3A_3486, %mul3A_3492 : vector<16xf32>
      %add3A_3494 = arith.addf %add3A_3491, %mul3A_3493 : vector<16xf32>
      %iota3A_3495 = tpu.iota {dimensions = array<i32: 0>} : vector<16xi32>
      %add3A_3496 = arith.constant 32 : i32
      %add3A_3497 = vector.broadcast %add3A_3496 : i32 to vector<16xi32>
      %add3A_3498 = arith.addi %iota3A_3495, %add3A_3497 : vector<16xi32>
      %gather3A_3499 = arith.constant 3 : i32
      %gather3A_3500 = arith.constant 0 : i32
      %gather3A_3501 = arith.constant 0 : i32
      %gather3A_3502 = tpu.memref_slice %arg7[%gather3A_3499, %gather3A_3500, %gather3A_3501] : memref<8x64x128xf32, #tpu.memory_space<vmem>> -> memref<1x64x128xf32, #tpu.memory_space<vmem>>
      %gather3A_3503 = tpu.memref_squeeze %gather3A_3502 : memref<1x64x128xf32, #tpu.memory_space<vmem>> -> memref<64x128xf32, #tpu.memory_space<vmem>>
      %gather3A_3504 = tpu.vector_load_idx %gather3A_3503[%add3A_3498, %broadcast_in_dim3A_3445] : memref<64x128xf32, #tpu.memory_space<vmem>>[vector<16xi32>, vector<16xi32>], vector<16xf32>,
      %gather3A_3505 = tpu.vector_load_idx %arg8[%add3A_3498, %broadcast_in_dim3A_3452] : memref<64x256xf32, #tpu.memory_space<vmem>>[vector<16xi32>, vector<16xi32>], vector<16xf32>,
      %sub3A_3506 = arith.constant 1.000000e+00 : f32
      %sub3A_3507 = arith.subf %sub3A_3506, %convert_element_type3A_3456 : f32
      %mul3A_3508 = vector.broadcast %sub3A_3507 : f32 to vector<16xf32>
      %mul3A_3509 = arith.mulf %gather3A_3504, %mul3A_3508 : vector<16xf32>
      %add3A_3510 = arith.addf %mul3A_3388, %mul3A_3509 : vector<16xf32>
      %mul3A_3511 = vector.broadcast %convert_element_type3A_3456 : f32 to vector<16xf32>
      %mul3A_3512 = arith.mulf %gather3A_3505, %mul3A_3511 : vector<16xf32>
      %add3A_3513 = arith.addf %add3A_3510, %mul3A_3512 : vector<16xf32>
      %iota3A_3514 = tpu.iota {dimensions = array<i32: 0>} : vector<16xi32>
      %add3A_3515 = arith.constant 48 : i32
      %add3A_3516 = vector.broadcast %add3A_3515 : i32 to vector<16xi32>
      %add3A_3517 = arith.addi %iota3A_3514, %add3A_3516 : vector<16xi32>
      %gather3A_3518 = arith.constant 3 : i32
      %gather3A_3519 = arith.constant 0 : i32
      %gather3A_3520 = arith.constant 0 : i32
      %gather3A_3521 = tpu.memref_slice %arg7[%gather3A_3518, %gather3A_3519, %gather3A_3520] : memref<8x64x128xf32, #tpu.memory_space<vmem>> -> memref<1x64x128xf32, #tpu.memory_space<vmem>>
      %gather3A_3522 = tpu.memref_squeeze %gather3A_3521 : memref<1x64x128xf32, #tpu.memory_space<vmem>> -> memref<64x128xf32, #tpu.memory_space<vmem>>
      %gather3A_3523 = tpu.vector_load_idx %gather3A_3522[%add3A_3517, %broadcast_in_dim3A_3445] : memref<64x128xf32, #tpu.memory_space<vmem>>[vector<16xi32>, vector<16xi32>], vector<16xf32>,
      %gather3A_3524 = tpu.vector_load_idx %arg8[%add3A_3517, %broadcast_in_dim3A_3452] : memref<64x256xf32, #tpu.memory_space<vmem>>[vector<16xi32>, vector<16xi32>], vector<16xf32>,
      %sub3A_3525 = arith.constant 1.000000e+00 : f32
      %sub3A_3526 = arith.subf %sub3A_3525, %convert_element_type3A_3456 : f32
      %mul3A_3527 = vector.broadcast %sub3A_3526 : f32 to vector<16xf32>
      %mul3A_3528 = arith.mulf %gather3A_3523, %mul3A_3527 : vector<16xf32>
      %add3A_3529 = arith.addf %mul3A_3390, %mul3A_3528 : vector<16xf32>
      %mul3A_3530 = vector.broadcast %convert_element_type3A_3456 : f32 to vector<16xf32>
      %mul3A_3531 = arith.mulf %gather3A_3524, %mul3A_3530 : vector<16xf32>
      %add3A_3532 = arith.addf %add3A_3529, %mul3A_3531 : vector<16xf32>
      %lt3A_3533 = arith.constant 39 : i32
      %lt3A_3534 = arith.cmpi slt, %scan3A_455, %lt3A_3533 : i32
      %convert_element_type3A_3535 = arith.extui %lt3A_3534 : i1 to i32
      %cond3A_3536 = arith.constant 0 : i32
      %cond3A_3537 = arith.cmpi ne, %convert_element_type3A_3535, %cond3A_3536 : i32
      scf.if %cond3A_3537 {
        %slice3A_4516 = vector.extract_strided_slice %get3A_507 {offsets = [3], sizes = [1], strides = [1]} : vector<16xi32> to vector<1xi32>
        %squeeze3A_4517 = vector.extract %slice3A_4516[0] : i32 from vector<1xi32>
        %jit3A_4518 = arith.constant 128 : i32
        %div3A_4519 = arith.divsi %squeeze3A_4517, %jit3A_4518 : i32
        %sign3A_4520 = arith.constant 0 : i32
        %sign3A_4521 = arith.cmpi sgt, %squeeze3A_4517, %sign3A_4520 : i32
        %sign3A_4522 = arith.extui %sign3A_4521 : i1 to i32
        %sign3A_4523 = arith.constant 0 : i32
        %sign3A_4524 = arith.cmpi slt, %squeeze3A_4517, %sign3A_4523 : i32
        %sign3A_4525 = arith.extui %sign3A_4524 : i1 to i32
        %sign3A_4526 = arith.subi %sign3A_4522, %sign3A_4525 : i32
        %sign3A_4527 = arith.constant 0 : i32
        %sign3A_4528 = arith.cmpi sgt, %jit3A_4518, %sign3A_4527 : i32
        %sign3A_4529 = arith.extui %sign3A_4528 : i1 to i32
        %sign3A_4530 = arith.constant 0 : i32
        %sign3A_4531 = arith.cmpi slt, %jit3A_4518, %sign3A_4530 : i32
        %sign3A_4532 = arith.extui %sign3A_4531 : i1 to i32
        %sign3A_4533 = arith.subi %sign3A_4529, %sign3A_4532 : i32
        %ne3A_4534 = arith.cmpi ne, %sign3A_4526, %sign3A_4533 : i32
        %rem3A_4535 = arith.remsi %squeeze3A_4517, %jit3A_4518 : i32
        %ne3A_4536 = arith.constant 0 : i32
        %ne3A_4537 = arith.cmpi ne, %rem3A_4535, %ne3A_4536 : i32
        %and3A_4538 = arith.andi %ne3A_4534, %ne3A_4537 : i1
        %sub3A_4539 = arith.constant 1 : i32
        %sub3A_4540 = arith.subi %div3A_4519, %sub3A_4539 : i32
        %select_n3A_4541 = arith.select %and3A_4538, %sub3A_4540, %div3A_4519 : i32
        %min3A_4542 = arith.constant 7810 : i32
        %min3A_4543 = arith.minsi %select_n3A_4541, %min3A_4542 : i32
        %mul3A_4544 = arith.constant 128 : i32
        %mul3A_4545 = arith.muli %min3A_4543, %mul3A_4544 : i32
        %multiple_of3A_4546 = tpu.assume_multiple %mul3A_4545, 128 : i32
        %dma_start3A_4547 = arith.constant 3 : i32
        %dma_start3A_4548 = arith.constant 0 : i32
        %dma_start3A_4549 = arith.constant 0 : i32
        %dma_start3A_4550 = tpu.memref_slice %arg7[%dma_start3A_4547, %dma_start3A_4548, %dma_start3A_4549] : memref<8x64x128xf32, #tpu.memory_space<vmem>> -> memref<1x32x128xf32, #tpu.memory_space<vmem>>
        %dma_start3A_4551 = tpu.memref_squeeze %dma_start3A_4550 : memref<1x32x128xf32, #tpu.memory_space<vmem>> -> memref<32x128xf32, #tpu.memory_space<vmem>>
        %dma_start3A_4552 = arith.constant 0 : i32
        %dma_start3A_4553 = tpu.memref_slice %arg3[%dma_start3A_4552, %multiple_of3A_4546] : memref<64x1000000xf32, #tpu.memory_space<hbm>> -> memref<32x128xf32, #tpu.memory_space<hbm>>
        %dma_start3A_4554 = arith.constant 0 : i32
        %dma_start3A_4555 = arith.constant 0 : i32
        %dma_start3A_4556 = tpu.memref_slice %arg7[%dma_start3A_4547, %dma_start3A_4554, %dma_start3A_4555] : memref<8x64x128xf32, #tpu.memory_space<vmem>> -> memref<1x32x128xf32, #tpu.memory_space<vmem>>
        %dma_start3A_4557 = tpu.memref_squeeze %dma_start3A_4556 : memref<1x32x128xf32, #tpu.memory_space<vmem>> -> memref<32x128xf32, #tpu.memory_space<vmem>>
        %dma_start3A_4558 = arith.constant 0 : i32
        %dma_start3A_4559 = tpu.memref_slice %arg3[%dma_start3A_4558, %multiple_of3A_4546] : memref<64x1000000xf32, #tpu.memory_space<hbm>> -> memref<32x128xf32, #tpu.memory_space<hbm>>
        tpu.enqueue_dma source(%dma_start3A_4559 : memref<32x128xf32, #tpu.memory_space<hbm>>) target(%dma_start3A_4557 : memref<32x128xf32, #tpu.memory_space<vmem>>) target_semaphore(%arg13 : memref<!tpu.dma_semaphore, #tpu.memory_space<semaphore_mem>>)
        %dma_start3A_4560 = arith.constant 3 : i32
        %dma_start3A_4561 = arith.constant 32 : i32
        %dma_start3A_4562 = arith.constant 0 : i32
        %dma_start3A_4563 = tpu.memref_slice %arg7[%dma_start3A_4560, %dma_start3A_4561, %dma_start3A_4562] : memref<8x64x128xf32, #tpu.memory_space<vmem>> -> memref<1x32x128xf32, #tpu.memory_space<vmem>>
        %dma_start3A_4564 = tpu.memref_squeeze %dma_start3A_4563 : memref<1x32x128xf32, #tpu.memory_space<vmem>> -> memref<32x128xf32, #tpu.memory_space<vmem>>
        %dma_start3A_4565 = arith.constant 32 : i32
        %dma_start3A_4566 = tpu.memref_slice %arg3[%dma_start3A_4565, %multiple_of3A_4546] : memref<64x1000000xf32, #tpu.memory_space<hbm>> -> memref<32x128xf32, #tpu.memory_space<hbm>>
        %dma_start3A_4567 = arith.constant 32 : i32
        %dma_start3A_4568 = arith.constant 0 : i32
        %dma_start3A_4569 = tpu.memref_slice %arg7[%dma_start3A_4560, %dma_start3A_4567, %dma_start3A_4568] : memref<8x64x128xf32, #tpu.memory_space<vmem>> -> memref<1x32x128xf32, #tpu.memory_space<vmem>>
        %dma_start3A_4570 = tpu.memref_squeeze %dma_start3A_4569 : memref<1x32x128xf32, #tpu.memory_space<vmem>> -> memref<32x128xf32, #tpu.memory_space<vmem>>
        %dma_start3A_4571 = arith.constant 32 : i32
        %dma_start3A_4572 = tpu.memref_slice %arg3[%dma_start3A_4571, %multiple_of3A_4546] : memref<64x1000000xf32, #tpu.memory_space<hbm>> -> memref<32x128xf32, #tpu.memory_space<hbm>>
        tpu.enqueue_dma source(%dma_start3A_4572 : memref<32x128xf32, #tpu.memory_space<hbm>>) target(%dma_start3A_4570 : memref<32x128xf32, #tpu.memory_space<vmem>>) target_semaphore(%arg13 : memref<!tpu.dma_semaphore, #tpu.memory_space<semaphore_mem>>)
      } else {
      }
      %jit3A_3538 = arith.constant 20 : i32
      %div3A_3539 = arith.divsi %add3A_3396, %jit3A_3538 : i32
      %sign3A_3540 = arith.constant 0 : i32
      %sign3A_3541 = arith.cmpi sgt, %add3A_3396, %sign3A_3540 : i32
      %sign3A_3542 = arith.extui %sign3A_3541 : i1 to i32
      %sign3A_3543 = arith.constant 0 : i32
      %sign3A_3544 = arith.cmpi slt, %add3A_3396, %sign3A_3543 : i32
      %sign3A_3545 = arith.extui %sign3A_3544 : i1 to i32
      %sign3A_3546 = arith.subi %sign3A_3542, %sign3A_3545 : i32
      %sign3A_3547 = arith.constant 0 : i32
      %sign3A_3548 = arith.cmpi sgt, %jit3A_3538, %sign3A_3547 : i32
      %sign3A_3549 = arith.extui %sign3A_3548 : i1 to i32
      %sign3A_3550 = arith.constant 0 : i32
      %sign3A_3551 = arith.cmpi slt, %jit3A_3538, %sign3A_3550 : i32
      %sign3A_3552 = arith.extui %sign3A_3551 : i1 to i32
      %sign3A_3553 = arith.subi %sign3A_3549, %sign3A_3552 : i32
      %ne3A_3554 = arith.cmpi ne, %sign3A_3546, %sign3A_3553 : i32
      %rem3A_3555 = arith.remsi %add3A_3396, %jit3A_3538 : i32
      %ne3A_3556 = arith.constant 0 : i32
      %ne3A_3557 = arith.cmpi ne, %rem3A_3555, %ne3A_3556 : i32
      %and3A_3558 = arith.andi %ne3A_3554, %ne3A_3557 : i1
      %sub3A_3559 = arith.constant 1 : i32
      %sub3A_3560 = arith.subi %div3A_3539, %sub3A_3559 : i32
      %select_n3A_3561 = arith.select %and3A_3558, %sub3A_3560, %div3A_3539 : i32
      %mul3A_3562 = arith.constant 5.000000e-02 : f32
      %mul3A_3563 = vector.broadcast %mul3A_3562 : f32 to vector<16xf32>
      %mul3A_3564 = arith.mulf %add3A_3475, %mul3A_3563 : vector<16xf32>
      %swap3A_3565 = arith.index_cast %select_n3A_3561 : i32 to index
      %swap3A_3566 = arith.constant 0 : index
      %swap3A_3567 = tpu.vector_load %arg9[%swap3A_3565, %swap3A_3566] {strides = array<i32>} : memref<32x128xf32, #tpu.memory_space<vmem>>, vector<16xf32>,
      tpu.vector_store %arg9[%swap3A_3565, %swap3A_3566], %mul3A_3564 {strides = array<i32>} : memref<32x128xf32, #tpu.memory_space<vmem>>, vector<16xf32>,
      %mul3A_3568 = arith.constant 5.000000e-02 : f32
      %mul3A_3569 = vector.broadcast %mul3A_3568 : f32 to vector<16xf32>
      %mul3A_3570 = arith.mulf %add3A_3494, %mul3A_3569 : vector<16xf32>
      %swap3A_3571 = arith.index_cast %select_n3A_3561 : i32 to index
      %swap3A_3572 = arith.constant 16 : index
      %swap3A_3573 = tpu.vector_load %arg9[%swap3A_3571, %swap3A_3572] {strides = array<i32>} : memref<32x128xf32, #tpu.memory_space<vmem>>, vector<16xf32>,
      tpu.vector_store %arg9[%swap3A_3571, %swap3A_3572], %mul3A_3570 {strides = array<i32>} : memref<32x128xf32, #tpu.memory_space<vmem>>, vector<16xf32>,
      %mul3A_3574 = arith.constant 5.000000e-02 : f32
      %mul3A_3575 = vector.broadcast %mul3A_3574 : f32 to vector<16xf32>
      %mul3A_3576 = arith.mulf %add3A_3513, %mul3A_3575 : vector<16xf32>
      %swap3A_3577 = arith.index_cast %select_n3A_3561 : i32 to index
      %swap3A_3578 = arith.constant 32 : index
      %swap3A_3579 = tpu.vector_load %arg9[%swap3A_3577, %swap3A_3578] {strides = array<i32>} : memref<32x128xf32, #tpu.memory_space<vmem>>, vector<16xf32>,
      tpu.vector_store %arg9[%swap3A_3577, %swap3A_3578], %mul3A_3576 {strides = array<i32>} : memref<32x128xf32, #tpu.memory_space<vmem>>, vector<16xf32>,
      %mul3A_3580 = arith.constant 5.000000e-02 : f32
      %mul3A_3581 = vector.broadcast %mul3A_3580 : f32 to vector<16xf32>
      %mul3A_3582 = arith.mulf %add3A_3532, %mul3A_3581 : vector<16xf32>
      %swap3A_3583 = arith.index_cast %select_n3A_3561 : i32 to index
      %swap3A_3584 = arith.constant 48 : index
      %swap3A_3585 = tpu.vector_load %arg9[%swap3A_3583, %swap3A_3584] {strides = array<i32>} : memref<32x128xf32, #tpu.memory_space<vmem>>, vector<16xf32>,
      tpu.vector_store %arg9[%swap3A_3583, %swap3A_3584], %mul3A_3582 {strides = array<i32>} : memref<32x128xf32, #tpu.memory_space<vmem>>, vector<16xf32>,
      %jit3A_3586 = arith.constant 20 : i32
      %eq3A_3587 = arith.constant 0 : i32
      %eq3A_3588 = arith.cmpi eq, %jit3A_3586, %eq3A_3587 : i32
      %jit3A_3589 = arith.constant 1 : i32
      %select_n3A_3590 = arith.select %eq3A_3588, %jit3A_3589, %jit3A_3586 : i32
      %rem3A_3591 = arith.remsi %add3A_3396, %select_n3A_3590 : i32
      %ne3A_3592 = arith.constant 0 : i32
      %ne3A_3593 = arith.cmpi ne, %rem3A_3591, %ne3A_3592 : i32
      %lt3A_3594 = arith.constant 0 : i32
      %lt3A_3595 = arith.cmpi slt, %rem3A_3591, %lt3A_3594 : i32
      %lt3A_3596 = arith.constant 0 : i32
      %lt3A_3597 = arith.cmpi slt, %select_n3A_3590, %lt3A_3596 : i32
      %ne3A_3598 = arith.xori %lt3A_3595, %lt3A_3597 : i1
      %and3A_3599 = arith.andi %ne3A_3598, %ne3A_3593 : i1
      %add3A_3600 = arith.addi %rem3A_3591, %select_n3A_3590 : i32
      %select_n3A_3601 = arith.select %and3A_3599, %add3A_3600, %rem3A_3591 : i32
      %eq3A_3602 = arith.constant 19 : i32
      %eq3A_3603 = arith.cmpi eq, %select_n3A_3601, %eq3A_3602 : i32
      %convert_element_type3A_3604 = arith.extui %eq3A_3603 : i1 to i32
      %convert_element_type3A_3605 = arith.sitofp %convert_element_type3A_3604 : i32 to f32
      %sub3A_3606 = arith.constant 1.000000e+00 : f32
      %sub3A_3607 = arith.subf %sub3A_3606, %convert_element_type3A_3605 : f32
      %mul3A_3608 = vector.broadcast %sub3A_3607 : f32 to vector<16xf32>
      %mul3A_3609 = arith.mulf %add3A_3475, %mul3A_3608 : vector<16xf32>
      %mul3A_3610 = vector.broadcast %sub3A_3607 : f32 to vector<16xf32>
      %mul3A_3611 = arith.mulf %add3A_3494, %mul3A_3610 : vector<16xf32>
      %mul3A_3612 = vector.broadcast %sub3A_3607 : f32 to vector<16xf32>
      %mul3A_3613 = arith.mulf %add3A_3513, %mul3A_3612 : vector<16xf32>
      %mul3A_3614 = vector.broadcast %sub3A_3607 : f32 to vector<16xf32>
      %mul3A_3615 = arith.mulf %add3A_3532, %mul3A_3614 : vector<16xf32>
      %mul3A_3616 = arith.constant 16 : i32
      %mul3A_3617 = arith.muli %scan3A_455, %mul3A_3616 : i32
      %add3A_3618 = arith.constant 8 : i32
      %add3A_3619 = arith.addi %mul3A_3617, %add3A_3618 : i32
      %add3A_3620 = arith.constant 4 : i32
      %add3A_3621 = arith.addi %add3A_3619, %add3A_3620 : i32
      %dma_wait3A_3622 = arith.constant 4 : i32
      %dma_wait3A_3623 = arith.constant 0 : i32
      %dma_wait3A_3624 = arith.constant 0 : i32
      %dma_wait3A_3625 = tpu.memref_slice %arg7[%dma_wait3A_3622, %dma_wait3A_3623, %dma_wait3A_3624] : memref<8x64x128xf32, #tpu.memory_space<vmem>> -> memref<1x64x128xf32, #tpu.memory_space<vmem>>
      %dma_wait3A_3626 = tpu.memref_squeeze %dma_wait3A_3625 : memref<1x64x128xf32, #tpu.memory_space<vmem>> -> memref<64x128xf32, #tpu.memory_space<vmem>>
      %dma_wait3A_3627 = arith.constant 0 : i32
      %dma_wait3A_3628 = arith.constant 0 : i32
      %dma_wait3A_3629 = tpu.memref_slice %arg3[%dma_wait3A_3627, %dma_wait3A_3628] : memref<64x1000000xf32, #tpu.memory_space<hbm>> -> memref<64x128xf32, #tpu.memory_space<hbm>>
      %dma_wait3A_3630 = arith.constant 0 : i32
      %dma_wait3A_3631 = arith.constant 0 : i32
      %dma_wait3A_3632 = tpu.memref_slice %arg7[%dma_wait3A_3622, %dma_wait3A_3630, %dma_wait3A_3631] : memref<8x64x128xf32, #tpu.memory_space<vmem>> -> memref<1x64x128xf32, #tpu.memory_space<vmem>>
      %dma_wait3A_3633 = tpu.memref_squeeze %dma_wait3A_3632 : memref<1x64x128xf32, #tpu.memory_space<vmem>> -> memref<64x128xf32, #tpu.memory_space<vmem>>
      %dma_wait3A_3634 = arith.constant 0 : i32
      %dma_wait3A_3635 = arith.constant 0 : i32
      %dma_wait3A_3636 = tpu.memref_slice %arg3[%dma_wait3A_3634, %dma_wait3A_3635] : memref<64x1000000xf32, #tpu.memory_space<hbm>> -> memref<64x128xf32, #tpu.memory_space<hbm>>
      tpu.wait_dma2 semaphore(%arg14 : memref<!tpu.dma_semaphore, #tpu.memory_space<semaphore_mem>>) src(%dma_wait3A_3636 : memref<64x128xf32, #tpu.memory_space<hbm>>) dst(%dma_wait3A_3633 : memref<64x128xf32, #tpu.memory_space<vmem>>)
      %slice3A_3637 = vector.extract_strided_slice %scan3A_460 {offsets = [12], sizes = [1], strides = [1]} : vector<16xi32> to vector<1xi32>
      %squeeze3A_3638 = vector.extract %slice3A_3637[0] : i32 from vector<1xi32>
      %jit3A_3639 = arith.constant 128 : i32
      %div3A_3640 = arith.divsi %squeeze3A_3638, %jit3A_3639 : i32
      %sign3A_3641 = arith.constant 0 : i32
      %sign3A_3642 = arith.cmpi sgt, %squeeze3A_3638, %sign3A_3641 : i32
      %sign3A_3643 = arith.extui %sign3A_3642 : i1 to i32
      %sign3A_3644 = arith.constant 0 : i32
      %sign3A_3645 = arith.cmpi slt, %squeeze3A_3638, %sign3A_3644 : i32
      %sign3A_3646 = arith.extui %sign3A_3645 : i1 to i32
      %sign3A_3647 = arith.subi %sign3A_3643, %sign3A_3646 : i32
      %sign3A_3648 = arith.constant 0 : i32
      %sign3A_3649 = arith.cmpi sgt, %jit3A_3639, %sign3A_3648 : i32
      %sign3A_3650 = arith.extui %sign3A_3649 : i1 to i32
      %sign3A_3651 = arith.constant 0 : i32
      %sign3A_3652 = arith.cmpi slt, %jit3A_3639, %sign3A_3651 : i32
      %sign3A_3653 = arith.extui %sign3A_3652 : i1 to i32
      %sign3A_3654 = arith.subi %sign3A_3650, %sign3A_3653 : i32
      %ne3A_3655 = arith.cmpi ne, %sign3A_3647, %sign3A_3654 : i32
      %rem3A_3656 = arith.remsi %squeeze3A_3638, %jit3A_3639 : i32
      %ne3A_3657 = arith.constant 0 : i32
      %ne3A_3658 = arith.cmpi ne, %rem3A_3656, %ne3A_3657 : i32
      %and3A_3659 = arith.andi %ne3A_3655, %ne3A_3658 : i1
      %sub3A_3660 = arith.constant 1 : i32
      %sub3A_3661 = arith.subi %div3A_3640, %sub3A_3660 : i32
      %select_n3A_3662 = arith.select %and3A_3659, %sub3A_3661, %div3A_3640 : i32
      %min3A_3663 = arith.constant 7810 : i32
      %min3A_3664 = arith.minsi %select_n3A_3662, %min3A_3663 : i32
      %mul3A_3665 = arith.constant 128 : i32
      %mul3A_3666 = arith.muli %min3A_3664, %mul3A_3665 : i32
      %sub3A_3667 = arith.subi %squeeze3A_3638, %mul3A_3666 : i32
      %min3A_3668 = arith.constant 127 : i32
      %min3A_3669 = arith.minsi %sub3A_3667, %min3A_3668 : i32
      %broadcast_in_dim3A_3670 = vector.broadcast %min3A_3669 : i32 to vector<16xi32>
      %sub3A_3671 = arith.constant 999744 : i32
      %sub3A_3672 = arith.subi %squeeze3A_3638, %sub3A_3671 : i32
      %jit3A_3673 = arith.constant 0 : i32
      %jit3A_3674 = arith.constant 255 : i32
      %max3A_3675 = arith.maxsi %jit3A_3673, %sub3A_3672 : i32
      %min3A_3676 = arith.minsi %jit3A_3674, %max3A_3675 : i32
      %broadcast_in_dim3A_3677 = vector.broadcast %min3A_3676 : i32 to vector<16xi32>
      %ge3A_3678 = arith.constant 999808 : i32
      %ge3A_3679 = arith.cmpi sge, %squeeze3A_3638, %ge3A_3678 : i32
      %convert_element_type3A_3680 = arith.extui %ge3A_3679 : i1 to i32
      %convert_element_type3A_3681 = arith.sitofp %convert_element_type3A_3680 : i32 to f32
      %iota3A_3682 = tpu.iota {dimensions = array<i32: 0>} : vector<16xi32>
      %add3A_3683 = arith.constant 0 : i32
      %add3A_3684 = vector.broadcast %add3A_3683 : i32 to vector<16xi32>
      %add3A_3685 = arith.addi %iota3A_3682, %add3A_3684 : vector<16xi32>
      %gather3A_3686 = arith.constant 4 : i32
      %gather3A_3687 = arith.constant 0 : i32
      %gather3A_3688 = arith.constant 0 : i32
      %gather3A_3689 = tpu.memref_slice %arg7[%gather3A_3686, %gather3A_3687, %gather3A_3688] : memref<8x64x128xf32, #tpu.memory_space<vmem>> -> memref<1x64x128xf32, #tpu.memory_space<vmem>>
      %gather3A_3690 = tpu.memref_squeeze %gather3A_3689 : memref<1x64x128xf32, #tpu.memory_space<vmem>> -> memref<64x128xf32, #tpu.memory_space<vmem>>
      %gather3A_3691 = tpu.vector_load_idx %gather3A_3690[%add3A_3685, %broadcast_in_dim3A_3670] : memref<64x128xf32, #tpu.memory_space<vmem>>[vector<16xi32>, vector<16xi32>], vector<16xf32>,
      %gather3A_3692 = tpu.vector_load_idx %arg8[%add3A_3685, %broadcast_in_dim3A_3677] : memref<64x256xf32, #tpu.memory_space<vmem>>[vector<16xi32>, vector<16xi32>], vector<16xf32>,
      %sub3A_3693 = arith.constant 1.000000e+00 : f32
      %sub3A_3694 = arith.subf %sub3A_3693, %convert_element_type3A_3681 : f32
      %mul3A_3695 = vector.broadcast %sub3A_3694 : f32 to vector<16xf32>
      %mul3A_3696 = arith.mulf %gather3A_3691, %mul3A_3695 : vector<16xf32>
      %add3A_3697 = arith.addf %mul3A_3609, %mul3A_3696 : vector<16xf32>
      %mul3A_3698 = vector.broadcast %convert_element_type3A_3681 : f32 to vector<16xf32>
      %mul3A_3699 = arith.mulf %gather3A_3692, %mul3A_3698 : vector<16xf32>
      %add3A_3700 = arith.addf %add3A_3697, %mul3A_3699 : vector<16xf32>
      %iota3A_3701 = tpu.iota {dimensions = array<i32: 0>} : vector<16xi32>
      %add3A_3702 = arith.constant 16 : i32
      %add3A_3703 = vector.broadcast %add3A_3702 : i32 to vector<16xi32>
      %add3A_3704 = arith.addi %iota3A_3701, %add3A_3703 : vector<16xi32>
      %gather3A_3705 = arith.constant 4 : i32
      %gather3A_3706 = arith.constant 0 : i32
      %gather3A_3707 = arith.constant 0 : i32
      %gather3A_3708 = tpu.memref_slice %arg7[%gather3A_3705, %gather3A_3706, %gather3A_3707] : memref<8x64x128xf32, #tpu.memory_space<vmem>> -> memref<1x64x128xf32, #tpu.memory_space<vmem>>
      %gather3A_3709 = tpu.memref_squeeze %gather3A_3708 : memref<1x64x128xf32, #tpu.memory_space<vmem>> -> memref<64x128xf32, #tpu.memory_space<vmem>>
      %gather3A_3710 = tpu.vector_load_idx %gather3A_3709[%add3A_3704, %broadcast_in_dim3A_3670] : memref<64x128xf32, #tpu.memory_space<vmem>>[vector<16xi32>, vector<16xi32>], vector<16xf32>,
      %gather3A_3711 = tpu.vector_load_idx %arg8[%add3A_3704, %broadcast_in_dim3A_3677] : memref<64x256xf32, #tpu.memory_space<vmem>>[vector<16xi32>, vector<16xi32>], vector<16xf32>,
      %sub3A_3712 = arith.constant 1.000000e+00 : f32
      %sub3A_3713 = arith.subf %sub3A_3712, %convert_element_type3A_3681 : f32
      %mul3A_3714 = vector.broadcast %sub3A_3713 : f32 to vector<16xf32>
      %mul3A_3715 = arith.mulf %gather3A_3710, %mul3A_3714 : vector<16xf32>
      %add3A_3716 = arith.addf %mul3A_3611, %mul3A_3715 : vector<16xf32>
      %mul3A_3717 = vector.broadcast %convert_element_type3A_3681 : f32 to vector<16xf32>
      %mul3A_3718 = arith.mulf %gather3A_3711, %mul3A_3717 : vector<16xf32>
      %add3A_3719 = arith.addf %add3A_3716, %mul3A_3718 : vector<16xf32>
      %iota3A_3720 = tpu.iota {dimensions = array<i32: 0>} : vector<16xi32>
      %add3A_3721 = arith.constant 32 : i32
      %add3A_3722 = vector.broadcast %add3A_3721 : i32 to vector<16xi32>
      %add3A_3723 = arith.addi %iota3A_3720, %add3A_3722 : vector<16xi32>
      %gather3A_3724 = arith.constant 4 : i32
      %gather3A_3725 = arith.constant 0 : i32
      %gather3A_3726 = arith.constant 0 : i32
      %gather3A_3727 = tpu.memref_slice %arg7[%gather3A_3724, %gather3A_3725, %gather3A_3726] : memref<8x64x128xf32, #tpu.memory_space<vmem>> -> memref<1x64x128xf32, #tpu.memory_space<vmem>>
      %gather3A_3728 = tpu.memref_squeeze %gather3A_3727 : memref<1x64x128xf32, #tpu.memory_space<vmem>> -> memref<64x128xf32, #tpu.memory_space<vmem>>
      %gather3A_3729 = tpu.vector_load_idx %gather3A_3728[%add3A_3723, %broadcast_in_dim3A_3670] : memref<64x128xf32, #tpu.memory_space<vmem>>[vector<16xi32>, vector<16xi32>], vector<16xf32>,
      %gather3A_3730 = tpu.vector_load_idx %arg8[%add3A_3723, %broadcast_in_dim3A_3677] : memref<64x256xf32, #tpu.memory_space<vmem>>[vector<16xi32>, vector<16xi32>], vector<16xf32>,
      %sub3A_3731 = arith.constant 1.000000e+00 : f32
      %sub3A_3732 = arith.subf %sub3A_3731, %convert_element_type3A_3681 : f32
      %mul3A_3733 = vector.broadcast %sub3A_3732 : f32 to vector<16xf32>
      %mul3A_3734 = arith.mulf %gather3A_3729, %mul3A_3733 : vector<16xf32>
      %add3A_3735 = arith.addf %mul3A_3613, %mul3A_3734 : vector<16xf32>
      %mul3A_3736 = vector.broadcast %convert_element_type3A_3681 : f32 to vector<16xf32>
      %mul3A_3737 = arith.mulf %gather3A_3730, %mul3A_3736 : vector<16xf32>
      %add3A_3738 = arith.addf %add3A_3735, %mul3A_3737 : vector<16xf32>
      %iota3A_3739 = tpu.iota {dimensions = array<i32: 0>} : vector<16xi32>
      %add3A_3740 = arith.constant 48 : i32
      %add3A_3741 = vector.broadcast %add3A_3740 : i32 to vector<16xi32>
      %add3A_3742 = arith.addi %iota3A_3739, %add3A_3741 : vector<16xi32>
      %gather3A_3743 = arith.constant 4 : i32
      %gather3A_3744 = arith.constant 0 : i32
      %gather3A_3745 = arith.constant 0 : i32
      %gather3A_3746 = tpu.memref_slice %arg7[%gather3A_3743, %gather3A_3744, %gather3A_3745] : memref<8x64x128xf32, #tpu.memory_space<vmem>> -> memref<1x64x128xf32, #tpu.memory_space<vmem>>
      %gather3A_3747 = tpu.memref_squeeze %gather3A_3746 : memref<1x64x128xf32, #tpu.memory_space<vmem>> -> memref<64x128xf32, #tpu.memory_space<vmem>>
      %gather3A_3748 = tpu.vector_load_idx %gather3A_3747[%add3A_3742, %broadcast_in_dim3A_3670] : memref<64x128xf32, #tpu.memory_space<vmem>>[vector<16xi32>, vector<16xi32>], vector<16xf32>,
      %gather3A_3749 = tpu.vector_load_idx %arg8[%add3A_3742, %broadcast_in_dim3A_3677] : memref<64x256xf32, #tpu.memory_space<vmem>>[vector<16xi32>, vector<16xi32>], vector<16xf32>,
      %sub3A_3750 = arith.constant 1.000000e+00 : f32
      %sub3A_3751 = arith.subf %sub3A_3750, %convert_element_type3A_3681 : f32
      %mul3A_3752 = vector.broadcast %sub3A_3751 : f32 to vector<16xf32>
      %mul3A_3753 = arith.mulf %gather3A_3748, %mul3A_3752 : vector<16xf32>
      %add3A_3754 = arith.addf %mul3A_3615, %mul3A_3753 : vector<16xf32>
      %mul3A_3755 = vector.broadcast %convert_element_type3A_3681 : f32 to vector<16xf32>
      %mul3A_3756 = arith.mulf %gather3A_3749, %mul3A_3755 : vector<16xf32>
      %add3A_3757 = arith.addf %add3A_3754, %mul3A_3756 : vector<16xf32>
      %lt3A_3758 = arith.constant 39 : i32
      %lt3A_3759 = arith.cmpi slt, %scan3A_455, %lt3A_3758 : i32
      %convert_element_type3A_3760 = arith.extui %lt3A_3759 : i1 to i32
      %cond3A_3761 = arith.constant 0 : i32
      %cond3A_3762 = arith.cmpi ne, %convert_element_type3A_3760, %cond3A_3761 : i32
      scf.if %cond3A_3762 {
        %slice3A_4516 = vector.extract_strided_slice %get3A_507 {offsets = [4], sizes = [1], strides = [1]} : vector<16xi32> to vector<1xi32>
        %squeeze3A_4517 = vector.extract %slice3A_4516[0] : i32 from vector<1xi32>
        %jit3A_4518 = arith.constant 128 : i32
        %div3A_4519 = arith.divsi %squeeze3A_4517, %jit3A_4518 : i32
        %sign3A_4520 = arith.constant 0 : i32
        %sign3A_4521 = arith.cmpi sgt, %squeeze3A_4517, %sign3A_4520 : i32
        %sign3A_4522 = arith.extui %sign3A_4521 : i1 to i32
        %sign3A_4523 = arith.constant 0 : i32
        %sign3A_4524 = arith.cmpi slt, %squeeze3A_4517, %sign3A_4523 : i32
        %sign3A_4525 = arith.extui %sign3A_4524 : i1 to i32
        %sign3A_4526 = arith.subi %sign3A_4522, %sign3A_4525 : i32
        %sign3A_4527 = arith.constant 0 : i32
        %sign3A_4528 = arith.cmpi sgt, %jit3A_4518, %sign3A_4527 : i32
        %sign3A_4529 = arith.extui %sign3A_4528 : i1 to i32
        %sign3A_4530 = arith.constant 0 : i32
        %sign3A_4531 = arith.cmpi slt, %jit3A_4518, %sign3A_4530 : i32
        %sign3A_4532 = arith.extui %sign3A_4531 : i1 to i32
        %sign3A_4533 = arith.subi %sign3A_4529, %sign3A_4532 : i32
        %ne3A_4534 = arith.cmpi ne, %sign3A_4526, %sign3A_4533 : i32
        %rem3A_4535 = arith.remsi %squeeze3A_4517, %jit3A_4518 : i32
        %ne3A_4536 = arith.constant 0 : i32
        %ne3A_4537 = arith.cmpi ne, %rem3A_4535, %ne3A_4536 : i32
        %and3A_4538 = arith.andi %ne3A_4534, %ne3A_4537 : i1
        %sub3A_4539 = arith.constant 1 : i32
        %sub3A_4540 = arith.subi %div3A_4519, %sub3A_4539 : i32
        %select_n3A_4541 = arith.select %and3A_4538, %sub3A_4540, %div3A_4519 : i32
        %min3A_4542 = arith.constant 7810 : i32
        %min3A_4543 = arith.minsi %select_n3A_4541, %min3A_4542 : i32
        %mul3A_4544 = arith.constant 128 : i32
        %mul3A_4545 = arith.muli %min3A_4543, %mul3A_4544 : i32
        %multiple_of3A_4546 = tpu.assume_multiple %mul3A_4545, 128 : i32
        %dma_start3A_4547 = arith.constant 4 : i32
        %dma_start3A_4548 = arith.constant 0 : i32
        %dma_start3A_4549 = arith.constant 0 : i32
        %dma_start3A_4550 = tpu.memref_slice %arg7[%dma_start3A_4547, %dma_start3A_4548, %dma_start3A_4549] : memref<8x64x128xf32, #tpu.memory_space<vmem>> -> memref<1x32x128xf32, #tpu.memory_space<vmem>>
        %dma_start3A_4551 = tpu.memref_squeeze %dma_start3A_4550 : memref<1x32x128xf32, #tpu.memory_space<vmem>> -> memref<32x128xf32, #tpu.memory_space<vmem>>
        %dma_start3A_4552 = arith.constant 0 : i32
        %dma_start3A_4553 = tpu.memref_slice %arg3[%dma_start3A_4552, %multiple_of3A_4546] : memref<64x1000000xf32, #tpu.memory_space<hbm>> -> memref<32x128xf32, #tpu.memory_space<hbm>>
        %dma_start3A_4554 = arith.constant 0 : i32
        %dma_start3A_4555 = arith.constant 0 : i32
        %dma_start3A_4556 = tpu.memref_slice %arg7[%dma_start3A_4547, %dma_start3A_4554, %dma_start3A_4555] : memref<8x64x128xf32, #tpu.memory_space<vmem>> -> memref<1x32x128xf32, #tpu.memory_space<vmem>>
        %dma_start3A_4557 = tpu.memref_squeeze %dma_start3A_4556 : memref<1x32x128xf32, #tpu.memory_space<vmem>> -> memref<32x128xf32, #tpu.memory_space<vmem>>
        %dma_start3A_4558 = arith.constant 0 : i32
        %dma_start3A_4559 = tpu.memref_slice %arg3[%dma_start3A_4558, %multiple_of3A_4546] : memref<64x1000000xf32, #tpu.memory_space<hbm>> -> memref<32x128xf32, #tpu.memory_space<hbm>>
        tpu.enqueue_dma source(%dma_start3A_4559 : memref<32x128xf32, #tpu.memory_space<hbm>>) target(%dma_start3A_4557 : memref<32x128xf32, #tpu.memory_space<vmem>>) target_semaphore(%arg14 : memref<!tpu.dma_semaphore, #tpu.memory_space<semaphore_mem>>)
        %dma_start3A_4560 = arith.constant 4 : i32
        %dma_start3A_4561 = arith.constant 32 : i32
        %dma_start3A_4562 = arith.constant 0 : i32
        %dma_start3A_4563 = tpu.memref_slice %arg7[%dma_start3A_4560, %dma_start3A_4561, %dma_start3A_4562] : memref<8x64x128xf32, #tpu.memory_space<vmem>> -> memref<1x32x128xf32, #tpu.memory_space<vmem>>
        %dma_start3A_4564 = tpu.memref_squeeze %dma_start3A_4563 : memref<1x32x128xf32, #tpu.memory_space<vmem>> -> memref<32x128xf32, #tpu.memory_space<vmem>>
        %dma_start3A_4565 = arith.constant 32 : i32
        %dma_start3A_4566 = tpu.memref_slice %arg3[%dma_start3A_4565, %multiple_of3A_4546] : memref<64x1000000xf32, #tpu.memory_space<hbm>> -> memref<32x128xf32, #tpu.memory_space<hbm>>
        %dma_start3A_4567 = arith.constant 32 : i32
        %dma_start3A_4568 = arith.constant 0 : i32
        %dma_start3A_4569 = tpu.memref_slice %arg7[%dma_start3A_4560, %dma_start3A_4567, %dma_start3A_4568] : memref<8x64x128xf32, #tpu.memory_space<vmem>> -> memref<1x32x128xf32, #tpu.memory_space<vmem>>
        %dma_start3A_4570 = tpu.memref_squeeze %dma_start3A_4569 : memref<1x32x128xf32, #tpu.memory_space<vmem>> -> memref<32x128xf32, #tpu.memory_space<vmem>>
        %dma_start3A_4571 = arith.constant 32 : i32
        %dma_start3A_4572 = tpu.memref_slice %arg3[%dma_start3A_4571, %multiple_of3A_4546] : memref<64x1000000xf32, #tpu.memory_space<hbm>> -> memref<32x128xf32, #tpu.memory_space<hbm>>
        tpu.enqueue_dma source(%dma_start3A_4572 : memref<32x128xf32, #tpu.memory_space<hbm>>) target(%dma_start3A_4570 : memref<32x128xf32, #tpu.memory_space<vmem>>) target_semaphore(%arg14 : memref<!tpu.dma_semaphore, #tpu.memory_space<semaphore_mem>>)
      } else {
      }
      %jit3A_3763 = arith.constant 20 : i32
      %div3A_3764 = arith.divsi %add3A_3621, %jit3A_3763 : i32
      %sign3A_3765 = arith.constant 0 : i32
      %sign3A_3766 = arith.cmpi sgt, %add3A_3621, %sign3A_3765 : i32
      %sign3A_3767 = arith.extui %sign3A_3766 : i1 to i32
      %sign3A_3768 = arith.constant 0 : i32
      %sign3A_3769 = arith.cmpi slt, %add3A_3621, %sign3A_3768 : i32
      %sign3A_3770 = arith.extui %sign3A_3769 : i1 to i32
      %sign3A_3771 = arith.subi %sign3A_3767, %sign3A_3770 : i32
      %sign3A_3772 = arith.constant 0 : i32
      %sign3A_3773 = arith.cmpi sgt, %jit3A_3763, %sign3A_3772 : i32
      %sign3A_3774 = arith.extui %sign3A_3773 : i1 to i32
      %sign3A_3775 = arith.constant 0 : i32
      %sign3A_3776 = arith.cmpi slt, %jit3A_3763, %sign3A_3775 : i32
      %sign3A_3777 = arith.extui %sign3A_3776 : i1 to i32
      %sign3A_3778 = arith.subi %sign3A_3774, %sign3A_3777 : i32
      %ne3A_3779 = arith.cmpi ne, %sign3A_3771, %sign3A_3778 : i32
      %rem3A_3780 = arith.remsi %add3A_3621, %jit3A_3763 : i32
      %ne3A_3781 = arith.constant 0 : i32
      %ne3A_3782 = arith.cmpi ne, %rem3A_3780, %ne3A_3781 : i32
      %and3A_3783 = arith.andi %ne3A_3779, %ne3A_3782 : i1
      %sub3A_3784 = arith.constant 1 : i32
      %sub3A_3785 = arith.subi %div3A_3764, %sub3A_3784 : i32
      %select_n3A_3786 = arith.select %and3A_3783, %sub3A_3785, %div3A_3764 : i32
      %mul3A_3787 = arith.constant 5.000000e-02 : f32
      %mul3A_3788 = vector.broadcast %mul3A_3787 : f32 to vector<16xf32>
      %mul3A_3789 = arith.mulf %add3A_3700, %mul3A_3788 : vector<16xf32>
      %swap3A_3790 = arith.index_cast %select_n3A_3786 : i32 to index
      %swap3A_3791 = arith.constant 0 : index
      %swap3A_3792 = tpu.vector_load %arg9[%swap3A_3790, %swap3A_3791] {strides = array<i32>} : memref<32x128xf32, #tpu.memory_space<vmem>>, vector<16xf32>,
      tpu.vector_store %arg9[%swap3A_3790, %swap3A_3791], %mul3A_3789 {strides = array<i32>} : memref<32x128xf32, #tpu.memory_space<vmem>>, vector<16xf32>,
      %mul3A_3793 = arith.constant 5.000000e-02 : f32
      %mul3A_3794 = vector.broadcast %mul3A_3793 : f32 to vector<16xf32>
      %mul3A_3795 = arith.mulf %add3A_3719, %mul3A_3794 : vector<16xf32>
      %swap3A_3796 = arith.index_cast %select_n3A_3786 : i32 to index
      %swap3A_3797 = arith.constant 16 : index
      %swap3A_3798 = tpu.vector_load %arg9[%swap3A_3796, %swap3A_3797] {strides = array<i32>} : memref<32x128xf32, #tpu.memory_space<vmem>>, vector<16xf32>,
      tpu.vector_store %arg9[%swap3A_3796, %swap3A_3797], %mul3A_3795 {strides = array<i32>} : memref<32x128xf32, #tpu.memory_space<vmem>>, vector<16xf32>,
      %mul3A_3799 = arith.constant 5.000000e-02 : f32
      %mul3A_3800 = vector.broadcast %mul3A_3799 : f32 to vector<16xf32>
      %mul3A_3801 = arith.mulf %add3A_3738, %mul3A_3800 : vector<16xf32>
      %swap3A_3802 = arith.index_cast %select_n3A_3786 : i32 to index
      %swap3A_3803 = arith.constant 32 : index
      %swap3A_3804 = tpu.vector_load %arg9[%swap3A_3802, %swap3A_3803] {strides = array<i32>} : memref<32x128xf32, #tpu.memory_space<vmem>>, vector<16xf32>,
      tpu.vector_store %arg9[%swap3A_3802, %swap3A_3803], %mul3A_3801 {strides = array<i32>} : memref<32x128xf32, #tpu.memory_space<vmem>>, vector<16xf32>,
      %mul3A_3805 = arith.constant 5.000000e-02 : f32
      %mul3A_3806 = vector.broadcast %mul3A_3805 : f32 to vector<16xf32>
      %mul3A_3807 = arith.mulf %add3A_3757, %mul3A_3806 : vector<16xf32>
      %swap3A_3808 = arith.index_cast %select_n3A_3786 : i32 to index
      %swap3A_3809 = arith.constant 48 : index
      %swap3A_3810 = tpu.vector_load %arg9[%swap3A_3808, %swap3A_3809] {strides = array<i32>} : memref<32x128xf32, #tpu.memory_space<vmem>>, vector<16xf32>,
      tpu.vector_store %arg9[%swap3A_3808, %swap3A_3809], %mul3A_3807 {strides = array<i32>} : memref<32x128xf32, #tpu.memory_space<vmem>>, vector<16xf32>,
      %jit3A_3811 = arith.constant 20 : i32
      %eq3A_3812 = arith.constant 0 : i32
      %eq3A_3813 = arith.cmpi eq, %jit3A_3811, %eq3A_3812 : i32
      %jit3A_3814 = arith.constant 1 : i32
      %select_n3A_3815 = arith.select %eq3A_3813, %jit3A_3814, %jit3A_3811 : i32
      %rem3A_3816 = arith.remsi %add3A_3621, %select_n3A_3815 : i32
      %ne3A_3817 = arith.constant 0 : i32
      %ne3A_3818 = arith.cmpi ne, %rem3A_3816, %ne3A_3817 : i32
      %lt3A_3819 = arith.constant 0 : i32
      %lt3A_3820 = arith.cmpi slt, %rem3A_3816, %lt3A_3819 : i32
      %lt3A_3821 = arith.constant 0 : i32
      %lt3A_3822 = arith.cmpi slt, %select_n3A_3815, %lt3A_3821 : i32
      %ne3A_3823 = arith.xori %lt3A_3820, %lt3A_3822 : i1
      %and3A_3824 = arith.andi %ne3A_3823, %ne3A_3818 : i1
      %add3A_3825 = arith.addi %rem3A_3816, %select_n3A_3815 : i32
      %select_n3A_3826 = arith.select %and3A_3824, %add3A_3825, %rem3A_3816 : i32
      %eq3A_3827 = arith.constant 19 : i32
      %eq3A_3828 = arith.cmpi eq, %select_n3A_3826, %eq3A_3827 : i32
      %convert_element_type3A_3829 = arith.extui %eq3A_3828 : i1 to i32
      %convert_element_type3A_3830 = arith.sitofp %convert_element_type3A_3829 : i32 to f32
      %sub3A_3831 = arith.constant 1.000000e+00 : f32
      %sub3A_3832 = arith.subf %sub3A_3831, %convert_element_type3A_3830 : f32
      %mul3A_3833 = vector.broadcast %sub3A_3832 : f32 to vector<16xf32>
      %mul3A_3834 = arith.mulf %add3A_3700, %mul3A_3833 : vector<16xf32>
      %mul3A_3835 = vector.broadcast %sub3A_3832 : f32 to vector<16xf32>
      %mul3A_3836 = arith.mulf %add3A_3719, %mul3A_3835 : vector<16xf32>
      %mul3A_3837 = vector.broadcast %sub3A_3832 : f32 to vector<16xf32>
      %mul3A_3838 = arith.mulf %add3A_3738, %mul3A_3837 : vector<16xf32>
      %mul3A_3839 = vector.broadcast %sub3A_3832 : f32 to vector<16xf32>
      %mul3A_3840 = arith.mulf %add3A_3757, %mul3A_3839 : vector<16xf32>
      %mul3A_3841 = arith.constant 16 : i32
      %mul3A_3842 = arith.muli %scan3A_455, %mul3A_3841 : i32
      %add3A_3843 = arith.constant 8 : i32
      %add3A_3844 = arith.addi %mul3A_3842, %add3A_3843 : i32
      %add3A_3845 = arith.constant 5 : i32
      %add3A_3846 = arith.addi %add3A_3844, %add3A_3845 : i32
      %dma_wait3A_3847 = arith.constant 5 : i32
      %dma_wait3A_3848 = arith.constant 0 : i32
      %dma_wait3A_3849 = arith.constant 0 : i32
      %dma_wait3A_3850 = tpu.memref_slice %arg7[%dma_wait3A_3847, %dma_wait3A_3848, %dma_wait3A_3849] : memref<8x64x128xf32, #tpu.memory_space<vmem>> -> memref<1x64x128xf32, #tpu.memory_space<vmem>>
      %dma_wait3A_3851 = tpu.memref_squeeze %dma_wait3A_3850 : memref<1x64x128xf32, #tpu.memory_space<vmem>> -> memref<64x128xf32, #tpu.memory_space<vmem>>
      %dma_wait3A_3852 = arith.constant 0 : i32
      %dma_wait3A_3853 = arith.constant 0 : i32
      %dma_wait3A_3854 = tpu.memref_slice %arg3[%dma_wait3A_3852, %dma_wait3A_3853] : memref<64x1000000xf32, #tpu.memory_space<hbm>> -> memref<64x128xf32, #tpu.memory_space<hbm>>
      %dma_wait3A_3855 = arith.constant 0 : i32
      %dma_wait3A_3856 = arith.constant 0 : i32
      %dma_wait3A_3857 = tpu.memref_slice %arg7[%dma_wait3A_3847, %dma_wait3A_3855, %dma_wait3A_3856] : memref<8x64x128xf32, #tpu.memory_space<vmem>> -> memref<1x64x128xf32, #tpu.memory_space<vmem>>
      %dma_wait3A_3858 = tpu.memref_squeeze %dma_wait3A_3857 : memref<1x64x128xf32, #tpu.memory_space<vmem>> -> memref<64x128xf32, #tpu.memory_space<vmem>>
      %dma_wait3A_3859 = arith.constant 0 : i32
      %dma_wait3A_3860 = arith.constant 0 : i32
      %dma_wait3A_3861 = tpu.memref_slice %arg3[%dma_wait3A_3859, %dma_wait3A_3860] : memref<64x1000000xf32, #tpu.memory_space<hbm>> -> memref<64x128xf32, #tpu.memory_space<hbm>>
      tpu.wait_dma2 semaphore(%arg15 : memref<!tpu.dma_semaphore, #tpu.memory_space<semaphore_mem>>) src(%dma_wait3A_3861 : memref<64x128xf32, #tpu.memory_space<hbm>>) dst(%dma_wait3A_3858 : memref<64x128xf32, #tpu.memory_space<vmem>>)
      %slice3A_3862 = vector.extract_strided_slice %scan3A_460 {offsets = [13], sizes = [1], strides = [1]} : vector<16xi32> to vector<1xi32>
      %squeeze3A_3863 = vector.extract %slice3A_3862[0] : i32 from vector<1xi32>
      %jit3A_3864 = arith.constant 128 : i32
      %div3A_3865 = arith.divsi %squeeze3A_3863, %jit3A_3864 : i32
      %sign3A_3866 = arith.constant 0 : i32
      %sign3A_3867 = arith.cmpi sgt, %squeeze3A_3863, %sign3A_3866 : i32
      %sign3A_3868 = arith.extui %sign3A_3867 : i1 to i32
      %sign3A_3869 = arith.constant 0 : i32
      %sign3A_3870 = arith.cmpi slt, %squeeze3A_3863, %sign3A_3869 : i32
      %sign3A_3871 = arith.extui %sign3A_3870 : i1 to i32
      %sign3A_3872 = arith.subi %sign3A_3868, %sign3A_3871 : i32
      %sign3A_3873 = arith.constant 0 : i32
      %sign3A_3874 = arith.cmpi sgt, %jit3A_3864, %sign3A_3873 : i32
      %sign3A_3875 = arith.extui %sign3A_3874 : i1 to i32
      %sign3A_3876 = arith.constant 0 : i32
      %sign3A_3877 = arith.cmpi slt, %jit3A_3864, %sign3A_3876 : i32
      %sign3A_3878 = arith.extui %sign3A_3877 : i1 to i32
      %sign3A_3879 = arith.subi %sign3A_3875, %sign3A_3878 : i32
      %ne3A_3880 = arith.cmpi ne, %sign3A_3872, %sign3A_3879 : i32
      %rem3A_3881 = arith.remsi %squeeze3A_3863, %jit3A_3864 : i32
      %ne3A_3882 = arith.constant 0 : i32
      %ne3A_3883 = arith.cmpi ne, %rem3A_3881, %ne3A_3882 : i32
      %and3A_3884 = arith.andi %ne3A_3880, %ne3A_3883 : i1
      %sub3A_3885 = arith.constant 1 : i32
      %sub3A_3886 = arith.subi %div3A_3865, %sub3A_3885 : i32
      %select_n3A_3887 = arith.select %and3A_3884, %sub3A_3886, %div3A_3865 : i32
      %min3A_3888 = arith.constant 7810 : i32
      %min3A_3889 = arith.minsi %select_n3A_3887, %min3A_3888 : i32
      %mul3A_3890 = arith.constant 128 : i32
      %mul3A_3891 = arith.muli %min3A_3889, %mul3A_3890 : i32
      %sub3A_3892 = arith.subi %squeeze3A_3863, %mul3A_3891 : i32
      %min3A_3893 = arith.constant 127 : i32
      %min3A_3894 = arith.minsi %sub3A_3892, %min3A_3893 : i32
      %broadcast_in_dim3A_3895 = vector.broadcast %min3A_3894 : i32 to vector<16xi32>
      %sub3A_3896 = arith.constant 999744 : i32
      %sub3A_3897 = arith.subi %squeeze3A_3863, %sub3A_3896 : i32
      %jit3A_3898 = arith.constant 0 : i32
      %jit3A_3899 = arith.constant 255 : i32
      %max3A_3900 = arith.maxsi %jit3A_3898, %sub3A_3897 : i32
      %min3A_3901 = arith.minsi %jit3A_3899, %max3A_3900 : i32
      %broadcast_in_dim3A_3902 = vector.broadcast %min3A_3901 : i32 to vector<16xi32>
      %ge3A_3903 = arith.constant 999808 : i32
      %ge3A_3904 = arith.cmpi sge, %squeeze3A_3863, %ge3A_3903 : i32
      %convert_element_type3A_3905 = arith.extui %ge3A_3904 : i1 to i32
      %convert_element_type3A_3906 = arith.sitofp %convert_element_type3A_3905 : i32 to f32
      %iota3A_3907 = tpu.iota {dimensions = array<i32: 0>} : vector<16xi32>
      %add3A_3908 = arith.constant 0 : i32
      %add3A_3909 = vector.broadcast %add3A_3908 : i32 to vector<16xi32>
      %add3A_3910 = arith.addi %iota3A_3907, %add3A_3909 : vector<16xi32>
      %gather3A_3911 = arith.constant 5 : i32
      %gather3A_3912 = arith.constant 0 : i32
      %gather3A_3913 = arith.constant 0 : i32
      %gather3A_3914 = tpu.memref_slice %arg7[%gather3A_3911, %gather3A_3912, %gather3A_3913] : memref<8x64x128xf32, #tpu.memory_space<vmem>> -> memref<1x64x128xf32, #tpu.memory_space<vmem>>
      %gather3A_3915 = tpu.memref_squeeze %gather3A_3914 : memref<1x64x128xf32, #tpu.memory_space<vmem>> -> memref<64x128xf32, #tpu.memory_space<vmem>>
      %gather3A_3916 = tpu.vector_load_idx %gather3A_3915[%add3A_3910, %broadcast_in_dim3A_3895] : memref<64x128xf32, #tpu.memory_space<vmem>>[vector<16xi32>, vector<16xi32>], vector<16xf32>,
      %gather3A_3917 = tpu.vector_load_idx %arg8[%add3A_3910, %broadcast_in_dim3A_3902] : memref<64x256xf32, #tpu.memory_space<vmem>>[vector<16xi32>, vector<16xi32>], vector<16xf32>,
      %sub3A_3918 = arith.constant 1.000000e+00 : f32
      %sub3A_3919 = arith.subf %sub3A_3918, %convert_element_type3A_3906 : f32
      %mul3A_3920 = vector.broadcast %sub3A_3919 : f32 to vector<16xf32>
      %mul3A_3921 = arith.mulf %gather3A_3916, %mul3A_3920 : vector<16xf32>
      %add3A_3922 = arith.addf %mul3A_3834, %mul3A_3921 : vector<16xf32>
      %mul3A_3923 = vector.broadcast %convert_element_type3A_3906 : f32 to vector<16xf32>
      %mul3A_3924 = arith.mulf %gather3A_3917, %mul3A_3923 : vector<16xf32>
      %add3A_3925 = arith.addf %add3A_3922, %mul3A_3924 : vector<16xf32>
      %iota3A_3926 = tpu.iota {dimensions = array<i32: 0>} : vector<16xi32>
      %add3A_3927 = arith.constant 16 : i32
      %add3A_3928 = vector.broadcast %add3A_3927 : i32 to vector<16xi32>
      %add3A_3929 = arith.addi %iota3A_3926, %add3A_3928 : vector<16xi32>
      %gather3A_3930 = arith.constant 5 : i32
      %gather3A_3931 = arith.constant 0 : i32
      %gather3A_3932 = arith.constant 0 : i32
      %gather3A_3933 = tpu.memref_slice %arg7[%gather3A_3930, %gather3A_3931, %gather3A_3932] : memref<8x64x128xf32, #tpu.memory_space<vmem>> -> memref<1x64x128xf32, #tpu.memory_space<vmem>>
      %gather3A_3934 = tpu.memref_squeeze %gather3A_3933 : memref<1x64x128xf32, #tpu.memory_space<vmem>> -> memref<64x128xf32, #tpu.memory_space<vmem>>
      %gather3A_3935 = tpu.vector_load_idx %gather3A_3934[%add3A_3929, %broadcast_in_dim3A_3895] : memref<64x128xf32, #tpu.memory_space<vmem>>[vector<16xi32>, vector<16xi32>], vector<16xf32>,
      %gather3A_3936 = tpu.vector_load_idx %arg8[%add3A_3929, %broadcast_in_dim3A_3902] : memref<64x256xf32, #tpu.memory_space<vmem>>[vector<16xi32>, vector<16xi32>], vector<16xf32>,
      %sub3A_3937 = arith.constant 1.000000e+00 : f32
      %sub3A_3938 = arith.subf %sub3A_3937, %convert_element_type3A_3906 : f32
      %mul3A_3939 = vector.broadcast %sub3A_3938 : f32 to vector<16xf32>
      %mul3A_3940 = arith.mulf %gather3A_3935, %mul3A_3939 : vector<16xf32>
      %add3A_3941 = arith.addf %mul3A_3836, %mul3A_3940 : vector<16xf32>
      %mul3A_3942 = vector.broadcast %convert_element_type3A_3906 : f32 to vector<16xf32>
      %mul3A_3943 = arith.mulf %gather3A_3936, %mul3A_3942 : vector<16xf32>
      %add3A_3944 = arith.addf %add3A_3941, %mul3A_3943 : vector<16xf32>
      %iota3A_3945 = tpu.iota {dimensions = array<i32: 0>} : vector<16xi32>
      %add3A_3946 = arith.constant 32 : i32
      %add3A_3947 = vector.broadcast %add3A_3946 : i32 to vector<16xi32>
      %add3A_3948 = arith.addi %iota3A_3945, %add3A_3947 : vector<16xi32>
      %gather3A_3949 = arith.constant 5 : i32
      %gather3A_3950 = arith.constant 0 : i32
      %gather3A_3951 = arith.constant 0 : i32
      %gather3A_3952 = tpu.memref_slice %arg7[%gather3A_3949, %gather3A_3950, %gather3A_3951] : memref<8x64x128xf32, #tpu.memory_space<vmem>> -> memref<1x64x128xf32, #tpu.memory_space<vmem>>
      %gather3A_3953 = tpu.memref_squeeze %gather3A_3952 : memref<1x64x128xf32, #tpu.memory_space<vmem>> -> memref<64x128xf32, #tpu.memory_space<vmem>>
      %gather3A_3954 = tpu.vector_load_idx %gather3A_3953[%add3A_3948, %broadcast_in_dim3A_3895] : memref<64x128xf32, #tpu.memory_space<vmem>>[vector<16xi32>, vector<16xi32>], vector<16xf32>,
      %gather3A_3955 = tpu.vector_load_idx %arg8[%add3A_3948, %broadcast_in_dim3A_3902] : memref<64x256xf32, #tpu.memory_space<vmem>>[vector<16xi32>, vector<16xi32>], vector<16xf32>,
      %sub3A_3956 = arith.constant 1.000000e+00 : f32
      %sub3A_3957 = arith.subf %sub3A_3956, %convert_element_type3A_3906 : f32
      %mul3A_3958 = vector.broadcast %sub3A_3957 : f32 to vector<16xf32>
      %mul3A_3959 = arith.mulf %gather3A_3954, %mul3A_3958 : vector<16xf32>
      %add3A_3960 = arith.addf %mul3A_3838, %mul3A_3959 : vector<16xf32>
      %mul3A_3961 = vector.broadcast %convert_element_type3A_3906 : f32 to vector<16xf32>
      %mul3A_3962 = arith.mulf %gather3A_3955, %mul3A_3961 : vector<16xf32>
      %add3A_3963 = arith.addf %add3A_3960, %mul3A_3962 : vector<16xf32>
      %iota3A_3964 = tpu.iota {dimensions = array<i32: 0>} : vector<16xi32>
      %add3A_3965 = arith.constant 48 : i32
      %add3A_3966 = vector.broadcast %add3A_3965 : i32 to vector<16xi32>
      %add3A_3967 = arith.addi %iota3A_3964, %add3A_3966 : vector<16xi32>
      %gather3A_3968 = arith.constant 5 : i32
      %gather3A_3969 = arith.constant 0 : i32
      %gather3A_3970 = arith.constant 0 : i32
      %gather3A_3971 = tpu.memref_slice %arg7[%gather3A_3968, %gather3A_3969, %gather3A_3970] : memref<8x64x128xf32, #tpu.memory_space<vmem>> -> memref<1x64x128xf32, #tpu.memory_space<vmem>>
      %gather3A_3972 = tpu.memref_squeeze %gather3A_3971 : memref<1x64x128xf32, #tpu.memory_space<vmem>> -> memref<64x128xf32, #tpu.memory_space<vmem>>
      %gather3A_3973 = tpu.vector_load_idx %gather3A_3972[%add3A_3967, %broadcast_in_dim3A_3895] : memref<64x128xf32, #tpu.memory_space<vmem>>[vector<16xi32>, vector<16xi32>], vector<16xf32>,
      %gather3A_3974 = tpu.vector_load_idx %arg8[%add3A_3967, %broadcast_in_dim3A_3902] : memref<64x256xf32, #tpu.memory_space<vmem>>[vector<16xi32>, vector<16xi32>], vector<16xf32>,
      %sub3A_3975 = arith.constant 1.000000e+00 : f32
      %sub3A_3976 = arith.subf %sub3A_3975, %convert_element_type3A_3906 : f32
      %mul3A_3977 = vector.broadcast %sub3A_3976 : f32 to vector<16xf32>
      %mul3A_3978 = arith.mulf %gather3A_3973, %mul3A_3977 : vector<16xf32>
      %add3A_3979 = arith.addf %mul3A_3840, %mul3A_3978 : vector<16xf32>
      %mul3A_3980 = vector.broadcast %convert_element_type3A_3906 : f32 to vector<16xf32>
      %mul3A_3981 = arith.mulf %gather3A_3974, %mul3A_3980 : vector<16xf32>
      %add3A_3982 = arith.addf %add3A_3979, %mul3A_3981 : vector<16xf32>
      %lt3A_3983 = arith.constant 39 : i32
      %lt3A_3984 = arith.cmpi slt, %scan3A_455, %lt3A_3983 : i32
      %convert_element_type3A_3985 = arith.extui %lt3A_3984 : i1 to i32
      %cond3A_3986 = arith.constant 0 : i32
      %cond3A_3987 = arith.cmpi ne, %convert_element_type3A_3985, %cond3A_3986 : i32
      scf.if %cond3A_3987 {
        %slice3A_4516 = vector.extract_strided_slice %get3A_507 {offsets = [5], sizes = [1], strides = [1]} : vector<16xi32> to vector<1xi32>
        %squeeze3A_4517 = vector.extract %slice3A_4516[0] : i32 from vector<1xi32>
        %jit3A_4518 = arith.constant 128 : i32
        %div3A_4519 = arith.divsi %squeeze3A_4517, %jit3A_4518 : i32
        %sign3A_4520 = arith.constant 0 : i32
        %sign3A_4521 = arith.cmpi sgt, %squeeze3A_4517, %sign3A_4520 : i32
        %sign3A_4522 = arith.extui %sign3A_4521 : i1 to i32
        %sign3A_4523 = arith.constant 0 : i32
        %sign3A_4524 = arith.cmpi slt, %squeeze3A_4517, %sign3A_4523 : i32
        %sign3A_4525 = arith.extui %sign3A_4524 : i1 to i32
        %sign3A_4526 = arith.subi %sign3A_4522, %sign3A_4525 : i32
        %sign3A_4527 = arith.constant 0 : i32
        %sign3A_4528 = arith.cmpi sgt, %jit3A_4518, %sign3A_4527 : i32
        %sign3A_4529 = arith.extui %sign3A_4528 : i1 to i32
        %sign3A_4530 = arith.constant 0 : i32
        %sign3A_4531 = arith.cmpi slt, %jit3A_4518, %sign3A_4530 : i32
        %sign3A_4532 = arith.extui %sign3A_4531 : i1 to i32
        %sign3A_4533 = arith.subi %sign3A_4529, %sign3A_4532 : i32
        %ne3A_4534 = arith.cmpi ne, %sign3A_4526, %sign3A_4533 : i32
        %rem3A_4535 = arith.remsi %squeeze3A_4517, %jit3A_4518 : i32
        %ne3A_4536 = arith.constant 0 : i32
        %ne3A_4537 = arith.cmpi ne, %rem3A_4535, %ne3A_4536 : i32
        %and3A_4538 = arith.andi %ne3A_4534, %ne3A_4537 : i1
        %sub3A_4539 = arith.constant 1 : i32
        %sub3A_4540 = arith.subi %div3A_4519, %sub3A_4539 : i32
        %select_n3A_4541 = arith.select %and3A_4538, %sub3A_4540, %div3A_4519 : i32
        %min3A_4542 = arith.constant 7810 : i32
        %min3A_4543 = arith.minsi %select_n3A_4541, %min3A_4542 : i32
        %mul3A_4544 = arith.constant 128 : i32
        %mul3A_4545 = arith.muli %min3A_4543, %mul3A_4544 : i32
        %multiple_of3A_4546 = tpu.assume_multiple %mul3A_4545, 128 : i32
        %dma_start3A_4547 = arith.constant 5 : i32
        %dma_start3A_4548 = arith.constant 0 : i32
        %dma_start3A_4549 = arith.constant 0 : i32
        %dma_start3A_4550 = tpu.memref_slice %arg7[%dma_start3A_4547, %dma_start3A_4548, %dma_start3A_4549] : memref<8x64x128xf32, #tpu.memory_space<vmem>> -> memref<1x32x128xf32, #tpu.memory_space<vmem>>
        %dma_start3A_4551 = tpu.memref_squeeze %dma_start3A_4550 : memref<1x32x128xf32, #tpu.memory_space<vmem>> -> memref<32x128xf32, #tpu.memory_space<vmem>>
        %dma_start3A_4552 = arith.constant 0 : i32
        %dma_start3A_4553 = tpu.memref_slice %arg3[%dma_start3A_4552, %multiple_of3A_4546] : memref<64x1000000xf32, #tpu.memory_space<hbm>> -> memref<32x128xf32, #tpu.memory_space<hbm>>
        %dma_start3A_4554 = arith.constant 0 : i32
        %dma_start3A_4555 = arith.constant 0 : i32
        %dma_start3A_4556 = tpu.memref_slice %arg7[%dma_start3A_4547, %dma_start3A_4554, %dma_start3A_4555] : memref<8x64x128xf32, #tpu.memory_space<vmem>> -> memref<1x32x128xf32, #tpu.memory_space<vmem>>
        %dma_start3A_4557 = tpu.memref_squeeze %dma_start3A_4556 : memref<1x32x128xf32, #tpu.memory_space<vmem>> -> memref<32x128xf32, #tpu.memory_space<vmem>>
        %dma_start3A_4558 = arith.constant 0 : i32
        %dma_start3A_4559 = tpu.memref_slice %arg3[%dma_start3A_4558, %multiple_of3A_4546] : memref<64x1000000xf32, #tpu.memory_space<hbm>> -> memref<32x128xf32, #tpu.memory_space<hbm>>
        tpu.enqueue_dma source(%dma_start3A_4559 : memref<32x128xf32, #tpu.memory_space<hbm>>) target(%dma_start3A_4557 : memref<32x128xf32, #tpu.memory_space<vmem>>) target_semaphore(%arg15 : memref<!tpu.dma_semaphore, #tpu.memory_space<semaphore_mem>>)
        %dma_start3A_4560 = arith.constant 5 : i32
        %dma_start3A_4561 = arith.constant 32 : i32
        %dma_start3A_4562 = arith.constant 0 : i32
        %dma_start3A_4563 = tpu.memref_slice %arg7[%dma_start3A_4560, %dma_start3A_4561, %dma_start3A_4562] : memref<8x64x128xf32, #tpu.memory_space<vmem>> -> memref<1x32x128xf32, #tpu.memory_space<vmem>>
        %dma_start3A_4564 = tpu.memref_squeeze %dma_start3A_4563 : memref<1x32x128xf32, #tpu.memory_space<vmem>> -> memref<32x128xf32, #tpu.memory_space<vmem>>
        %dma_start3A_4565 = arith.constant 32 : i32
        %dma_start3A_4566 = tpu.memref_slice %arg3[%dma_start3A_4565, %multiple_of3A_4546] : memref<64x1000000xf32, #tpu.memory_space<hbm>> -> memref<32x128xf32, #tpu.memory_space<hbm>>
        %dma_start3A_4567 = arith.constant 32 : i32
        %dma_start3A_4568 = arith.constant 0 : i32
        %dma_start3A_4569 = tpu.memref_slice %arg7[%dma_start3A_4560, %dma_start3A_4567, %dma_start3A_4568] : memref<8x64x128xf32, #tpu.memory_space<vmem>> -> memref<1x32x128xf32, #tpu.memory_space<vmem>>
        %dma_start3A_4570 = tpu.memref_squeeze %dma_start3A_4569 : memref<1x32x128xf32, #tpu.memory_space<vmem>> -> memref<32x128xf32, #tpu.memory_space<vmem>>
        %dma_start3A_4571 = arith.constant 32 : i32
        %dma_start3A_4572 = tpu.memref_slice %arg3[%dma_start3A_4571, %multiple_of3A_4546] : memref<64x1000000xf32, #tpu.memory_space<hbm>> -> memref<32x128xf32, #tpu.memory_space<hbm>>
        tpu.enqueue_dma source(%dma_start3A_4572 : memref<32x128xf32, #tpu.memory_space<hbm>>) target(%dma_start3A_4570 : memref<32x128xf32, #tpu.memory_space<vmem>>) target_semaphore(%arg15 : memref<!tpu.dma_semaphore, #tpu.memory_space<semaphore_mem>>)
      } else {
      }
      %jit3A_3988 = arith.constant 20 : i32
      %div3A_3989 = arith.divsi %add3A_3846, %jit3A_3988 : i32
      %sign3A_3990 = arith.constant 0 : i32
      %sign3A_3991 = arith.cmpi sgt, %add3A_3846, %sign3A_3990 : i32
      %sign3A_3992 = arith.extui %sign3A_3991 : i1 to i32
      %sign3A_3993 = arith.constant 0 : i32
      %sign3A_3994 = arith.cmpi slt, %add3A_3846, %sign3A_3993 : i32
      %sign3A_3995 = arith.extui %sign3A_3994 : i1 to i32
      %sign3A_3996 = arith.subi %sign3A_3992, %sign3A_3995 : i32
      %sign3A_3997 = arith.constant 0 : i32
      %sign3A_3998 = arith.cmpi sgt, %jit3A_3988, %sign3A_3997 : i32
      %sign3A_3999 = arith.extui %sign3A_3998 : i1 to i32
      %sign3A_4000 = arith.constant 0 : i32
      %sign3A_4001 = arith.cmpi slt, %jit3A_3988, %sign3A_4000 : i32
      %sign3A_4002 = arith.extui %sign3A_4001 : i1 to i32
      %sign3A_4003 = arith.subi %sign3A_3999, %sign3A_4002 : i32
      %ne3A_4004 = arith.cmpi ne, %sign3A_3996, %sign3A_4003 : i32
      %rem3A_4005 = arith.remsi %add3A_3846, %jit3A_3988 : i32
      %ne3A_4006 = arith.constant 0 : i32
      %ne3A_4007 = arith.cmpi ne, %rem3A_4005, %ne3A_4006 : i32
      %and3A_4008 = arith.andi %ne3A_4004, %ne3A_4007 : i1
      %sub3A_4009 = arith.constant 1 : i32
      %sub3A_4010 = arith.subi %div3A_3989, %sub3A_4009 : i32
      %select_n3A_4011 = arith.select %and3A_4008, %sub3A_4010, %div3A_3989 : i32
      %mul3A_4012 = arith.constant 5.000000e-02 : f32
      %mul3A_4013 = vector.broadcast %mul3A_4012 : f32 to vector<16xf32>
      %mul3A_4014 = arith.mulf %add3A_3925, %mul3A_4013 : vector<16xf32>
      %swap3A_4015 = arith.index_cast %select_n3A_4011 : i32 to index
      %swap3A_4016 = arith.constant 0 : index
      %swap3A_4017 = tpu.vector_load %arg9[%swap3A_4015, %swap3A_4016] {strides = array<i32>} : memref<32x128xf32, #tpu.memory_space<vmem>>, vector<16xf32>,
      tpu.vector_store %arg9[%swap3A_4015, %swap3A_4016], %mul3A_4014 {strides = array<i32>} : memref<32x128xf32, #tpu.memory_space<vmem>>, vector<16xf32>,
      %mul3A_4018 = arith.constant 5.000000e-02 : f32
      %mul3A_4019 = vector.broadcast %mul3A_4018 : f32 to vector<16xf32>
      %mul3A_4020 = arith.mulf %add3A_3944, %mul3A_4019 : vector<16xf32>
      %swap3A_4021 = arith.index_cast %select_n3A_4011 : i32 to index
      %swap3A_4022 = arith.constant 16 : index
      %swap3A_4023 = tpu.vector_load %arg9[%swap3A_4021, %swap3A_4022] {strides = array<i32>} : memref<32x128xf32, #tpu.memory_space<vmem>>, vector<16xf32>,
      tpu.vector_store %arg9[%swap3A_4021, %swap3A_4022], %mul3A_4020 {strides = array<i32>} : memref<32x128xf32, #tpu.memory_space<vmem>>, vector<16xf32>,
      %mul3A_4024 = arith.constant 5.000000e-02 : f32
      %mul3A_4025 = vector.broadcast %mul3A_4024 : f32 to vector<16xf32>
      %mul3A_4026 = arith.mulf %add3A_3963, %mul3A_4025 : vector<16xf32>
      %swap3A_4027 = arith.index_cast %select_n3A_4011 : i32 to index
      %swap3A_4028 = arith.constant 32 : index
      %swap3A_4029 = tpu.vector_load %arg9[%swap3A_4027, %swap3A_4028] {strides = array<i32>} : memref<32x128xf32, #tpu.memory_space<vmem>>, vector<16xf32>,
      tpu.vector_store %arg9[%swap3A_4027, %swap3A_4028], %mul3A_4026 {strides = array<i32>} : memref<32x128xf32, #tpu.memory_space<vmem>>, vector<16xf32>,
      %mul3A_4030 = arith.constant 5.000000e-02 : f32
      %mul3A_4031 = vector.broadcast %mul3A_4030 : f32 to vector<16xf32>
      %mul3A_4032 = arith.mulf %add3A_3982, %mul3A_4031 : vector<16xf32>
      %swap3A_4033 = arith.index_cast %select_n3A_4011 : i32 to index
      %swap3A_4034 = arith.constant 48 : index
      %swap3A_4035 = tpu.vector_load %arg9[%swap3A_4033, %swap3A_4034] {strides = array<i32>} : memref<32x128xf32, #tpu.memory_space<vmem>>, vector<16xf32>,
      tpu.vector_store %arg9[%swap3A_4033, %swap3A_4034], %mul3A_4032 {strides = array<i32>} : memref<32x128xf32, #tpu.memory_space<vmem>>, vector<16xf32>,
      %jit3A_4036 = arith.constant 20 : i32
      %eq3A_4037 = arith.constant 0 : i32
      %eq3A_4038 = arith.cmpi eq, %jit3A_4036, %eq3A_4037 : i32
      %jit3A_4039 = arith.constant 1 : i32
      %select_n3A_4040 = arith.select %eq3A_4038, %jit3A_4039, %jit3A_4036 : i32
      %rem3A_4041 = arith.remsi %add3A_3846, %select_n3A_4040 : i32
      %ne3A_4042 = arith.constant 0 : i32
      %ne3A_4043 = arith.cmpi ne, %rem3A_4041, %ne3A_4042 : i32
      %lt3A_4044 = arith.constant 0 : i32
      %lt3A_4045 = arith.cmpi slt, %rem3A_4041, %lt3A_4044 : i32
      %lt3A_4046 = arith.constant 0 : i32
      %lt3A_4047 = arith.cmpi slt, %select_n3A_4040, %lt3A_4046 : i32
      %ne3A_4048 = arith.xori %lt3A_4045, %lt3A_4047 : i1
      %and3A_4049 = arith.andi %ne3A_4048, %ne3A_4043 : i1
      %add3A_4050 = arith.addi %rem3A_4041, %select_n3A_4040 : i32
      %select_n3A_4051 = arith.select %and3A_4049, %add3A_4050, %rem3A_4041 : i32
      %eq3A_4052 = arith.constant 19 : i32
      %eq3A_4053 = arith.cmpi eq, %select_n3A_4051, %eq3A_4052 : i32
      %convert_element_type3A_4054 = arith.extui %eq3A_4053 : i1 to i32
      %convert_element_type3A_4055 = arith.sitofp %convert_element_type3A_4054 : i32 to f32
      %sub3A_4056 = arith.constant 1.000000e+00 : f32
      %sub3A_4057 = arith.subf %sub3A_4056, %convert_element_type3A_4055 : f32
      %mul3A_4058 = vector.broadcast %sub3A_4057 : f32 to vector<16xf32>
      %mul3A_4059 = arith.mulf %add3A_3925, %mul3A_4058 : vector<16xf32>
      %mul3A_4060 = vector.broadcast %sub3A_4057 : f32 to vector<16xf32>
      %mul3A_4061 = arith.mulf %add3A_3944, %mul3A_4060 : vector<16xf32>
      %mul3A_4062 = vector.broadcast %sub3A_4057 : f32 to vector<16xf32>
      %mul3A_4063 = arith.mulf %add3A_3963, %mul3A_4062 : vector<16xf32>
      %mul3A_4064 = vector.broadcast %sub3A_4057 : f32 to vector<16xf32>
      %mul3A_4065 = arith.mulf %add3A_3982, %mul3A_4064 : vector<16xf32>
      %mul3A_4066 = arith.constant 16 : i32
      %mul3A_4067 = arith.muli %scan3A_455, %mul3A_4066 : i32
      %add3A_4068 = arith.constant 8 : i32
      %add3A_4069 = arith.addi %mul3A_4067, %add3A_4068 : i32
      %add3A_4070 = arith.constant 6 : i32
      %add3A_4071 = arith.addi %add3A_4069, %add3A_4070 : i32
      %dma_wait3A_4072 = arith.constant 6 : i32
      %dma_wait3A_4073 = arith.constant 0 : i32
      %dma_wait3A_4074 = arith.constant 0 : i32
      %dma_wait3A_4075 = tpu.memref_slice %arg7[%dma_wait3A_4072, %dma_wait3A_4073, %dma_wait3A_4074] : memref<8x64x128xf32, #tpu.memory_space<vmem>> -> memref<1x64x128xf32, #tpu.memory_space<vmem>>
      %dma_wait3A_4076 = tpu.memref_squeeze %dma_wait3A_4075 : memref<1x64x128xf32, #tpu.memory_space<vmem>> -> memref<64x128xf32, #tpu.memory_space<vmem>>
      %dma_wait3A_4077 = arith.constant 0 : i32
      %dma_wait3A_4078 = arith.constant 0 : i32
      %dma_wait3A_4079 = tpu.memref_slice %arg3[%dma_wait3A_4077, %dma_wait3A_4078] : memref<64x1000000xf32, #tpu.memory_space<hbm>> -> memref<64x128xf32, #tpu.memory_space<hbm>>
      %dma_wait3A_4080 = arith.constant 0 : i32
      %dma_wait3A_4081 = arith.constant 0 : i32
      %dma_wait3A_4082 = tpu.memref_slice %arg7[%dma_wait3A_4072, %dma_wait3A_4080, %dma_wait3A_4081] : memref<8x64x128xf32, #tpu.memory_space<vmem>> -> memref<1x64x128xf32, #tpu.memory_space<vmem>>
      %dma_wait3A_4083 = tpu.memref_squeeze %dma_wait3A_4082 : memref<1x64x128xf32, #tpu.memory_space<vmem>> -> memref<64x128xf32, #tpu.memory_space<vmem>>
      %dma_wait3A_4084 = arith.constant 0 : i32
      %dma_wait3A_4085 = arith.constant 0 : i32
      %dma_wait3A_4086 = tpu.memref_slice %arg3[%dma_wait3A_4084, %dma_wait3A_4085] : memref<64x1000000xf32, #tpu.memory_space<hbm>> -> memref<64x128xf32, #tpu.memory_space<hbm>>
      tpu.wait_dma2 semaphore(%arg16 : memref<!tpu.dma_semaphore, #tpu.memory_space<semaphore_mem>>) src(%dma_wait3A_4086 : memref<64x128xf32, #tpu.memory_space<hbm>>) dst(%dma_wait3A_4083 : memref<64x128xf32, #tpu.memory_space<vmem>>)
      %slice3A_4087 = vector.extract_strided_slice %scan3A_460 {offsets = [14], sizes = [1], strides = [1]} : vector<16xi32> to vector<1xi32>
      %squeeze3A_4088 = vector.extract %slice3A_4087[0] : i32 from vector<1xi32>
      %jit3A_4089 = arith.constant 128 : i32
      %div3A_4090 = arith.divsi %squeeze3A_4088, %jit3A_4089 : i32
      %sign3A_4091 = arith.constant 0 : i32
      %sign3A_4092 = arith.cmpi sgt, %squeeze3A_4088, %sign3A_4091 : i32
      %sign3A_4093 = arith.extui %sign3A_4092 : i1 to i32
      %sign3A_4094 = arith.constant 0 : i32
      %sign3A_4095 = arith.cmpi slt, %squeeze3A_4088, %sign3A_4094 : i32
      %sign3A_4096 = arith.extui %sign3A_4095 : i1 to i32
      %sign3A_4097 = arith.subi %sign3A_4093, %sign3A_4096 : i32
      %sign3A_4098 = arith.constant 0 : i32
      %sign3A_4099 = arith.cmpi sgt, %jit3A_4089, %sign3A_4098 : i32
      %sign3A_4100 = arith.extui %sign3A_4099 : i1 to i32
      %sign3A_4101 = arith.constant 0 : i32
      %sign3A_4102 = arith.cmpi slt, %jit3A_4089, %sign3A_4101 : i32
      %sign3A_4103 = arith.extui %sign3A_4102 : i1 to i32
      %sign3A_4104 = arith.subi %sign3A_4100, %sign3A_4103 : i32
      %ne3A_4105 = arith.cmpi ne, %sign3A_4097, %sign3A_4104 : i32
      %rem3A_4106 = arith.remsi %squeeze3A_4088, %jit3A_4089 : i32
      %ne3A_4107 = arith.constant 0 : i32
      %ne3A_4108 = arith.cmpi ne, %rem3A_4106, %ne3A_4107 : i32
      %and3A_4109 = arith.andi %ne3A_4105, %ne3A_4108 : i1
      %sub3A_4110 = arith.constant 1 : i32
      %sub3A_4111 = arith.subi %div3A_4090, %sub3A_4110 : i32
      %select_n3A_4112 = arith.select %and3A_4109, %sub3A_4111, %div3A_4090 : i32
      %min3A_4113 = arith.constant 7810 : i32
      %min3A_4114 = arith.minsi %select_n3A_4112, %min3A_4113 : i32
      %mul3A_4115 = arith.constant 128 : i32
      %mul3A_4116 = arith.muli %min3A_4114, %mul3A_4115 : i32
      %sub3A_4117 = arith.subi %squeeze3A_4088, %mul3A_4116 : i32
      %min3A_4118 = arith.constant 127 : i32
      %min3A_4119 = arith.minsi %sub3A_4117, %min3A_4118 : i32
      %broadcast_in_dim3A_4120 = vector.broadcast %min3A_4119 : i32 to vector<16xi32>
      %sub3A_4121 = arith.constant 999744 : i32
      %sub3A_4122 = arith.subi %squeeze3A_4088, %sub3A_4121 : i32
      %jit3A_4123 = arith.constant 0 : i32
      %jit3A_4124 = arith.constant 255 : i32
      %max3A_4125 = arith.maxsi %jit3A_4123, %sub3A_4122 : i32
      %min3A_4126 = arith.minsi %jit3A_4124, %max3A_4125 : i32
      %broadcast_in_dim3A_4127 = vector.broadcast %min3A_4126 : i32 to vector<16xi32>
      %ge3A_4128 = arith.constant 999808 : i32
      %ge3A_4129 = arith.cmpi sge, %squeeze3A_4088, %ge3A_4128 : i32
      %convert_element_type3A_4130 = arith.extui %ge3A_4129 : i1 to i32
      %convert_element_type3A_4131 = arith.sitofp %convert_element_type3A_4130 : i32 to f32
      %iota3A_4132 = tpu.iota {dimensions = array<i32: 0>} : vector<16xi32>
      %add3A_4133 = arith.constant 0 : i32
      %add3A_4134 = vector.broadcast %add3A_4133 : i32 to vector<16xi32>
      %add3A_4135 = arith.addi %iota3A_4132, %add3A_4134 : vector<16xi32>
      %gather3A_4136 = arith.constant 6 : i32
      %gather3A_4137 = arith.constant 0 : i32
      %gather3A_4138 = arith.constant 0 : i32
      %gather3A_4139 = tpu.memref_slice %arg7[%gather3A_4136, %gather3A_4137, %gather3A_4138] : memref<8x64x128xf32, #tpu.memory_space<vmem>> -> memref<1x64x128xf32, #tpu.memory_space<vmem>>
      %gather3A_4140 = tpu.memref_squeeze %gather3A_4139 : memref<1x64x128xf32, #tpu.memory_space<vmem>> -> memref<64x128xf32, #tpu.memory_space<vmem>>
      %gather3A_4141 = tpu.vector_load_idx %gather3A_4140[%add3A_4135, %broadcast_in_dim3A_4120] : memref<64x128xf32, #tpu.memory_space<vmem>>[vector<16xi32>, vector<16xi32>], vector<16xf32>,
      %gather3A_4142 = tpu.vector_load_idx %arg8[%add3A_4135, %broadcast_in_dim3A_4127] : memref<64x256xf32, #tpu.memory_space<vmem>>[vector<16xi32>, vector<16xi32>], vector<16xf32>,
      %sub3A_4143 = arith.constant 1.000000e+00 : f32
      %sub3A_4144 = arith.subf %sub3A_4143, %convert_element_type3A_4131 : f32
      %mul3A_4145 = vector.broadcast %sub3A_4144 : f32 to vector<16xf32>
      %mul3A_4146 = arith.mulf %gather3A_4141, %mul3A_4145 : vector<16xf32>
      %add3A_4147 = arith.addf %mul3A_4059, %mul3A_4146 : vector<16xf32>
      %mul3A_4148 = vector.broadcast %convert_element_type3A_4131 : f32 to vector<16xf32>
      %mul3A_4149 = arith.mulf %gather3A_4142, %mul3A_4148 : vector<16xf32>
      %add3A_4150 = arith.addf %add3A_4147, %mul3A_4149 : vector<16xf32>
      %iota3A_4151 = tpu.iota {dimensions = array<i32: 0>} : vector<16xi32>
      %add3A_4152 = arith.constant 16 : i32
      %add3A_4153 = vector.broadcast %add3A_4152 : i32 to vector<16xi32>
      %add3A_4154 = arith.addi %iota3A_4151, %add3A_4153 : vector<16xi32>
      %gather3A_4155 = arith.constant 6 : i32
      %gather3A_4156 = arith.constant 0 : i32
      %gather3A_4157 = arith.constant 0 : i32
      %gather3A_4158 = tpu.memref_slice %arg7[%gather3A_4155, %gather3A_4156, %gather3A_4157] : memref<8x64x128xf32, #tpu.memory_space<vmem>> -> memref<1x64x128xf32, #tpu.memory_space<vmem>>
      %gather3A_4159 = tpu.memref_squeeze %gather3A_4158 : memref<1x64x128xf32, #tpu.memory_space<vmem>> -> memref<64x128xf32, #tpu.memory_space<vmem>>
      %gather3A_4160 = tpu.vector_load_idx %gather3A_4159[%add3A_4154, %broadcast_in_dim3A_4120] : memref<64x128xf32, #tpu.memory_space<vmem>>[vector<16xi32>, vector<16xi32>], vector<16xf32>,
      %gather3A_4161 = tpu.vector_load_idx %arg8[%add3A_4154, %broadcast_in_dim3A_4127] : memref<64x256xf32, #tpu.memory_space<vmem>>[vector<16xi32>, vector<16xi32>], vector<16xf32>,
      %sub3A_4162 = arith.constant 1.000000e+00 : f32
      %sub3A_4163 = arith.subf %sub3A_4162, %convert_element_type3A_4131 : f32
      %mul3A_4164 = vector.broadcast %sub3A_4163 : f32 to vector<16xf32>
      %mul3A_4165 = arith.mulf %gather3A_4160, %mul3A_4164 : vector<16xf32>
      %add3A_4166 = arith.addf %mul3A_4061, %mul3A_4165 : vector<16xf32>
      %mul3A_4167 = vector.broadcast %convert_element_type3A_4131 : f32 to vector<16xf32>
      %mul3A_4168 = arith.mulf %gather3A_4161, %mul3A_4167 : vector<16xf32>
      %add3A_4169 = arith.addf %add3A_4166, %mul3A_4168 : vector<16xf32>
      %iota3A_4170 = tpu.iota {dimensions = array<i32: 0>} : vector<16xi32>
      %add3A_4171 = arith.constant 32 : i32
      %add3A_4172 = vector.broadcast %add3A_4171 : i32 to vector<16xi32>
      %add3A_4173 = arith.addi %iota3A_4170, %add3A_4172 : vector<16xi32>
      %gather3A_4174 = arith.constant 6 : i32
      %gather3A_4175 = arith.constant 0 : i32
      %gather3A_4176 = arith.constant 0 : i32
      %gather3A_4177 = tpu.memref_slice %arg7[%gather3A_4174, %gather3A_4175, %gather3A_4176] : memref<8x64x128xf32, #tpu.memory_space<vmem>> -> memref<1x64x128xf32, #tpu.memory_space<vmem>>
      %gather3A_4178 = tpu.memref_squeeze %gather3A_4177 : memref<1x64x128xf32, #tpu.memory_space<vmem>> -> memref<64x128xf32, #tpu.memory_space<vmem>>
      %gather3A_4179 = tpu.vector_load_idx %gather3A_4178[%add3A_4173, %broadcast_in_dim3A_4120] : memref<64x128xf32, #tpu.memory_space<vmem>>[vector<16xi32>, vector<16xi32>], vector<16xf32>,
      %gather3A_4180 = tpu.vector_load_idx %arg8[%add3A_4173, %broadcast_in_dim3A_4127] : memref<64x256xf32, #tpu.memory_space<vmem>>[vector<16xi32>, vector<16xi32>], vector<16xf32>,
      %sub3A_4181 = arith.constant 1.000000e+00 : f32
      %sub3A_4182 = arith.subf %sub3A_4181, %convert_element_type3A_4131 : f32
      %mul3A_4183 = vector.broadcast %sub3A_4182 : f32 to vector<16xf32>
      %mul3A_4184 = arith.mulf %gather3A_4179, %mul3A_4183 : vector<16xf32>
      %add3A_4185 = arith.addf %mul3A_4063, %mul3A_4184 : vector<16xf32>
      %mul3A_4186 = vector.broadcast %convert_element_type3A_4131 : f32 to vector<16xf32>
      %mul3A_4187 = arith.mulf %gather3A_4180, %mul3A_4186 : vector<16xf32>
      %add3A_4188 = arith.addf %add3A_4185, %mul3A_4187 : vector<16xf32>
      %iota3A_4189 = tpu.iota {dimensions = array<i32: 0>} : vector<16xi32>
      %add3A_4190 = arith.constant 48 : i32
      %add3A_4191 = vector.broadcast %add3A_4190 : i32 to vector<16xi32>
      %add3A_4192 = arith.addi %iota3A_4189, %add3A_4191 : vector<16xi32>
      %gather3A_4193 = arith.constant 6 : i32
      %gather3A_4194 = arith.constant 0 : i32
      %gather3A_4195 = arith.constant 0 : i32
      %gather3A_4196 = tpu.memref_slice %arg7[%gather3A_4193, %gather3A_4194, %gather3A_4195] : memref<8x64x128xf32, #tpu.memory_space<vmem>> -> memref<1x64x128xf32, #tpu.memory_space<vmem>>
      %gather3A_4197 = tpu.memref_squeeze %gather3A_4196 : memref<1x64x128xf32, #tpu.memory_space<vmem>> -> memref<64x128xf32, #tpu.memory_space<vmem>>
      %gather3A_4198 = tpu.vector_load_idx %gather3A_4197[%add3A_4192, %broadcast_in_dim3A_4120] : memref<64x128xf32, #tpu.memory_space<vmem>>[vector<16xi32>, vector<16xi32>], vector<16xf32>,
      %gather3A_4199 = tpu.vector_load_idx %arg8[%add3A_4192, %broadcast_in_dim3A_4127] : memref<64x256xf32, #tpu.memory_space<vmem>>[vector<16xi32>, vector<16xi32>], vector<16xf32>,
      %sub3A_4200 = arith.constant 1.000000e+00 : f32
      %sub3A_4201 = arith.subf %sub3A_4200, %convert_element_type3A_4131 : f32
      %mul3A_4202 = vector.broadcast %sub3A_4201 : f32 to vector<16xf32>
      %mul3A_4203 = arith.mulf %gather3A_4198, %mul3A_4202 : vector<16xf32>
      %add3A_4204 = arith.addf %mul3A_4065, %mul3A_4203 : vector<16xf32>
      %mul3A_4205 = vector.broadcast %convert_element_type3A_4131 : f32 to vector<16xf32>
      %mul3A_4206 = arith.mulf %gather3A_4199, %mul3A_4205 : vector<16xf32>
      %add3A_4207 = arith.addf %add3A_4204, %mul3A_4206 : vector<16xf32>
      %lt3A_4208 = arith.constant 39 : i32
      %lt3A_4209 = arith.cmpi slt, %scan3A_455, %lt3A_4208 : i32
      %convert_element_type3A_4210 = arith.extui %lt3A_4209 : i1 to i32
      %cond3A_4211 = arith.constant 0 : i32
      %cond3A_4212 = arith.cmpi ne, %convert_element_type3A_4210, %cond3A_4211 : i32
      scf.if %cond3A_4212 {
        %slice3A_4516 = vector.extract_strided_slice %get3A_507 {offsets = [6], sizes = [1], strides = [1]} : vector<16xi32> to vector<1xi32>
        %squeeze3A_4517 = vector.extract %slice3A_4516[0] : i32 from vector<1xi32>
        %jit3A_4518 = arith.constant 128 : i32
        %div3A_4519 = arith.divsi %squeeze3A_4517, %jit3A_4518 : i32
        %sign3A_4520 = arith.constant 0 : i32
        %sign3A_4521 = arith.cmpi sgt, %squeeze3A_4517, %sign3A_4520 : i32
        %sign3A_4522 = arith.extui %sign3A_4521 : i1 to i32
        %sign3A_4523 = arith.constant 0 : i32
        %sign3A_4524 = arith.cmpi slt, %squeeze3A_4517, %sign3A_4523 : i32
        %sign3A_4525 = arith.extui %sign3A_4524 : i1 to i32
        %sign3A_4526 = arith.subi %sign3A_4522, %sign3A_4525 : i32
        %sign3A_4527 = arith.constant 0 : i32
        %sign3A_4528 = arith.cmpi sgt, %jit3A_4518, %sign3A_4527 : i32
        %sign3A_4529 = arith.extui %sign3A_4528 : i1 to i32
        %sign3A_4530 = arith.constant 0 : i32
        %sign3A_4531 = arith.cmpi slt, %jit3A_4518, %sign3A_4530 : i32
        %sign3A_4532 = arith.extui %sign3A_4531 : i1 to i32
        %sign3A_4533 = arith.subi %sign3A_4529, %sign3A_4532 : i32
        %ne3A_4534 = arith.cmpi ne, %sign3A_4526, %sign3A_4533 : i32
        %rem3A_4535 = arith.remsi %squeeze3A_4517, %jit3A_4518 : i32
        %ne3A_4536 = arith.constant 0 : i32
        %ne3A_4537 = arith.cmpi ne, %rem3A_4535, %ne3A_4536 : i32
        %and3A_4538 = arith.andi %ne3A_4534, %ne3A_4537 : i1
        %sub3A_4539 = arith.constant 1 : i32
        %sub3A_4540 = arith.subi %div3A_4519, %sub3A_4539 : i32
        %select_n3A_4541 = arith.select %and3A_4538, %sub3A_4540, %div3A_4519 : i32
        %min3A_4542 = arith.constant 7810 : i32
        %min3A_4543 = arith.minsi %select_n3A_4541, %min3A_4542 : i32
        %mul3A_4544 = arith.constant 128 : i32
        %mul3A_4545 = arith.muli %min3A_4543, %mul3A_4544 : i32
        %multiple_of3A_4546 = tpu.assume_multiple %mul3A_4545, 128 : i32
        %dma_start3A_4547 = arith.constant 6 : i32
        %dma_start3A_4548 = arith.constant 0 : i32
        %dma_start3A_4549 = arith.constant 0 : i32
        %dma_start3A_4550 = tpu.memref_slice %arg7[%dma_start3A_4547, %dma_start3A_4548, %dma_start3A_4549] : memref<8x64x128xf32, #tpu.memory_space<vmem>> -> memref<1x32x128xf32, #tpu.memory_space<vmem>>
        %dma_start3A_4551 = tpu.memref_squeeze %dma_start3A_4550 : memref<1x32x128xf32, #tpu.memory_space<vmem>> -> memref<32x128xf32, #tpu.memory_space<vmem>>
        %dma_start3A_4552 = arith.constant 0 : i32
        %dma_start3A_4553 = tpu.memref_slice %arg3[%dma_start3A_4552, %multiple_of3A_4546] : memref<64x1000000xf32, #tpu.memory_space<hbm>> -> memref<32x128xf32, #tpu.memory_space<hbm>>
        %dma_start3A_4554 = arith.constant 0 : i32
        %dma_start3A_4555 = arith.constant 0 : i32
        %dma_start3A_4556 = tpu.memref_slice %arg7[%dma_start3A_4547, %dma_start3A_4554, %dma_start3A_4555] : memref<8x64x128xf32, #tpu.memory_space<vmem>> -> memref<1x32x128xf32, #tpu.memory_space<vmem>>
        %dma_start3A_4557 = tpu.memref_squeeze %dma_start3A_4556 : memref<1x32x128xf32, #tpu.memory_space<vmem>> -> memref<32x128xf32, #tpu.memory_space<vmem>>
        %dma_start3A_4558 = arith.constant 0 : i32
        %dma_start3A_4559 = tpu.memref_slice %arg3[%dma_start3A_4558, %multiple_of3A_4546] : memref<64x1000000xf32, #tpu.memory_space<hbm>> -> memref<32x128xf32, #tpu.memory_space<hbm>>
        tpu.enqueue_dma source(%dma_start3A_4559 : memref<32x128xf32, #tpu.memory_space<hbm>>) target(%dma_start3A_4557 : memref<32x128xf32, #tpu.memory_space<vmem>>) target_semaphore(%arg16 : memref<!tpu.dma_semaphore, #tpu.memory_space<semaphore_mem>>)
        %dma_start3A_4560 = arith.constant 6 : i32
        %dma_start3A_4561 = arith.constant 32 : i32
        %dma_start3A_4562 = arith.constant 0 : i32
        %dma_start3A_4563 = tpu.memref_slice %arg7[%dma_start3A_4560, %dma_start3A_4561, %dma_start3A_4562] : memref<8x64x128xf32, #tpu.memory_space<vmem>> -> memref<1x32x128xf32, #tpu.memory_space<vmem>>
        %dma_start3A_4564 = tpu.memref_squeeze %dma_start3A_4563 : memref<1x32x128xf32, #tpu.memory_space<vmem>> -> memref<32x128xf32, #tpu.memory_space<vmem>>
        %dma_start3A_4565 = arith.constant 32 : i32
        %dma_start3A_4566 = tpu.memref_slice %arg3[%dma_start3A_4565, %multiple_of3A_4546] : memref<64x1000000xf32, #tpu.memory_space<hbm>> -> memref<32x128xf32, #tpu.memory_space<hbm>>
        %dma_start3A_4567 = arith.constant 32 : i32
        %dma_start3A_4568 = arith.constant 0 : i32
        %dma_start3A_4569 = tpu.memref_slice %arg7[%dma_start3A_4560, %dma_start3A_4567, %dma_start3A_4568] : memref<8x64x128xf32, #tpu.memory_space<vmem>> -> memref<1x32x128xf32, #tpu.memory_space<vmem>>
        %dma_start3A_4570 = tpu.memref_squeeze %dma_start3A_4569 : memref<1x32x128xf32, #tpu.memory_space<vmem>> -> memref<32x128xf32, #tpu.memory_space<vmem>>
        %dma_start3A_4571 = arith.constant 32 : i32
        %dma_start3A_4572 = tpu.memref_slice %arg3[%dma_start3A_4571, %multiple_of3A_4546] : memref<64x1000000xf32, #tpu.memory_space<hbm>> -> memref<32x128xf32, #tpu.memory_space<hbm>>
        tpu.enqueue_dma source(%dma_start3A_4572 : memref<32x128xf32, #tpu.memory_space<hbm>>) target(%dma_start3A_4570 : memref<32x128xf32, #tpu.memory_space<vmem>>) target_semaphore(%arg16 : memref<!tpu.dma_semaphore, #tpu.memory_space<semaphore_mem>>)
      } else {
      }
      %jit3A_4213 = arith.constant 20 : i32
      %div3A_4214 = arith.divsi %add3A_4071, %jit3A_4213 : i32
      %sign3A_4215 = arith.constant 0 : i32
      %sign3A_4216 = arith.cmpi sgt, %add3A_4071, %sign3A_4215 : i32
      %sign3A_4217 = arith.extui %sign3A_4216 : i1 to i32
      %sign3A_4218 = arith.constant 0 : i32
      %sign3A_4219 = arith.cmpi slt, %add3A_4071, %sign3A_4218 : i32
      %sign3A_4220 = arith.extui %sign3A_4219 : i1 to i32
      %sign3A_4221 = arith.subi %sign3A_4217, %sign3A_4220 : i32
      %sign3A_4222 = arith.constant 0 : i32
      %sign3A_4223 = arith.cmpi sgt, %jit3A_4213, %sign3A_4222 : i32
      %sign3A_4224 = arith.extui %sign3A_4223 : i1 to i32
      %sign3A_4225 = arith.constant 0 : i32
      %sign3A_4226 = arith.cmpi slt, %jit3A_4213, %sign3A_4225 : i32
      %sign3A_4227 = arith.extui %sign3A_4226 : i1 to i32
      %sign3A_4228 = arith.subi %sign3A_4224, %sign3A_4227 : i32
      %ne3A_4229 = arith.cmpi ne, %sign3A_4221, %sign3A_4228 : i32
      %rem3A_4230 = arith.remsi %add3A_4071, %jit3A_4213 : i32
      %ne3A_4231 = arith.constant 0 : i32
      %ne3A_4232 = arith.cmpi ne, %rem3A_4230, %ne3A_4231 : i32
      %and3A_4233 = arith.andi %ne3A_4229, %ne3A_4232 : i1
      %sub3A_4234 = arith.constant 1 : i32
      %sub3A_4235 = arith.subi %div3A_4214, %sub3A_4234 : i32
      %select_n3A_4236 = arith.select %and3A_4233, %sub3A_4235, %div3A_4214 : i32
      %mul3A_4237 = arith.constant 5.000000e-02 : f32
      %mul3A_4238 = vector.broadcast %mul3A_4237 : f32 to vector<16xf32>
      %mul3A_4239 = arith.mulf %add3A_4150, %mul3A_4238 : vector<16xf32>
      %swap3A_4240 = arith.index_cast %select_n3A_4236 : i32 to index
      %swap3A_4241 = arith.constant 0 : index
      %swap3A_4242 = tpu.vector_load %arg9[%swap3A_4240, %swap3A_4241] {strides = array<i32>} : memref<32x128xf32, #tpu.memory_space<vmem>>, vector<16xf32>,
      tpu.vector_store %arg9[%swap3A_4240, %swap3A_4241], %mul3A_4239 {strides = array<i32>} : memref<32x128xf32, #tpu.memory_space<vmem>>, vector<16xf32>,
      %mul3A_4243 = arith.constant 5.000000e-02 : f32
      %mul3A_4244 = vector.broadcast %mul3A_4243 : f32 to vector<16xf32>
      %mul3A_4245 = arith.mulf %add3A_4169, %mul3A_4244 : vector<16xf32>
      %swap3A_4246 = arith.index_cast %select_n3A_4236 : i32 to index
      %swap3A_4247 = arith.constant 16 : index
      %swap3A_4248 = tpu.vector_load %arg9[%swap3A_4246, %swap3A_4247] {strides = array<i32>} : memref<32x128xf32, #tpu.memory_space<vmem>>, vector<16xf32>,
      tpu.vector_store %arg9[%swap3A_4246, %swap3A_4247], %mul3A_4245 {strides = array<i32>} : memref<32x128xf32, #tpu.memory_space<vmem>>, vector<16xf32>,
      %mul3A_4249 = arith.constant 5.000000e-02 : f32
      %mul3A_4250 = vector.broadcast %mul3A_4249 : f32 to vector<16xf32>
      %mul3A_4251 = arith.mulf %add3A_4188, %mul3A_4250 : vector<16xf32>
      %swap3A_4252 = arith.index_cast %select_n3A_4236 : i32 to index
      %swap3A_4253 = arith.constant 32 : index
      %swap3A_4254 = tpu.vector_load %arg9[%swap3A_4252, %swap3A_4253] {strides = array<i32>} : memref<32x128xf32, #tpu.memory_space<vmem>>, vector<16xf32>,
      tpu.vector_store %arg9[%swap3A_4252, %swap3A_4253], %mul3A_4251 {strides = array<i32>} : memref<32x128xf32, #tpu.memory_space<vmem>>, vector<16xf32>,
      %mul3A_4255 = arith.constant 5.000000e-02 : f32
      %mul3A_4256 = vector.broadcast %mul3A_4255 : f32 to vector<16xf32>
      %mul3A_4257 = arith.mulf %add3A_4207, %mul3A_4256 : vector<16xf32>
      %swap3A_4258 = arith.index_cast %select_n3A_4236 : i32 to index
      %swap3A_4259 = arith.constant 48 : index
      %swap3A_4260 = tpu.vector_load %arg9[%swap3A_4258, %swap3A_4259] {strides = array<i32>} : memref<32x128xf32, #tpu.memory_space<vmem>>, vector<16xf32>,
      tpu.vector_store %arg9[%swap3A_4258, %swap3A_4259], %mul3A_4257 {strides = array<i32>} : memref<32x128xf32, #tpu.memory_space<vmem>>, vector<16xf32>,
      %jit3A_4261 = arith.constant 20 : i32
      %eq3A_4262 = arith.constant 0 : i32
      %eq3A_4263 = arith.cmpi eq, %jit3A_4261, %eq3A_4262 : i32
      %jit3A_4264 = arith.constant 1 : i32
      %select_n3A_4265 = arith.select %eq3A_4263, %jit3A_4264, %jit3A_4261 : i32
      %rem3A_4266 = arith.remsi %add3A_4071, %select_n3A_4265 : i32
      %ne3A_4267 = arith.constant 0 : i32
      %ne3A_4268 = arith.cmpi ne, %rem3A_4266, %ne3A_4267 : i32
      %lt3A_4269 = arith.constant 0 : i32
      %lt3A_4270 = arith.cmpi slt, %rem3A_4266, %lt3A_4269 : i32
      %lt3A_4271 = arith.constant 0 : i32
      %lt3A_4272 = arith.cmpi slt, %select_n3A_4265, %lt3A_4271 : i32
      %ne3A_4273 = arith.xori %lt3A_4270, %lt3A_4272 : i1
      %and3A_4274 = arith.andi %ne3A_4273, %ne3A_4268 : i1
      %add3A_4275 = arith.addi %rem3A_4266, %select_n3A_4265 : i32
      %select_n3A_4276 = arith.select %and3A_4274, %add3A_4275, %rem3A_4266 : i32
      %eq3A_4277 = arith.constant 19 : i32
      %eq3A_4278 = arith.cmpi eq, %select_n3A_4276, %eq3A_4277 : i32
      %convert_element_type3A_4279 = arith.extui %eq3A_4278 : i1 to i32
      %convert_element_type3A_4280 = arith.sitofp %convert_element_type3A_4279 : i32 to f32
      %sub3A_4281 = arith.constant 1.000000e+00 : f32
      %sub3A_4282 = arith.subf %sub3A_4281, %convert_element_type3A_4280 : f32
      %mul3A_4283 = vector.broadcast %sub3A_4282 : f32 to vector<16xf32>
      %mul3A_4284 = arith.mulf %add3A_4150, %mul3A_4283 : vector<16xf32>
      %mul3A_4285 = vector.broadcast %sub3A_4282 : f32 to vector<16xf32>
      %mul3A_4286 = arith.mulf %add3A_4169, %mul3A_4285 : vector<16xf32>
      %mul3A_4287 = vector.broadcast %sub3A_4282 : f32 to vector<16xf32>
      %mul3A_4288 = arith.mulf %add3A_4188, %mul3A_4287 : vector<16xf32>
      %mul3A_4289 = vector.broadcast %sub3A_4282 : f32 to vector<16xf32>
      %mul3A_4290 = arith.mulf %add3A_4207, %mul3A_4289 : vector<16xf32>
      %mul3A_4291 = arith.constant 16 : i32
      %mul3A_4292 = arith.muli %scan3A_455, %mul3A_4291 : i32
      %add3A_4293 = arith.constant 8 : i32
      %add3A_4294 = arith.addi %mul3A_4292, %add3A_4293 : i32
      %add3A_4295 = arith.constant 7 : i32
      %add3A_4296 = arith.addi %add3A_4294, %add3A_4295 : i32
      %dma_wait3A_4297 = arith.constant 7 : i32
      %dma_wait3A_4298 = arith.constant 0 : i32
      %dma_wait3A_4299 = arith.constant 0 : i32
      %dma_wait3A_4300 = tpu.memref_slice %arg7[%dma_wait3A_4297, %dma_wait3A_4298, %dma_wait3A_4299] : memref<8x64x128xf32, #tpu.memory_space<vmem>> -> memref<1x64x128xf32, #tpu.memory_space<vmem>>
      %dma_wait3A_4301 = tpu.memref_squeeze %dma_wait3A_4300 : memref<1x64x128xf32, #tpu.memory_space<vmem>> -> memref<64x128xf32, #tpu.memory_space<vmem>>
      %dma_wait3A_4302 = arith.constant 0 : i32
      %dma_wait3A_4303 = arith.constant 0 : i32
      %dma_wait3A_4304 = tpu.memref_slice %arg3[%dma_wait3A_4302, %dma_wait3A_4303] : memref<64x1000000xf32, #tpu.memory_space<hbm>> -> memref<64x128xf32, #tpu.memory_space<hbm>>
      %dma_wait3A_4305 = arith.constant 0 : i32
      %dma_wait3A_4306 = arith.constant 0 : i32
      %dma_wait3A_4307 = tpu.memref_slice %arg7[%dma_wait3A_4297, %dma_wait3A_4305, %dma_wait3A_4306] : memref<8x64x128xf32, #tpu.memory_space<vmem>> -> memref<1x64x128xf32, #tpu.memory_space<vmem>>
      %dma_wait3A_4308 = tpu.memref_squeeze %dma_wait3A_4307 : memref<1x64x128xf32, #tpu.memory_space<vmem>> -> memref<64x128xf32, #tpu.memory_space<vmem>>
      %dma_wait3A_4309 = arith.constant 0 : i32
      %dma_wait3A_4310 = arith.constant 0 : i32
      %dma_wait3A_4311 = tpu.memref_slice %arg3[%dma_wait3A_4309, %dma_wait3A_4310] : memref<64x1000000xf32, #tpu.memory_space<hbm>> -> memref<64x128xf32, #tpu.memory_space<hbm>>
      tpu.wait_dma2 semaphore(%arg17 : memref<!tpu.dma_semaphore, #tpu.memory_space<semaphore_mem>>) src(%dma_wait3A_4311 : memref<64x128xf32, #tpu.memory_space<hbm>>) dst(%dma_wait3A_4308 : memref<64x128xf32, #tpu.memory_space<vmem>>)
      %slice3A_4312 = vector.extract_strided_slice %scan3A_460 {offsets = [15], sizes = [1], strides = [1]} : vector<16xi32> to vector<1xi32>
      %squeeze3A_4313 = vector.extract %slice3A_4312[0] : i32 from vector<1xi32>
      %jit3A_4314 = arith.constant 128 : i32
      %div3A_4315 = arith.divsi %squeeze3A_4313, %jit3A_4314 : i32
      %sign3A_4316 = arith.constant 0 : i32
      %sign3A_4317 = arith.cmpi sgt, %squeeze3A_4313, %sign3A_4316 : i32
      %sign3A_4318 = arith.extui %sign3A_4317 : i1 to i32
      %sign3A_4319 = arith.constant 0 : i32
      %sign3A_4320 = arith.cmpi slt, %squeeze3A_4313, %sign3A_4319 : i32
      %sign3A_4321 = arith.extui %sign3A_4320 : i1 to i32
      %sign3A_4322 = arith.subi %sign3A_4318, %sign3A_4321 : i32
      %sign3A_4323 = arith.constant 0 : i32
      %sign3A_4324 = arith.cmpi sgt, %jit3A_4314, %sign3A_4323 : i32
      %sign3A_4325 = arith.extui %sign3A_4324 : i1 to i32
      %sign3A_4326 = arith.constant 0 : i32
      %sign3A_4327 = arith.cmpi slt, %jit3A_4314, %sign3A_4326 : i32
      %sign3A_4328 = arith.extui %sign3A_4327 : i1 to i32
      %sign3A_4329 = arith.subi %sign3A_4325, %sign3A_4328 : i32
      %ne3A_4330 = arith.cmpi ne, %sign3A_4322, %sign3A_4329 : i32
      %rem3A_4331 = arith.remsi %squeeze3A_4313, %jit3A_4314 : i32
      %ne3A_4332 = arith.constant 0 : i32
      %ne3A_4333 = arith.cmpi ne, %rem3A_4331, %ne3A_4332 : i32
      %and3A_4334 = arith.andi %ne3A_4330, %ne3A_4333 : i1
      %sub3A_4335 = arith.constant 1 : i32
      %sub3A_4336 = arith.subi %div3A_4315, %sub3A_4335 : i32
      %select_n3A_4337 = arith.select %and3A_4334, %sub3A_4336, %div3A_4315 : i32
      %min3A_4338 = arith.constant 7810 : i32
      %min3A_4339 = arith.minsi %select_n3A_4337, %min3A_4338 : i32
      %mul3A_4340 = arith.constant 128 : i32
      %mul3A_4341 = arith.muli %min3A_4339, %mul3A_4340 : i32
      %sub3A_4342 = arith.subi %squeeze3A_4313, %mul3A_4341 : i32
      %min3A_4343 = arith.constant 127 : i32
      %min3A_4344 = arith.minsi %sub3A_4342, %min3A_4343 : i32
      %broadcast_in_dim3A_4345 = vector.broadcast %min3A_4344 : i32 to vector<16xi32>
      %sub3A_4346 = arith.constant 999744 : i32
      %sub3A_4347 = arith.subi %squeeze3A_4313, %sub3A_4346 : i32
      %jit3A_4348 = arith.constant 0 : i32
      %jit3A_4349 = arith.constant 255 : i32
      %max3A_4350 = arith.maxsi %jit3A_4348, %sub3A_4347 : i32
      %min3A_4351 = arith.minsi %jit3A_4349, %max3A_4350 : i32
      %broadcast_in_dim3A_4352 = vector.broadcast %min3A_4351 : i32 to vector<16xi32>
      %ge3A_4353 = arith.constant 999808 : i32
      %ge3A_4354 = arith.cmpi sge, %squeeze3A_4313, %ge3A_4353 : i32
      %convert_element_type3A_4355 = arith.extui %ge3A_4354 : i1 to i32
      %convert_element_type3A_4356 = arith.sitofp %convert_element_type3A_4355 : i32 to f32
      %iota3A_4357 = tpu.iota {dimensions = array<i32: 0>} : vector<16xi32>
      %add3A_4358 = arith.constant 0 : i32
      %add3A_4359 = vector.broadcast %add3A_4358 : i32 to vector<16xi32>
      %add3A_4360 = arith.addi %iota3A_4357, %add3A_4359 : vector<16xi32>
      %gather3A_4361 = arith.constant 7 : i32
      %gather3A_4362 = arith.constant 0 : i32
      %gather3A_4363 = arith.constant 0 : i32
      %gather3A_4364 = tpu.memref_slice %arg7[%gather3A_4361, %gather3A_4362, %gather3A_4363] : memref<8x64x128xf32, #tpu.memory_space<vmem>> -> memref<1x64x128xf32, #tpu.memory_space<vmem>>
      %gather3A_4365 = tpu.memref_squeeze %gather3A_4364 : memref<1x64x128xf32, #tpu.memory_space<vmem>> -> memref<64x128xf32, #tpu.memory_space<vmem>>
      %gather3A_4366 = tpu.vector_load_idx %gather3A_4365[%add3A_4360, %broadcast_in_dim3A_4345] : memref<64x128xf32, #tpu.memory_space<vmem>>[vector<16xi32>, vector<16xi32>], vector<16xf32>,
      %gather3A_4367 = tpu.vector_load_idx %arg8[%add3A_4360, %broadcast_in_dim3A_4352] : memref<64x256xf32, #tpu.memory_space<vmem>>[vector<16xi32>, vector<16xi32>], vector<16xf32>,
      %sub3A_4368 = arith.constant 1.000000e+00 : f32
      %sub3A_4369 = arith.subf %sub3A_4368, %convert_element_type3A_4356 : f32
      %mul3A_4370 = vector.broadcast %sub3A_4369 : f32 to vector<16xf32>
      %mul3A_4371 = arith.mulf %gather3A_4366, %mul3A_4370 : vector<16xf32>
      %add3A_4372 = arith.addf %mul3A_4284, %mul3A_4371 : vector<16xf32>
      %mul3A_4373 = vector.broadcast %convert_element_type3A_4356 : f32 to vector<16xf32>
      %mul3A_4374 = arith.mulf %gather3A_4367, %mul3A_4373 : vector<16xf32>
      %add3A_4375 = arith.addf %add3A_4372, %mul3A_4374 : vector<16xf32>
      %iota3A_4376 = tpu.iota {dimensions = array<i32: 0>} : vector<16xi32>
      %add3A_4377 = arith.constant 16 : i32
      %add3A_4378 = vector.broadcast %add3A_4377 : i32 to vector<16xi32>
      %add3A_4379 = arith.addi %iota3A_4376, %add3A_4378 : vector<16xi32>
      %gather3A_4380 = arith.constant 7 : i32
      %gather3A_4381 = arith.constant 0 : i32
      %gather3A_4382 = arith.constant 0 : i32
      %gather3A_4383 = tpu.memref_slice %arg7[%gather3A_4380, %gather3A_4381, %gather3A_4382] : memref<8x64x128xf32, #tpu.memory_space<vmem>> -> memref<1x64x128xf32, #tpu.memory_space<vmem>>
      %gather3A_4384 = tpu.memref_squeeze %gather3A_4383 : memref<1x64x128xf32, #tpu.memory_space<vmem>> -> memref<64x128xf32, #tpu.memory_space<vmem>>
      %gather3A_4385 = tpu.vector_load_idx %gather3A_4384[%add3A_4379, %broadcast_in_dim3A_4345] : memref<64x128xf32, #tpu.memory_space<vmem>>[vector<16xi32>, vector<16xi32>], vector<16xf32>,
      %gather3A_4386 = tpu.vector_load_idx %arg8[%add3A_4379, %broadcast_in_dim3A_4352] : memref<64x256xf32, #tpu.memory_space<vmem>>[vector<16xi32>, vector<16xi32>], vector<16xf32>,
      %sub3A_4387 = arith.constant 1.000000e+00 : f32
      %sub3A_4388 = arith.subf %sub3A_4387, %convert_element_type3A_4356 : f32
      %mul3A_4389 = vector.broadcast %sub3A_4388 : f32 to vector<16xf32>
      %mul3A_4390 = arith.mulf %gather3A_4385, %mul3A_4389 : vector<16xf32>
      %add3A_4391 = arith.addf %mul3A_4286, %mul3A_4390 : vector<16xf32>
      %mul3A_4392 = vector.broadcast %convert_element_type3A_4356 : f32 to vector<16xf32>
      %mul3A_4393 = arith.mulf %gather3A_4386, %mul3A_4392 : vector<16xf32>
      %add3A_4394 = arith.addf %add3A_4391, %mul3A_4393 : vector<16xf32>
      %iota3A_4395 = tpu.iota {dimensions = array<i32: 0>} : vector<16xi32>
      %add3A_4396 = arith.constant 32 : i32
      %add3A_4397 = vector.broadcast %add3A_4396 : i32 to vector<16xi32>
      %add3A_4398 = arith.addi %iota3A_4395, %add3A_4397 : vector<16xi32>
      %gather3A_4399 = arith.constant 7 : i32
      %gather3A_4400 = arith.constant 0 : i32
      %gather3A_4401 = arith.constant 0 : i32
      %gather3A_4402 = tpu.memref_slice %arg7[%gather3A_4399, %gather3A_4400, %gather3A_4401] : memref<8x64x128xf32, #tpu.memory_space<vmem>> -> memref<1x64x128xf32, #tpu.memory_space<vmem>>
      %gather3A_4403 = tpu.memref_squeeze %gather3A_4402 : memref<1x64x128xf32, #tpu.memory_space<vmem>> -> memref<64x128xf32, #tpu.memory_space<vmem>>
      %gather3A_4404 = tpu.vector_load_idx %gather3A_4403[%add3A_4398, %broadcast_in_dim3A_4345] : memref<64x128xf32, #tpu.memory_space<vmem>>[vector<16xi32>, vector<16xi32>], vector<16xf32>,
      %gather3A_4405 = tpu.vector_load_idx %arg8[%add3A_4398, %broadcast_in_dim3A_4352] : memref<64x256xf32, #tpu.memory_space<vmem>>[vector<16xi32>, vector<16xi32>], vector<16xf32>,
      %sub3A_4406 = arith.constant 1.000000e+00 : f32
      %sub3A_4407 = arith.subf %sub3A_4406, %convert_element_type3A_4356 : f32
      %mul3A_4408 = vector.broadcast %sub3A_4407 : f32 to vector<16xf32>
      %mul3A_4409 = arith.mulf %gather3A_4404, %mul3A_4408 : vector<16xf32>
      %add3A_4410 = arith.addf %mul3A_4288, %mul3A_4409 : vector<16xf32>
      %mul3A_4411 = vector.broadcast %convert_element_type3A_4356 : f32 to vector<16xf32>
      %mul3A_4412 = arith.mulf %gather3A_4405, %mul3A_4411 : vector<16xf32>
      %add3A_4413 = arith.addf %add3A_4410, %mul3A_4412 : vector<16xf32>
      %iota3A_4414 = tpu.iota {dimensions = array<i32: 0>} : vector<16xi32>
      %add3A_4415 = arith.constant 48 : i32
      %add3A_4416 = vector.broadcast %add3A_4415 : i32 to vector<16xi32>
      %add3A_4417 = arith.addi %iota3A_4414, %add3A_4416 : vector<16xi32>
      %gather3A_4418 = arith.constant 7 : i32
      %gather3A_4419 = arith.constant 0 : i32
      %gather3A_4420 = arith.constant 0 : i32
      %gather3A_4421 = tpu.memref_slice %arg7[%gather3A_4418, %gather3A_4419, %gather3A_4420] : memref<8x64x128xf32, #tpu.memory_space<vmem>> -> memref<1x64x128xf32, #tpu.memory_space<vmem>>
      %gather3A_4422 = tpu.memref_squeeze %gather3A_4421 : memref<1x64x128xf32, #tpu.memory_space<vmem>> -> memref<64x128xf32, #tpu.memory_space<vmem>>
      %gather3A_4423 = tpu.vector_load_idx %gather3A_4422[%add3A_4417, %broadcast_in_dim3A_4345] : memref<64x128xf32, #tpu.memory_space<vmem>>[vector<16xi32>, vector<16xi32>], vector<16xf32>,
      %gather3A_4424 = tpu.vector_load_idx %arg8[%add3A_4417, %broadcast_in_dim3A_4352] : memref<64x256xf32, #tpu.memory_space<vmem>>[vector<16xi32>, vector<16xi32>], vector<16xf32>,
      %sub3A_4425 = arith.constant 1.000000e+00 : f32
      %sub3A_4426 = arith.subf %sub3A_4425, %convert_element_type3A_4356 : f32
      %mul3A_4427 = vector.broadcast %sub3A_4426 : f32 to vector<16xf32>
      %mul3A_4428 = arith.mulf %gather3A_4423, %mul3A_4427 : vector<16xf32>
      %add3A_4429 = arith.addf %mul3A_4290, %mul3A_4428 : vector<16xf32>
      %mul3A_4430 = vector.broadcast %convert_element_type3A_4356 : f32 to vector<16xf32>
      %mul3A_4431 = arith.mulf %gather3A_4424, %mul3A_4430 : vector<16xf32>
      %add3A_4432 = arith.addf %add3A_4429, %mul3A_4431 : vector<16xf32>
      %lt3A_4433 = arith.constant 39 : i32
      %lt3A_4434 = arith.cmpi slt, %scan3A_455, %lt3A_4433 : i32
      %convert_element_type3A_4435 = arith.extui %lt3A_4434 : i1 to i32
      %cond3A_4436 = arith.constant 0 : i32
      %cond3A_4437 = arith.cmpi ne, %convert_element_type3A_4435, %cond3A_4436 : i32
      scf.if %cond3A_4437 {
        %slice3A_4516 = vector.extract_strided_slice %get3A_507 {offsets = [7], sizes = [1], strides = [1]} : vector<16xi32> to vector<1xi32>
        %squeeze3A_4517 = vector.extract %slice3A_4516[0] : i32 from vector<1xi32>
        %jit3A_4518 = arith.constant 128 : i32
        %div3A_4519 = arith.divsi %squeeze3A_4517, %jit3A_4518 : i32
        %sign3A_4520 = arith.constant 0 : i32
        %sign3A_4521 = arith.cmpi sgt, %squeeze3A_4517, %sign3A_4520 : i32
        %sign3A_4522 = arith.extui %sign3A_4521 : i1 to i32
        %sign3A_4523 = arith.constant 0 : i32
        %sign3A_4524 = arith.cmpi slt, %squeeze3A_4517, %sign3A_4523 : i32
        %sign3A_4525 = arith.extui %sign3A_4524 : i1 to i32
        %sign3A_4526 = arith.subi %sign3A_4522, %sign3A_4525 : i32
        %sign3A_4527 = arith.constant 0 : i32
        %sign3A_4528 = arith.cmpi sgt, %jit3A_4518, %sign3A_4527 : i32
        %sign3A_4529 = arith.extui %sign3A_4528 : i1 to i32
        %sign3A_4530 = arith.constant 0 : i32
        %sign3A_4531 = arith.cmpi slt, %jit3A_4518, %sign3A_4530 : i32
        %sign3A_4532 = arith.extui %sign3A_4531 : i1 to i32
        %sign3A_4533 = arith.subi %sign3A_4529, %sign3A_4532 : i32
        %ne3A_4534 = arith.cmpi ne, %sign3A_4526, %sign3A_4533 : i32
        %rem3A_4535 = arith.remsi %squeeze3A_4517, %jit3A_4518 : i32
        %ne3A_4536 = arith.constant 0 : i32
        %ne3A_4537 = arith.cmpi ne, %rem3A_4535, %ne3A_4536 : i32
        %and3A_4538 = arith.andi %ne3A_4534, %ne3A_4537 : i1
        %sub3A_4539 = arith.constant 1 : i32
        %sub3A_4540 = arith.subi %div3A_4519, %sub3A_4539 : i32
        %select_n3A_4541 = arith.select %and3A_4538, %sub3A_4540, %div3A_4519 : i32
        %min3A_4542 = arith.constant 7810 : i32
        %min3A_4543 = arith.minsi %select_n3A_4541, %min3A_4542 : i32
        %mul3A_4544 = arith.constant 128 : i32
        %mul3A_4545 = arith.muli %min3A_4543, %mul3A_4544 : i32
        %multiple_of3A_4546 = tpu.assume_multiple %mul3A_4545, 128 : i32
        %dma_start3A_4547 = arith.constant 7 : i32
        %dma_start3A_4548 = arith.constant 0 : i32
        %dma_start3A_4549 = arith.constant 0 : i32
        %dma_start3A_4550 = tpu.memref_slice %arg7[%dma_start3A_4547, %dma_start3A_4548, %dma_start3A_4549] : memref<8x64x128xf32, #tpu.memory_space<vmem>> -> memref<1x32x128xf32, #tpu.memory_space<vmem>>
        %dma_start3A_4551 = tpu.memref_squeeze %dma_start3A_4550 : memref<1x32x128xf32, #tpu.memory_space<vmem>> -> memref<32x128xf32, #tpu.memory_space<vmem>>
        %dma_start3A_4552 = arith.constant 0 : i32
        %dma_start3A_4553 = tpu.memref_slice %arg3[%dma_start3A_4552, %multiple_of3A_4546] : memref<64x1000000xf32, #tpu.memory_space<hbm>> -> memref<32x128xf32, #tpu.memory_space<hbm>>
        %dma_start3A_4554 = arith.constant 0 : i32
        %dma_start3A_4555 = arith.constant 0 : i32
        %dma_start3A_4556 = tpu.memref_slice %arg7[%dma_start3A_4547, %dma_start3A_4554, %dma_start3A_4555] : memref<8x64x128xf32, #tpu.memory_space<vmem>> -> memref<1x32x128xf32, #tpu.memory_space<vmem>>
        %dma_start3A_4557 = tpu.memref_squeeze %dma_start3A_4556 : memref<1x32x128xf32, #tpu.memory_space<vmem>> -> memref<32x128xf32, #tpu.memory_space<vmem>>
        %dma_start3A_4558 = arith.constant 0 : i32
        %dma_start3A_4559 = tpu.memref_slice %arg3[%dma_start3A_4558, %multiple_of3A_4546] : memref<64x1000000xf32, #tpu.memory_space<hbm>> -> memref<32x128xf32, #tpu.memory_space<hbm>>
        tpu.enqueue_dma source(%dma_start3A_4559 : memref<32x128xf32, #tpu.memory_space<hbm>>) target(%dma_start3A_4557 : memref<32x128xf32, #tpu.memory_space<vmem>>) target_semaphore(%arg17 : memref<!tpu.dma_semaphore, #tpu.memory_space<semaphore_mem>>)
        %dma_start3A_4560 = arith.constant 7 : i32
        %dma_start3A_4561 = arith.constant 32 : i32
        %dma_start3A_4562 = arith.constant 0 : i32
        %dma_start3A_4563 = tpu.memref_slice %arg7[%dma_start3A_4560, %dma_start3A_4561, %dma_start3A_4562] : memref<8x64x128xf32, #tpu.memory_space<vmem>> -> memref<1x32x128xf32, #tpu.memory_space<vmem>>
        %dma_start3A_4564 = tpu.memref_squeeze %dma_start3A_4563 : memref<1x32x128xf32, #tpu.memory_space<vmem>> -> memref<32x128xf32, #tpu.memory_space<vmem>>
        %dma_start3A_4565 = arith.constant 32 : i32
        %dma_start3A_4566 = tpu.memref_slice %arg3[%dma_start3A_4565, %multiple_of3A_4546] : memref<64x1000000xf32, #tpu.memory_space<hbm>> -> memref<32x128xf32, #tpu.memory_space<hbm>>
        %dma_start3A_4567 = arith.constant 32 : i32
        %dma_start3A_4568 = arith.constant 0 : i32
        %dma_start3A_4569 = tpu.memref_slice %arg7[%dma_start3A_4560, %dma_start3A_4567, %dma_start3A_4568] : memref<8x64x128xf32, #tpu.memory_space<vmem>> -> memref<1x32x128xf32, #tpu.memory_space<vmem>>
        %dma_start3A_4570 = tpu.memref_squeeze %dma_start3A_4569 : memref<1x32x128xf32, #tpu.memory_space<vmem>> -> memref<32x128xf32, #tpu.memory_space<vmem>>
        %dma_start3A_4571 = arith.constant 32 : i32
        %dma_start3A_4572 = tpu.memref_slice %arg3[%dma_start3A_4571, %multiple_of3A_4546] : memref<64x1000000xf32, #tpu.memory_space<hbm>> -> memref<32x128xf32, #tpu.memory_space<hbm>>
        tpu.enqueue_dma source(%dma_start3A_4572 : memref<32x128xf32, #tpu.memory_space<hbm>>) target(%dma_start3A_4570 : memref<32x128xf32, #tpu.memory_space<vmem>>) target_semaphore(%arg17 : memref<!tpu.dma_semaphore, #tpu.memory_space<semaphore_mem>>)
      } else {
      }
      %jit3A_4438 = arith.constant 20 : i32
      %div3A_4439 = arith.divsi %add3A_4296, %jit3A_4438 : i32
      %sign3A_4440 = arith.constant 0 : i32
      %sign3A_4441 = arith.cmpi sgt, %add3A_4296, %sign3A_4440 : i32
      %sign3A_4442 = arith.extui %sign3A_4441 : i1 to i32
      %sign3A_4443 = arith.constant 0 : i32
      %sign3A_4444 = arith.cmpi slt, %add3A_4296, %sign3A_4443 : i32
      %sign3A_4445 = arith.extui %sign3A_4444 : i1 to i32
      %sign3A_4446 = arith.subi %sign3A_4442, %sign3A_4445 : i32
      %sign3A_4447 = arith.constant 0 : i32
      %sign3A_4448 = arith.cmpi sgt, %jit3A_4438, %sign3A_4447 : i32
      %sign3A_4449 = arith.extui %sign3A_4448 : i1 to i32
      %sign3A_4450 = arith.constant 0 : i32
      %sign3A_4451 = arith.cmpi slt, %jit3A_4438, %sign3A_4450 : i32
      %sign3A_4452 = arith.extui %sign3A_4451 : i1 to i32
      %sign3A_4453 = arith.subi %sign3A_4449, %sign3A_4452 : i32
      %ne3A_4454 = arith.cmpi ne, %sign3A_4446, %sign3A_4453 : i32
      %rem3A_4455 = arith.remsi %add3A_4296, %jit3A_4438 : i32
      %ne3A_4456 = arith.constant 0 : i32
      %ne3A_4457 = arith.cmpi ne, %rem3A_4455, %ne3A_4456 : i32
      %and3A_4458 = arith.andi %ne3A_4454, %ne3A_4457 : i1
      %sub3A_4459 = arith.constant 1 : i32
      %sub3A_4460 = arith.subi %div3A_4439, %sub3A_4459 : i32
      %select_n3A_4461 = arith.select %and3A_4458, %sub3A_4460, %div3A_4439 : i32
      %mul3A_4462 = arith.constant 5.000000e-02 : f32
      %mul3A_4463 = vector.broadcast %mul3A_4462 : f32 to vector<16xf32>
      %mul3A_4464 = arith.mulf %add3A_4375, %mul3A_4463 : vector<16xf32>
      %swap3A_4465 = arith.index_cast %select_n3A_4461 : i32 to index
      %swap3A_4466 = arith.constant 0 : index
      %swap3A_4467 = tpu.vector_load %arg9[%swap3A_4465, %swap3A_4466] {strides = array<i32>} : memref<32x128xf32, #tpu.memory_space<vmem>>, vector<16xf32>,
      tpu.vector_store %arg9[%swap3A_4465, %swap3A_4466], %mul3A_4464 {strides = array<i32>} : memref<32x128xf32, #tpu.memory_space<vmem>>, vector<16xf32>,
      %mul3A_4468 = arith.constant 5.000000e-02 : f32
      %mul3A_4469 = vector.broadcast %mul3A_4468 : f32 to vector<16xf32>
      %mul3A_4470 = arith.mulf %add3A_4394, %mul3A_4469 : vector<16xf32>
      %swap3A_4471 = arith.index_cast %select_n3A_4461 : i32 to index
      %swap3A_4472 = arith.constant 16 : index
      %swap3A_4473 = tpu.vector_load %arg9[%swap3A_4471, %swap3A_4472] {strides = array<i32>} : memref<32x128xf32, #tpu.memory_space<vmem>>, vector<16xf32>,
      tpu.vector_store %arg9[%swap3A_4471, %swap3A_4472], %mul3A_4470 {strides = array<i32>} : memref<32x128xf32, #tpu.memory_space<vmem>>, vector<16xf32>,
      %mul3A_4474 = arith.constant 5.000000e-02 : f32
      %mul3A_4475 = vector.broadcast %mul3A_4474 : f32 to vector<16xf32>
      %mul3A_4476 = arith.mulf %add3A_4413, %mul3A_4475 : vector<16xf32>
      %swap3A_4477 = arith.index_cast %select_n3A_4461 : i32 to index
      %swap3A_4478 = arith.constant 32 : index
      %swap3A_4479 = tpu.vector_load %arg9[%swap3A_4477, %swap3A_4478] {strides = array<i32>} : memref<32x128xf32, #tpu.memory_space<vmem>>, vector<16xf32>,
      tpu.vector_store %arg9[%swap3A_4477, %swap3A_4478], %mul3A_4476 {strides = array<i32>} : memref<32x128xf32, #tpu.memory_space<vmem>>, vector<16xf32>,
      %mul3A_4480 = arith.constant 5.000000e-02 : f32
      %mul3A_4481 = vector.broadcast %mul3A_4480 : f32 to vector<16xf32>
      %mul3A_4482 = arith.mulf %add3A_4432, %mul3A_4481 : vector<16xf32>
      %swap3A_4483 = arith.index_cast %select_n3A_4461 : i32 to index
      %swap3A_4484 = arith.constant 48 : index
      %swap3A_4485 = tpu.vector_load %arg9[%swap3A_4483, %swap3A_4484] {strides = array<i32>} : memref<32x128xf32, #tpu.memory_space<vmem>>, vector<16xf32>,
      tpu.vector_store %arg9[%swap3A_4483, %swap3A_4484], %mul3A_4482 {strides = array<i32>} : memref<32x128xf32, #tpu.memory_space<vmem>>, vector<16xf32>,
      %jit3A_4486 = arith.constant 20 : i32
      %eq3A_4487 = arith.constant 0 : i32
      %eq3A_4488 = arith.cmpi eq, %jit3A_4486, %eq3A_4487 : i32
      %jit3A_4489 = arith.constant 1 : i32
      %select_n3A_4490 = arith.select %eq3A_4488, %jit3A_4489, %jit3A_4486 : i32
      %rem3A_4491 = arith.remsi %add3A_4296, %select_n3A_4490 : i32
      %ne3A_4492 = arith.constant 0 : i32
      %ne3A_4493 = arith.cmpi ne, %rem3A_4491, %ne3A_4492 : i32
      %lt3A_4494 = arith.constant 0 : i32
      %lt3A_4495 = arith.cmpi slt, %rem3A_4491, %lt3A_4494 : i32
      %lt3A_4496 = arith.constant 0 : i32
      %lt3A_4497 = arith.cmpi slt, %select_n3A_4490, %lt3A_4496 : i32
      %ne3A_4498 = arith.xori %lt3A_4495, %lt3A_4497 : i1
      %and3A_4499 = arith.andi %ne3A_4498, %ne3A_4493 : i1
      %add3A_4500 = arith.addi %rem3A_4491, %select_n3A_4490 : i32
      %select_n3A_4501 = arith.select %and3A_4499, %add3A_4500, %rem3A_4491 : i32
      %eq3A_4502 = arith.constant 19 : i32
      %eq3A_4503 = arith.cmpi eq, %select_n3A_4501, %eq3A_4502 : i32
      %convert_element_type3A_4504 = arith.extui %eq3A_4503 : i1 to i32
      %convert_element_type3A_4505 = arith.sitofp %convert_element_type3A_4504 : i32 to f32
      %sub3A_4506 = arith.constant 1.000000e+00 : f32
      %sub3A_4507 = arith.subf %sub3A_4506, %convert_element_type3A_4505 : f32
      %mul3A_4508 = vector.broadcast %sub3A_4507 : f32 to vector<16xf32>
      %mul3A_4509 = arith.mulf %add3A_4375, %mul3A_4508 : vector<16xf32>
      %mul3A_4510 = vector.broadcast %sub3A_4507 : f32 to vector<16xf32>
      %mul3A_4511 = arith.mulf %add3A_4394, %mul3A_4510 : vector<16xf32>
      %mul3A_4512 = vector.broadcast %sub3A_4507 : f32 to vector<16xf32>
      %mul3A_4513 = arith.mulf %add3A_4413, %mul3A_4512 : vector<16xf32>
      %mul3A_4514 = vector.broadcast %sub3A_4507 : f32 to vector<16xf32>
      %mul3A_4515 = arith.mulf %add3A_4432, %mul3A_4514 : vector<16xf32>
      scf.yield %mul3A_4509, %mul3A_4511, %mul3A_4513, %mul3A_4515, %get3A_507 : vector<16xf32>, vector<16xf32>, vector<16xf32>, vector<16xf32>, vector<16xi32>
    }
    %scan3A_452 = arith.constant 40 : i32
    %mul3A_453 = arith.constant 32 : i32
    %mul3A_454 = arith.muli %add3A, %mul3A_453 : i32
    "tpu.region"() ({
      %run_scoped3A = tpu.sem_alloc : memref<!tpu.dma_semaphore, #tpu.memory_space<semaphore_mem>>
      %dma_start3A_455 = arith.constant 0 : i32
      %dma_start3A_456 = tpu.memref_slice %arg5[%mul3A_454, %dma_start3A_455] : memref<1024x128xf32, #tpu.memory_space<hbm>> -> memref<32x128xf32, #tpu.memory_space<hbm>>
      %dma_start3A_457 = arith.constant 0 : i32
      %dma_start3A_458 = tpu.memref_slice %arg5[%mul3A_454, %dma_start3A_457] : memref<1024x128xf32, #tpu.memory_space<hbm>> -> memref<32x128xf32, #tpu.memory_space<hbm>>
      tpu.enqueue_dma source(%arg9 : memref<32x128xf32, #tpu.memory_space<vmem>>) target(%dma_start3A_458 : memref<32x128xf32, #tpu.memory_space<hbm>>) target_semaphore(%run_scoped3A : memref<!tpu.dma_semaphore, #tpu.memory_space<semaphore_mem>>)
      %dma_wait3A = arith.constant 0 : i32
      %dma_wait3A_459 = tpu.memref_slice %arg5[%mul3A_454, %dma_wait3A] : memref<1024x128xf32, #tpu.memory_space<hbm>> -> memref<32x128xf32, #tpu.memory_space<hbm>>
      %dma_wait3A_460 = arith.constant 0 : i32
      %dma_wait3A_461 = tpu.memref_slice %arg5[%mul3A_454, %dma_wait3A_460] : memref<1024x128xf32, #tpu.memory_space<hbm>> -> memref<32x128xf32, #tpu.memory_space<hbm>>
      tpu.wait_dma2 semaphore(%run_scoped3A : memref<!tpu.dma_semaphore, #tpu.memory_space<semaphore_mem>>) src(%arg9 : memref<32x128xf32, #tpu.memory_space<vmem>>) dst(%dma_wait3A_461 : memref<32x128xf32, #tpu.memory_space<hbm>>)
      tpu.yield
    }) : () -> ()
    return
  }
}

module attributes {stable_mosaic.version = 14 : i64} {
  func.func @_dense_body(%arg0: memref<1024x128xf32, #tpu.memory_space<vmem>>, %arg1: memref<384x64xf32, #tpu.memory_space<vmem>>, %arg2: memref<1x384xf32, #tpu.memory_space<vmem>>, %arg3: memref<1x384xf32, #tpu.memory_space<vmem>>, %arg4: memref<1x128xf32, #tpu.memory_space<vmem>>, %arg5: memref<1x1xf32, #tpu.memory_space<vmem>>, %arg6: memref<1024x1xf32, #tpu.memory_space<vmem>>) attributes {dimension_semantics = [], scalar_prefetch = 0 : i64, scratch_operands = 0 : i64, tpu.core_type = #tpu.core_type<tc>} {
    %get3A = arith.constant 0 : index
    %get3A_0 = arith.constant 0 : index
    %get3A_1 = vector.load %arg0[%get3A, %get3A_0] : memref<1024x128xf32, #tpu.memory_space<vmem>>, vector<1024x128xf32>
    %slice3A = vector.extract_strided_slice %get3A_1 {offsets = [0, 0], sizes = [1024, 64], strides = [1, 1]} : vector<1024x128xf32> to vector<1024x64xf32>
    %get3A_2 = arith.constant 0 : index
    %get3A_3 = arith.constant 0 : index
    %get3A_4 = vector.load %arg1[%get3A_2, %get3A_3] : memref<384x64xf32, #tpu.memory_space<vmem>>, vector<384x64xf32>
    %dot_general3A = arith.constant dense<0.000000e+00> : vector<1024x384xf32>
    %dot_general3A_5 = tpu.matmul %slice3A, %get3A_4, %dot_general3A {dimension_numbers = #tpu.dot_dimension_numbers<[1], [1], [0], [0], [0, 0, 1, 0], [], []>, transpose_lhs_hint = false} : vector<1024x64xf32>, vector<384x64xf32>, vector<1024x384xf32> -> vector<1024x384xf32>
    %get3A_6 = arith.constant 0 : index
    %get3A_7 = arith.constant 0 : index
    %get3A_8 = vector.load %arg2[%get3A_6, %get3A_7] : memref<1x384xf32, #tpu.memory_space<vmem>>, vector<1x384xf32>
    %add3A = vector.broadcast %get3A_8 : vector<1x384xf32> to vector<1024x384xf32>
    %add3A_9 = arith.addf %dot_general3A_5, %add3A : vector<1024x384xf32>
    %get3A_10 = arith.constant 0 : index
    %get3A_11 = arith.constant 0 : index
    %get3A_12 = vector.load %arg3[%get3A_10, %get3A_11] : memref<1x384xf32, #tpu.memory_space<vmem>>, vector<1x384xf32>
    %slice3A_13 = vector.extract_strided_slice %add3A_9 {offsets = [0, 0], sizes = [1024, 128], strides = [1, 1]} : vector<1024x384xf32> to vector<1024x128xf32>
    %slice3A_14 = vector.extract_strided_slice %get3A_12 {offsets = [0, 0], sizes = [1, 128], strides = [1, 1]} : vector<1x384xf32> to vector<1x128xf32>
    %add3A_15 = vector.broadcast %slice3A_14 : vector<1x128xf32> to vector<1024x128xf32>
    %add3A_16 = arith.addf %slice3A_13, %add3A_15 : vector<1024x128xf32>
    %logistic3A = arith.negf %add3A_16 : vector<1024x128xf32>
    %logistic3A_17 = math.exp %logistic3A : vector<1024x128xf32>
    %logistic3A_18 = arith.constant 1.000000e+00 : f32
    %logistic3A_19 = vector.broadcast %logistic3A_18 : f32 to vector<1024x128xf32>
    %logistic3A_20 = arith.addf %logistic3A_19, %logistic3A_17 : vector<1024x128xf32>
    %logistic3A_21 = arith.divf %logistic3A_19, %logistic3A_20 : vector<1024x128xf32>
    %slice3A_22 = vector.extract_strided_slice %add3A_9 {offsets = [0, 128], sizes = [1024, 128], strides = [1, 1]} : vector<1024x384xf32> to vector<1024x128xf32>
    %slice3A_23 = vector.extract_strided_slice %get3A_12 {offsets = [0, 128], sizes = [1, 128], strides = [1, 1]} : vector<1x384xf32> to vector<1x128xf32>
    %add3A_24 = vector.broadcast %slice3A_23 : vector<1x128xf32> to vector<1024x128xf32>
    %add3A_25 = arith.addf %slice3A_22, %add3A_24 : vector<1024x128xf32>
    %logistic3A_26 = arith.negf %add3A_25 : vector<1024x128xf32>
    %logistic3A_27 = math.exp %logistic3A_26 : vector<1024x128xf32>
    %logistic3A_28 = arith.constant 1.000000e+00 : f32
    %logistic3A_29 = vector.broadcast %logistic3A_28 : f32 to vector<1024x128xf32>
    %logistic3A_30 = arith.addf %logistic3A_29, %logistic3A_27 : vector<1024x128xf32>
    %logistic3A_31 = arith.divf %logistic3A_29, %logistic3A_30 : vector<1024x128xf32>
    %slice3A_32 = vector.extract_strided_slice %add3A_9 {offsets = [0, 256], sizes = [1024, 128], strides = [1, 1]} : vector<1024x384xf32> to vector<1024x128xf32>
    %slice3A_33 = vector.extract_strided_slice %get3A_12 {offsets = [0, 256], sizes = [1, 128], strides = [1, 1]} : vector<1x384xf32> to vector<1x128xf32>
    %mul3A = vector.broadcast %slice3A_33 : vector<1x128xf32> to vector<1024x128xf32>
    %mul3A_34 = arith.mulf %logistic3A_21, %mul3A : vector<1024x128xf32>
    %add3A_35 = arith.addf %slice3A_32, %mul3A_34 : vector<1024x128xf32>
    %tanh3A = math.tanh %add3A_35 : vector<1024x128xf32>
    %sub3A = arith.constant 1.000000e+00 : f32
    %sub3A_36 = vector.broadcast %sub3A : f32 to vector<1024x128xf32>
    %sub3A_37 = arith.subf %sub3A_36, %logistic3A_31 : vector<1024x128xf32>
    %mul3A_38 = arith.mulf %sub3A_37, %tanh3A : vector<1024x128xf32>
    %get3A_39 = arith.constant 0 : index
    %get3A_40 = arith.constant 0 : index
    %get3A_41 = vector.load %arg4[%get3A_39, %get3A_40] : memref<1x128xf32, #tpu.memory_space<vmem>>, vector<1x128xf32>
    %mul3A_42 = vector.broadcast %get3A_41 : vector<1x128xf32> to vector<1024x128xf32>
    %mul3A_43 = arith.mulf %mul3A_38, %mul3A_42 : vector<1024x128xf32>
    %reduce_sum3A = arith.constant dense<0.000000e+00> : vector<1024xf32>
    %reduce_sum3A_44 = vector.multi_reduction <add>, %mul3A_43, %reduce_sum3A [1] : vector<1024x128xf32> to vector<1024xf32>
    %broadcast_in_dim3A = vector.shape_cast %reduce_sum3A_44 : vector<1024xf32> to vector<1024x1xf32>
    %get3A_45 = arith.constant 0 : index
    %get3A_46 = arith.constant 0 : index
    %get3A_47 = vector.load %arg5[%get3A_45, %get3A_46] : memref<1x1xf32, #tpu.memory_space<vmem>>, vector<1x1xf32>
    %add3A_48 = vector.broadcast %get3A_47 : vector<1x1xf32> to vector<1024x1xf32>
    %add3A_49 = arith.addf %broadcast_in_dim3A, %add3A_48 : vector<1024x1xf32>
    %logistic3A_50 = arith.negf %add3A_49 : vector<1024x1xf32>
    %logistic3A_51 = math.exp %logistic3A_50 : vector<1024x1xf32>
    %logistic3A_52 = arith.constant 1.000000e+00 : f32
    %logistic3A_53 = vector.broadcast %logistic3A_52 : f32 to vector<1024x1xf32>
    %logistic3A_54 = arith.addf %logistic3A_53, %logistic3A_51 : vector<1024x1xf32>
    %logistic3A_55 = arith.divf %logistic3A_53, %logistic3A_54 : vector<1024x1xf32>
    %swap3A = arith.constant 0 : index
    %swap3A_56 = arith.constant 0 : index
    %swap3A_57 = vector.load %arg6[%swap3A, %swap3A_56] : memref<1024x1xf32, #tpu.memory_space<vmem>>, vector<1024x1xf32>
    tpu.vector_store %arg6[%swap3A, %swap3A_56], %logistic3A_55 {strides = array<i32>} : memref<1024x1xf32, #tpu.memory_space<vmem>>, vector<1024x1xf32>,
    return
  }
}

</mosaic_0001>

<sc_bundles>
// kernel: kernel.4.cloned.1.call-start
scs
__scs_entry_jumppad:
0x0: {  	(pc) =	sbr.rel $0x88, $3  }
0x1: {  	(tag) =	ssettag $0x0;
	lr =	simm.s32 $0x1  }
0x2: {  	[smem:$0x3F99] =	sst lr;
	_ =	strace $0xD0000000  }
0x3: {  	_ = 	snop  }
0x4: {  	_ = 	snop  }
0x5: {  	_ = 	snop  }
0x6: {  	_ = 	snop  }
0x7: {  	_ = 	snop  }
__scs_overlays_trampoline_lowered:
0x8: {  	[smem:$0x3FA8] =	sst s0  }
0x9: {  	[smem:$0x3FA9] =	sst s1  }
0xa: {  	[smem:$0x3FAA] =	sst s2  }
0xb: {  	[smem:$0x3FAB] =	sst s3  }
0xc: {  	[smem:$0x3FAC] =	sst s4  }
0xd: {  	[smem:$0x3FAD] =	sst s5  }
0xe: {  	[smem:$0x3FAE] =	sst s6  }
0xf: {  	[smem:$0x3FAF] =	sst s7  }
0x10: {  	[smem:$0x3FB0] =	sst s8  }
0x11: {  	[smem:$0x3FB1] =	sst s9;
	s0 =	simm.s32 @!p0 $0x0  }
0x12: {  	s1 =	sld [smem:$0x3F97];
	s0 =	simm.s32 @p0 $0x1  }
0x13: {  	[smem:$0x3FB2] =	sst s0;
	s0 =	simm.s32 @!p1 $0x0  }
0x14: {  	s2 =	sld [smem:$0x3F96];
	s0 =	simm.s32 @p1 $0x1  }
0x15: {  	[smem:$0x3FB3] =	sst s0;
	s0 =	simm.s32 @!p2 $0x0  }
0x16: {  	s3 =	sld [smem:$0x3FDB];
	s0 =	simm.s32 @p2 $0x1  }
0x17: {  	s4 =	simm.s32 $0x1BF5;
	[smem:$0x3FB5] =	sst s0  }
0x18: {  	s0 =	sld [smem:$0x3F98];
	_ =	swait.ge [sflag:s4], $0x0  }
0x19: {  	s7 =	sld [smem:$0x3F99]  }
0x1a: {  	s8 =	sadd.s32 $0xFFFFE003, lr  }
0x1b: {  	s9 =	sadd.s32 $0xFFFFFEF7, lr;
	s5 =	simm.s32 $0xFFFFFFFF;
	p2 =	slt.u32 s8, $0xFFFFF086  }
0x1c: {  	p1 =	slt.u32 s9, $0xF7A;
	s5 =	simm.s32 @!p2 $0x0  }
0x1d: {  	s5 =	simm.s32 @p1 $0x1;
	p0 =	seq.s32 s7, s2  }
0x1e: {  	s7 =	smul.u32 @!p0 $0xF7A, s2;
	p2 =	seq.s32 @!p0 s5, $0x0  }
0x1f: {  	s9 =	smul.u32 $0xF7A, s1;
	s8 =	simm.s32 @!p0 $0x1BF5;
	p2 =	por !p2, p0  }
0x20: {  	[sflag:s8] =	ssyncset.s32 @!p0 $0xFFFFF086;
	s6 =	sadd.s32 @!p0 s3, s7;
	s7 =	simm.s32 @!p0 $0x108  }
0x21: {  	s3 =	sadd.s32 s3, s9;
	s6 =	sadd.s32 @!p0 $0x88, s6;
	s7 =	simm.s32 @p2 $0x1082  }
0x22: {  	[simem:s7], [sflag:s8] =	dma.local @!p0 [hbm:s6], $0xF7A  }
0x23: {  	s9 =	sor.u32 $0xD0000000, s2;
	s6 =	simm.s32 $0x108;
	_ =	swait.ge @!p0 [sflag:s8], $0x0  }
0x24: {  	s3 =	sadd.s32 $0x88, s3;
	s6 =	simm.s32 @!p1 $0x1082;
	[sflag:s4] =	ssyncset.s32 $0xFFFFF086  }
0x25: {  	[simem:s6], [sflag:s4] =	dma.local [hbm:s3], $0xF7A  }
0x26: {  	[smem:$0x3F99] =	sst s1;
	(tag) =	ssettag s2;
	_ =	strace s9  }
0x27: {  	s1 =	sld [smem:$0x3FA9]  }
0x28: {  	s2 =	sld [smem:$0x3FAA]  }
0x29: {  	s4 =	sld [smem:$0x3FAC]  }
0x2a: {  	p0 =	seq.s32 s5, $0x0;
	s5 =	sld [smem:$0x3FAD]  }
0x2b: {  	s6 =	sld [smem:$0x3FAE]  }
0x2c: {  	s7 =	sld [smem:$0x3FAF]  }
0x2d: {  	s3 =	simm.s32 $0x108;
	s8 =	sld [smem:$0x3FB0]  }
0x2e: {  	s3 =	simm.s32 @!p0 $0x1082;
	s9 =	sld [smem:$0x3FB1]  }
0x2f: {  	lr =	sadd.s32 s0, s3;
	s0 =	sld [smem:$0x3FA8]  }
0x30: {  	s3 =	sld [smem:$0x3FAB]  }
0x31: {  	[smem:$0x3FB4] =	sst s10  }
0x32: {  	s10 =	sld [smem:$0x3FB2];
	_ =	sdelay $0x3  }
0x33: {  	p0 =	seq.s32 s10, $0x1;
	s10 =	sld [smem:$0x3FB4];
	_ =	sdelay $0x3  }
0x34: {  	[smem:$0x3FB4] =	sst s10  }
0x35: {  	s10 =	sld [smem:$0x3FB3];
	_ =	sdelay $0x3  }
0x36: {  	p1 =	seq.s32 s10, $0x1;
	s10 =	sld [smem:$0x3FB4];
	_ =	sdelay $0x3  }
0x37: {  	[smem:$0x3FB4] =	sst s10  }
0x38: {  	s10 =	sld [smem:$0x3FB5]  }
0x39: {  	_ = 	snop;
	(pc) =	sbr.ind lr, $3  }
0x3a: {  	_ = 	snop  }
0x3b: {  	_ = 	snop  }
0x3c: {  	p2 =	seq.s32 s10, $0x1;
	s10 =	sld [smem:$0x3FB4]  }
0x3d: {  	_ =	shalt  }
0x3e: {  	_ =	shalt  }
0x3f: {  	_ =	shalt  }
0x40: {  	_ =	shalt  }
0x41: {  	_ =	shalt  }
0x42: {  	_ =	shalt  }
0x43: {  	_ =	shalt  }
0x44: {  	_ =	shalt  }
0x45: {  	_ =	shalt  }
0x46: {  	_ =	shalt  }
0x47: {  	_ =	shalt  }
0x48: {  	_ =	shalt  }
0x49: {  	_ =	shalt  }
0x4a: {  	_ =	shalt  }
0x4b: {  	_ =	shalt  }
0x4c: {  	_ =	shalt  }
0x4d: {  	_ =	shalt  }
0x4e: {  	_ =	shalt  }
0x4f: {  	_ =	shalt  }
0x50: {  	_ =	shalt  }
0x51: {  	_ =	shalt  }
0x52: {  	_ =	shalt  }
0x53: {  	_ =	shalt  }
0x54: {  	_ =	shalt  }
0x55: {  	_ =	shalt  }
0x56: {  	_ =	shalt  }
0x57: {  	_ =	shalt  }
0x58: {  	_ =	shalt  }
0x59: {  	_ =	shalt  }
0x5a: {  	_ =	shalt  }
0x5b: {  	_ =	shalt  }
0x5c: {  	_ =	shalt  }
0x5d: {  	_ =	shalt  }
0x5e: {  	_ =	shalt  }
0x5f: {  	_ =	shalt  }
0x60: {  	_ =	shalt  }
0x61: {  	_ =	shalt  }
0x62: {  	_ =	shalt  }
0x63: {  	_ =	shalt  }
0x64: {  	_ =	shalt  }
0x65: {  	_ =	shalt  }
0x66: {  	_ =	shalt  }
0x67: {  	_ =	shalt  }
0x68: {  	_ =	shalt  }
0x69: {  	_ =	shalt  }
0x6a: {  	_ =	shalt  }
0x6b: {  	_ =	shalt  }
0x6c: {  	_ =	shalt  }
0x6d: {  	_ =	shalt  }
0x6e: {  	_ =	shalt  }
0x6f: {  	_ =	shalt  }
0x70: {  	_ =	shalt  }
0x71: {  	_ =	shalt  }
0x72: {  	_ =	shalt  }
0x73: {  	_ =	shalt  }
0x74: {  	_ =	shalt  }
0x75: {  	_ =	shalt  }
0x76: {  	_ =	shalt  }
0x77: {  	_ =	shalt  }
0x78: {  	_ =	shalt  }
0x79: {  	_ =	shalt  }
0x7a: {  	_ =	shalt  }
0x7b: {  	_ =	shalt  }
0x7c: {  	_ =	shalt  }
0x7d: {  	_ =	shalt  }
0x7e: {  	_ =	shalt  }
0x7f: {  	_ =	shalt  }
0x80: {  	_ =	shalt  }
0x81: {  	_ =	shalt  }
0x82: {  	_ =	shalt  }
0x83: {  	_ =	shalt  }
0x84: {  	_ =	shalt  }
0x85: {  	_ =	shalt  }
0x86: {  	_ =	shalt  }
0x87: {  	_ =	shalt  }
.Lfunc_end0:
.L_simem_size_0:
called_computation_lowered:
.L_overlay_start_0:
0x88: {  	s2 =	sld [smem:$0x3FD9]  }
0x89: {  	s3 =	sld [smem:$0x3FFE];
	_ =	sdelay $0x1  }
0x8a: {  	s1 =	srdreg.scid  }
0x8b: {  	s0 =	sand.u32 $0x1, s1  }
0x8c: {  	s17 =	sshll.u32 s0, $0xA;
	s2 =	sadd.s32 s3, s2  }
0x8d: {  	s2 =	sadd.s32 s2, s17  }
0x8e: {  	[smem:$0x3FC0] =	sst s2  }
0x8f: {  	_ = 	snop  }
0x90: {  	s2 =	sld [smem:$0x3FC7];
	(tm) =	ssettm $0x1  }
0x91: {  	s18 =	sld [smem:$0x3FFB];
	_ =	sdelay $0x3  }
0x92: {  	_ =	strace s18  }
0x93: {  	s3 =	sld [smem:$0x3FFC];
	_ =	sdelay $0x3  }
0x94: {  	_ =	strace s3  }
0x95: {  	s3 =	sld [smem:$0x3FFD];
	_ =	sdelay $0x3  }
0x96: {  	_ =	strace s3  }
0x97: {  	_ =	strace $0x8FFFFFFF  }
0x98: {  	s19 =	sld [smem:$0x3FDB];
	_ =	sdelay $0x1  }
0x99: {  	s4 =	simm.s32 $_scs_section_size  }
0x9a: {  	s5 =	simm.s32 $_size__tile_overlayer_lowered;
	s6 =	simm.s32 $_tile_overlayer_lowered  }
0x9b: {  	s22 =	simm.s32 $0x1BFF;
	s21 =	sshll.u32 s6, $0x1;
	s3 =	sadd.s32 s4, s19  }
0x9c: {  	s7 =	simm.s32 $0x0;
	s20 =	sshll.u32 s5, $0x1;
	s5 =	sadd.s32 s21, s3  }
0x9d: {  	[timem:s7], [sflag:s22] =	dma.local [hbm:s5], s20  }
0x9e: {  	_ =	swait.ge [sflag:s22], s20  }
0x9f: {  	s4 =	ssub.s32 $0x0, s20;
	[sflag:s22] =	ssyncset.done $0x0  }
0xa0: {  	[sflag:s22] =	ssyncadd.s32 s4;
	_ =	sdelay $0x1  }
0xa1: {  	s23 =	simm.s32 $0x1B8B  }
0xa2: {  	_ =	swait.ge [sflag:s23], $0x1  }
0xa3: {  	[sflag:s23] =	ssyncset.done $0x0  }
0xa4: {  	s25 =	simm.s32 $0x1B8E;
	s24 =	sld [smem:$0x3FFE];
	[sflag:s23] =	ssyncadd.s32 $0xFFFFFFFF  }
0xa5: {  	s26 =	simm.s32 $execute0_lowered;
	[smem:$0x3FD2] =	sst s25  }
0xa6: {  	s5 =	sshll.u32 s26, $0x1;
	_ =	strace $0x80000046;
	[dreg:$0x1] =	wrdreg $0xFFFFFFFF  }
0xa7: {  	s28 =	simm.s32 $_size_execute0_lowered;
	s3 =	sadd.s32 s3, s5;
	[dreg:$0x0] =	wrdreg $0x0  }
0xa8: {  	s5 =	sshll.u32 s28, $0x1;
	[dreg:$0x2] =	wrdreg s3  }
0xa9: {  	[dreg:$0x3] =	wrdreg s5  }
0xaa: {  	[dreg:$0x4] =	wrdreg $0xC0  }
0xab: {  	_ =	task [dreg:s7], $0x5FFFF  }
0xac: {  	[dreg:$0x1] =	wrdreg $0xFFFFFFFF  }
0xad: {  	[dreg:$0x0] =	wrdreg $0x60  }
0xae: {  	[dreg:$0x2] =	wrdreg s24  }
0xaf: {  	[dreg:$0x3] =	wrdreg s2  }
0xb0: {  	[dreg:$0x4] =	wrdreg $0x9  }
0xb1: {  	_ =	task.clear_ibuf [dreg:s7], $0x5FFFF;
	_ =	strace $0x90000046  }
0xb2: {  	s29 =	simm.s32 $0x9;
	_ =	strace $0x80000048  }
0xb3: {  	_ =	swait.ge [sflag:s29], $0x1  }
0xb4: {  	[sflag:s29] =	ssyncadd.s32 $0xFFFFFFFF  }
0xb5: {  	_ =	strace $0x90000048  }
0xb6: {  	_ =	sfence  }
0xb7: {  	s30 =	sld [smem:$0x0];
	_ =	sdelay $0x2  }
0xb8: {  	s31 =	sshll.u32 s1, $0xD;
	s1 =	sshrl.u32 s1, $0x2  }
0xb9: {  	s3 =	sand.u32 $0x4000, s31;
	s1 =	sadd.s32 s1, s30  }
0xba: {  	s0 =	sor.u32 s3, s0;
	s1 =	sshll.u32 s1, $0x11  }
0xbb: {  	s0 =	sor.u32 s1, s0  }
0xbc: {  	s0 =	sadd.s32 $0x8F2B, s0  }
0xbd: {  	[sflag:s0] =	ssyncadd.remote.s32 $0x1  }
0xbe: {  	_ =	sfence.sel $0xFFFF  }
0xbf: {  	[dreg:$0x0] =	wrdreg $0xFFFFFFFF;
	(pc) =	sbr.abs _section_cstart, $3  }
0xc0: {  	[dreg:$0x1] =	wrdreg $0xFFFFFFFF  }
0xc1: {  	_ =	task.clear_ibuf [dreg:s7], $0x2FFFF;
	_ =	strace $0x9FFFFFFF  }
0xc2: {  	(tm) =	ssettm $0x7FFFFFFF  }
0xc3: {  	_ =	shalt  }
tec
execute0_lowered:
.L_overlay_start_1:
0x0: {  	(tag) =	ssettag $0x1  }
0x1: {  	v0 =	vimm.s32 $0xB80;
	vm14 =	vcmask $0x300;
	vm13 =	vcmask $0x704  }
0x2: {  	vm12 =	vcmask $0xB08;
	vm11 =	vcmask $0xF0C;
	vm10 =	vcmask $0x1310  }
0x3: {  	vm9 =	vcmask $0x1714;
	vm8 =	vcmask $0x1B18;
	vm7 =	vcmask $0x1F1C  }
0x4: {  	vm6 =	vcmask $0x2320;
	vm5 =	vcmask $0x2724;
	vm4 =	vcmask $0x2B28  }
0x5: {  	vm3 =	vcmask $0x2F2C;
	v1 =	vlaneseq.u32;
	vm2 =	vcmask $0x3330  }
0x6: {  	vm1 =	vcmask $0x3734;
	vm0 =	vcmask $0x3B38;
	v3 =	vimm.s32 $0x1B80  }
0x7: {  	v4 =	vimm.s32 $0x2B80;
	v5 =	vimm.s32 $0x3B80;
	v0 =	vsel vm14, $0x0, v0  }
0x8: {  	v3 =	vsel vm14, $0x1000, v3;
	v4 =	vsel vm14, $0x2000, v4;
	v5 =	vsel vm14, $0x3000, v5  }
0x9: {  	v0 =	vsel vm13, $0x80, v0;
	v3 =	vsel vm13, $0x1080, v3;
	v4 =	vsel vm13, $0x2080, v4  }
0xa: {  	v5 =	vsel vm13, $0x3080, v5;
	v0 =	vsel vm12, $0x100, v0;
	v3 =	vsel vm12, $0x1100, v3  }
0xb: {  	s0 =	rddreg [dreg:$0x0];
	v4 =	vsel vm12, $0x2100, v4;
	v5 =	vsel vm12, $0x3100, v5;
	v0 =	vsel vm11, $0x180, v0  }
0xc: {  	s1 =	rddreg [dreg:$0x1];
	s2 =	srdreg.scid;
	v3 =	vsel vm11, $0x1180, v3;
	v4 =	vsel vm11, $0x2180, v4;
	v5 =	vsel vm11, $0x3180, v5  }
0xd: {  	s3 =	stileid.u32;
	s5 =	simm.s32 $0x0;
	s9 =	simm.s32 $0x10400;
	v0 =	vsel vm10, $0x200, v0;
	v3 =	vsel vm10, $0x1200, v3;
	v4 =	vsel vm10, $0x2200, v4  }
0xe: {  	s28 =	simm.s32 $0x1;
	s11 =	simm.s32 $0x7A1400;
	s10 =	simm.s32 $0x1400;
	v5 =	vsel vm10, $0x3200, v5;
	v0 =	vsel vm9, $0x280, v0;
	v3 =	vsel vm9, $0x1280, v3  }
0xf: {  	s20 =	simm.s32 $0x2400;
	s14 =	simm.s32 $0x3400;
	s18 =	simm.s32 $0x4400;
	v4 =	vsel vm9, $0x2280, v4;
	v5 =	vsel vm9, $0x3280, v5;
	v0 =	vsel vm8, $0x300, v0  }
0x10: {  	s16 =	simm.s32 $0x5400;
	s30 =	simm.s32 $0x6400;
	s21 =	simm.s32 $0x7400;
	v3 =	vsel vm8, $0x1300, v3;
	v4 =	vsel vm8, $0x2300, v4;
	v5 =	vsel vm8, $0x3300, v5  }
0x11: {  	s31 =	simm.s32 $0x8400;
	s7 =	simm.s32 $0xA400;
	s8 =	simm.s32 $0xC400;
	v0 =	vsel vm7, $0x380, v0;
	v3 =	vsel vm7, $0x1380, v3;
	v4 =	vsel vm7, $0x2380, v4  }
0x12: {  	s15 =	simm.s32 $0xE400;
	s13 =	simm.s32 $0x2;
	s29 =	simm.s32 $0x3;
	v5 =	vsel vm7, $0x3380, v5;
	v0 =	vsel vm6, $0x800, v0;
	v3 =	vsel vm6, $0x1800, v3  }
0x13: {  	s19 =	simm.s32 $0x4;
	s17 =	simm.s32 $0x0;
	s12 =	simm.s32 $0x7A1400;
	v4 =	vsel vm6, $0x2800, v4;
	v5 =	vsel vm6, $0x3800, v5;
	v0 =	vsel vm5, $0x880, v0  }
0x14: {  	s2 =	sand.u32 $0x1, s2;
	s3 =	sshll.u32 s3, $0x1;
	[smem:$0x7FF] =	sst s5;
	v3 =	vsel vm5, $0x1880, v3;
	v4 =	vsel vm5, $0x2880, v4;
	v5 =	vsel vm5, $0x3880, v5  }
0x15: {  	s6 =	sadd.s32 $0x1000, s0;
	s3 =	sor.u32 s2, s3;
	_ =	strace $0x80000047;
	v0 =	vsel vm4, $0x900, v0;
	v3 =	vsel vm4, $0x1900, v3;
	v4 =	vsel vm4, $0x2900, v4  }
0x16: {  	s2 =	ssub.s32 $0x2, s2;
	[dreg:$0x3] =	wrdreg s6;
	s6 =	simm.s32 $0xF400;
	v5 =	vsel vm4, $0x3900, v5;
	v2 =	vsel vm3, $0x980, v0;
	v0 =	vmul.u32 $0x80, v1  }
0x17: {  	s4 =	sshll.u32 s3, $0x7;
	s3 =	sshll.u32 s3, $0x9;
	s24 =	sshrl.u32 s2, $0x1;
	v3 =	vsel vm3, $0x1980, v3;
	v4 =	vsel vm3, $0x2980, v4;
	v5 =	vsel vm3, $0x3980, v5  }
0x18: {  	s4 =	sadd.s32 s4, s0;
	s0 =	sadd.s32 s3, s0;
	s2 =	ssub.s32 s2, s24;
	v1 =	vsel vm2, $0xA00, v2;
	v3 =	vsel vm2, $0x1A00, v3;
	v6 =	vsel vm2, $0x2A00, v4  }
0x19: {  	s24 =	simm.s32 $0x400;
	s3 =	simm.s32 $0xB400;
	s25 =	sadd.s32 $0x1800, s4;
	v5 =	vsel vm2, $0x3A00, v5;
	v1 =	vsel vm1, $0xA80, v1;
	v2 =	vor.u32 $0x800, v0  }
0x1a: {  	s0 =	sadd.s32 $0x2800, s0;
	s26 =	smax.u32 s2, $0x1;
	[dreg:$0x4] =	wrdreg s25;
	v3 =	vsel vm1, $0x1A80, v3;
	v4 =	vor.u32 $0x1000, v0;
	v6 =	vsel vm1, $0x2A80, v6  }
0x1b: {  	s2 =	simm.s32 $0x9;
	s4 =	simm.s32 $0xD400;
	[dreg:$0x5] =	wrdreg s0;
	v7 =	vsel vm1, $0x3A80, v5;
	v1 =	vsel vm0, $0xB00, v1;
	v3 =	vsel vm0, $0x1B00, v3  }
0x1c: {  	[dreg:$0x6] =	wrdreg s26;
	s25 =	simm.s32 $0x9400;
	s26 =	simm.s32 $0xE400;
	v5 =	vsel vm0, $0x2B00, v6;
	v6 =	vor.u32 $0x1800, v0;
	v7 =	vsel vm0, $0x3B00, v7  }
.LBB2_1:
0x1d: {  	[dreg:$0x7] =	wrdreg s17  }
0x1e: {  	s0 =	rddreg [dreg:$0x4]  }
0x1f: {  	[tilespmem:s5], [sflag:$0x9] =	stream.linear.gather [hbm4b:s0+s5], $0x400, $0x38;
	[tilespmem:$0x15400] =	vst v63  }
0x20: {  	_ =	swait.ge [sflag:s2], $0x400  }
0x21: {  	[sflag:s2] =	ssyncset.done $0x0  }
0x22: {  	s22 =	rddreg [dreg:$0x3];
	[sflag:s2] =	ssyncadd.s32 $0xFFFFFC00  }
0x23: {  	[tilespmem:s9], [sflag:$0x9] =	stream.linear.gather [hbm4b:s22+s5], $0x4000, $0x38;
	[tilespmem:$0x15400] =	vst v63  }
0x24: {  	_ =	swait.ge [sflag:s2], $0x4000  }
0x25: {  	[sflag:s2] =	ssyncset.done $0x0  }
0x26: {  	[sflag:s2] =	ssyncadd.s32 $0xFFFFC000  }
0x27: {  	v9 =	vld [tilespmem:$0x0];
	_ =	sdelay $0x4  }
0x28: {  	(v2sf) =	vpush v9, $0x0;
	_ =	sdelay $0xe  }
0x29: {  	s23 =	spop (v2sf);
	(v2sf) =	vpush v9, $0x1  }
0x2a: {  	s5 =	sand.u32 $0x7F, s23  }
0x2b: {  	s17 =	sshra.s32 s23, $0x1F;
	p1 =	slt.s32 s23, $0x1;
	p0 =	sne.s32 s5, $0x0  }
0x2c: {  	s2 =	sshrl.u32 s17, $0x19;
	p0 =	por !p1, !p0  }
0x2d: {  	s0 =	sadd.s32 s2, s23;
	s2 =	simm.s32 $0x1;
	p0 =	por !p0, !p0  }
0x2e: {  	s0 =	sshra.s32 s0, $0x7;
	s2 =	simm.s32 @!p0 $0x0  }
0x2f: {  	s0 =	ssub.s32 s0, s2  }
0x30: {  	p0 =	slt.s32 s0, $0x1E82  }
0x31: {  	s0 =	simm.s32 @!p0 $0x1E82  }
0x32: {  	s0 =	sshll.u32 s0, $0xA  }
0x33: {  	s22 =	sshrl.u32 s0, $0x3;
	s0 =	sadd.s32 $0x1E85000, s0  }
0x34: {  	s2 =	sadd.s32 s1, s22;
	s0 =	sshrl.u32 s0, $0x3  }
0x35: {  	[tilespmem:s24], [sflag:$0x1] =	stream.strided.gather [hbm4b:s2+s24], $0x1000, s11, s24, $0x38;
	[tilespmem:$0x15400] =	vst v63  }
0x36: {  	s0 =	sadd.s32 s1, s0  }
0x37: {  	[tilespmem:s10], [sflag:$0x1] =	stream.strided.gather [hbm4b:s0+s24], $0x1000, s11, s24, $0x38;
	[tilespmem:$0x15400] =	vst v63  }
0x38: {  	s23 =	spop (v2sf);
	(v2sf) =	vpush v9, $0x2  }
0x39: {  	s5 =	sand.u32 $0x7F, s23  }
0x3a: {  	s17 =	sshra.s32 s23, $0x1F;
	p6 =	slt.s32 s23, $0x1;
	p5 =	sne.s32 s5, $0x0  }
0x3b: {  	s2 =	sshrl.u32 s17, $0x19;
	p0 =	por !p6, !p5  }
0x3c: {  	s0 =	sadd.s32 s2, s23;
	s2 =	simm.s32 $0x1;
	p0 =	por !p0, !p0  }
0x3d: {  	s0 =	sshra.s32 s0, $0x7;
	s2 =	simm.s32 @!p0 $0x0  }
0x3e: {  	s0 =	ssub.s32 s0, s2  }
0x3f: {  	p0 =	slt.s32 s0, $0x1E82  }
0x40: {  	s0 =	simm.s32 @!p0 $0x1E82  }
0x41: {  	s0 =	sshll.u32 s0, $0xA  }
0x42: {  	s22 =	sshrl.u32 s0, $0x3;
	s0 =	sadd.s32 $0x1E85000, s0  }
0x43: {  	s2 =	sadd.s32 s1, s22;
	s0 =	sshrl.u32 s0, $0x3  }
0x44: {  	[tilespmem:s20], [sflag:$0x2] =	stream.strided.gather [hbm4b:s2+s24], $0x1000, s11, s24, $0x38;
	[tilespmem:$0x15400] =	vst v63  }
0x45: {  	s0 =	sadd.s32 s1, s0  }
0x46: {  	[tilespmem:s14], [sflag:$0x2] =	stream.strided.gather [hbm4b:s0+s24], $0x1000, s11, s24, $0x38;
	[tilespmem:$0x15400] =	vst v63  }
0x47: {  	s23 =	spop (v2sf);
	(v2sf) =	vpush v9, $0x3  }
0x48: {  	s5 =	sand.u32 $0x7F, s23  }
0x49: {  	s17 =	sshra.s32 s23, $0x1F;
	p2 =	slt.s32 s23, $0x1;
	p1 =	sne.s32 s5, $0x0  }
0x4a: {  	s2 =	sshrl.u32 s17, $0x19;
	p0 =	por !p2, !p1  }
0x4b: {  	s0 =	sadd.s32 s2, s23;
	s2 =	simm.s32 $0x1;
	p0 =	por !p0, !p0  }
0x4c: {  	s0 =	sshra.s32 s0, $0x7;
	s2 =	simm.s32 @!p0 $0x0  }
0x4d: {  	s0 =	ssub.s32 s0, s2  }
0x4e: {  	p0 =	slt.s32 s0, $0x1E82  }
0x4f: {  	s0 =	simm.s32 @!p0 $0x1E82  }
0x50: {  	s0 =	sshll.u32 s0, $0xA  }
0x51: {  	s22 =	sshrl.u32 s0, $0x3;
	s0 =	sadd.s32 $0x1E85000, s0  }
0x52: {  	s2 =	sadd.s32 s1, s22;
	s0 =	sshrl.u32 s0, $0x3  }
0x53: {  	[tilespmem:s18], [sflag:$0x3] =	stream.strided.gather [hbm4b:s2+s24], $0x1000, s11, s24, $0x38;
	[tilespmem:$0x15400] =	vst v63  }
0x54: {  	s0 =	sadd.s32 s1, s0  }
0x55: {  	[tilespmem:s16], [sflag:$0x3] =	stream.strided.gather [hbm4b:s0+s24], $0x1000, s11, s24, $0x38;
	[tilespmem:$0x15400] =	vst v63  }
0x56: {  	s23 =	spop (v2sf);
	(v2sf) =	vpush v9, $0x4  }
0x57: {  	s5 =	sand.u32 $0x7F, s23  }
0x58: {  	s17 =	sshra.s32 s23, $0x1F;
	p4 =	slt.s32 s23, $0x1;
	p3 =	sne.s32 s5, $0x0  }
0x59: {  	s2 =	sshrl.u32 s17, $0x19;
	p0 =	por !p4, !p3  }
0x5a: {  	s0 =	sadd.s32 s2, s23;
	s2 =	simm.s32 $0x1;
	p0 =	por !p0, !p0  }
0x5b: {  	s0 =	sshra.s32 s0, $0x7;
	s2 =	simm.s32 @!p0 $0x0  }
0x5c: {  	s0 =	ssub.s32 s0, s2  }
0x5d: {  	p0 =	slt.s32 s0, $0x1E82  }
0x5e: {  	s0 =	simm.s32 @!p0 $0x1E82  }
0x5f: {  	s0 =	sshll.u32 s0, $0xA  }
0x60: {  	s22 =	sshrl.u32 s0, $0x3;
	s0 =	sadd.s32 $0x1E85000, s0  }
0x61: {  	s2 =	sadd.s32 s1, s22;
	s0 =	sshrl.u32 s0, $0x3  }
0x62: {  	[tilespmem:s30], [sflag:$0x4] =	stream.strided.gather [hbm4b:s2+s24], $0x1000, s11, s24, $0x38;
	[tilespmem:$0x15400] =	vst v63  }
0x63: {  	s0 =	sadd.s32 s1, s0  }
0x64: {  	[tilespmem:s21], [sflag:$0x4] =	stream.strided.gather [hbm4b:s0+s24], $0x1000, s11, s24, $0x38;
	[tilespmem:$0x15400] =	vst v63  }
0x65: {  	s23 =	spop (v2sf);
	(v2sf) =	vpush v9, $0x5  }
0x66: {  	s5 =	sand.u32 $0x7F, s23  }
0x67: {  	s17 =	sshra.s32 s23, $0x1F;
	p6 =	slt.s32 s23, $0x1;
	p5 =	sne.s32 s5, $0x0  }
0x68: {  	s2 =	sshrl.u32 s17, $0x19;
	p0 =	por !p6, !p5  }
0x69: {  	s0 =	sadd.s32 s2, s23;
	s2 =	simm.s32 $0x1;
	p0 =	por !p0, !p0  }
0x6a: {  	s0 =	sshra.s32 s0, $0x7;
	s2 =	simm.s32 @!p0 $0x0  }
0x6b: {  	s0 =	ssub.s32 s0, s2  }
0x6c: {  	p0 =	slt.s32 s0, $0x1E82  }
0x6d: {  	s0 =	simm.s32 @!p0 $0x1E82  }
0x6e: {  	s0 =	sshll.u32 s0, $0xA  }
0x6f: {  	s22 =	sshrl.u32 s0, $0x3;
	s0 =	sadd.s32 $0x1E85000, s0  }
0x70: {  	s2 =	sadd.s32 s1, s22;
	s0 =	sshrl.u32 s0, $0x3  }
0x71: {  	[tilespmem:s31], [sflag:$0x5] =	stream.strided.gather [hbm4b:s2+s24], $0x1000, s11, s24, $0x38;
	[tilespmem:$0x15400] =	vst v63  }
0x72: {  	s0 =	sadd.s32 s1, s0  }
0x73: {  	[tilespmem:s25], [sflag:$0x5] =	stream.strided.gather [hbm4b:s0+s24], $0x1000, s11, s24, $0x38;
	[tilespmem:$0x15400] =	vst v63  }
0x74: {  	s23 =	spop (v2sf);
	(v2sf) =	vpush v9, $0x6  }
0x75: {  	s5 =	sand.u32 $0x7F, s23  }
0x76: {  	s17 =	sshra.s32 s23, $0x1F;
	p2 =	slt.s32 s23, $0x1;
	p1 =	sne.s32 s5, $0x0  }
0x77: {  	s2 =	sshrl.u32 s17, $0x19;
	p0 =	por !p2, !p1  }
0x78: {  	s0 =	sadd.s32 s2, s23;
	s2 =	simm.s32 $0x1;
	p0 =	por !p0, !p0  }
0x79: {  	s0 =	sshra.s32 s0, $0x7;
	s2 =	simm.s32 @!p0 $0x0  }
0x7a: {  	s0 =	ssub.s32 s0, s2  }
0x7b: {  	p0 =	slt.s32 s0, $0x1E82  }
0x7c: {  	s0 =	simm.s32 @!p0 $0x1E82  }
0x7d: {  	s0 =	sshll.u32 s0, $0xA  }
0x7e: {  	s22 =	sshrl.u32 s0, $0x3;
	s0 =	sadd.s32 $0x1E85000, s0  }
0x7f: {  	s2 =	sadd.s32 s1, s22;
	s0 =	sshrl.u32 s0, $0x3  }
0x80: {  	[tilespmem:s7], [sflag:$0x6] =	stream.strided.gather [hbm4b:s2+s24], $0x1000, s11, s24, $0x38;
	[tilespmem:$0x15400] =	vst v63  }
0x81: {  	s0 =	sadd.s32 s1, s0  }
0x82: {  	[tilespmem:s3], [sflag:$0x6] =	stream.strided.gather [hbm4b:s0+s24], $0x1000, s11, s24, $0x38;
	[tilespmem:$0x15400] =	vst v63  }
0x83: {  	s23 =	spop (v2sf);
	(v2sf) =	vpush v9, $0x7  }
0x84: {  	s3 =	sand.u32 $0x7F, s23  }
0x85: {  	s5 =	sshra.s32 s23, $0x1F;
	p4 =	slt.s32 s23, $0x1;
	p3 =	sne.s32 s3, $0x0  }
0x86: {  	s2 =	sshrl.u32 s5, $0x19;
	p0 =	por !p4, !p3  }
0x87: {  	s0 =	sadd.s32 s2, s23;
	s2 =	simm.s32 $0x1;
	p0 =	por !p0, !p0  }
0x88: {  	s0 =	sshra.s32 s0, $0x7;
	s2 =	simm.s32 @!p0 $0x0  }
0x89: {  	s0 =	ssub.s32 s0, s2  }
0x8a: {  	p0 =	slt.s32 s0, $0x1E82  }
0x8b: {  	s0 =	simm.s32 @!p0 $0x1E82  }
0x8c: {  	s0 =	sshll.u32 s0, $0xA  }
0x8d: {  	s7 =	sshrl.u32 s0, $0x3;
	s0 =	sadd.s32 $0x1E85000, s0  }
0x8e: {  	s2 =	sadd.s32 s1, s7;
	s0 =	sshrl.u32 s0, $0x3  }
0x8f: {  	[tilespmem:s8], [sflag:$0x7] =	stream.strided.gather [hbm4b:s2+s24], $0x1000, s11, s24, $0x38;
	[tilespmem:$0x15400] =	vst v63  }
0x90: {  	s0 =	sadd.s32 s1, s0  }
0x91: {  	[tilespmem:s4], [sflag:$0x7] =	stream.strided.gather [hbm4b:s0+s24], $0x1000, s11, s24, $0x38;
	[tilespmem:$0x15400] =	vst v63  }
0x92: {  	s8 =	spop (v2sf)  }
0x93: {  	s17 =	sand.u32 $0x7F, s8  }
0x94: {  	s22 =	sshra.s32 s8, $0x1F;
	p6 =	slt.s32 s8, $0x1;
	p5 =	sne.s32 s17, $0x0  }
0x95: {  	s2 =	sshrl.u32 s22, $0x19;
	p0 =	por !p6, !p5  }
0x96: {  	s0 =	sadd.s32 s2, s8;
	s2 =	simm.s32 $0x1;
	p0 =	por !p0, !p0  }
0x97: {  	s0 =	sshra.s32 s0, $0x7;
	s2 =	simm.s32 @!p0 $0x0  }
0x98: {  	s0 =	ssub.s32 s0, s2  }
0x99: {  	p0 =	slt.s32 s0, $0x1E82  }
0x9a: {  	s0 =	simm.s32 @!p0 $0x1E82  }
0x9b: {  	s0 =	sshll.u32 s0, $0xA  }
0x9c: {  	s23 =	sshrl.u32 s0, $0x3;
	s0 =	sadd.s32 $0x1E85000, s0  }
0x9d: {  	s2 =	sadd.s32 s1, s23;
	s0 =	sshrl.u32 s0, $0x3  }
0x9e: {  	[tilespmem:s15], [sflag:$0x8] =	stream.strided.gather [hbm4b:s2+s24], $0x1000, s11, s24, $0x38;
	[tilespmem:$0x15400] =	vst v63  }
0x9f: {  	v10 =	vimm.f32 $0.0e+00;
	s7 =	simm.s32 $0x0;
	s0 =	sadd.s32 s1, s0  }
0xa0: {  	v11 =	vimm.f32 $0.0e+00;
	v12 =	vimm.f32 $0.0e+00;
	v13 =	vimm.f32 $0.0e+00;
	[tilespmem:s6], [sflag:$0x8] =	stream.strided.gather [hbm4b:s0+s24], $0x1000, s11, s24, $0x38;
	[tilespmem:$0x15400] =	vst v63  }
.LBB2_2:
0xa1: {  	s0 =	sadd.s32 $0x1, s7  }
0xa2: {  	[dreg:$0x8] =	wrdreg s0;
	s0 =	smin.u32 s0, $0x27  }
0xa3: {  	s0 =	sshll.u32 s0, $0x4  }
0xa4: {  	v8 =	vld [tilespmem:s0+$0x0];
	_ =	swait.ge [sflag:s28], $0x2000  }
0xa5: {  	(v2sf) =	vpush v9, $0x0;
	_ =	sdelay $0xe  }
0xa6: {  	s23 =	spop (v2sf)  }
0xa7: {  	(v2sf) =	vpush v9, $0x8;
	s2 =	sand.u32 $0x7F, s23  }
0xa8: {  	s3 =	sshra.s32 s23, $0x1F;
	p0 =	slt.s32 s23, $0x1;
	p1 =	sne.s32 s2, $0x0  }
0xa9: {  	s5 =	sshrl.u32 s3, $0x19;
	p0 =	por !p0, !p1  }
0xaa: {  	s3 =	simm.s32 $0x1;
	s2 =	sadd.s32 s5, s23;
	p0 =	por !p0, !p0  }
0xab: {  	s2 =	sshra.s32 s2, $0x7;
	s3 =	simm.s32 @!p0 $0x0  }
0xac: {  	s2 =	ssub.s32 s2, s3  }
0xad: {  	p0 =	slt.s32 s2, $0x1E82  }
0xae: {  	s2 =	simm.s32 @!p0 $0x1E82  }
0xaf: {  	s3 =	sadd.s32 $0xFFF0BEC0, s23;
	s2 =	sshll.u32 s2, $0x7  }
0xb0: {  	p1 =	sgt.s32 s3, $0x0;
	s2 =	ssub.s32 s23, s2  }
0xb1: {  	s3 =	simm.s32 @!p1 $0x0;
	p0 =	slt.s32 s2, $0x7F  }
0xb2: {  	s3 =	smin.u32 s3, $0xFF;
	s2 =	simm.s32 @!p0 $0x7F  }
0xb3: {  	v14 =	vmov s3;
	v16 =	vadd.s32 s2, v0  }
0xb4: {  	v15 =	vshll.u32 v14, $0x3;
	v17 =	vadd.s32 s2, v2  }
0xb5: {  	v14 =	vand.u32 $0x7F, v14;
	v15 =	vand.u32 $0x400, v15;
	v19 =	vadd.s32 s2, v4  }
0xb6: {  	[sflag:s28] =	ssyncset.done $0x0;
	s8 =	spop (v2sf);
	v14 =	vor.u32 v14, v15;
	v20 =	vadd.s32 s2, v6  }
0xb7: {  	[sflag:s28] =	ssyncadd.s32 $0xFFFFE000;
	s6 =	sand.u32 $0x7F, s8;
	v15 =	vor.u32 v1, v14  }
0xb8: {  	s4 =	sshra.s32 s8, $0x1F;
	p2 =	sne.s32 s6, $0x0;
	p1 =	slt.s32 s8, $0x1;
	v18 =	vor.u32 v3, v14;
	v16 =	vld.idx.msk [tilespmem:v16+s24+$0x0], $0xffff  }
0xb9: {  	s0 =	simm.f32 $1.000000000e+00;
	s15 =	sshrl.u32 s4, $0x19;
	p0 =	por !p1, !p2;
	v21 =	vor.u32 v5, v14;
	v17 =	vld.idx.msk [tilespmem:v17+s24+$0x0], $0xffff  }
0xba: {  	s17 =	sadd.s32 s15, s8;
	s3 =	simm.s32 $0x1;
	p0 =	por !p0, !p0;
	v14 =	vor.u32 v7, v14;
	v19 =	vld.idx.msk [tilespmem:v19+s24+$0x0], $0xffff  }
0xbb: {  	s2 =	sshra.s32 s17, $0x7;
	s3 =	simm.s32 @!p0 $0x0;
	p0 =	sgt.s32 s23, $0xF417F;
	v20 =	vld.idx.msk [tilespmem:v20+s24+$0x0], $0xffff  }
0xbc: {  	s28 =	ssub.s32 s2, s3;
	s0 =	simm.s32 @!p0 $0x0;
	v15 =	vld.idx.msk [tilespmem:v15+s9+$0x0], $0xffff  }
0xbd: {  	p1 =	slt.s32 s28, $0x1E82;
	s22 =	ssub.f32 $1.000000000e+00, s0;
	v18 =	vld.idx.msk [tilespmem:v18+s9+$0x0], $0xffff  }
0xbe: {  	s28 =	simm.s32 @!p1 $0x1E82;
	v21 =	vld.idx.msk [tilespmem:v21+s9+$0x0], $0xffff  }
0xbf: {  	s23 =	sshll.u32 s28, $0xA;
	v14 =	vld.idx.msk [tilespmem:v14+s9+$0x0], $0xffff;
	v16 =	vmul.f32 s22, v16  }
0xc0: {  	s3 =	sshll.u32 s7, $0x4;
	s5 =	sshrl.u32 s23, $0x3;
	s6 =	sadd.s32 $0x1E85000, s23;
	v17 =	vmul.f32 s22, v17  }
0xc1: {  	s17 =	sand.u32 $0xFFF0, s3;
	s4 =	sadd.s32 s1, s5;
	s15 =	sshrl.u32 s6, $0x3;
	v26 =	vmul.f32 s22, v19;
	v15 =	vmul.f32 s0, v15;
	v13 =	vadd.f32 v16, v13  }
0xc2: {  	[tilespmem:s24], [sflag:$0x1] =	stream.strided.gather [hbm4b:s4+s24], $0x1000, s11, s24, $0x38;
	v28 =	vmul.f32 s22, v20;
	v27 =	vmul.f32 s0, v18;
	v12 =	vadd.f32 v17, v12;
	[tilespmem:$0x15400] =	vst v63  }
0xc3: {  	s2 =	sadd.s32 s1, s15;
	s4 =	smul.u32 $0xCCCD, s17;
	v11 =	vadd.f32 v26, v11;
	v13 =	vadd.f32 v15, v13;
	v15 =	vmul.f32 s0, v21  }
0xc4: {  	[tilespmem:s10], [sflag:$0x1] =	stream.strided.gather [hbm4b:s2+s24], $0x1000, s11, s24, $0x38;
	v14 =	vmul.f32 s0, v14;
	v10 =	vadd.f32 v28, v10;
	v12 =	vadd.f32 v27, v12;
	[tilespmem:$0x15400] =	vst v63  }
0xc5: {  	s22 =	sshrl.u32 s4, $0xD;
	v11 =	vadd.f32 v15, v11;
	v15 =	vmul.f32 $5.000000070e-02, v13  }
0xc6: {  	v10 =	vadd.f32 v14, v10;
	s0 =	sand.u32 $0xFF80, s22;
	v14 =	vmul.f32 $5.000000070e-02, v12  }
0xc7: {  	[tilespmem:s0+$0x14400] =	vst v15;
	v15 =	vmul.f32 $5.000000070e-02, v11  }
0xc8: {  	[tilespmem:s0+$0x14410] =	vst v14;
	v14 =	vmul.f32 $5.000000070e-02, v10  }
0xc9: {  	[tilespmem:s0+$0x14420] =	vst v15  }
0xca: {  	[tilespmem:s0+$0x14430] =	vst v14  }
0xcb: {  	_ =	swait.ge [sflag:s13], $0x2000  }
0xcc: {  	(v2sf) =	vpush v9, $0x1;
	_ =	sdelay $0xe  }
0xcd: {  	s23 =	spop (v2sf)  }
0xce: {  	s6 =	sand.u32 $0x7F, s23  }
0xcf: {  	(v2sf) =	vpush v9, $0x9;
	s5 =	sshra.s32 s23, $0x1F;
	p3 =	slt.s32 s23, $0x1;
	p4 =	sne.s32 s6, $0x0  }
0xd0: {  	s10 =	sshrl.u32 s5, $0x19;
	p0 =	por !p3, !p4  }
0xd1: {  	s5 =	simm.s32 $0x1;
	s4 =	sadd.s32 s10, s23;
	p0 =	por !p0, !p0  }
0xd2: {  	s4 =	sshra.s32 s4, $0x7;
	s5 =	simm.s32 @!p0 $0x0  }
0xd3: {  	s4 =	ssub.s32 s4, s5  }
0xd4: {  	p0 =	slt.s32 s4, $0x1E82  }
0xd5: {  	s4 =	simm.s32 @!p0 $0x1E82  }
0xd6: {  	s5 =	sadd.s32 $0xFFF0BEC0, s23;
	s4 =	sshll.u32 s4, $0x7  }
0xd7: {  	p1 =	sgt.s32 s5, $0x0;
	s4 =	ssub.s32 s23, s4  }
0xd8: {  	s5 =	simm.s32 @!p1 $0x0;
	p0 =	slt.s32 s4, $0x7F  }
0xd9: {  	s5 =	smin.u32 s5, $0xFF;
	s4 =	simm.s32 @!p0 $0x7F  }
0xda: {  	v14 =	vmov s5;
	v29 =	vadd.s32 s4, v0  }
0xdb: {  	v15 =	vshll.u32 v14, $0x3;
	v30 =	vadd.s32 s4, v2  }
0xdc: {  	v14 =	vand.u32 $0x7F, v14;
	v15 =	vand.u32 $0x400, v15;
	v32 =	vadd.s32 s4, v4  }
0xdd: {  	s15 =	simm.s32 $0x2;
	[sflag:s13] =	ssyncset.done $0x0;
	v14 =	vor.u32 v14, v15;
	v33 =	vadd.s32 s4, v6  }
0xde: {  	[sflag:s15] =	ssyncadd.s32 $0xFFFFE000;
	v15 =	vor.u32 v1, v14;
	s13 =	spop (v2sf)  }
0xdf: {  	p2 =	sgt.s32 s23, $0xF417F;
	v31 =	vor.u32 v3, v14;
	s17 =	sand.u32 $0x7F, s13;
	v16 =	vld.idx.msk [tilespmem:v29+s20+$0x0], $0xffff  }
0xe0: {  	v34 =	vor.u32 v5, v14;
	s22 =	sshra.s32 s13, $0x1F;
	p5 =	slt.s32 s13, $0x1;
	p6 =	sne.s32 s17, $0x0;
	v17 =	vld.idx.msk [tilespmem:v30+s20+$0x0], $0xffff  }
0xe1: {  	s5 =	simm.f32 $1.000000000e+00;
	v14 =	vor.u32 v7, v14;
	s23 =	sshrl.u32 s22, $0x19;
	p0 =	por !p5, !p6;
	v19 =	vld.idx.msk [tilespmem:v32+s20+$0x0], $0xffff  }
0xe2: {  	s4 =	simm.s32 $0x1;
	s2 =	sadd.s32 s23, s13;
	v20 =	vld.idx.msk [tilespmem:v33+s20+$0x0], $0xffff;
	p0 =	por !p0, !p0  }
0xe3: {  	s5 =	simm.s32 @!p2 $0x0;
	v15 =	vld.idx.msk [tilespmem:v15+s9+$0x0], $0xffff;
	s2 =	sshra.s32 s2, $0x7;
	s4 =	simm.s32 @!p0 $0x0  }
0xe4: {  	v18 =	vld.idx.msk [tilespmem:v31+s9+$0x0], $0xffff;
	s10 =	ssub.s32 s2, s4;
	s4 =	ssub.f32 $1.000000000e+00, s5  }
0xe5: {  	v21 =	vld.idx.msk [tilespmem:v34+s9+$0x0], $0xffff  }
0xe6: {  	v14 =	vld.idx.msk [tilespmem:v14+s9+$0x0], $0xffff;
	p0 =	slt.s32 s10, $0x1E82;
	v16 =	vmul.f32 s4, v16  }
0xe7: {  	s10 =	simm.s32 @!p0 $0x1E82;
	v17 =	vmul.f32 s4, v17  }
0xe8: {  	v35 =	vmul.f32 s4, v19;
	s17 =	sshll.u32 s10, $0xA;
	v15 =	vmul.f32 s5, v15;
	v13 =	vadd.f32 v16, v13  }
0xe9: {  	v37 =	vmul.f32 s4, v20;
	v36 =	vmul.f32 s5, v18;
	s15 =	sshrl.u32 s17, $0x3;
	v12 =	vadd.f32 v17, v12;
	s22 =	sadd.s32 $0x1E85000, s17  }
0xea: {  	v11 =	vadd.f32 v35, v11;
	s15 =	sadd.s32 s1, s15;
	s2 =	sshrl.u32 s22, $0x3;
	v13 =	vadd.f32 v15, v13;
	v15 =	vmul.f32 s5, v21  }
0xeb: {  	v14 =	vmul.f32 s5, v14;
	v10 =	vadd.f32 v37, v10;
	[tilespmem:s20], [sflag:$0x2] =	stream.strided.gather [hbm4b:s15+s24], $0x1000, s11, s24, $0x38;
	v12 =	vadd.f32 v36, v12;
	[tilespmem:$0x15400] =	vst v63  }
0xec: {  	s2 =	sadd.s32 s1, s2;
	v11 =	vadd.f32 v15, v11;
	v15 =	vmul.f32 $5.000000070e-02, v13  }
0xed: {  	v10 =	vadd.f32 v14, v10;
	[tilespmem:s14], [sflag:$0x2] =	stream.strided.gather [hbm4b:s2+s24], $0x1000, s11, s24, $0x38;
	v14 =	vmul.f32 $5.000000070e-02, v12;
	[tilespmem:$0x15400] =	vst v63  }
0xee: {  	[tilespmem:s0+$0x14400] =	vst v15;
	v15 =	vmul.f32 $5.000000070e-02, v11  }
0xef: {  	[tilespmem:s0+$0x14410] =	vst v14;
	v14 =	vmul.f32 $5.000000070e-02, v10  }
0xf0: {  	[tilespmem:s0+$0x14420] =	vst v15  }
0xf1: {  	[tilespmem:s0+$0x14430] =	vst v14  }
0xf2: {  	_ =	swait.ge [sflag:s29], $0x2000  }
0xf3: {  	(v2sf) =	vpush v9, $0x2;
	_ =	sdelay $0xe  }
0xf4: {  	s23 =	spop (v2sf)  }
0xf5: {  	(v2sf) =	vpush v9, $0xA;
	s14 =	sand.u32 $0x7F, s23  }
0xf6: {  	s15 =	sshra.s32 s23, $0x1F;
	p3 =	slt.s32 s23, $0x1;
	p4 =	sne.s32 s14, $0x0  }
0xf7: {  	s17 =	sshrl.u32 s15, $0x19;
	p0 =	por !p3, !p4  }
0xf8: {  	s5 =	simm.s32 $0x1;
	s4 =	sadd.s32 s17, s23;
	p0 =	por !p0, !p0  }
0xf9: {  	s4 =	sshra.s32 s4, $0x7;
	s5 =	simm.s32 @!p0 $0x0  }
0xfa: {  	s4 =	ssub.s32 s4, s5  }
0xfb: {  	p0 =	slt.s32 s4, $0x1E82  }
0xfc: {  	s4 =	simm.s32 @!p0 $0x1E82  }
0xfd: {  	s5 =	sadd.s32 $0xFFF0BEC0, s23;
	s4 =	sshll.u32 s4, $0x7  }
0xfe: {  	p1 =	sgt.s32 s5, $0x0;
	s4 =	ssub.s32 s23, s4  }
0xff: {  	s5 =	simm.s32 @!p1 $0x0;
	p0 =	slt.s32 s4, $0x7F  }
0x100: {  	s5 =	smin.u32 s5, $0xFF;
	s4 =	simm.s32 @!p0 $0x7F  }
0x101: {  	v14 =	vmov s5;
	v38 =	vadd.s32 s4, v0  }
0x102: {  	v15 =	vshll.u32 v14, $0x3;
	v39 =	vadd.s32 s4, v2  }
0x103: {  	v14 =	vand.u32 $0x7F, v14;
	v15 =	vand.u32 $0x400, v15;
	v41 =	vadd.s32 s4, v4  }
0x104: {  	[sflag:s29] =	ssyncset.done $0x0;
	v14 =	vor.u32 v14, v15;
	v42 =	vadd.s32 s4, v6;
	s15 =	spop (v2sf)  }
0x105: {  	[sflag:s29] =	ssyncadd.s32 $0xFFFFE000;
	v15 =	vor.u32 v1, v14;
	s20 =	sand.u32 $0x7F, s15  }
0x106: {  	v40 =	vor.u32 v3, v14;
	s22 =	sshra.s32 s15, $0x1F;
	p5 =	slt.s32 s15, $0x1;
	p6 =	sne.s32 s20, $0x0;
	v16 =	vld.idx.msk [tilespmem:v38+s18+$0x0], $0xffff  }
0x107: {  	p2 =	sgt.s32 s23, $0xF417F;
	v43 =	vor.u32 v5, v14;
	s23 =	sshrl.u32 s22, $0x19;
	p0 =	por !p5, !p6;
	v17 =	vld.idx.msk [tilespmem:v39+s18+$0x0], $0xffff  }
0x108: {  	s4 =	simm.s32 $0x1;
	v14 =	vor.u32 v7, v14;
	s2 =	sadd.s32 s23, s15;
	v19 =	vld.idx.msk [tilespmem:v41+s18+$0x0], $0xffff;
	p0 =	por !p0, !p0  }
0x109: {  	s5 =	simm.f32 $1.000000000e+00;
	v20 =	vld.idx.msk [tilespmem:v42+s18+$0x0], $0xffff;
	s2 =	sshra.s32 s2, $0x7;
	s4 =	simm.s32 @!p0 $0x0  }
0x10a: {  	s5 =	simm.s32 @!p2 $0x0;
	v15 =	vld.idx.msk [tilespmem:v15+s9+$0x0], $0xffff;
	s29 =	ssub.s32 s2, s4  }
0x10b: {  	v18 =	vld.idx.msk [tilespmem:v40+s9+$0x0], $0xffff;
	s4 =	ssub.f32 $1.000000000e+00, s5;
	p0 =	slt.s32 s29, $0x1E82  }
0x10c: {  	v21 =	vld.idx.msk [tilespmem:v43+s9+$0x0], $0xffff;
	s29 =	simm.s32 @!p0 $0x1E82  }
0x10d: {  	v14 =	vld.idx.msk [tilespmem:v14+s9+$0x0], $0xffff;
	v16 =	vmul.f32 s4, v16;
	s14 =	sshll.u32 s29, $0xA  }
0x10e: {  	v17 =	vmul.f32 s4, v17;
	s17 =	sshrl.u32 s14, $0x3  }
0x10f: {  	v44 =	vmul.f32 s4, v19;
	v15 =	vmul.f32 s5, v15;
	v13 =	vadd.f32 v16, v13;
	s17 =	sadd.s32 s1, s17  }
0x110: {  	v46 =	vmul.f32 s4, v20;
	v45 =	vmul.f32 s5, v18;
	v12 =	vadd.f32 v17, v12;
	[tilespmem:s18], [sflag:$0x3] =	stream.strided.gather [hbm4b:s17+s24], $0x1000, s11, s24, $0x38;
	[tilespmem:$0x15400] =	vst v63  }
0x111: {  	v11 =	vadd.f32 v44, v11;
	v13 =	vadd.f32 v15, v13;
	v15 =	vmul.f32 s5, v21;
	s17 =	sadd.s32 $0x1E85000, s14  }
0x112: {  	v14 =	vmul.f32 s5, v14;
	v10 =	vadd.f32 v46, v10;
	v12 =	vadd.f32 v45, v12;
	s2 =	sshrl.u32 s17, $0x3  }
0x113: {  	v11 =	vadd.f32 v15, v11;
	s2 =	sadd.s32 s1, s2;
	v15 =	vmul.f32 $5.000000070e-02, v13  }
0x114: {  	v10 =	vadd.f32 v14, v10;
	v14 =	vmul.f32 $5.000000070e-02, v12;
	[tilespmem:s16], [sflag:$0x3] =	stream.strided.gather [hbm4b:s2+s24], $0x1000, s11, s24, $0x38;
	[tilespmem:$0x15400] =	vst v63  }
0x115: {  	[tilespmem:s0+$0x14400] =	vst v15;
	v15 =	vmul.f32 $5.000000070e-02, v11  }
0x116: {  	[tilespmem:s0+$0x14410] =	vst v14;
	v14 =	vmul.f32 $5.000000070e-02, v10  }
0x117: {  	[tilespmem:s0+$0x14420] =	vst v15  }
0x118: {  	[tilespmem:s0+$0x14430] =	vst v14  }
0x119: {  	_ =	swait.ge [sflag:s19], $0x2000  }
0x11a: {  	(v2sf) =	vpush v9, $0x3;
	_ =	sdelay $0xe  }
0x11b: {  	s2 =	spop (v2sf)  }
0x11c: {  	(v2sf) =	vpush v9, $0xB;
	s18 =	sand.u32 $0x7F, s2  }
0x11d: {  	s23 =	sshra.s32 s2, $0x1F;
	p1 =	slt.s32 s2, $0x1;
	p2 =	sne.s32 s18, $0x0  }
0x11e: {  	s14 =	sshrl.u32 s23, $0x19;
	p0 =	por !p1, !p2  }
0x11f: {  	s5 =	simm.s32 $0x1;
	s4 =	sadd.s32 s14, s2;
	p0 =	por !p0, !p0  }
0x120: {  	s4 =	sshra.s32 s4, $0x7;
	s5 =	simm.s32 @!p0 $0x0  }
0x121: {  	s4 =	ssub.s32 s4, s5  }
0x122: {  	p0 =	slt.s32 s4, $0x1E82  }
0x123: {  	s4 =	simm.s32 @!p0 $0x1E82  }
0x124: {  	s5 =	sadd.s32 $0xFFF0BEC0, s2;
	s4 =	sshll.u32 s4, $0x7  }
0x125: {  	p1 =	sgt.s32 s5, $0x0;
	s4 =	ssub.s32 s2, s4  }
0x126: {  	s5 =	simm.s32 @!p1 $0x0;
	p0 =	slt.s32 s4, $0x7F  }
0x127: {  	s5 =	smin.u32 s5, $0xFF;
	s4 =	simm.s32 @!p0 $0x7F  }
0x128: {  	v14 =	vmov s5;
	v47 =	vadd.s32 s4, v0  }
0x129: {  	v15 =	vshll.u32 v14, $0x3;
	v48 =	vadd.s32 s4, v2  }
0x12a: {  	v14 =	vand.u32 $0x7F, v14;
	v15 =	vand.u32 $0x400, v15;
	v50 =	vadd.s32 s4, v4  }
0x12b: {  	[sflag:s19] =	ssyncset.done $0x0;
	v14 =	vor.u32 v14, v15;
	v51 =	vadd.s32 s4, v6;
	s17 =	spop (v2sf)  }
0x12c: {  	[sflag:s19] =	ssyncadd.s32 $0xFFFFE000;
	s23 =	simm.s32 $0x6400;
	v15 =	vor.u32 v1, v14;
	s16 =	sand.u32 $0x7F, s17  }
0x12d: {  	v49 =	vor.u32 v3, v14;
	s18 =	sshra.s32 s17, $0x1F;
	p3 =	slt.s32 s17, $0x1;
	p4 =	sne.s32 s16, $0x0;
	v16 =	vld.idx.msk [tilespmem:v47+s30+$0x0], $0xffff  }
0x12e: {  	p2 =	sgt.s32 s2, $0xF417F;
	v52 =	vor.u32 v5, v14;
	s19 =	sshrl.u32 s18, $0x19;
	p0 =	por !p3, !p4;
	v17 =	vld.idx.msk [tilespmem:v48+s30+$0x0], $0xffff  }
0x12f: {  	s4 =	simm.s32 $0x1;
	v14 =	vor.u32 v7, v14;
	s2 =	sadd.s32 s19, s17;
	v19 =	vld.idx.msk [tilespmem:v50+s30+$0x0], $0xffff;
	p0 =	por !p0, !p0  }
0x130: {  	s5 =	simm.f32 $1.000000000e+00;
	v20 =	vld.idx.msk [tilespmem:v51+s23+$0x0], $0xffff;
	s2 =	sshra.s32 s2, $0x7;
	s4 =	simm.s32 @!p0 $0x0  }
0x131: {  	s5 =	simm.s32 @!p2 $0x0;
	v15 =	vld.idx.msk [tilespmem:v15+s9+$0x0], $0xffff;
	s30 =	ssub.s32 s2, s4  }
0x132: {  	v18 =	vld.idx.msk [tilespmem:v49+s9+$0x0], $0xffff;
	s4 =	ssub.f32 $1.000000000e+00, s5;
	p0 =	slt.s32 s30, $0x1E82  }
0x133: {  	v21 =	vld.idx.msk [tilespmem:v52+s9+$0x0], $0xffff;
	s30 =	simm.s32 @!p0 $0x1E82  }
0x134: {  	v14 =	vld.idx.msk [tilespmem:v14+s9+$0x0], $0xffff;
	v16 =	vmul.f32 s4, v16;
	s16 =	sshll.u32 s30, $0xA  }
0x135: {  	v17 =	vmul.f32 s4, v17;
	s18 =	sshrl.u32 s16, $0x3  }
0x136: {  	v53 =	vmul.f32 s4, v19;
	v15 =	vmul.f32 s5, v15;
	v13 =	vadd.f32 v16, v13;
	s19 =	sadd.s32 s1, s18  }
0x137: {  	v55 =	vmul.f32 s4, v20;
	v54 =	vmul.f32 s5, v18;
	v12 =	vadd.f32 v17, v12;
	[tilespmem:s23], [sflag:$0x4] =	stream.strided.gather [hbm4b:s19+s24], $0x1000, s11, s24, $0x38;
	[tilespmem:$0x15400] =	vst v63  }
0x138: {  	v11 =	vadd.f32 v53, v11;
	v13 =	vadd.f32 v15, v13;
	v15 =	vmul.f32 s5, v21;
	s23 =	sadd.s32 $0x1E85000, s16  }
0x139: {  	v14 =	vmul.f32 s5, v14;
	v10 =	vadd.f32 v55, v10;
	v12 =	vadd.f32 v54, v12;
	s2 =	sshrl.u32 s23, $0x3  }
0x13a: {  	v11 =	vadd.f32 v15, v11;
	s2 =	sadd.s32 s1, s2;
	v15 =	vmul.f32 $5.000000070e-02, v13  }
0x13b: {  	v10 =	vadd.f32 v14, v10;
	v14 =	vmul.f32 $5.000000070e-02, v12;
	[tilespmem:s21], [sflag:$0x4] =	stream.strided.gather [hbm4b:s2+s24], $0x1000, s11, s24, $0x38;
	[tilespmem:$0x15400] =	vst v63  }
0x13c: {  	[tilespmem:s0+$0x14400] =	vst v15;
	v15 =	vmul.f32 $5.000000070e-02, v11  }
0x13d: {  	[tilespmem:s0+$0x14410] =	vst v14;
	v14 =	vmul.f32 $5.000000070e-02, v10  }
0x13e: {  	[tilespmem:s0+$0x14420] =	vst v15  }
0x13f: {  	s6 =	simm.s32 $0x5;
	[tilespmem:s0+$0x14430] =	vst v14  }
0x140: {  	_ =	swait.ge [sflag:s6], $0x2000  }
0x141: {  	(v2sf) =	vpush v9, $0x4;
	_ =	sdelay $0xd  }
0x142: {  	(v2sf) =	vpush v9, $0xC  }
0x143: {  	s0 =	spop (v2sf)  }
0x144: {  	s4 =	sand.u32 $0x7F, s0  }
0x145: {  	s5 =	sshra.s32 s0, $0x1F;
	p5 =	slt.s32 s0, $0x1;
	p6 =	sne.s32 s4, $0x0  }
0x146: {  	s14 =	sshrl.u32 s5, $0x19;
	p0 =	por !p5, !p6  }
0x147: {  	s4 =	simm.s32 $0x1;
	s2 =	sadd.s32 s14, s0;
	p0 =	por !p0, !p0  }
0x148: {  	s2 =	sshra.s32 s2, $0x7;
	s4 =	simm.s32 @!p0 $0x0  }
0x149: {  	s2 =	ssub.s32 s2, s4  }
0x14a: {  	p0 =	slt.s32 s2, $0x1E82  }
0x14b: {  	s2 =	simm.s32 @!p0 $0x1E82  }
0x14c: {  	s4 =	sadd.s32 $0xFFF0BEC0, s0;
	s2 =	sshll.u32 s2, $0x7  }
0x14d: {  	p1 =	sgt.s32 s4, $0x0;
	s2 =	ssub.s32 s0, s2  }
0x14e: {  	s4 =	simm.s32 @!p1 $0x0;
	p0 =	slt.s32 s2, $0x7F  }
0x14f: {  	s4 =	smin.u32 s4, $0xFF;
	s2 =	simm.s32 @!p0 $0x7F  }
0x150: {  	v14 =	vmov s4;
	v56 =	vadd.s32 s2, v0  }
0x151: {  	s21 =	simm.s32 $0x1;
	[sflag:s6] =	ssyncset.done $0x0;
	s19 =	spop (v2sf);
	v15 =	vshll.u32 v14, $0x3;
	v57 =	vadd.s32 s2, v2  }
0x152: {  	[sflag:s6] =	ssyncadd.s32 $0xFFFFE000;
	s5 =	smul.u32 $0xFFFFCCD0, s7;
	s18 =	sand.u32 $0x7F, s19;
	v14 =	vand.u32 $0x7F, v14;
	v15 =	vand.u32 $0x400, v15;
	v59 =	vadd.s32 s2, v4  }
0x153: {  	s23 =	sshra.s32 s19, $0x1F;
	p2 =	sne.s32 s18, $0x0;
	p1 =	slt.s32 s19, $0x1;
	v14 =	vor.u32 v14, v15;
	v60 =	vadd.s32 s2, v6  }
0x154: {  	s6 =	sshrl.u32 s23, $0x19;
	s16 =	sadd.s32 $0x3330, s5;
	p0 =	por !p1, !p2;
	v15 =	vor.u32 v1, v14  }
0x155: {  	s14 =	sadd.s32 s6, s19;
	s4 =	sand.u32 $0xFFF0, s16;
	p0 =	por !p0, !p0;
	v58 =	vor.u32 v3, v14;
	v16 =	vld.idx.msk [tilespmem:v56+s31+$0x0], $0xffff  }
0x156: {  	s16 =	simm.s32 $0x8400;
	s2 =	sshra.s32 s14, $0x7;
	v61 =	vor.u32 v5, v14;
	s21 =	simm.s32 @!p0 $0x0;
	v17 =	vld.idx.msk [tilespmem:v57+s31+$0x0], $0xffff  }
0x157: {  	p1 =	sgt.s32 s0, $0xF417F;
	s0 =	simm.f32 $1.000000000e+00;
	v14 =	vor.u32 v7, v14;
	s31 =	ssub.s32 s2, s21;
	v19 =	vld.idx.msk [tilespmem:v59+s16+$0x0], $0xffff  }
0x158: {  	s4 =	sshrl.u32 s4, $0x2;
	s0 =	simm.s32 @!p1 $0x0;
	v20 =	vld.idx.msk [tilespmem:v60+s16+$0x0], $0xffff;
	p2 =	slt.s32 s31, $0x1E82  }
0x159: {  	p0 =	slt.u32 s4, $0xCCC;
	s2 =	simm.f32 $0.0e+00;
	v15 =	vld.idx.msk [tilespmem:v15+s9+$0x0], $0xffff;
	s31 =	simm.s32 @!p2 $0x1E82  }
0x15a: {  	s4 =	ssub.f32 $1.000000000e+00, s0;
	v18 =	vld.idx.msk [tilespmem:v58+s9+$0x0], $0xffff;
	s2 =	simm.s32 @!p0 $0x3F800000;
	s18 =	sshll.u32 s31, $0xA  }
0x15b: {  	v21 =	vld.idx.msk [tilespmem:v61+s9+$0x0], $0xffff;
	v13 =	vmul.f32 s2, v13;
	v12 =	vmul.f32 s2, v12;
	s6 =	sshrl.u32 s18, $0x3  }
0x15c: {  	v14 =	vld.idx.msk [tilespmem:v14+s9+$0x0], $0xffff;
	v11 =	vmul.f32 s2, v11;
	v16 =	vmul.f32 s4, v16;
	s23 =	sadd.s32 s1, s6  }
0x15d: {  	v10 =	vmul.f32 s2, v10;
	v17 =	vmul.f32 s4, v17;
	[tilespmem:s16], [sflag:$0x5] =	stream.strided.gather [hbm4b:s23+s24], $0x1000, s11, s24, $0x38;
	[tilespmem:$0x15400] =	vst v63  }
0x15e: {  	v62 =	vmul.f32 s4, v19;
	v15 =	vmul.f32 s0, v15;
	s16 =	sadd.s32 $0x1E85000, s18;
	s18 =	sor.u32 $0x4, s3;
	v13 =	vadd.f32 v16, v13  }
0x15f: {  	v22 =	vmul.f32 s4, v20;
	v63 =	vmul.f32 s0, v18;
	v12 =	vadd.f32 v17, v12;
	s2 =	sshrl.u32 s16, $0x3;
	s23 =	sand.u32 $0xFFF4, s18  }
0x160: {  	v11 =	vadd.f32 v62, v11;
	s2 =	sadd.s32 s1, s2;
	s4 =	smul.u32 $0xCCCD, s23;
	v13 =	vadd.f32 v15, v13;
	v15 =	vmul.f32 s0, v21  }
0x161: {  	v14 =	vmul.f32 s0, v14;
	v10 =	vadd.f32 v22, v10;
	v12 =	vadd.f32 v63, v12;
	[tilespmem:s25], [sflag:$0x5] =	stream.strided.gather [hbm4b:s2+s24], $0x1000, s11, s24, $0x38;
	[tilespmem:$0x15400] =	vst v63  }
0x162: {  	s4 =	sshrl.u32 s4, $0xD;
	v11 =	vadd.f32 v15, v11;
	v15 =	vmul.f32 $5.000000070e-02, v13  }
0x163: {  	v10 =	vadd.f32 v14, v10;
	s4 =	sand.u32 $0xFF80, s4;
	v14 =	vmul.f32 $5.000000070e-02, v12  }
0x164: {  	[tilespmem:s4+$0x14400] =	vst v15;
	v15 =	vmul.f32 $5.000000070e-02, v11  }
0x165: {  	[tilespmem:s4+$0x14410] =	vst v14;
	v14 =	vmul.f32 $5.000000070e-02, v10  }
0x166: {  	[tilespmem:s4+$0x14420] =	vst v15  }
0x167: {  	s20 =	simm.s32 $0x6;
	[tilespmem:s4+$0x14430] =	vst v14  }
0x168: {  	_ =	swait.ge [sflag:s20], $0x2000  }
0x169: {  	(v2sf) =	vpush v9, $0x5;
	_ =	sdelay $0xe  }
0x16a: {  	s6 =	spop (v2sf)  }
0x16b: {  	s11 =	sand.u32 $0x7F, s6  }
0x16c: {  	s14 =	sshra.s32 s6, $0x1F;
	p3 =	slt.s32 s6, $0x1;
	p4 =	sne.s32 s11, $0x0  }
0x16d: {  	(v2sf) =	vpush v9, $0xD;
	s16 =	sshrl.u32 s14, $0x19;
	p0 =	por !p3, !p4  }
0x16e: {  	s21 =	simm.s32 $0x1;
	s2 =	sadd.s32 s16, s6;
	p0 =	por !p0, !p0  }
0x16f: {  	s2 =	sshra.s32 s2, $0x7;
	s21 =	simm.s32 @!p0 $0x0  }
0x170: {  	s2 =	ssub.s32 s2, s21  }
0x171: {  	p0 =	slt.s32 s2, $0x1E82  }
0x172: {  	s2 =	simm.s32 @!p0 $0x1E82  }
0x173: {  	s21 =	sadd.s32 $0xFFF0BEC0, s6;
	s2 =	sshll.u32 s2, $0x7  }
0x174: {  	p1 =	sgt.s32 s21, $0x0;
	s2 =	ssub.s32 s6, s2  }
0x175: {  	s21 =	simm.s32 @!p1 $0x0;
	p0 =	slt.s32 s2, $0x7F  }
0x176: {  	s21 =	smin.u32 s21, $0xFF;
	s2 =	simm.s32 @!p0 $0x7F  }
0x177: {  	v14 =	vmov s21;
	v23 =	vadd.s32 s2, v0  }
0x178: {  	v15 =	vshll.u32 v14, $0x3;
	v24 =	vadd.s32 s2, v2  }
0x179: {  	v14 =	vand.u32 $0x7F, v14;
	v15 =	vand.u32 $0x400, v15;
	v26 =	vadd.s32 s2, v4  }
0x17a: {  	[sflag:s20] =	ssyncset.done $0x0;
	v14 =	vor.u32 v14, v15;
	v27 =	vadd.s32 s2, v6  }
0x17b: {  	[sflag:s20] =	ssyncadd.s32 $0xFFFFE000;
	s11 =	simm.s32 $0xA400;
	v15 =	vor.u32 v1, v14  }
0x17c: {  	v25 =	vor.u32 v3, v14;
	s21 =	spop (v2sf);
	v16 =	vld.idx.msk [tilespmem:v23+s11+$0x0], $0xffff  }
0x17d: {  	p2 =	sgt.s32 s6, $0xF417F;
	v28 =	vor.u32 v5, v14;
	s18 =	sand.u32 $0x7F, s21;
	s20 =	sshra.s32 s21, $0x1F;
	v17 =	vld.idx.msk [tilespmem:v24+s11+$0x0], $0xffff  }
0x17e: {  	v14 =	vor.u32 v7, v14;
	p5 =	slt.s32 s21, $0x1;
	p6 =	sne.s32 s18, $0x0;
	s23 =	sshrl.u32 s20, $0x19;
	v19 =	vld.idx.msk [tilespmem:v26+s11+$0x0], $0xffff  }
0x17f: {  	p0 =	por !p5, !p6;
	s0 =	sadd.s32 s23, s21;
	s23 =	simm.f32 $1.000000000e+00;
	v20 =	vld.idx.msk [tilespmem:v27+s11+$0x0], $0xffff  }
0x180: {  	s2 =	simm.s32 $0x1;
	v15 =	vld.idx.msk [tilespmem:v15+s9+$0x0], $0xffff;
	p0 =	por !p0, !p0;
	s23 =	simm.s32 @!p2 $0x0  }
0x181: {  	v18 =	vld.idx.msk [tilespmem:v25+s9+$0x0], $0xffff;
	s0 =	sshra.s32 s0, $0x7;
	s2 =	simm.s32 @!p0 $0x0;
	s25 =	ssub.f32 $1.000000000e+00, s23  }
0x182: {  	v21 =	vld.idx.msk [tilespmem:v28+s9+$0x0], $0xffff;
	s0 =	ssub.s32 s0, s2  }
0x183: {  	v14 =	vld.idx.msk [tilespmem:v14+s9+$0x0], $0xffff;
	p0 =	slt.s32 s0, $0x1E82;
	v16 =	vmul.f32 s25, v16  }
0x184: {  	s0 =	simm.s32 @!p0 $0x1E82;
	v17 =	vmul.f32 s25, v17  }
0x185: {  	v29 =	vmul.f32 s25, v19;
	s6 =	sshll.u32 s0, $0xA;
	v15 =	vmul.f32 s23, v15;
	v13 =	vadd.f32 v16, v13  }
0x186: {  	v31 =	vmul.f32 s25, v20;
	v30 =	vmul.f32 s23, v18;
	s16 =	sshrl.u32 s6, $0x3;
	v12 =	vadd.f32 v17, v12;
	s18 =	sadd.s32 $0x1E85000, s6  }
0x187: {  	v11 =	vadd.f32 v29, v11;
	s14 =	sadd.s32 s1, s16;
	s2 =	sshrl.u32 s18, $0x3;
	v13 =	vadd.f32 v15, v13;
	v15 =	vmul.f32 s23, v21  }
0x188: {  	v14 =	vmul.f32 s23, v14;
	v10 =	vadd.f32 v31, v10;
	[tilespmem:s11], [sflag:$0x6] =	stream.strided.gather [hbm4b:s14+s24], $0x1000, s12, s24, $0x38;
	v12 =	vadd.f32 v30, v12;
	[tilespmem:$0x15400] =	vst v63  }
0x189: {  	s20 =	simm.s32 $0xB400;
	s2 =	sadd.s32 s1, s2;
	v11 =	vadd.f32 v15, v11;
	v15 =	vmul.f32 $5.000000070e-02, v13  }
0x18a: {  	v10 =	vadd.f32 v14, v10;
	[tilespmem:s20], [sflag:$0x6] =	stream.strided.gather [hbm4b:s2+s24], $0x1000, s12, s24, $0x38;
	v14 =	vmul.f32 $5.000000070e-02, v12;
	[tilespmem:$0x15400] =	vst v63  }
0x18b: {  	[tilespmem:s4+$0x14400] =	vst v15;
	v15 =	vmul.f32 $5.000000070e-02, v11  }
0x18c: {  	[tilespmem:s4+$0x14410] =	vst v14;
	v14 =	vmul.f32 $5.000000070e-02, v10  }
0x18d: {  	[tilespmem:s4+$0x14420] =	vst v15  }
0x18e: {  	s22 =	simm.s32 $0x7;
	[tilespmem:s4+$0x14430] =	vst v14  }
0x18f: {  	_ =	swait.ge [sflag:s22], $0x2000  }
0x190: {  	(v2sf) =	vpush v9, $0x6;
	_ =	sdelay $0xe  }
0x191: {  	s2 =	spop (v2sf)  }
0x192: {  	s23 =	sand.u32 $0x7F, s2  }
0x193: {  	(v2sf) =	vpush v9, $0xE;
	s25 =	sshra.s32 s2, $0x1F;
	p3 =	slt.s32 s2, $0x1;
	p4 =	sne.s32 s23, $0x0  }
0x194: {  	s6 =	sshrl.u32 s25, $0x19;
	p0 =	por !p3, !p4  }
0x195: {  	s23 =	simm.s32 $0x1;
	s14 =	sadd.s32 s6, s2;
	p0 =	por !p0, !p0  }
0x196: {  	s14 =	sshra.s32 s14, $0x7;
	s23 =	simm.s32 @!p0 $0x0  }
0x197: {  	s14 =	ssub.s32 s14, s23  }
0x198: {  	p0 =	slt.s32 s14, $0x1E82  }
0x199: {  	s14 =	simm.s32 @!p0 $0x1E82  }
0x19a: {  	s23 =	sadd.s32 $0xFFF0BEC0, s2;
	s14 =	sshll.u32 s14, $0x7  }
0x19b: {  	p1 =	sgt.s32 s23, $0x0;
	s14 =	ssub.s32 s2, s14  }
0x19c: {  	s23 =	simm.s32 @!p1 $0x0;
	p0 =	slt.s32 s14, $0x7F  }
0x19d: {  	s23 =	smin.u32 s23, $0xFF;
	s14 =	simm.s32 @!p0 $0x7F  }
0x19e: {  	v14 =	vmov s23;
	v32 =	vadd.s32 s14, v0  }
0x19f: {  	v15 =	vshll.u32 v14, $0x3;
	v33 =	vadd.s32 s14, v2  }
0x1a0: {  	v14 =	vand.u32 $0x7F, v14;
	v15 =	vand.u32 $0x400, v15;
	v35 =	vadd.s32 s14, v4  }
0x1a1: {  	[sflag:s22] =	ssyncset.done $0x0;
	v14 =	vor.u32 v14, v15;
	v36 =	vadd.s32 s14, v6  }
0x1a2: {  	[sflag:s22] =	ssyncadd.s32 $0xFFFFE000;
	s22 =	simm.s32 $0xC400;
	v15 =	vor.u32 v1, v14;
	s23 =	spop (v2sf)  }
0x1a3: {  	p2 =	sgt.s32 s2, $0xF417F;
	v34 =	vor.u32 v3, v14;
	s16 =	sand.u32 $0x7F, s23;
	v16 =	vld.idx.msk [tilespmem:v32+s22+$0x0], $0xffff  }
0x1a4: {  	v37 =	vor.u32 v5, v14;
	s18 =	sshra.s32 s23, $0x1F;
	p5 =	slt.s32 s23, $0x1;
	p6 =	sne.s32 s16, $0x0;
	v17 =	vld.idx.msk [tilespmem:v33+s22+$0x0], $0xffff  }
0x1a5: {  	s14 =	simm.s32 $0x1;
	v14 =	vor.u32 v7, v14;
	s25 =	sshrl.u32 s18, $0x19;
	p0 =	por !p5, !p6;
	v19 =	vld.idx.msk [tilespmem:v35+s22+$0x0], $0xffff  }
0x1a6: {  	s2 =	sadd.s32 s25, s23;
	s25 =	simm.f32 $1.000000000e+00;
	v20 =	vld.idx.msk [tilespmem:v36+s22+$0x0], $0xffff;
	p0 =	por !p0, !p0  }
0x1a7: {  	v15 =	vld.idx.msk [tilespmem:v15+s9+$0x0], $0xffff;
	s2 =	sshra.s32 s2, $0x7;
	s25 =	simm.s32 @!p2 $0x0;
	s14 =	simm.s32 @!p0 $0x0  }
0x1a8: {  	v18 =	vld.idx.msk [tilespmem:v34+s9+$0x0], $0xffff;
	s2 =	ssub.s32 s2, s14;
	s14 =	ssub.f32 $1.000000000e+00, s25  }
0x1a9: {  	v21 =	vld.idx.msk [tilespmem:v37+s9+$0x0], $0xffff  }
0x1aa: {  	v14 =	vld.idx.msk [tilespmem:v14+s9+$0x0], $0xffff;
	p0 =	slt.s32 s2, $0x1E82;
	v16 =	vmul.f32 s14, v16  }
0x1ab: {  	s2 =	simm.s32 @!p0 $0x1E82;
	v17 =	vmul.f32 s14, v17  }
0x1ac: {  	v38 =	vmul.f32 s14, v19;
	s16 =	sshll.u32 s2, $0xA;
	v15 =	vmul.f32 s25, v15;
	v13 =	vadd.f32 v16, v13  }
0x1ad: {  	v40 =	vmul.f32 s14, v20;
	v39 =	vmul.f32 s25, v18;
	s6 =	sshrl.u32 s16, $0x3;
	v12 =	vadd.f32 v17, v12;
	s16 =	sadd.s32 $0x1E85000, s16  }
0x1ae: {  	v11 =	vadd.f32 v38, v11;
	s18 =	sadd.s32 s1, s6;
	s14 =	sshrl.u32 s16, $0x3;
	v13 =	vadd.f32 v15, v13;
	v15 =	vmul.f32 s25, v21  }
0x1af: {  	v14 =	vmul.f32 s25, v14;
	v10 =	vadd.f32 v40, v10;
	[tilespmem:s22], [sflag:$0x7] =	stream.strided.gather [hbm4b:s18+s24], $0x1000, s12, s24, $0x38;
	v12 =	vadd.f32 v39, v12;
	[tilespmem:$0x15400] =	vst v63  }
0x1b0: {  	s14 =	sadd.s32 s1, s14;
	s18 =	simm.s32 $0xD400;
	v11 =	vadd.f32 v15, v11;
	v15 =	vmul.f32 $5.000000070e-02, v13  }
0x1b1: {  	v10 =	vadd.f32 v14, v10;
	[tilespmem:s18], [sflag:$0x7] =	stream.strided.gather [hbm4b:s14+s24], $0x1000, s12, s24, $0x38;
	v14 =	vmul.f32 $5.000000070e-02, v12;
	[tilespmem:$0x15400] =	vst v63  }
0x1b2: {  	[tilespmem:s4+$0x14400] =	vst v15;
	v15 =	vmul.f32 $5.000000070e-02, v11  }
0x1b3: {  	[tilespmem:s4+$0x14410] =	vst v14;
	v14 =	vmul.f32 $5.000000070e-02, v10  }
0x1b4: {  	[tilespmem:s4+$0x14420] =	vst v15  }
0x1b5: {  	s20 =	simm.s32 $0x8;
	[tilespmem:s4+$0x14430] =	vst v14  }
0x1b6: {  	_ =	swait.ge [sflag:s20], $0x2000  }
0x1b7: {  	(v2sf) =	vpush v9, $0x7;
	_ =	sdelay $0xe  }
0x1b8: {  	s14 =	spop (v2sf)  }
0x1b9: {  	(v2sf) =	vpush v9, $0xF;
	s25 =	sand.u32 $0x7F, s14  }
0x1ba: {  	s6 =	sshra.s32 s14, $0x1F;
	p3 =	slt.s32 s14, $0x1;
	p4 =	sne.s32 s25, $0x0  }
0x1bb: {  	s16 =	sshrl.u32 s6, $0x19;
	p0 =	por !p3, !p4  }
0x1bc: {  	s4 =	sadd.s32 s16, s14;
	s16 =	simm.s32 $0x1;
	p0 =	por !p0, !p0  }
0x1bd: {  	s4 =	sshra.s32 s4, $0x7;
	s16 =	simm.s32 @!p0 $0x0  }
0x1be: {  	s4 =	ssub.s32 s4, s16  }
0x1bf: {  	p0 =	slt.s32 s4, $0x1E82  }
0x1c0: {  	s4 =	simm.s32 @!p0 $0x1E82  }
0x1c1: {  	s16 =	sadd.s32 $0xFFF0BEC0, s14;
	s4 =	sshll.u32 s4, $0x7  }
0x1c2: {  	p1 =	sgt.s32 s16, $0x0;
	s4 =	ssub.s32 s14, s4  }
0x1c3: {  	s16 =	simm.s32 @!p1 $0x0;
	p0 =	slt.s32 s4, $0x7F  }
0x1c4: {  	s16 =	smin.u32 s16, $0xFF;
	s4 =	simm.s32 @!p0 $0x7F  }
0x1c5: {  	v9 =	vmov s16;
	v15 =	vadd.s32 s4, v0  }
0x1c6: {  	v14 =	vshll.u32 v9, $0x3;
	v41 =	vadd.s32 s4, v2  }
0x1c7: {  	v9 =	vand.u32 $0x7F, v9;
	v14 =	vand.u32 $0x400, v14;
	v43 =	vadd.s32 s4, v4  }
0x1c8: {  	[sflag:s20] =	ssyncset.done $0x0;
	s25 =	spop (v2sf);
	v9 =	vor.u32 v9, v14;
	v44 =	vadd.s32 s4, v6  }
0x1c9: {  	[sflag:s20] =	ssyncadd.s32 $0xFFFFE000;
	s18 =	sand.u32 $0x7F, s25;
	v14 =	vor.u32 v1, v9  }
0x1ca: {  	s6 =	sshra.s32 s25, $0x1F;
	p5 =	slt.s32 s25, $0x1;
	p6 =	sne.s32 s18, $0x0;
	v42 =	vor.u32 v3, v9;
	v15 =	vld.idx.msk [tilespmem:v15+s26+$0x0], $0xffff  }
0x1cb: {  	s18 =	sshrl.u32 s6, $0x19;
	p0 =	por !p5, !p6;
	v45 =	vor.u32 v5, v9;
	v9 =	vor.u32 v7, v9;
	v16 =	vld.idx.msk [tilespmem:v41+s26+$0x0], $0xffff  }
0x1cc: {  	s20 =	sadd.s32 s18, s25;
	s16 =	simm.s32 $0x1;
	p0 =	por !p0, !p0;
	v18 =	vld.idx.msk [tilespmem:v43+s26+$0x0], $0xffff  }
0x1cd: {  	s4 =	sshra.s32 s20, $0x7;
	s16 =	simm.s32 @!p0 $0x0;
	v19 =	vld.idx.msk [tilespmem:v44+s26+$0x0], $0xffff  }
0x1ce: {  	p0 =	sgt.s32 s14, $0xF417F;
	s14 =	simm.f32 $1.000000000e+00;
	s4 =	ssub.s32 s4, s16;
	v14 =	vld.idx.msk [tilespmem:v14+s9+$0x0], $0xffff  }
0x1cf: {  	s14 =	simm.s32 @!p0 $0x0;
	p1 =	slt.s32 s4, $0x1E82;
	v17 =	vld.idx.msk [tilespmem:v42+s9+$0x0], $0xffff  }
0x1d0: {  	s16 =	ssub.f32 $1.000000000e+00, s14;
	s4 =	simm.s32 @!p1 $0x1E82;
	v9 =	vld.idx.msk [tilespmem:v9+s9+$0x0], $0xffff  }
0x1d1: {  	s18 =	sshll.u32 s4, $0xA;
	v20 =	vld.idx.msk [tilespmem:v45+s9+$0x0], $0xffff  }
0x1d2: {  	s6 =	sshrl.u32 s18, $0x3;
	v15 =	vmul.f32 s16, v15  }
0x1d3: {  	s18 =	sadd.s32 $0x1E85000, s18;
	s20 =	sadd.s32 s1, s6;
	s6 =	sor.u32 $0x7, s3;
	v16 =	vmul.f32 s16, v16;
	v46 =	vmul.f32 s16, v19  }
0x1d4: {  	[tilespmem:s26], [sflag:$0x8] =	stream.strided.gather [hbm4b:s20+s24], $0x1000, s12, s24, $0x38;
	v14 =	vmul.f32 s14, v14;
	v13 =	vadd.f32 v15, v13;
	v15 =	vmul.f32 s16, v18;
	[tilespmem:$0x15400] =	vst v63  }
0x1d5: {  	s18 =	sshrl.u32 s18, $0x3;
	s6 =	sand.u32 $0xFFF7, s6;
	v47 =	vmul.f32 s14, v17;
	v9 =	vmul.f32 s14, v9;
	v12 =	vadd.f32 v16, v12  }
0x1d6: {  	s16 =	sadd.s32 s1, s18;
	s18 =	smul.u32 $0xCCCD, s6;
	v13 =	vadd.f32 v14, v13;
	v11 =	vadd.f32 v15, v11;
	v14 =	vmul.f32 s14, v20;
	s14 =	simm.s32 $0xF400  }
0x1d7: {  	v10 =	vadd.f32 v46, v10;
	v12 =	vadd.f32 v47, v12;
	[tilespmem:s14], [sflag:$0x8] =	stream.strided.gather [hbm4b:s16+s24], $0x1000, s12, s24, $0x38;
	[tilespmem:$0x15400] =	vst v63  }
0x1d8: {  	s16 =	sshrl.u32 s18, $0xD;
	v11 =	vadd.f32 v14, v11;
	v14 =	vmul.f32 $5.000000070e-02, v13  }
0x1d9: {  	v9 =	vadd.f32 v9, v10;
	s14 =	sand.u32 $0xFF80, s16;
	v10 =	vmul.f32 $5.000000070e-02, v12  }
0x1da: {  	[tilespmem:s14+$0x14400] =	vst v14;
	v14 =	vmul.f32 $5.000000070e-02, v11  }
0x1db: {  	[tilespmem:s14+$0x14410] =	vst v10;
	v10 =	vmul.f32 $5.000000070e-02, v9  }
0x1dc: {  	[tilespmem:s14+$0x14420] =	vst v14  }
0x1dd: {  	s18 =	simm.s32 $0x1;
	[tilespmem:s14+$0x14430] =	vst v10  }
0x1de: {  	p0 =	seq.s32 s7, $0x27;
	_ =	swait.ge [sflag:s18], $0x2000  }
0x1df: {  	(v2sf) =	vpush @!p0 v8, $0x0;
	_ =	sdelay $0x6  }
0x1e0: {  	s7 =	sadd.s32 $0xFFF0BEC0, s8  }
0x1e1: {  	p1 =	sgt.s32 s7, $0x0  }
0x1e2: {  	s7 =	simm.s32 @!p1 $0x0  }
0x1e3: {  	s7 =	smin.u32 s7, $0xFF;
	s20 =	sshll.u32 s28, $0x7  }
0x1e4: {  	s14 =	ssub.s32 s8, s20;
	v10 =	vmov s7  }
0x1e5: {  	p1 =	slt.s32 s14, $0x7F;
	v14 =	vshll.u32 v10, $0x3  }
0x1e6: {  	v10 =	vand.u32 $0x7F, v10;
	s14 =	simm.s32 @!p1 $0x7F;
	v14 =	vand.u32 $0x400, v14  }
0x1e7: {  	v15 =	vadd.s32 s14, v0;
	v10 =	vor.u32 v10, v14  }
0x1e8: {  	v14 =	vor.u32 v1, v10;
	s7 =	spop @!p0 (v2sf)  }
0x1e9: {  	s5 =	sadd.s32 $0x6664, s5;
	s28 =	simm.s32 $0x1;
	v48 =	vadd.s32 s14, v2;
	s16 =	sand.u32 @!p0 $0x7F, s7  }
0x1ea: {  	[sflag:s28] =	ssyncset.done $0x0;
	v50 =	vadd.s32 s14, v4;
	p1 =	slt.s32 @!p0 s7, $0x1;
	p2 =	sne.s32 @!p0 s16, $0x0  }
0x1eb: {  	[sflag:s28] =	ssyncadd.s32 $0xFFFFE000;
	v51 =	vadd.s32 s14, v6;
	s16 =	sshra.s32 @!p0 s7, $0x1F;
	p1 =	por @!p0 !p1, !p2  }
0x1ec: {  	s14 =	simm.f32 $1.000000000e+00;
	v49 =	vor.u32 v3, v10;
	v15 =	vld.idx.msk [tilespmem:v15+s24+$0x0], $0xffff;
	s16 =	sshrl.u32 @!p0 s16, $0x19;
	p1 =	por @!p0 !p1, !p1  }
0x1ed: {  	v52 =	vor.u32 v5, v10;
	v14 =	vld.idx.msk [tilespmem:v14+s9+$0x0], $0xffff;
	s7 =	sadd.s32 @!p0 s16, s7;
	s16 =	simm.s32 @!p0 $0x1;
	p1 =	por !p1, p0  }
0x1ee: {  	v10 =	vor.u32 v7, v10;
	v16 =	vld.idx.msk [tilespmem:v48+s24+$0x0], $0xffff;
	s7 =	sshra.s32 @!p0 s7, $0x7;
	s16 =	simm.s32 @p1 $0x0;
	p1 =	sgt.s32 s8, $0xF417F  }
0x1ef: {  	s5 =	sand.u32 $0xFFF4, s5;
	v18 =	vld.idx.msk [tilespmem:v50+s24+$0x0], $0xffff;
	s7 =	ssub.s32 @!p0 s7, s16;
	s14 =	simm.s32 @!p1 $0x0  }
0x1f0: {  	s5 =	sshrl.u32 s5, $0x2;
	v19 =	vld.idx.msk [tilespmem:v51+s24+$0x0], $0xffff;
	p2 =	slt.s32 @!p0 s7, $0x1E82;
	s16 =	ssub.f32 $1.000000000e+00, s14  }
0x1f1: {  	v17 =	vld.idx.msk [tilespmem:v49+s9+$0x0], $0xffff;
	p1 =	por !p2, p0;
	p2 =	slt.u32 s5, $0xCCC;
	s5 =	simm.f32 $0.0e+00  }
0x1f2: {  	v20 =	vld.idx.msk [tilespmem:v52+s9+$0x0], $0xffff;
	v14 =	vmul.f32 s14, v14;
	s7 =	simm.s32 @p1 $0x1E82;
	s5 =	simm.s32 @!p2 $0x3F800000;
	v15 =	vmul.f32 s16, v15  }
0x1f3: {  	s6 =	sor.u32 $0x8, s3;
	v10 =	vld.idx.msk [tilespmem:v10+s9+$0x0], $0xffff;
	v16 =	vmul.f32 s16, v16;
	s18 =	sshll.u32 @!p0 s7, $0xA;
	v13 =	vmul.f32 s5, v13  }
0x1f4: {  	s6 =	sand.u32 $0xFFFF, s6;
	v12 =	vmul.f32 s5, v12;
	v11 =	vmul.f32 s5, v11;
	s7 =	sshrl.u32 @!p0 s18, $0x3  }
0x1f5: {  	s8 =	simm.s32 @!p0 $0x400;
	v9 =	vmul.f32 s5, v9;
	s5 =	sadd.s32 @!p0 $0x1E85000, s18;
	s20 =	sadd.s32 @!p0 s1, s7;
	v13 =	vadd.f32 v15, v13;
	v15 =	vmul.f32 s16, v18  }
0x1f6: {  	v53 =	vmul.f32 s14, v17;
	v54 =	vmul.f32 s16, v19;
	s7 =	simm.s32 @!p0 $0x7A1400;
	v12 =	vadd.f32 v16, v12;
	s5 =	sshrl.u32 @!p0 s5, $0x3;
	s16 =	smul.u32 $0xCCCD, s6  }
0x1f7: {  	[tilespmem:s8], [sflag:$0x1] =	stream.strided.gather @!p0 [hbm4b:s20+s8], $0x1000, s7, s8, $0x38;
	v13 =	vadd.f32 v14, v13;
	v11 =	vadd.f32 v15, v11;
	v14 =	vmul.f32 s14, v20;
	[tilespmem:$0x15400] =	vst v63  }
0x1f8: {  	v10 =	vmul.f32 s14, v10;
	s18 =	simm.s32 @!p0 $0x1400;
	v9 =	vadd.f32 v54, v9;
	s5 =	sadd.s32 @!p0 s1, s5;
	v12 =	vadd.f32 v53, v12;
	s14 =	sshrl.u32 s16, $0xD  }
0x1f9: {  	[tilespmem:s18], [sflag:$0x1] =	stream.strided.gather @!p0 [hbm4b:s5+s8], $0x1000, s7, s8, $0x38;
	v11 =	vadd.f32 v14, v11;
	v14 =	vmul.f32 $5.000000070e-02, v13;
	[tilespmem:$0x15400] =	vst v63  }
0x1fa: {  	v9 =	vadd.f32 v10, v9;
	s5 =	sand.u32 $0xFF80, s14;
	v10 =	vmul.f32 $5.000000070e-02, v12  }
0x1fb: {  	[tilespmem:s5+$0x14400] =	vst v14;
	v14 =	vmul.f32 $5.000000070e-02, v11  }
0x1fc: {  	[tilespmem:s5+$0x14410] =	vst v10;
	v10 =	vmul.f32 $5.000000070e-02, v9  }
0x1fd: {  	[tilespmem:s5+$0x14420] =	vst v14  }
0x1fe: {  	s16 =	simm.s32 $0x2;
	[tilespmem:s5+$0x14430] =	vst v10  }
0x1ff: {  	_ =	swait.ge [sflag:s16], $0x2000  }
0x200: {  	(v2sf) =	vpush @!p0 v8, $0x1;
	_ =	sdelay $0x8  }
0x201: {  	s10 =	sshll.u32 s10, $0x7;
	s14 =	sadd.s32 $0xFFF0BEC0, s13  }
0x202: {  	s10 =	ssub.s32 s13, s10;
	p1 =	sgt.s32 s14, $0x0  }
0x203: {  	s14 =	simm.s32 @!p1 $0x0;
	p1 =	slt.s32 s10, $0x7F  }
0x204: {  	s14 =	smin.u32 s14, $0xFF;
	s10 =	simm.s32 @!p1 $0x7F  }
0x205: {  	v15 =	vadd.s32 s10, v0;
	v10 =	vmov s14  }
0x206: {  	v55 =	vadd.s32 s10, v2;
	v14 =	vshll.u32 v10, $0x3  }
0x207: {  	s20 =	simm.s32 $0x2400;
	s18 =	simm.s32 $0x2;
	v57 =	vadd.s32 s10, v4;
	v10 =	vand.u32 $0x7F, v10;
	v14 =	vand.u32 $0x400, v14;
	s14 =	spop @!p0 (v2sf)  }
0x208: {  	v58 =	vadd.s32 s10, v6;
	[sflag:s18] =	ssyncset.done $0x0;
	s18 =	simm.s32 $0x2;
	v10 =	vor.u32 v10, v14;
	s16 =	sand.u32 @!p0 $0x7F, s14  }
0x209: {  	[sflag:s18] =	ssyncadd.s32 $0xFFFFE000;
	v14 =	vor.u32 v1, v10;
	p1 =	slt.s32 @!p0 s14, $0x1;
	p2 =	sne.s32 @!p0 s16, $0x0  }
0x20a: {  	v56 =	vor.u32 v3, v10;
	v15 =	vld.idx.msk [tilespmem:v15+s20+$0x0], $0xffff;
	s16 =	sshra.s32 @!p0 s14, $0x1F;
	p1 =	por @!p0 !p1, !p2  }
0x20b: {  	v59 =	vor.u32 v5, v10;
	v16 =	vld.idx.msk [tilespmem:v55+s20+$0x0], $0xffff;
	s10 =	sshrl.u32 @!p0 s16, $0x19;
	p1 =	por @!p0 !p1, !p1  }
0x20c: {  	v10 =	vor.u32 v7, v10;
	v18 =	vld.idx.msk [tilespmem:v57+s20+$0x0], $0xffff;
	s10 =	sadd.s32 @!p0 s10, s14;
	s14 =	simm.s32 @!p0 $0x1;
	p1 =	por !p1, p0  }
0x20d: {  	v19 =	vld.idx.msk [tilespmem:v58+s20+$0x0], $0xffff;
	s14 =	simm.s32 @p1 $0x0;
	p1 =	sgt.s32 s13, $0xF417F;
	s13 =	simm.f32 $1.000000000e+00  }
0x20e: {  	v14 =	vld.idx.msk [tilespmem:v14+s9+$0x0], $0xffff;
	s10 =	sshra.s32 @!p0 s10, $0x7;
	s13 =	simm.s32 @!p1 $0x0  }
0x20f: {  	v17 =	vld.idx.msk [tilespmem:v56+s9+$0x0], $0xffff;
	s10 =	ssub.s32 @!p0 s10, s14;
	s14 =	ssub.f32 $1.000000000e+00, s13  }
0x210: {  	v20 =	vld.idx.msk [tilespmem:v59+s9+$0x0], $0xffff;
	p1 =	slt.s32 @!p0 s10, $0x1E82  }
0x211: {  	v10 =	vld.idx.msk [tilespmem:v10+s9+$0x0], $0xffff;
	p1 =	por !p1, p0;
	v15 =	vmul.f32 s14, v15  }
0x212: {  	s10 =	simm.s32 @p1 $0x1E82;
	v16 =	vmul.f32 s14, v16  }
0x213: {  	v14 =	vmul.f32 s13, v14;
	s10 =	sshll.u32 @!p0 s10, $0xA;
	v13 =	vadd.f32 v15, v13;
	v15 =	vmul.f32 s14, v18  }
0x214: {  	v60 =	vmul.f32 s13, v17;
	v61 =	vmul.f32 s14, v19;
	s16 =	sshrl.u32 @!p0 s10, $0x3;
	v12 =	vadd.f32 v16, v12;
	s10 =	sadd.s32 @!p0 $0x1E85000, s10  }
0x215: {  	s18 =	simm.s32 @!p0 $0x2400;
	s16 =	sadd.s32 @!p0 s1, s16;
	s10 =	sshrl.u32 @!p0 s10, $0x3;
	v13 =	vadd.f32 v14, v13;
	v11 =	vadd.f32 v15, v11;
	v14 =	vmul.f32 s13, v20  }
0x216: {  	v10 =	vmul.f32 s13, v10;
	v9 =	vadd.f32 v61, v9;
	[tilespmem:s18], [sflag:$0x2] =	stream.strided.gather @!p0 [hbm4b:s16+s8], $0x1000, s7, s8, $0x38;
	v12 =	vadd.f32 v60, v12;
	[tilespmem:$0x15400] =	vst v63  }
0x217: {  	s10 =	sadd.s32 @!p0 s1, s10;
	s13 =	simm.s32 @!p0 $0x3400;
	v11 =	vadd.f32 v14, v11;
	v14 =	vmul.f32 $5.000000070e-02, v13  }
0x218: {  	v9 =	vadd.f32 v10, v9;
	[tilespmem:s13], [sflag:$0x2] =	stream.strided.gather @!p0 [hbm4b:s10+s8], $0x1000, s7, s8, $0x38;
	v10 =	vmul.f32 $5.000000070e-02, v12;
	[tilespmem:$0x15400] =	vst v63  }
0x219: {  	[tilespmem:s5+$0x14400] =	vst v14;
	v14 =	vmul.f32 $5.000000070e-02, v11  }
0x21a: {  	[tilespmem:s5+$0x14410] =	vst v10;
	v10 =	vmul.f32 $5.000000070e-02, v9  }
0x21b: {  	[tilespmem:s5+$0x14420] =	vst v14  }
0x21c: {  	s14 =	simm.s32 $0x3;
	[tilespmem:s5+$0x14430] =	vst v10  }
0x21d: {  	_ =	swait.ge [sflag:s14], $0x2000  }
0x21e: {  	(v2sf) =	vpush @!p0 v8, $0x2;
	_ =	sdelay $0x8  }
0x21f: {  	s16 =	sshll.u32 s29, $0x7;
	s10 =	sadd.s32 $0xFFF0BEC0, s15  }
0x220: {  	s13 =	ssub.s32 s15, s16;
	p1 =	sgt.s32 s10, $0x0  }
0x221: {  	s10 =	simm.s32 @!p1 $0x0;
	p1 =	slt.s32 s13, $0x7F  }
0x222: {  	s10 =	smin.u32 s10, $0xFF;
	s13 =	simm.s32 @!p1 $0x7F  }
0x223: {  	v10 =	vmov s10;
	v15 =	vadd.s32 s13, v0  }
0x224: {  	v62 =	vadd.s32 s13, v2;
	v14 =	vshll.u32 v10, $0x3  }
0x225: {  	s29 =	simm.s32 $0x3;
	v24 =	vadd.s32 s13, v4;
	v10 =	vand.u32 $0x7F, v10;
	v14 =	vand.u32 $0x400, v14;
	s10 =	spop @!p0 (v2sf)  }
0x226: {  	s18 =	simm.s32 $0x4400;
	v25 =	vadd.s32 s13, v6;
	[sflag:s29] =	ssyncset.done $0x0;
	v10 =	vor.u32 v10, v14;
	s14 =	sand.u32 @!p0 $0x7F, s10  }
0x227: {  	[sflag:s29] =	ssyncadd.s32 $0xFFFFE000;
	v14 =	vor.u32 v1, v10;
	p1 =	slt.s32 @!p0 s10, $0x1;
	p2 =	sne.s32 @!p0 s14, $0x0  }
0x228: {  	v63 =	vor.u32 v3, v10;
	v15 =	vld.idx.msk [tilespmem:v15+s18+$0x0], $0xffff;
	s14 =	sshra.s32 @!p0 s10, $0x1F;
	p1 =	por @!p0 !p1, !p2  }
0x229: {  	v26 =	vor.u32 v5, v10;
	v16 =	vld.idx.msk [tilespmem:v62+s18+$0x0], $0xffff;
	s13 =	sshrl.u32 @!p0 s14, $0x19;
	p1 =	por @!p0 !p1, !p1  }
0x22a: {  	v10 =	vor.u32 v7, v10;
	v18 =	vld.idx.msk [tilespmem:v24+s18+$0x0], $0xffff;
	s10 =	sadd.s32 @!p0 s13, s10;
	s13 =	simm.s32 @!p0 $0x1;
	p1 =	por !p1, p0  }
0x22b: {  	v19 =	vld.idx.msk [tilespmem:v25+s18+$0x0], $0xffff;
	s14 =	simm.f32 $1.000000000e+00;
	s13 =	simm.s32 @p1 $0x0;
	p1 =	sgt.s32 s15, $0xF417F  }
0x22c: {  	v14 =	vld.idx.msk [tilespmem:v14+s9+$0x0], $0xffff;
	s10 =	sshra.s32 @!p0 s10, $0x7;
	s14 =	simm.s32 @!p1 $0x0  }
0x22d: {  	v17 =	vld.idx.msk [tilespmem:v63+s9+$0x0], $0xffff;
	s10 =	ssub.s32 @!p0 s10, s13;
	s13 =	ssub.f32 $1.000000000e+00, s14  }
0x22e: {  	v20 =	vld.idx.msk [tilespmem:v26+s9+$0x0], $0xffff;
	p1 =	slt.s32 @!p0 s10, $0x1E82  }
0x22f: {  	v10 =	vld.idx.msk [tilespmem:v10+s9+$0x0], $0xffff;
	p1 =	por !p1, p0;
	v15 =	vmul.f32 s13, v15  }
0x230: {  	s10 =	simm.s32 @p1 $0x1E82;
	v16 =	vmul.f32 s13, v16  }
0x231: {  	v14 =	vmul.f32 s14, v14;
	s10 =	sshll.u32 @!p0 s10, $0xA;
	v13 =	vadd.f32 v15, v13;
	v15 =	vmul.f32 s13, v18  }
0x232: {  	v28 =	vmul.f32 s14, v17;
	v27 =	vmul.f32 s13, v19;
	s15 =	sshrl.u32 @!p0 s10, $0x3;
	v12 =	vadd.f32 v16, v12;
	s10 =	sadd.s32 @!p0 $0x1E85000, s10  }
0x233: {  	s16 =	simm.s32 @!p0 $0x4400;
	s15 =	sadd.s32 @!p0 s1, s15;
	s10 =	sshrl.u32 @!p0 s10, $0x3;
	v13 =	vadd.f32 v14, v13;
	v11 =	vadd.f32 v15, v11;
	v14 =	vmul.f32 s14, v20  }
0x234: {  	v10 =	vmul.f32 s14, v10;
	v9 =	vadd.f32 v27, v9;
	[tilespmem:s16], [sflag:$0x3] =	stream.strided.gather @!p0 [hbm4b:s15+s8], $0x1000, s7, s8, $0x38;
	v12 =	vadd.f32 v28, v12;
	[tilespmem:$0x15400] =	vst v63  }
0x235: {  	s13 =	simm.s32 @!p0 $0x5400;
	s10 =	sadd.s32 @!p0 s1, s10;
	v11 =	vadd.f32 v14, v11;
	v14 =	vmul.f32 $5.000000070e-02, v13  }
0x236: {  	v9 =	vadd.f32 v10, v9;
	[tilespmem:s13], [sflag:$0x3] =	stream.strided.gather @!p0 [hbm4b:s10+s8], $0x1000, s7, s8, $0x38;
	v10 =	vmul.f32 $5.000000070e-02, v12;
	[tilespmem:$0x15400] =	vst v63  }
0x237: {  	[tilespmem:s5+$0x14400] =	vst v14;
	v14 =	vmul.f32 $5.000000070e-02, v11  }
0x238: {  	[tilespmem:s5+$0x14410] =	vst v10;
	v10 =	vmul.f32 $5.000000070e-02, v9  }
0x239: {  	[tilespmem:s5+$0x14420] =	vst v14  }
0x23a: {  	s13 =	simm.s32 $0x4;
	[tilespmem:s5+$0x14430] =	vst v10  }
0x23b: {  	_ =	swait.ge [sflag:s13], $0x2000  }
0x23c: {  	(v2sf) =	vpush @!p0 v8, $0x3;
	_ =	sdelay $0x7  }
0x23d: {  	s5 =	sadd.s32 $0xFFF0BEC0, s17  }
0x23e: {  	s14 =	sshll.u32 s30, $0x7;
	p1 =	sgt.s32 s5, $0x0  }
0x23f: {  	s10 =	ssub.s32 s17, s14;
	s5 =	simm.s32 @!p1 $0x0  }
0x240: {  	p1 =	slt.s32 s10, $0x7F;
	s5 =	smin.u32 s5, $0xFF  }
0x241: {  	s10 =	simm.s32 @!p1 $0x7F;
	v10 =	vmov s5  }
0x242: {  	v15 =	vadd.s32 s10, v0;
	v14 =	vshll.u32 v10, $0x3  }
0x243: {  	v29 =	vadd.s32 s10, v2;
	v10 =	vand.u32 $0x7F, v10;
	v14 =	vand.u32 $0x400, v14  }
0x244: {  	s30 =	simm.s32 $0x6400;
	s15 =	simm.s32 $0x4;
	v31 =	vadd.s32 s10, v4;
	v10 =	vor.u32 v10, v14;
	s5 =	spop @!p0 (v2sf)  }
0x245: {  	s16 =	simm.s32 $0x4;
	[sflag:s15] =	ssyncset.done $0x0;
	v14 =	vor.u32 v1, v10;
	s13 =	sand.u32 @!p0 $0x7F, s5  }
0x246: {  	[sflag:s16] =	ssyncadd.s32 $0xFFFFE000;
	v32 =	vadd.s32 s10, v6;
	p1 =	slt.s32 @!p0 s5, $0x1;
	p2 =	sne.s32 @!p0 s13, $0x0  }
0x247: {  	v30 =	vor.u32 v3, v10;
	v15 =	vld.idx.msk [tilespmem:v15+s30+$0x0], $0xffff;
	s13 =	sshra.s32 @!p0 s5, $0x1F;
	p1 =	por @!p0 !p1, !p2  }
0x248: {  	s10 =	simm.f32 $1.000000000e+00;
	v33 =	vor.u32 v5, v10;
	v16 =	vld.idx.msk [tilespmem:v29+s30+$0x0], $0xffff;
	s13 =	sshrl.u32 @!p0 s13, $0x19;
	p1 =	por @!p0 !p1, !p1  }
0x249: {  	v10 =	vor.u32 v7, v10;
	v18 =	vld.idx.msk [tilespmem:v31+s30+$0x0], $0xffff;
	s5 =	sadd.s32 @!p0 s13, s5;
	s13 =	simm.s32 @!p0 $0x1;
	p1 =	por !p1, p0  }
0x24a: {  	v14 =	vld.idx.msk [tilespmem:v14+s9+$0x0], $0xffff;
	p2 =	sgt.s32 s17, $0xF417F;
	s5 =	sshra.s32 @!p0 s5, $0x7;
	s13 =	simm.s32 @p1 $0x0  }
0x24b: {  	v19 =	vld.idx.msk [tilespmem:v32+s30+$0x0], $0xffff;
	s10 =	simm.s32 @!p2 $0x0;
	s5 =	ssub.s32 @!p0 s5, s13  }
0x24c: {  	v17 =	vld.idx.msk [tilespmem:v30+s9+$0x0], $0xffff;
	s17 =	ssub.f32 $1.000000000e+00, s10;
	p1 =	slt.s32 @!p0 s5, $0x1E82  }
0x24d: {  	v20 =	vld.idx.msk [tilespmem:v33+s9+$0x0], $0xffff;
	p1 =	por !p1, p0  }
0x24e: {  	v10 =	vld.idx.msk [tilespmem:v10+s9+$0x0], $0xffff;
	v15 =	vmul.f32 s17, v15;
	s5 =	simm.s32 @p1 $0x1E82  }
0x24f: {  	s15 =	simm.s32 @!p0 $0x6400;
	s16 =	sor.u32 $0xB, s3;
	v14 =	vmul.f32 s10, v14;
	v16 =	vmul.f32 s17, v16;
	s5 =	sshll.u32 @!p0 s5, $0xA  }
0x250: {  	v35 =	vmul.f32 s17, v19;
	v13 =	vadd.f32 v15, v13;
	v15 =	vmul.f32 s17, v18;
	s17 =	sand.u32 $0xFFFF, s16;
	s14 =	sshrl.u32 @!p0 s5, $0x3;
	s5 =	sadd.s32 @!p0 $0x1E85000, s5  }
0x251: {  	v34 =	vmul.f32 s10, v17;
	v12 =	vadd.f32 v16, v12;
	s13 =	smul.u32 $0xCCCD, s17;
	s14 =	sadd.s32 @!p0 s1, s14;
	s5 =	sshrl.u32 @!p0 s5, $0x3  }
0x252: {  	v13 =	vadd.f32 v14, v13;
	v11 =	vadd.f32 v15, v11;
	v14 =	vmul.f32 s10, v20;
	[tilespmem:s15], [sflag:$0x4] =	stream.strided.gather @!p0 [hbm4b:s14+s8], $0x1000, s7, s8, $0x38;
	[tilespmem:$0x15400] =	vst v63  }
0x253: {  	v10 =	vmul.f32 s10, v10;
	v9 =	vadd.f32 v35, v9;
	v12 =	vadd.f32 v34, v12;
	s10 =	sshrl.u32 s13, $0xD;
	s5 =	sadd.s32 @!p0 s1, s5;
	s14 =	simm.s32 @!p0 $0x7400  }
0x254: {  	v11 =	vadd.f32 v14, v11;
	v14 =	vmul.f32 $5.000000070e-02, v13;
	[tilespmem:s14], [sflag:$0x4] =	stream.strided.gather @!p0 [hbm4b:s5+s8], $0x1000, s7, s8, $0x38;
	[tilespmem:$0x15400] =	vst v63  }
0x255: {  	v9 =	vadd.f32 v10, v9;
	v10 =	vmul.f32 $5.000000070e-02, v12;
	s5 =	sand.u32 $0xFF80, s10  }
0x256: {  	[tilespmem:s5+$0x14400] =	vst v14;
	v14 =	vmul.f32 $5.000000070e-02, v11  }
0x257: {  	[tilespmem:s5+$0x14410] =	vst v10;
	v10 =	vmul.f32 $5.000000070e-02, v9  }
0x258: {  	[tilespmem:s5+$0x14420] =	vst v14  }
0x259: {  	s6 =	simm.s32 $0x5;
	[tilespmem:s5+$0x14430] =	vst v10  }
0x25a: {  	_ =	swait.ge [sflag:s6], $0x2000  }
0x25b: {  	(v2sf) =	vpush @!p0 v8, $0x4;
	_ =	sdelay $0x7  }
0x25c: {  	s5 =	sadd.s32 $0xFFF0BEC0, s19  }
0x25d: {  	p1 =	sgt.s32 s5, $0x0  }
0x25e: {  	s5 =	simm.s32 @!p1 $0x0  }
0x25f: {  	s14 =	smin.u32 s5, $0xFF  }
0x260: {  	v10 =	vmov s14  }
0x261: {  	s13 =	sshll.u32 s31, $0x7;
	v14 =	vshll.u32 v10, $0x3  }
0x262: {  	s10 =	ssub.s32 s19, s13;
	v10 =	vand.u32 $0x7F, v10;
	v14 =	vand.u32 $0x400, v14  }
0x263: {  	s31 =	simm.s32 $0x8400;
	p1 =	slt.s32 s10, $0x7F;
	v10 =	vor.u32 v10, v14;
	s14 =	spop @!p0 (v2sf)  }
0x264: {  	[sflag:s6] =	ssyncset.done $0x0;
	s5 =	smul.u32 $0xFFFFCCCD, s3;
	v14 =	vor.u32 v1, v10;
	s16 =	sand.u32 @!p0 $0x7F, s14  }
0x265: {  	s10 =	simm.s32 @!p1 $0x7F;
	v37 =	vor.u32 v3, v10;
	p1 =	slt.s32 @!p0 s14, $0x1;
	p2 =	sne.s32 @!p0 s16, $0x0  }
0x266: {  	[sflag:s6] =	ssyncadd.s32 $0xFFFFE000;
	v15 =	vadd.s32 s10, v0;
	s16 =	sshra.s32 @!p0 s14, $0x1F;
	p1 =	por @!p0 !p1, !p2  }
0x267: {  	v36 =	vadd.s32 s10, v2;
	s15 =	sadd.s32 $0xFFFF9998, s5;
	s16 =	sshrl.u32 @!p0 s16, $0x19;
	p1 =	por @!p0 !p1, !p1  }
0x268: {  	v38 =	vadd.s32 s10, v4;
	s14 =	sadd.s32 @!p0 s16, s14;
	s16 =	simm.s32 @!p0 $0x1;
	p1 =	por !p1, p0  }
0x269: {  	v39 =	vadd.s32 s10, v6;
	s13 =	sand.u32 $0xFFFC, s15;
	v14 =	vld.idx.msk [tilespmem:v14+s9+$0x0], $0xffff;
	s10 =	sshra.s32 @!p0 s14, $0x7;
	s16 =	simm.s32 @p1 $0x0  }
0x26a: {  	s17 =	sshll.u32 s15, $0xE;
	s13 =	sshrl.u32 s13, $0x2;
	v40 =	vor.u32 v5, v10;
	v17 =	vld.idx.msk [tilespmem:v37+s9+$0x0], $0xffff;
	s10 =	ssub.s32 @!p0 s10, s16  }
0x26b: {  	v10 =	vor.u32 v7, v10;
	v15 =	vld.idx.msk [tilespmem:v15+s31+$0x0], $0xffff;
	s14 =	simm.f32 $1.000000000e+00;
	p1 =	sgt.s32 s19, $0xF417F;
	p2 =	slt.s32 @!p0 s10, $0x1E82  }
0x26c: {  	s13 =	sor.u32 s17, s13;
	v16 =	vld.idx.msk [tilespmem:v36+s31+$0x0], $0xffff;
	s14 =	simm.s32 @!p1 $0x0;
	p1 =	por !p2, p0  }
0x26d: {  	s13 =	sand.u32 $0xFFFF, s13;
	v18 =	vld.idx.msk [tilespmem:v38+s31+$0x0], $0xffff;
	s15 =	ssub.f32 $1.000000000e+00, s14;
	s10 =	simm.s32 @p1 $0x1E82  }
0x26e: {  	v19 =	vld.idx.msk [tilespmem:v39+s31+$0x0], $0xffff;
	p2 =	slt.u32 s13, $0xCCC;
	s13 =	simm.f32 $0.0e+00;
	s10 =	sshll.u32 @!p0 s10, $0xA  }
0x26f: {  	v20 =	vld.idx.msk [tilespmem:v40+s9+$0x0], $0xffff;
	v14 =	vmul.f32 s14, v14;
	v41 =	vmul.f32 s14, v17;
	s13 =	simm.s32 @!p2 $0x3F800000;
	s16 =	sshrl.u32 @!p0 s10, $0x3  }
0x270: {  	s17 =	simm.s32 @!p0 $0x8400;
	v10 =	vld.idx.msk [tilespmem:v10+s9+$0x0], $0xffff;
	v15 =	vmul.f32 s15, v15;
	v13 =	vmul.f32 s13, v13;
	s16 =	sadd.s32 @!p0 s1, s16  }
0x271: {  	v16 =	vmul.f32 s15, v16;
	v12 =	vmul.f32 s13, v12;
	[tilespmem:s17], [sflag:$0x5] =	stream.strided.gather @!p0 [hbm4b:s16+s8], $0x1000, s7, s8, $0x38;
	[tilespmem:$0x15400] =	vst v63  }
0x272: {  	v11 =	vmul.f32 s13, v11;
	s10 =	sadd.s32 @!p0 $0x1E85000, s10;
	v13 =	vadd.f32 v15, v13;
	v15 =	vmul.f32 s15, v18;
	s16 =	sor.u32 $0xC, s3  }
0x273: {  	v42 =	vmul.f32 s15, v19;
	v9 =	vmul.f32 s13, v9;
	v12 =	vadd.f32 v16, v12;
	s10 =	sshrl.u32 @!p0 s10, $0x3;
	s13 =	sand.u32 $0xFFFF, s16  }
0x274: {  	s15 =	simm.s32 @!p0 $0x9400;
	s10 =	sadd.s32 @!p0 s1, s10;
	v13 =	vadd.f32 v14, v13;
	v11 =	vadd.f32 v15, v11;
	v14 =	vmul.f32 s14, v20;
	s13 =	smul.u32 $0xCCCD, s13  }
0x275: {  	v10 =	vmul.f32 s14, v10;
	v9 =	vadd.f32 v42, v9;
	v12 =	vadd.f32 v41, v12;
	[tilespmem:s15], [sflag:$0x5] =	stream.strided.gather @!p0 [hbm4b:s10+s8], $0x1000, s7, s8, $0x38;
	[tilespmem:$0x15400] =	vst v63  }
0x276: {  	v11 =	vadd.f32 v14, v11;
	v14 =	vmul.f32 $5.000000070e-02, v13;
	s16 =	sshrl.u32 s13, $0xD  }
0x277: {  	v9 =	vadd.f32 v10, v9;
	v10 =	vmul.f32 $5.000000070e-02, v12;
	s10 =	sand.u32 $0xFF80, s16  }
0x278: {  	[tilespmem:s10+$0x14400] =	vst v14;
	v14 =	vmul.f32 $5.000000070e-02, v11  }
0x279: {  	[tilespmem:s10+$0x14410] =	vst v10;
	v10 =	vmul.f32 $5.000000070e-02, v9  }
0x27a: {  	[tilespmem:s10+$0x14420] =	vst v14  }
0x27b: {  	s6 =	simm.s32 $0x6;
	[tilespmem:s10+$0x14430] =	vst v10  }
0x27c: {  	_ =	swait.ge [sflag:s6], $0x2000  }
0x27d: {  	(v2sf) =	vpush @!p0 v8, $0x5;
	_ =	sdelay $0x8  }
0x27e: {  	s0 =	sshll.u32 s0, $0x7;
	s13 =	sadd.s32 $0xFFF0BEC0, s21  }
0x27f: {  	s0 =	ssub.s32 s21, s0;
	p1 =	sgt.s32 s13, $0x0  }
0x280: {  	s13 =	simm.s32 @!p1 $0x0;
	p1 =	slt.s32 s0, $0x7F  }
0x281: {  	s13 =	smin.u32 s13, $0xFF;
	s0 =	simm.s32 @!p1 $0x7F  }
0x282: {  	v10 =	vmov s13;
	v15 =	vadd.s32 s0, v0  }
0x283: {  	v43 =	vadd.s32 s0, v2;
	v14 =	vshll.u32 v10, $0x3  }
0x284: {  	v45 =	vadd.s32 s0, v4;
	v10 =	vand.u32 $0x7F, v10;
	v14 =	vand.u32 $0x400, v14;
	s13 =	spop @!p0 (v2sf)  }
0x285: {  	v46 =	vadd.s32 s0, v6;
	[sflag:s6] =	ssyncset.done $0x0;
	v10 =	vor.u32 v10, v14;
	s14 =	sand.u32 @!p0 $0x7F, s13  }
0x286: {  	[sflag:s6] =	ssyncadd.s32 $0xFFFFE000;
	v14 =	vor.u32 v1, v10;
	p1 =	slt.s32 @!p0 s13, $0x1;
	p2 =	sne.s32 @!p0 s14, $0x0  }
0x287: {  	v44 =	vor.u32 v3, v10;
	v15 =	vld.idx.msk [tilespmem:v15+s11+$0x0], $0xffff;
	s14 =	sshra.s32 @!p0 s13, $0x1F;
	p1 =	por @!p0 !p1, !p2  }
0x288: {  	v47 =	vor.u32 v5, v10;
	v16 =	vld.idx.msk [tilespmem:v43+s11+$0x0], $0xffff;
	s0 =	sshrl.u32 @!p0 s14, $0x19;
	p1 =	por @!p0 !p1, !p1  }
0x289: {  	v10 =	vor.u32 v7, v10;
	v18 =	vld.idx.msk [tilespmem:v45+s11+$0x0], $0xffff;
	s0 =	sadd.s32 @!p0 s0, s13;
	s13 =	simm.s32 @!p0 $0x1;
	p1 =	por !p1, p0  }
0x28a: {  	v19 =	vld.idx.msk [tilespmem:v46+s11+$0x0], $0xffff;
	s14 =	simm.f32 $1.000000000e+00;
	s13 =	simm.s32 @p1 $0x0;
	p1 =	sgt.s32 s21, $0xF417F  }
0x28b: {  	v14 =	vld.idx.msk [tilespmem:v14+s9+$0x0], $0xffff;
	s0 =	sshra.s32 @!p0 s0, $0x7;
	s14 =	simm.s32 @!p1 $0x0  }
0x28c: {  	v17 =	vld.idx.msk [tilespmem:v44+s9+$0x0], $0xffff;
	s0 =	ssub.s32 @!p0 s0, s13;
	s6 =	ssub.f32 $1.000000000e+00, s14  }
0x28d: {  	v20 =	vld.idx.msk [tilespmem:v47+s9+$0x0], $0xffff;
	p1 =	slt.s32 @!p0 s0, $0x1E82  }
0x28e: {  	v10 =	vld.idx.msk [tilespmem:v10+s9+$0x0], $0xffff;
	p1 =	por !p1, p0;
	v15 =	vmul.f32 s6, v15  }
0x28f: {  	s0 =	simm.s32 @p1 $0x1E82;
	v16 =	vmul.f32 s6, v16  }
0x290: {  	v14 =	vmul.f32 s14, v14;
	s0 =	sshll.u32 @!p0 s0, $0xA;
	v13 =	vadd.f32 v15, v13;
	v15 =	vmul.f32 s6, v18  }
0x291: {  	v48 =	vmul.f32 s14, v17;
	v49 =	vmul.f32 s6, v19;
	s15 =	sshrl.u32 @!p0 s0, $0x3;
	v12 =	vadd.f32 v16, v12;
	s0 =	sadd.s32 @!p0 $0x1E85000, s0  }
0x292: {  	s16 =	simm.s32 @!p0 $0xA400;
	s15 =	sadd.s32 @!p0 s1, s15;
	s0 =	sshrl.u32 @!p0 s0, $0x3;
	v13 =	vadd.f32 v14, v13;
	v11 =	vadd.f32 v15, v11;
	v14 =	vmul.f32 s14, v20  }
0x293: {  	v10 =	vmul.f32 s14, v10;
	v9 =	vadd.f32 v49, v9;
	[tilespmem:s16], [sflag:$0x6] =	stream.strided.gather @!p0 [hbm4b:s15+s8], $0x1000, s7, s8, $0x38;
	v12 =	vadd.f32 v48, v12;
	[tilespmem:$0x15400] =	vst v63  }
0x294: {  	s13 =	simm.s32 @!p0 $0xB400;
	s0 =	sadd.s32 @!p0 s1, s0;
	v11 =	vadd.f32 v14, v11;
	v14 =	vmul.f32 $5.000000070e-02, v13  }
0x295: {  	v9 =	vadd.f32 v10, v9;
	[tilespmem:s13], [sflag:$0x6] =	stream.strided.gather @!p0 [hbm4b:s0+s8], $0x1000, s7, s8, $0x38;
	v10 =	vmul.f32 $5.000000070e-02, v12;
	[tilespmem:$0x15400] =	vst v63  }
0x296: {  	[tilespmem:s10+$0x14400] =	vst v14;
	v14 =	vmul.f32 $5.000000070e-02, v11  }
0x297: {  	[tilespmem:s10+$0x14410] =	vst v10;
	v10 =	vmul.f32 $5.000000070e-02, v9  }
0x298: {  	[tilespmem:s10+$0x14420] =	vst v14  }
0x299: {  	s17 =	simm.s32 $0x7;
	[tilespmem:s10+$0x14430] =	vst v10  }
0x29a: {  	_ =	swait.ge [sflag:s17], $0x2000  }
0x29b: {  	(v2sf) =	vpush @!p0 v8, $0x6;
	_ =	sdelay $0x8  }
0x29c: {  	s2 =	sshll.u32 s2, $0x7;
	s0 =	sadd.s32 $0xFFF0BEC0, s23  }
0x29d: {  	s2 =	ssub.s32 s23, s2;
	p1 =	sgt.s32 s0, $0x0  }
0x29e: {  	s0 =	simm.s32 @!p1 $0x0;
	p1 =	slt.s32 s2, $0x7F  }
0x29f: {  	s0 =	smin.u32 s0, $0xFF;
	s2 =	simm.s32 @!p1 $0x7F  }
0x2a0: {  	v10 =	vmov s0;
	v15 =	vadd.s32 s2, v0  }
0x2a1: {  	v50 =	vadd.s32 s2, v2;
	v14 =	vshll.u32 v10, $0x3  }
0x2a2: {  	v52 =	vadd.s32 s2, v4;
	v10 =	vand.u32 $0x7F, v10;
	v14 =	vand.u32 $0x400, v14;
	s0 =	spop @!p0 (v2sf)  }
0x2a3: {  	v53 =	vadd.s32 s2, v6;
	[sflag:s17] =	ssyncset.done $0x0;
	v10 =	vor.u32 v10, v14;
	s13 =	sand.u32 @!p0 $0x7F, s0  }
0x2a4: {  	[sflag:s17] =	ssyncadd.s32 $0xFFFFE000;
	v14 =	vor.u32 v1, v10;
	p1 =	slt.s32 @!p0 s0, $0x1;
	p2 =	sne.s32 @!p0 s13, $0x0  }
0x2a5: {  	v51 =	vor.u32 v3, v10;
	v15 =	vld.idx.msk [tilespmem:v15+s22+$0x0], $0xffff;
	s13 =	sshra.s32 @!p0 s0, $0x1F;
	p1 =	por @!p0 !p1, !p2  }
0x2a6: {  	v54 =	vor.u32 v5, v10;
	v16 =	vld.idx.msk [tilespmem:v50+s22+$0x0], $0xffff;
	s2 =	sshrl.u32 @!p0 s13, $0x19;
	p1 =	por @!p0 !p1, !p1  }
0x2a7: {  	v10 =	vor.u32 v7, v10;
	v18 =	vld.idx.msk [tilespmem:v52+s22+$0x0], $0xffff;
	s0 =	sadd.s32 @!p0 s2, s0;
	s2 =	simm.s32 @!p0 $0x1;
	p1 =	por !p1, p0  }
0x2a8: {  	v19 =	vld.idx.msk [tilespmem:v53+s22+$0x0], $0xffff;
	s13 =	simm.f32 $1.000000000e+00;
	s2 =	simm.s32 @p1 $0x0;
	p1 =	sgt.s32 s23, $0xF417F  }
0x2a9: {  	v14 =	vld.idx.msk [tilespmem:v14+s9+$0x0], $0xffff;
	s0 =	sshra.s32 @!p0 s0, $0x7;
	s13 =	simm.s32 @!p1 $0x0  }
0x2aa: {  	v17 =	vld.idx.msk [tilespmem:v51+s9+$0x0], $0xffff;
	s0 =	ssub.s32 @!p0 s0, s2;
	s6 =	ssub.f32 $1.000000000e+00, s13  }
0x2ab: {  	v20 =	vld.idx.msk [tilespmem:v54+s9+$0x0], $0xffff;
	p1 =	slt.s32 @!p0 s0, $0x1E82  }
0x2ac: {  	v10 =	vld.idx.msk [tilespmem:v10+s9+$0x0], $0xffff;
	p1 =	por !p1, p0;
	v15 =	vmul.f32 s6, v15  }
0x2ad: {  	s0 =	simm.s32 @p1 $0x1E82;
	v16 =	vmul.f32 s6, v16  }
0x2ae: {  	v14 =	vmul.f32 s13, v14;
	s0 =	sshll.u32 @!p0 s0, $0xA;
	v13 =	vadd.f32 v15, v13;
	v15 =	vmul.f32 s6, v18  }
0x2af: {  	v56 =	vmul.f32 s13, v17;
	v55 =	vmul.f32 s6, v19;
	s14 =	sshrl.u32 @!p0 s0, $0x3;
	v12 =	vadd.f32 v16, v12;
	s0 =	sadd.s32 @!p0 $0x1E85000, s0  }
0x2b0: {  	s15 =	simm.s32 @!p0 $0xC400;
	s14 =	sadd.s32 @!p0 s1, s14;
	s0 =	sshrl.u32 @!p0 s0, $0x3;
	v13 =	vadd.f32 v14, v13;
	v11 =	vadd.f32 v15, v11;
	v14 =	vmul.f32 s13, v20  }
0x2b1: {  	v10 =	vmul.f32 s13, v10;
	v9 =	vadd.f32 v55, v9;
	[tilespmem:s15], [sflag:$0x7] =	stream.strided.gather @!p0 [hbm4b:s14+s8], $0x1000, s7, s8, $0x38;
	v12 =	vadd.f32 v56, v12;
	[tilespmem:$0x15400] =	vst v63  }
0x2b2: {  	s2 =	simm.s32 @!p0 $0xD400;
	s0 =	sadd.s32 @!p0 s1, s0;
	v11 =	vadd.f32 v14, v11;
	v14 =	vmul.f32 $5.000000070e-02, v13  }
0x2b3: {  	v9 =	vadd.f32 v10, v9;
	[tilespmem:s2], [sflag:$0x7] =	stream.strided.gather @!p0 [hbm4b:s0+s8], $0x1000, s7, s8, $0x38;
	v10 =	vmul.f32 $5.000000070e-02, v12;
	[tilespmem:$0x15400] =	vst v63  }
0x2b4: {  	[tilespmem:s10+$0x14400] =	vst v14;
	v14 =	vmul.f32 $5.000000070e-02, v11  }
0x2b5: {  	[tilespmem:s10+$0x14410] =	vst v10;
	v10 =	vmul.f32 $5.000000070e-02, v9  }
0x2b6: {  	[tilespmem:s10+$0x14420] =	vst v14  }
0x2b7: {  	s17 =	simm.s32 $0x8;
	[tilespmem:s10+$0x14430] =	vst v10  }
0x2b8: {  	_ =	swait.ge [sflag:s17], $0x2000  }
0x2b9: {  	(v2sf) =	vpush @!p0 v8, $0x7;
	_ =	sdelay $0xa  }
0x2ba: {  	s0 =	sadd.s32 $0xFFF0BEC0, s25  }
0x2bb: {  	s22 =	sshll.u32 s4, $0x7;
	p1 =	sgt.s32 s0, $0x0  }
0x2bc: {  	s2 =	ssub.s32 s25, s22;
	s0 =	simm.s32 @!p1 $0x0  }
0x2bd: {  	p1 =	slt.s32 s2, $0x7F;
	s0 =	smin.u32 s0, $0xFF  }
0x2be: {  	s2 =	simm.s32 @!p1 $0x7F;
	v10 =	vmov s0;
	s0 =	spop @!p0 (v2sf)  }
0x2bf: {  	v15 =	vadd.s32 s2, v0;
	v14 =	vshll.u32 v10, $0x3;
	s4 =	sand.u32 @!p0 $0x7F, s0  }
0x2c0: {  	s23 =	simm.s32 $0x8;
	v57 =	vadd.s32 s2, v2;
	v10 =	vand.u32 $0x7F, v10;
	v14 =	vand.u32 $0x400, v14;
	p2 =	slt.s32 @!p0 s0, $0x1;
	p1 =	sne.s32 @!p0 s4, $0x0  }
0x2c1: {  	v59 =	vadd.s32 s2, v4;
	[sflag:s17] =	ssyncset.done $0x0;
	v10 =	vor.u32 v10, v14;
	s4 =	sshra.s32 @!p0 s0, $0x1F;
	p1 =	por @!p0 !p2, !p1  }
0x2c2: {  	[sflag:s23] =	ssyncadd.s32 $0xFFFFE000;
	v14 =	vor.u32 v1, v10;
	s4 =	sshrl.u32 @!p0 s4, $0x19;
	p1 =	por @!p0 !p1, !p1  }
0x2c3: {  	v58 =	vor.u32 v3, v10;
	s0 =	sadd.s32 @!p0 s4, s0;
	s4 =	simm.s32 @!p0 $0x1;
	p1 =	por !p1, p0  }
0x2c4: {  	v60 =	vor.u32 v5, v10;
	v10 =	vor.u32 v7, v10;
	v15 =	vld.idx.msk [tilespmem:v15+s26+$0x0], $0xffff;
	s0 =	sshra.s32 @!p0 s0, $0x7;
	s4 =	simm.s32 @p1 $0x0  }
0x2c5: {  	v61 =	vadd.s32 s2, v6;
	v16 =	vld.idx.msk [tilespmem:v57+s26+$0x0], $0xffff;
	s0 =	ssub.s32 @!p0 s0, s4  }
0x2c6: {  	v18 =	vld.idx.msk [tilespmem:v59+s26+$0x0], $0xffff;
	p1 =	slt.s32 @!p0 s0, $0x1E82  }
0x2c7: {  	v14 =	vld.idx.msk [tilespmem:v14+s9+$0x0], $0xffff;
	p1 =	por !p1, p0  }
0x2c8: {  	s2 =	simm.f32 $1.000000000e+00;
	v17 =	vld.idx.msk [tilespmem:v58+s9+$0x0], $0xffff;
	s0 =	simm.s32 @p1 $0x1E82;
	p1 =	sgt.s32 s25, $0xF417F  }
0x2c9: {  	s15 =	sadd.s32 $0xFFFFCCCC, s5;
	v10 =	vld.idx.msk [tilespmem:v10+s9+$0x0], $0xffff;
	s0 =	sshll.u32 @!p0 s0, $0xA;
	s2 =	simm.s32 @!p1 $0x0  }
0x2ca: {  	v20 =	vld.idx.msk [tilespmem:v61+s26+$0x0], $0xffff;
	s4 =	sshrl.u32 @!p0 s0, $0x3;
	s6 =	ssub.f32 $1.000000000e+00, s2;
	s0 =	sadd.s32 @!p0 $0x1E85000, s0  }
0x2cb: {  	s10 =	simm.s32 @!p0 $0xE400;
	v19 =	vld.idx.msk [tilespmem:v60+s9+$0x0], $0xffff;
	s4 =	sadd.s32 @!p0 s1, s4;
	s0 =	sshrl.u32 @!p0 s0, $0x3  }
0x2cc: {  	[tilespmem:s10], [sflag:$0x8] =	stream.strided.gather @!p0 [hbm4b:s4+s8], $0x1000, s7, s8, $0x38;
	v15 =	vmul.f32 s6, v15;
	[tilespmem:$0x15400] =	vst v63  }
0x2cd: {  	s17 =	sand.u32 $0xFFFC, s15;
	v14 =	vmul.f32 s2, v14;
	v62 =	vmul.f32 s2, v17;
	s0 =	sadd.s32 @!p0 s1, s0;
	s10 =	simm.s32 @!p0 $0xF400  }
0x2ce: {  	v10 =	vmul.f32 s2, v10;
	v16 =	vmul.f32 s6, v16;
	[tilespmem:s10], [sflag:$0x8] =	stream.strided.gather @!p0 [hbm4b:s0+s8], $0x1000, s7, s8, $0x38;
	v13 =	vadd.f32 v15, v13;
	[tilespmem:$0x15400] =	vst v63  }
0x2cf: {  	s22 =	sshll.u32 s15, $0xE;
	s23 =	sshrl.u32 s17, $0x2;
	v63 =	vmul.f32 s6, v20;
	v15 =	vmul.f32 s6, v18;
	s8 =	sor.u32 $0xF, s3  }
0x2d0: {  	v12 =	vadd.f32 v16, v12;
	s0 =	sand.u32 $0xFFFF, s8;
	v13 =	vadd.f32 v14, v13;
	v14 =	vmul.f32 s2, v19;
	s2 =	sor.u32 s22, s23  }
0x2d1: {  	v11 =	vadd.f32 v15, v11;
	s0 =	smul.u32 $0xCCCD, s0;
	s2 =	sand.u32 $0xFFFF, s2  }
0x2d2: {  	v9 =	vadd.f32 v63, v9;
	s7 =	rddreg [dreg:$0x8];
	v12 =	vadd.f32 v62, v12;
	p0 =	slt.u32 s2, $0xCCC;
	s2 =	simm.f32 $0.0e+00  }
0x2d3: {  	v11 =	vadd.f32 v14, v11;
	v14 =	vmul.f32 $5.000000070e-02, v13;
	s0 =	sshrl.u32 s0, $0xD;
	s2 =	simm.s32 @!p0 $0x3F800000;
	p0 =	sne.s32 s7, $0x28  }
.Ltmp0:
0x2d4: {  	v9 =	vadd.f32 v10, v9;
	v10 =	vmul.f32 $5.000000070e-02, v12;
	s0 =	sand.u32 $0xFF80, s0;
	(pc) =	sbr.rel @p0 .LBB2_2-.Ltmp0, $4  }
0x2d5: {  	[tilespmem:s0+$0x14400] =	vst v14;
	v14 =	vmul.f32 $5.000000070e-02, v11  }
0x2d6: {  	s19 =	simm.s32 $0x4;
	s11 =	simm.s32 $0x7A1400;
	[tilespmem:s0+$0x14410] =	vst v10;
	v10 =	vmul.f32 $5.000000070e-02, v9  }
0x2d7: {  	s21 =	simm.s32 $0x7400;
	s16 =	simm.s32 $0x5400;
	s14 =	simm.s32 $0x3400;
	v13 =	vmul.f32 s2, v13;
	v12 =	vmul.f32 s2, v12;
	[tilespmem:s0+$0x14420] =	vst v14  }
0x2d8: {  	s13 =	simm.s32 $0x2;
	s25 =	simm.s32 $0x9400;
	s10 =	simm.s32 $0x1400;
	v11 =	vmul.f32 s2, v11;
	[tilespmem:s0+$0x14430] =	vst v10;
	v10 =	vmul.f32 s2, v9;
	v9 =	vmov v8  }
0x2d9: {  	s5 =	simm.s32 $0x0;
	s0 =	rddreg [dreg:$0x5];
	s2 =	simm.s32 $0x14400  }
0x2da: {  	[hbm4b:s0+s5] =	stream.linear.scatter [tilespmem:s2], [sflag:$0x9], $0x1000, $0x38;
	[tilespmem:$0x15400] =	vst v63  }
0x2db: {  	s2 =	simm.s32 $0x9  }
0x2dc: {  	_ =	swait.ge [sflag:s2], $0x1000  }
0x2dd: {  	s17 =	rddreg [dreg:$0x7]  }
0x2de: {  	s23 =	rddreg [dreg:$0x6];
	s17 =	sadd.s32 $0x1, s17  }
0x2df: {  	p0 =	sne.s32 s17, s23  }
.Ltmp1:
0x2e0: {  	_ = 	snop;
	(pc) =	sbr.rel @p0 .LBB2_1-.Ltmp1, $4  }
0x2e1: {  	_ = 	snop  }
0x2e2: {  	s3 =	simm.s32 $0xB400;
	s4 =	simm.s32 $0xD400  }
0x2e3: {  	s6 =	simm.s32 $0xF400;
	s7 =	simm.s32 $0xA400;
	[sflag:s2] =	ssyncset.done $0x0  }
0x2e4: {  	s8 =	simm.s32 $0xC400;
	s15 =	simm.s32 $0xE400;
	[sflag:s2] =	ssyncadd.s32 $0xFFFFF000  }
0x2e5: {  	_ =	sfence.sel $0x180000  }
0x2e6: {  	[bflag:$0x0] =	sbarrier.arrive $0xFFFF  }
0x2e7: {  	_ =	strace $0x90000047  }
0x2e8: {  	s0 =	stileid.u32;
	[bflag:$0x2] =	sbarrier.arrive $0xFFFF  }
0x2e9: {  	p0 =	sne.s32 s0, $0x0;
	s0 =	rddreg [dreg:$0x2]  }
0x2ea: {  	s0 =	sadd.s32 @!p0 $0x100000, s0  }
0x2eb: {  	[sflag:s0] =	ssyncadd.tile.s32 @!p0 $0x1;
	_ =	shalt  }
.Lfunc_end2:
_tile_overlayer_lowered:
.L_overlay_start_2:
0x2ec: {  	(tag) =	ssettag $0x2  }
0x2ed: {  	s0 =	rddreg [dreg:$0x0];
	s2 =	stileid.u32  }
0x2ee: {  	s1 =	rddreg [dreg:$0x1];
	p0 =	sne.s32 s2, $0x0  }
0x2ef: {  	s3 =	rddreg [dreg:$0x2];
	[bflag:$0x3] =	sbarrier.arrive $0xFFFF;
	s2 =	simm.s32 @!p0 $0x1C09  }
0x2f0: {  	[timem:s3], [sflag:s2] =	dma.local @!p0 [hbm:s0], s1  }
0x2f1: {  	s0 =	simm.s32 @!p0 $0x9  }
0x2f2: {  	_ =	swait.ge @!p0 [sflag:s0], s1  }
0x2f3: {  	s1 =	ssub.s32 @!p0 $0x0, s1;
	[sflag:s0] =	ssyncset.done @!p0 $0x0  }
0x2f4: {  	[sflag:s0] =	ssyncadd.s32 @!p0 s1  }
0x2f5: {  	[bflag:$0x3] =	sbarrier.arrive $0xFFFF  }
0x2f6: {  	_ =	shalt  }

</sc_bundles>
